<compile_context>
chip_gen: v7x
topology: tpu7x:2x2x1
jax: 0.10.2.dev20260603
libtpu: 0.0.44.dev20260713+nightly
codegen_flags: <defaults>
</compile_context>

<pallas_src>
import functools

import jax
import jax.numpy as jnp
from jax import lax
from jax.experimental import pallas as pl
from jax.experimental.pallas import tpu as pltpu
from jax.experimental.pallas import tpu_sc as plsc

B, L, D = 4096, 200, 64
DP = 128
NC, NS = 2, 16
NW = NC * NS
BPW = B // NW
HB = BPW // 2
CH0, CH1 = 104, 96


def _make_sc_call():
    mesh = plsc.VectorSubcoreMesh(core_axis_name="c", subcore_axis_name="s")

    @functools.partial(
        pl.kernel,
        out_type=jax.ShapeDtypeStruct((B * D,), jnp.float32),
        mesh=mesh,
        compiler_params=pltpu.CompilerParams(use_tc_tiling_on_sc=True),
        scratch_types=[
            pltpu.VMEM((HB * L,), jnp.int32),
            pltpu.VMEM((L, DP), jnp.float32),
            pltpu.VMEM((L, DP), jnp.float32),
            pltpu.VMEM((L, D), jnp.float32),
            pltpu.VMEM((L, D), jnp.float32),
            pltpu.VMEM((BPW * D,), jnp.float32),
            pltpu.SemaphoreType.DMA,
            pltpu.SemaphoreType.DMA,
        ],
    )
    def sc_kernel(rid_hbm, e_hbm, tab_hbm, out_hbm,
                  idx_v, w0_v, w1_v, e0_v, e1_v, out_v, sem0, sem1):
        wid = lax.axis_index("s") * NC + lax.axis_index("c")
        base = wid * BPW

        def load_idx(half):
            pltpu.sync_copy(
                rid_hbm.at[pl.ds((base + half * HB) * L, HB * L)], idx_v)

        def fetch(bi, bg, w_v, e_v, sem):
            pltpu.async_copy(tab_hbm.at[idx_v.at[pl.ds(bi * L, CH0)]],
                             w_v.at[pl.ds(0, CH0)], sem)
            pltpu.async_copy(tab_hbm.at[idx_v.at[pl.ds(bi * L + CH0, CH1)]],
                             w_v.at[pl.ds(CH0, CH1)], sem)
            pltpu.async_copy(e_hbm.at[base + bg], e_v, sem)

        def wait(bi, bg, w_v, e_v, sem):
            pltpu.make_async_copy(tab_hbm.at[idx_v.at[pl.ds(bi * L, CH0)]],
                                  w_v.at[pl.ds(0, CH0)], sem).wait()
            pltpu.make_async_copy(tab_hbm.at[idx_v.at[pl.ds(bi * L + CH0, CH1)]],
                                  w_v.at[pl.ds(CH0, CH1)], sem).wait()
            pltpu.make_async_copy(e_hbm.at[base + bg], e_v, sem).wait()

        lanes = lax.iota(jnp.int32, 16)
        perms = [(lanes ^ k)[:, None] for k in (8, 4, 2, 1)]
        _dnums = lax.GatherDimensionNumbers(
            offset_dims=(), collapsed_slice_dims=(0,), start_index_map=(0,))

        def hsum(x):
            for p in perms:
                x = x + lax.gather(
                    x, p, _dnums, (1,),
                    mode=lax.GatherScatterMode.PROMISE_IN_BOUNDS)
            return x

        UNROLL = 4
        assert L % UNROLL == 0

        def compute(bl, w_v, e_v):
            def body(i, accs):
                a0, a1, a2, a3 = accs
                lb = i * UNROLL
                for u in range(UNROLL):
                    l = lb + u
                    w0 = w_v[l, pl.ds(0, 16)]
                    w1 = w_v[l, pl.ds(16, 16)]
                    w2 = w_v[l, pl.ds(32, 16)]
                    w3 = w_v[l, pl.ds(48, 16)]
                    e0 = e_v[l, pl.ds(0, 16)]
                    e1 = e_v[l, pl.ds(16, 16)]
                    e2 = e_v[l, pl.ds(32, 16)]
                    e3 = e_v[l, pl.ds(48, 16)]
                    nsq = w0 * w0 + w1 * w1 + w2 * w2 + w3 * w3
                    dot = e0 * w0 + e1 * w1 + e2 * w2 + e3 * w3
                    ns = hsum(nsq)
                    dt = hsum(dot)
                    c = dt / jnp.maximum(ns, jnp.float32(1e-24))
                    a0 = a0 + (e0 - c * w0)
                    a1 = a1 + (e1 - c * w1)
                    a2 = a2 + (e2 - c * w2)
                    a3 = a3 + (e3 - c * w3)
                return (a0, a1, a2, a3)

            z = jnp.zeros((16,), jnp.float32)
            a0, a1, a2, a3 = lax.fori_loop(0, L // UNROLL, body, (z, z, z, z))
            scale = jnp.float32(L)
            ob = bl * D
            out_v[pl.ds(ob, 16)] = a0 / scale
            out_v[pl.ds(ob + 16, 16)] = a1 / scale
            out_v[pl.ds(ob + 32, 16)] = a2 / scale
            out_v[pl.ds(ob + 48, 16)] = a3 / scale

        def half_loop(half):
            hb0 = half * HB
            fetch(0, hb0, w0_v, e0_v, sem0)

            def pair(j, carry):
                bi = 2 * j
                bg = hb0 + bi
                fetch(bi + 1, bg + 1, w1_v, e1_v, sem1)
                wait(bi, bg, w0_v, e0_v, sem0)
                compute(bg, w0_v, e0_v)

                @pl.when(j < HB // 2 - 1)
                def _():
                    fetch(bi + 2, bg + 2, w0_v, e0_v, sem0)

                wait(bi + 1, bg + 1, w1_v, e1_v, sem1)
                compute(bg + 1, w1_v, e1_v)
                return carry

            lax.fori_loop(0, HB // 2, pair, 0)

        load_idx(0)
        half_loop(0)
        load_idx(1)
        half_loop(1)
        pltpu.sync_copy(out_v, out_hbm.at[pl.ds(base * D, BPW * D)])

    return sc_kernel


_sc_call = _make_sc_call()

ROWS = 200001
RPAD = 200064
TCH = RPAD // 128
KPW = -(-TCH // NW)


def _make_tab_convert():
    mesh = plsc.VectorSubcoreMesh(core_axis_name="c", subcore_axis_name="s")

    @functools.partial(
        pl.kernel,
        out_type=jax.ShapeDtypeStruct((RPAD, DP), jnp.float32),
        mesh=mesh,
        compiler_params=pltpu.CompilerParams(use_tc_tiling_on_sc=True,
                                             needs_layout_passes=False),
        scratch_types=[
            pltpu.VMEM((D, 128), jnp.float32),
            pltpu.VMEM((D, 128), jnp.float32),
            pltpu.VMEM((128, DP), jnp.float32),
            pltpu.VMEM((128, DP), jnp.float32),
            pltpu.SemaphoreType.DMA,
            pltpu.SemaphoreType.DMA,
            pltpu.SemaphoreType.DMA,
            pltpu.SemaphoreType.DMA,
        ],
    )
    def tab_kernel(tab_t_hbm, out_hbm, s0_v, s1_v, o0_v, o1_v,
                   si0, si1, so0, so1):
        wid = lax.axis_index("s") * NC + lax.axis_index("c")
        iota = lax.iota(jnp.int32, 16)

        def cid_of(k):
            return jnp.minimum(wid * KPW + k, TCH - 1)

        def in_cp(k, s_v, sem):
            return pltpu.make_async_copy(
                tab_t_hbm.at[pl.ds(0, D), pl.ds(cid_of(k) * 128, 128)],
                s_v, sem)

        def out_cp(k, o_v, sem):
            return pltpu.make_async_copy(
                o_v, out_hbm.at[pl.ds(cid_of(k) * 128, 128)], sem)

        def transpose(s_v, o_v):
            def row(r, carry):
                cols = jnp.broadcast_to(r, (16,)).astype(jnp.int32)
                for dg in range(4):
                    o_v[r, pl.ds(dg * 16, 16)] = plsc.load_gather(
                        s_v, [dg * 16 + iota, cols])
                return carry

            lax.fori_loop(0, 128, row, 0)

        in_cp(0, s0_v, si0).start()
        in_cp(1, s1_v, si1).start()

        def pair(j, carry):
            k0 = 2 * j
            in_cp(k0, s0_v, si0).wait()

            @pl.when(j > 0)
            def _():
                out_cp(k0 - 2, o0_v, so0).wait()

            transpose(s0_v, o0_v)
            out_cp(k0, o0_v, so0).start()

            @pl.when(k0 + 2 < KPW)
            def _():
                in_cp(k0 + 2, s0_v, si0).start()

            in_cp(k0 + 1, s1_v, si1).wait()

            @pl.when(j > 0)
            def _():
                out_cp(k0 - 1, o1_v, so1).wait()

            transpose(s1_v, o1_v)
            out_cp(k0 + 1, o1_v, so1).start()

            @pl.when(k0 + 3 < KPW)
            def _():
                in_cp(k0 + 3, s1_v, si1).start()

            return carry

        lax.fori_loop(0, KPW // 2, pair, 0)
        in_cp(KPW - 1, s0_v, si0).wait()
        out_cp(KPW - 3, o0_v, so0).wait()
        transpose(s0_v, o0_v)
        out_cp(KPW - 1, o0_v, so0).start()
        out_cp(KPW - 2, o1_v, so1).wait()
        out_cp(KPW - 1, o0_v, so0).wait()

    return tab_kernel


_tab_convert = _make_tab_convert()


def kernel(batch_nei_rid, batch_nei_e_emb, w_r_table):
    rid_flat = batch_nei_rid.reshape(B * L)
    tab_pad = _tab_convert(jnp.transpose(w_r_table, (1, 0)))
    out = _sc_call(rid_flat, batch_nei_e_emb, tab_pad)
    return out.reshape(B, D)

# --- scband reference (transcript-rebuilt; emitter-appended) ---
"""Pipeline reference for scband-encoder-mean-32521492365775 (READ-ONLY COPY).

The authoritative reference and input builder live on the scoring server;
editing this copy changes nothing except your own understanding.
"""

import jax, jax.numpy as jnp
import numpy as np

CNT_R = 100000
DIM = 64
ROWS = CNT_R * 2 + 1

def setup_inputs(seed: int = 0):
    key = jax.random.key(seed)
    k1, k2, k3 = jax.random.split(key, 3)
    batch_nei_rid = jax.random.randint(k1, (4096, 200), 0, ROWS)
    batch_nei_e_emb = jax.random.normal(k2, (4096, 200, DIM), dtype=jnp.float32)
    w_r_table = jax.random.normal(k3, (ROWS, DIM), dtype=jnp.float32) * 0.02
    return {"batch_nei_rid": batch_nei_rid, "batch_nei_e_emb": batch_nei_e_emb, "w_r_table": w_r_table}

def _projection(e, w_r):
    # torch F.normalize(p=2, dim=-1) with eps=1e-12
    norm = jnp.linalg.norm(w_r, ord=2, axis=-1, keepdims=True)
    norm2w_r = w_r / jnp.maximum(norm, 1e-12)
    return e - jnp.sum(e * norm2w_r, axis=-1, keepdims=True) * norm2w_r

def reference(batch_nei_rid, batch_nei_e_emb, w_r_table):
    w_r = jnp.take(w_r_table, batch_nei_rid, axis=0)  # embedding lookup [B, L, D]
    batch_nei_e_Tr_emb = _projection(batch_nei_e_emb, w_r)
    return jnp.mean(batch_nei_e_Tr_emb, axis=1)

if __name__ == "__main__":
    import jax
    _d = setup_inputs()
    print(jax.jit(kernel)(*tuple(_d.values())))

</pallas_src>

<mosaic_0001>
#map = affine_map<(d0, d1) -> (0, 0)>
module attributes {stable_mosaic.version = 14 : i64} {
  func.func @tab_kernel(%arg0: i32, %arg1: i32, %arg2: memref<64x200001xf32, #tpu.memory_space<hbm>>, %arg3: memref<200064x128xf32, #tpu.memory_space<hbm>>, %arg4: memref<64x128xf32, #tpu.memory_space<vmem>>, %arg5: memref<64x128xf32, #tpu.memory_space<vmem>>, %arg6: memref<128x128xf32, #tpu.memory_space<vmem>>, %arg7: memref<128x128xf32, #tpu.memory_space<vmem>>, %arg8: memref<!tpu.dma_semaphore, #tpu.memory_space<semaphore_mem>>, %arg9: memref<!tpu.dma_semaphore, #tpu.memory_space<semaphore_mem>>, %arg10: memref<!tpu.dma_semaphore, #tpu.memory_space<semaphore_mem>>, %arg11: memref<!tpu.dma_semaphore, #tpu.memory_space<semaphore_mem>>) attributes {dimension_semantics = [#tpu.dimension_semantics<core_parallel>, #tpu.dimension_semantics<subcore_parallel>], iteration_bounds = array<i64: 2, 16>, scalar_prefetch = 0 : i64, scratch_operands = 8 : i64, tpu.core_type = #tpu.core_type<sc_vector_subcore>, window_params = [{transform_indices = #map}, {transform_indices = #map}]} {
    %mul3A = arith.constant 2 : i32
    %mul3A_0 = arith.muli %arg1, %mul3A : i32
    %add3A = arith.addi %mul3A_0, %arg0 : i32
    %iota3A = tpu.iota {dimensions = array<i32: 0>} : vector<16xi32>
    %mul3A_1 = arith.constant 49 : i32
    %mul3A_2 = arith.muli %add3A, %mul3A_1 : i32
    %add3A_3 = arith.constant 0 : i32
    %add3A_4 = arith.addi %mul3A_2, %add3A_3 : i32
    %min3A = arith.constant 1562 : i32
    %min3A_5 = arith.minsi %add3A_4, %min3A : i32
    %mul3A_6 = arith.constant 128 : i32
    %mul3A_7 = arith.muli %min3A_5, %mul3A_6 : i32
    %dma_start3A = arith.constant 0 : i32
    %dma_start3A_8 = tpu.memref_slice %arg2[%dma_start3A, %mul3A_7] : memref<64x200001xf32, #tpu.memory_space<hbm>> -> memref<64x128xf32, #tpu.memory_space<hbm>>
    %dma_start3A_9 = arith.constant 0 : i32
    %dma_start3A_10 = tpu.memref_slice %arg2[%dma_start3A_9, %mul3A_7] : memref<64x200001xf32, #tpu.memory_space<hbm>> -> memref<64x128xf32, #tpu.memory_space<hbm>>
    tpu.enqueue_dma source(%dma_start3A_10 : memref<64x128xf32, #tpu.memory_space<hbm>>) target(%arg4 : memref<64x128xf32, #tpu.memory_space<vmem>>) target_semaphore(%arg8 : memref<!tpu.dma_semaphore, #tpu.memory_space<semaphore_mem>>)
    %mul3A_11 = arith.constant 49 : i32
    %mul3A_12 = arith.muli %add3A, %mul3A_11 : i32
    %add3A_13 = arith.constant 1 : i32
    %add3A_14 = arith.addi %mul3A_12, %add3A_13 : i32
    %min3A_15 = arith.constant 1562 : i32
    %min3A_16 = arith.minsi %add3A_14, %min3A_15 : i32
    %mul3A_17 = arith.constant 128 : i32
    %mul3A_18 = arith.muli %min3A_16, %mul3A_17 : i32
    %dma_start3A_19 = arith.constant 0 : i32
    %dma_start3A_20 = tpu.memref_slice %arg2[%dma_start3A_19, %mul3A_18] : memref<64x200001xf32, #tpu.memory_space<hbm>> -> memref<64x128xf32, #tpu.memory_space<hbm>>
    %dma_start3A_21 = arith.constant 0 : i32
    %dma_start3A_22 = tpu.memref_slice %arg2[%dma_start3A_21, %mul3A_18] : memref<64x200001xf32, #tpu.memory_space<hbm>> -> memref<64x128xf32, #tpu.memory_space<hbm>>
    tpu.enqueue_dma source(%dma_start3A_22 : memref<64x128xf32, #tpu.memory_space<hbm>>) target(%arg5 : memref<64x128xf32, #tpu.memory_space<vmem>>) target_semaphore(%arg9 : memref<!tpu.dma_semaphore, #tpu.memory_space<semaphore_mem>>)
    %scan3A = arith.constant 0 : i32
    %scan3A_23 = arith.constant 0 : i32
    %scan3A_24 = arith.constant 24 : i32
    %scan3A_25 = arith.addi %scan3A_23, %scan3A_24 : i32
    %scan3A_26 = arith.constant 1 : i32
    scf.for %scan3A_93 = %scan3A_23 to %scan3A_25 step %scan3A_26  : i32 {
      %mul3A_94 = arith.constant 2 : i32
      %mul3A_95 = arith.muli %mul3A_94, %scan3A_93 : i32
      %mul3A_96 = arith.constant 49 : i32
      %mul3A_97 = arith.muli %add3A, %mul3A_96 : i32
      %add3A_98 = arith.addi %mul3A_97, %mul3A_95 : i32
      %min3A_99 = arith.constant 1562 : i32
      %min3A_100 = arith.minsi %add3A_98, %min3A_99 : i32
      %mul3A_101 = arith.constant 128 : i32
      %mul3A_102 = arith.muli %min3A_100, %mul3A_101 : i32
      %dma_wait3A_103 = arith.constant 0 : i32
      %dma_wait3A_104 = tpu.memref_slice %arg2[%dma_wait3A_103, %mul3A_102] : memref<64x200001xf32, #tpu.memory_space<hbm>> -> memref<64x128xf32, #tpu.memory_space<hbm>>
      %dma_wait3A_105 = arith.constant 0 : i32
      %dma_wait3A_106 = tpu.memref_slice %arg2[%dma_wait3A_105, %mul3A_102] : memref<64x200001xf32, #tpu.memory_space<hbm>> -> memref<64x128xf32, #tpu.memory_space<hbm>>
      tpu.wait_dma2 semaphore(%arg8 : memref<!tpu.dma_semaphore, #tpu.memory_space<semaphore_mem>>) src(%dma_wait3A_106 : memref<64x128xf32, #tpu.memory_space<hbm>>) dst(%arg4 : memref<64x128xf32, #tpu.memory_space<vmem>>)
      %gt3A = arith.constant 0 : i32
      %gt3A_107 = arith.cmpi sgt, %scan3A_93, %gt3A : i32
      %convert_element_type3A = arith.extui %gt3A_107 : i1 to i32
      %cond3A = arith.constant 0 : i32
      %cond3A_108 = arith.cmpi ne, %convert_element_type3A, %cond3A : i32
      scf.if %cond3A_108 {
        %sub3A = arith.constant 2 : i32
        %sub3A_176 = arith.subi %mul3A_95, %sub3A : i32
        %mul3A_177 = arith.constant 49 : i32
        %mul3A_178 = arith.muli %add3A, %mul3A_177 : i32
        %add3A_179 = arith.addi %mul3A_178, %sub3A_176 : i32
        %min3A_180 = arith.constant 1562 : i32
        %min3A_181 = arith.minsi %add3A_179, %min3A_180 : i32
        %mul3A_182 = arith.constant 128 : i32
        %mul3A_183 = arith.muli %min3A_181, %mul3A_182 : i32
        %dma_wait3A_184 = arith.constant 0 : i32
        %dma_wait3A_185 = tpu.memref_slice %arg3[%mul3A_183, %dma_wait3A_184] : memref<200064x128xf32, #tpu.memory_space<hbm>> -> memref<128x128xf32, #tpu.memory_space<hbm>>
        %dma_wait3A_186 = arith.constant 0 : i32
        %dma_wait3A_187 = tpu.memref_slice %arg3[%mul3A_183, %dma_wait3A_186] : memref<200064x128xf32, #tpu.memory_space<hbm>> -> memref<128x128xf32, #tpu.memory_space<hbm>>
        tpu.wait_dma2 semaphore(%arg10 : memref<!tpu.dma_semaphore, #tpu.memory_space<semaphore_mem>>) src(%arg6 : memref<128x128xf32, #tpu.memory_space<vmem>>) dst(%dma_wait3A_187 : memref<128x128xf32, #tpu.memory_space<hbm>>)
      } else {
      }
      %scan3A_109 = arith.constant 0 : i32
      %scan3A_110 = arith.constant 0 : i32
      %scan3A_111 = arith.constant 128 : i32
      %scan3A_112 = arith.addi %scan3A_110, %scan3A_111 : i32
      %scan3A_113 = arith.constant 1 : i32
      scf.for %scan3A_176 = %scan3A_110 to %scan3A_112 step %scan3A_113  : i32 {
        %broadcast_in_dim3A = vector.broadcast %scan3A_176 : i32 to vector<16xi32>
        %add3A_177 = arith.constant 0 : i32
        %add3A_178 = vector.broadcast %add3A_177 : i32 to vector<16xi32>
        %add3A_179 = arith.addi %add3A_178, %iota3A : vector<16xi32>
        %gather3A = tpu.vector_load_idx %arg4[%add3A_179, %broadcast_in_dim3A] : memref<64x128xf32, #tpu.memory_space<vmem>>[vector<16xi32>, vector<16xi32>], vector<16xf32>,
        %swap3A = arith.index_cast %scan3A_176 : i32 to index
        %swap3A_180 = arith.constant 0 : index
        %swap3A_181 = tpu.vector_load %arg6[%swap3A, %swap3A_180] {strides = array<i32>} : memref<128x128xf32, #tpu.memory_space<vmem>>, vector<16xf32>,
        tpu.vector_store %arg6[%swap3A, %swap3A_180], %gather3A {strides = array<i32>} : memref<128x128xf32, #tpu.memory_space<vmem>>, vector<16xf32>,
        %add3A_182 = arith.constant 16 : i32
        %add3A_183 = vector.broadcast %add3A_182 : i32 to vector<16xi32>
        %add3A_184 = arith.addi %add3A_183, %iota3A : vector<16xi32>
        %gather3A_185 = tpu.vector_load_idx %arg4[%add3A_184, %broadcast_in_dim3A] : memref<64x128xf32, #tpu.memory_space<vmem>>[vector<16xi32>, vector<16xi32>], vector<16xf32>,
        %swap3A_186 = arith.index_cast %scan3A_176 : i32 to index
        %swap3A_187 = arith.constant 16 : index
        %swap3A_188 = tpu.vector_load %arg6[%swap3A_186, %swap3A_187] {strides = array<i32>} : memref<128x128xf32, #tpu.memory_space<vmem>>, vector<16xf32>,
        tpu.vector_store %arg6[%swap3A_186, %swap3A_187], %gather3A_185 {strides = array<i32>} : memref<128x128xf32, #tpu.memory_space<vmem>>, vector<16xf32>,
        %add3A_189 = arith.constant 32 : i32
        %add3A_190 = vector.broadcast %add3A_189 : i32 to vector<16xi32>
        %add3A_191 = arith.addi %add3A_190, %iota3A : vector<16xi32>
        %gather3A_192 = tpu.vector_load_idx %arg4[%add3A_191, %broadcast_in_dim3A] : memref<64x128xf32, #tpu.memory_space<vmem>>[vector<16xi32>, vector<16xi32>], vector<16xf32>,
        %swap3A_193 = arith.index_cast %scan3A_176 : i32 to index
        %swap3A_194 = arith.constant 32 : index
        %swap3A_195 = tpu.vector_load %arg6[%swap3A_193, %swap3A_194] {strides = array<i32>} : memref<128x128xf32, #tpu.memory_space<vmem>>, vector<16xf32>,
        tpu.vector_store %arg6[%swap3A_193, %swap3A_194], %gather3A_192 {strides = array<i32>} : memref<128x128xf32, #tpu.memory_space<vmem>>, vector<16xf32>,
        %add3A_196 = arith.constant 48 : i32
        %add3A_197 = vector.broadcast %add3A_196 : i32 to vector<16xi32>
        %add3A_198 = arith.addi %add3A_197, %iota3A : vector<16xi32>
        %gather3A_199 = tpu.vector_load_idx %arg4[%add3A_198, %broadcast_in_dim3A] : memref<64x128xf32, #tpu.memory_space<vmem>>[vector<16xi32>, vector<16xi32>], vector<16xf32>,
        %swap3A_200 = arith.index_cast %scan3A_176 : i32 to index
        %swap3A_201 = arith.constant 48 : index
        %swap3A_202 = tpu.vector_load %arg6[%swap3A_200, %swap3A_201] {strides = array<i32>} : memref<128x128xf32, #tpu.memory_space<vmem>>, vector<16xf32>,
        tpu.vector_store %arg6[%swap3A_200, %swap3A_201], %gather3A_199 {strides = array<i32>} : memref<128x128xf32, #tpu.memory_space<vmem>>, vector<16xf32>,
      }
      %scan3A_114 = arith.constant 128 : i32
      %mul3A_115 = arith.constant 49 : i32
      %mul3A_116 = arith.muli %add3A, %mul3A_115 : i32
      %add3A_117 = arith.addi %mul3A_116, %mul3A_95 : i32
      %min3A_118 = arith.constant 1562 : i32
      %min3A_119 = arith.minsi %add3A_117, %min3A_118 : i32
      %mul3A_120 = arith.constant 128 : i32
      %mul3A_121 = arith.muli %min3A_119, %mul3A_120 : i32
      %dma_start3A_122 = arith.constant 0 : i32
      %dma_start3A_123 = tpu.memref_slice %arg3[%mul3A_121, %dma_start3A_122] : memref<200064x128xf32, #tpu.memory_space<hbm>> -> memref<128x128xf32, #tpu.memory_space<hbm>>
      %dma_start3A_124 = arith.constant 0 : i32
      %dma_start3A_125 = tpu.memref_slice %arg3[%mul3A_121, %dma_start3A_124] : memref<200064x128xf32, #tpu.memory_space<hbm>> -> memref<128x128xf32, #tpu.memory_space<hbm>>
      tpu.enqueue_dma source(%arg6 : memref<128x128xf32, #tpu.memory_space<vmem>>) target(%dma_start3A_125 : memref<128x128xf32, #tpu.memory_space<hbm>>) target_semaphore(%arg10 : memref<!tpu.dma_semaphore, #tpu.memory_space<semaphore_mem>>)
      %add3A_126 = arith.constant 2 : i32
      %add3A_127 = arith.addi %mul3A_95, %add3A_126 : i32
      %lt3A = arith.constant 49 : i32
      %lt3A_128 = arith.cmpi slt, %add3A_127, %lt3A : i32
      %convert_element_type3A_129 = arith.extui %lt3A_128 : i1 to i32
      %cond3A_130 = arith.constant 0 : i32
      %cond3A_131 = arith.cmpi ne, %convert_element_type3A_129, %cond3A_130 : i32
      scf.if %cond3A_131 {
        %add3A_176 = arith.constant 2 : i32
        %add3A_177 = arith.addi %mul3A_95, %add3A_176 : i32
        %mul3A_178 = arith.constant 49 : i32
        %mul3A_179 = arith.muli %add3A, %mul3A_178 : i32
        %add3A_180 = arith.addi %mul3A_179, %add3A_177 : i32
        %min3A_181 = arith.constant 1562 : i32
        %min3A_182 = arith.minsi %add3A_180, %min3A_181 : i32
        %mul3A_183 = arith.constant 128 : i32
        %mul3A_184 = arith.muli %min3A_182, %mul3A_183 : i32
        %dma_start3A_185 = arith.constant 0 : i32
        %dma_start3A_186 = tpu.memref_slice %arg2[%dma_start3A_185, %mul3A_184] : memref<64x200001xf32, #tpu.memory_space<hbm>> -> memref<64x128xf32, #tpu.memory_space<hbm>>
        %dma_start3A_187 = arith.constant 0 : i32
        %dma_start3A_188 = tpu.memref_slice %arg2[%dma_start3A_187, %mul3A_184] : memref<64x200001xf32, #tpu.memory_space<hbm>> -> memref<64x128xf32, #tpu.memory_space<hbm>>
        tpu.enqueue_dma source(%dma_start3A_188 : memref<64x128xf32, #tpu.memory_space<hbm>>) target(%arg4 : memref<64x128xf32, #tpu.memory_space<vmem>>) target_semaphore(%arg8 : memref<!tpu.dma_semaphore, #tpu.memory_space<semaphore_mem>>)
      } else {
      }
      %add3A_132 = arith.constant 1 : i32
      %add3A_133 = arith.addi %mul3A_95, %add3A_132 : i32
      %mul3A_134 = arith.constant 49 : i32
      %mul3A_135 = arith.muli %add3A, %mul3A_134 : i32
      %add3A_136 = arith.addi %mul3A_135, %add3A_133 : i32
      %min3A_137 = arith.constant 1562 : i32
      %min3A_138 = arith.minsi %add3A_136, %min3A_137 : i32
      %mul3A_139 = arith.constant 128 : i32
      %mul3A_140 = arith.muli %min3A_138, %mul3A_139 : i32
      %dma_wait3A_141 = arith.constant 0 : i32
      %dma_wait3A_142 = tpu.memref_slice %arg2[%dma_wait3A_141, %mul3A_140] : memref<64x200001xf32, #tpu.memory_space<hbm>> -> memref<64x128xf32, #tpu.memory_space<hbm>>
      %dma_wait3A_143 = arith.constant 0 : i32
      %dma_wait3A_144 = tpu.memref_slice %arg2[%dma_wait3A_143, %mul3A_140] : memref<64x200001xf32, #tpu.memory_space<hbm>> -> memref<64x128xf32, #tpu.memory_space<hbm>>
      tpu.wait_dma2 semaphore(%arg9 : memref<!tpu.dma_semaphore, #tpu.memory_space<semaphore_mem>>) src(%dma_wait3A_144 : memref<64x128xf32, #tpu.memory_space<hbm>>) dst(%arg5 : memref<64x128xf32, #tpu.memory_space<vmem>>)
      %gt3A_145 = arith.constant 0 : i32
      %gt3A_146 = arith.cmpi sgt, %scan3A_93, %gt3A_145 : i32
      %convert_element_type3A_147 = arith.extui %gt3A_146 : i1 to i32
      %cond3A_148 = arith.constant 0 : i32
      %cond3A_149 = arith.cmpi ne, %convert_element_type3A_147, %cond3A_148 : i32
      scf.if %cond3A_149 {
        %sub3A = arith.constant 1 : i32
        %sub3A_176 = arith.subi %mul3A_95, %sub3A : i32
        %mul3A_177 = arith.constant 49 : i32
        %mul3A_178 = arith.muli %add3A, %mul3A_177 : i32
        %add3A_179 = arith.addi %mul3A_178, %sub3A_176 : i32
        %min3A_180 = arith.constant 1562 : i32
        %min3A_181 = arith.minsi %add3A_179, %min3A_180 : i32
        %mul3A_182 = arith.constant 128 : i32
        %mul3A_183 = arith.muli %min3A_181, %mul3A_182 : i32
        %dma_wait3A_184 = arith.constant 0 : i32
        %dma_wait3A_185 = tpu.memref_slice %arg3[%mul3A_183, %dma_wait3A_184] : memref<200064x128xf32, #tpu.memory_space<hbm>> -> memref<128x128xf32, #tpu.memory_space<hbm>>
        %dma_wait3A_186 = arith.constant 0 : i32
        %dma_wait3A_187 = tpu.memref_slice %arg3[%mul3A_183, %dma_wait3A_186] : memref<200064x128xf32, #tpu.memory_space<hbm>> -> memref<128x128xf32, #tpu.memory_space<hbm>>
        tpu.wait_dma2 semaphore(%arg11 : memref<!tpu.dma_semaphore, #tpu.memory_space<semaphore_mem>>) src(%arg7 : memref<128x128xf32, #tpu.memory_space<vmem>>) dst(%dma_wait3A_187 : memref<128x128xf32, #tpu.memory_space<hbm>>)
      } else {
      }
      %scan3A_150 = arith.constant 0 : i32
      %scan3A_151 = arith.constant 0 : i32
      %scan3A_152 = arith.constant 128 : i32
      %scan3A_153 = arith.addi %scan3A_151, %scan3A_152 : i32
      %scan3A_154 = arith.constant 1 : i32
      scf.for %scan3A_176 = %scan3A_151 to %scan3A_153 step %scan3A_154  : i32 {
        %broadcast_in_dim3A = vector.broadcast %scan3A_176 : i32 to vector<16xi32>
        %add3A_177 = arith.constant 0 : i32
        %add3A_178 = vector.broadcast %add3A_177 : i32 to vector<16xi32>
        %add3A_179 = arith.addi %add3A_178, %iota3A : vector<16xi32>
        %gather3A = tpu.vector_load_idx %arg5[%add3A_179, %broadcast_in_dim3A] : memref<64x128xf32, #tpu.memory_space<vmem>>[vector<16xi32>, vector<16xi32>], vector<16xf32>,
        %swap3A = arith.index_cast %scan3A_176 : i32 to index
        %swap3A_180 = arith.constant 0 : index
        %swap3A_181 = tpu.vector_load %arg7[%swap3A, %swap3A_180] {strides = array<i32>} : memref<128x128xf32, #tpu.memory_space<vmem>>, vector<16xf32>,
        tpu.vector_store %arg7[%swap3A, %swap3A_180], %gather3A {strides = array<i32>} : memref<128x128xf32, #tpu.memory_space<vmem>>, vector<16xf32>,
        %add3A_182 = arith.constant 16 : i32
        %add3A_183 = vector.broadcast %add3A_182 : i32 to vector<16xi32>
        %add3A_184 = arith.addi %add3A_183, %iota3A : vector<16xi32>
        %gather3A_185 = tpu.vector_load_idx %arg5[%add3A_184, %broadcast_in_dim3A] : memref<64x128xf32, #tpu.memory_space<vmem>>[vector<16xi32>, vector<16xi32>], vector<16xf32>,
        %swap3A_186 = arith.index_cast %scan3A_176 : i32 to index
        %swap3A_187 = arith.constant 16 : index
        %swap3A_188 = tpu.vector_load %arg7[%swap3A_186, %swap3A_187] {strides = array<i32>} : memref<128x128xf32, #tpu.memory_space<vmem>>, vector<16xf32>,
        tpu.vector_store %arg7[%swap3A_186, %swap3A_187], %gather3A_185 {strides = array<i32>} : memref<128x128xf32, #tpu.memory_space<vmem>>, vector<16xf32>,
        %add3A_189 = arith.constant 32 : i32
        %add3A_190 = vector.broadcast %add3A_189 : i32 to vector<16xi32>
        %add3A_191 = arith.addi %add3A_190, %iota3A : vector<16xi32>
        %gather3A_192 = tpu.vector_load_idx %arg5[%add3A_191, %broadcast_in_dim3A] : memref<64x128xf32, #tpu.memory_space<vmem>>[vector<16xi32>, vector<16xi32>], vector<16xf32>,
        %swap3A_193 = arith.index_cast %scan3A_176 : i32 to index
        %swap3A_194 = arith.constant 32 : index
        %swap3A_195 = tpu.vector_load %arg7[%swap3A_193, %swap3A_194] {strides = array<i32>} : memref<128x128xf32, #tpu.memory_space<vmem>>, vector<16xf32>,
        tpu.vector_store %arg7[%swap3A_193, %swap3A_194], %gather3A_192 {strides = array<i32>} : memref<128x128xf32, #tpu.memory_space<vmem>>, vector<16xf32>,
        %add3A_196 = arith.constant 48 : i32
        %add3A_197 = vector.broadcast %add3A_196 : i32 to vector<16xi32>
        %add3A_198 = arith.addi %add3A_197, %iota3A : vector<16xi32>
        %gather3A_199 = tpu.vector_load_idx %arg5[%add3A_198, %broadcast_in_dim3A] : memref<64x128xf32, #tpu.memory_space<vmem>>[vector<16xi32>, vector<16xi32>], vector<16xf32>,
        %swap3A_200 = arith.index_cast %scan3A_176 : i32 to index
        %swap3A_201 = arith.constant 48 : index
        %swap3A_202 = tpu.vector_load %arg7[%swap3A_200, %swap3A_201] {strides = array<i32>} : memref<128x128xf32, #tpu.memory_space<vmem>>, vector<16xf32>,
        tpu.vector_store %arg7[%swap3A_200, %swap3A_201], %gather3A_199 {strides = array<i32>} : memref<128x128xf32, #tpu.memory_space<vmem>>, vector<16xf32>,
      }
      %scan3A_155 = arith.constant 128 : i32
      %add3A_156 = arith.constant 1 : i32
      %add3A_157 = arith.addi %mul3A_95, %add3A_156 : i32
      %mul3A_158 = arith.constant 49 : i32
      %mul3A_159 = arith.muli %add3A, %mul3A_158 : i32
      %add3A_160 = arith.addi %mul3A_159, %add3A_157 : i32
      %min3A_161 = arith.constant 1562 : i32
      %min3A_162 = arith.minsi %add3A_160, %min3A_161 : i32
      %mul3A_163 = arith.constant 128 : i32
      %mul3A_164 = arith.muli %min3A_162, %mul3A_163 : i32
      %dma_start3A_165 = arith.constant 0 : i32
      %dma_start3A_166 = tpu.memref_slice %arg3[%mul3A_164, %dma_start3A_165] : memref<200064x128xf32, #tpu.memory_space<hbm>> -> memref<128x128xf32, #tpu.memory_space<hbm>>
      %dma_start3A_167 = arith.constant 0 : i32
      %dma_start3A_168 = tpu.memref_slice %arg3[%mul3A_164, %dma_start3A_167] : memref<200064x128xf32, #tpu.memory_space<hbm>> -> memref<128x128xf32, #tpu.memory_space<hbm>>
      tpu.enqueue_dma source(%arg7 : memref<128x128xf32, #tpu.memory_space<vmem>>) target(%dma_start3A_168 : memref<128x128xf32, #tpu.memory_space<hbm>>) target_semaphore(%arg11 : memref<!tpu.dma_semaphore, #tpu.memory_space<semaphore_mem>>)
      %add3A_169 = arith.constant 3 : i32
      %add3A_170 = arith.addi %mul3A_95, %add3A_169 : i32
      %lt3A_171 = arith.constant 49 : i32
      %lt3A_172 = arith.cmpi slt, %add3A_170, %lt3A_171 : i32
      %convert_element_type3A_173 = arith.extui %lt3A_172 : i1 to i32
      %cond3A_174 = arith.constant 0 : i32
      %cond3A_175 = arith.cmpi ne, %convert_element_type3A_173, %cond3A_174 : i32
      scf.if %cond3A_175 {
        %add3A_176 = arith.constant 3 : i32
        %add3A_177 = arith.addi %mul3A_95, %add3A_176 : i32
        %mul3A_178 = arith.constant 49 : i32
        %mul3A_179 = arith.muli %add3A, %mul3A_178 : i32
        %add3A_180 = arith.addi %mul3A_179, %add3A_177 : i32
        %min3A_181 = arith.constant 1562 : i32
        %min3A_182 = arith.minsi %add3A_180, %min3A_181 : i32
        %mul3A_183 = arith.constant 128 : i32
        %mul3A_184 = arith.muli %min3A_182, %mul3A_183 : i32
        %dma_start3A_185 = arith.constant 0 : i32
        %dma_start3A_186 = tpu.memref_slice %arg2[%dma_start3A_185, %mul3A_184] : memref<64x200001xf32, #tpu.memory_space<hbm>> -> memref<64x128xf32, #tpu.memory_space<hbm>>
        %dma_start3A_187 = arith.constant 0 : i32
        %dma_start3A_188 = tpu.memref_slice %arg2[%dma_start3A_187, %mul3A_184] : memref<64x200001xf32, #tpu.memory_space<hbm>> -> memref<64x128xf32, #tpu.memory_space<hbm>>
        tpu.enqueue_dma source(%dma_start3A_188 : memref<64x128xf32, #tpu.memory_space<hbm>>) target(%arg5 : memref<64x128xf32, #tpu.memory_space<vmem>>) target_semaphore(%arg9 : memref<!tpu.dma_semaphore, #tpu.memory_space<semaphore_mem>>)
      } else {
      }
    }
    %scan3A_27 = arith.constant 24 : i32
    %mul3A_28 = arith.constant 49 : i32
    %mul3A_29 = arith.muli %add3A, %mul3A_28 : i32
    %add3A_30 = arith.constant 48 : i32
    %add3A_31 = arith.addi %mul3A_29, %add3A_30 : i32
    %min3A_32 = arith.constant 1562 : i32
    %min3A_33 = arith.minsi %add3A_31, %min3A_32 : i32
    %mul3A_34 = arith.constant 128 : i32
    %mul3A_35 = arith.muli %min3A_33, %mul3A_34 : i32
    %dma_wait3A = arith.constant 0 : i32
    %dma_wait3A_36 = tpu.memref_slice %arg2[%dma_wait3A, %mul3A_35] : memref<64x200001xf32, #tpu.memory_space<hbm>> -> memref<64x128xf32, #tpu.memory_space<hbm>>
    %dma_wait3A_37 = arith.constant 0 : i32
    %dma_wait3A_38 = tpu.memref_slice %arg2[%dma_wait3A_37, %mul3A_35] : memref<64x200001xf32, #tpu.memory_space<hbm>> -> memref<64x128xf32, #tpu.memory_space<hbm>>
    tpu.wait_dma2 semaphore(%arg8 : memref<!tpu.dma_semaphore, #tpu.memory_space<semaphore_mem>>) src(%dma_wait3A_38 : memref<64x128xf32, #tpu.memory_space<hbm>>) dst(%arg4 : memref<64x128xf32, #tpu.memory_space<vmem>>)
    %mul3A_39 = arith.constant 49 : i32
    %mul3A_40 = arith.muli %add3A, %mul3A_39 : i32
    %add3A_41 = arith.constant 46 : i32
    %add3A_42 = arith.addi %mul3A_40, %add3A_41 : i32
    %min3A_43 = arith.constant 1562 : i32
    %min3A_44 = arith.minsi %add3A_42, %min3A_43 : i32
    %mul3A_45 = arith.constant 128 : i32
    %mul3A_46 = arith.muli %min3A_44, %mul3A_45 : i32
    %dma_wait3A_47 = arith.constant 0 : i32
    %dma_wait3A_48 = tpu.memref_slice %arg3[%mul3A_46, %dma_wait3A_47] : memref<200064x128xf32, #tpu.memory_space<hbm>> -> memref<128x128xf32, #tpu.memory_space<hbm>>
    %dma_wait3A_49 = arith.constant 0 : i32
    %dma_wait3A_50 = tpu.memref_slice %arg3[%mul3A_46, %dma_wait3A_49] : memref<200064x128xf32, #tpu.memory_space<hbm>> -> memref<128x128xf32, #tpu.memory_space<hbm>>
    tpu.wait_dma2 semaphore(%arg10 : memref<!tpu.dma_semaphore, #tpu.memory_space<semaphore_mem>>) src(%arg6 : memref<128x128xf32, #tpu.memory_space<vmem>>) dst(%dma_wait3A_50 : memref<128x128xf32, #tpu.memory_space<hbm>>)
    %scan3A_51 = arith.constant 0 : i32
    %scan3A_52 = arith.constant 0 : i32
    %scan3A_53 = arith.constant 128 : i32
    %scan3A_54 = arith.addi %scan3A_52, %scan3A_53 : i32
    %scan3A_55 = arith.constant 1 : i32
    scf.for %scan3A_93 = %scan3A_52 to %scan3A_54 step %scan3A_55  : i32 {
      %broadcast_in_dim3A = vector.broadcast %scan3A_93 : i32 to vector<16xi32>
      %add3A_94 = arith.constant 0 : i32
      %add3A_95 = vector.broadcast %add3A_94 : i32 to vector<16xi32>
      %add3A_96 = arith.addi %add3A_95, %iota3A : vector<16xi32>
      %gather3A = tpu.vector_load_idx %arg4[%add3A_96, %broadcast_in_dim3A] : memref<64x128xf32, #tpu.memory_space<vmem>>[vector<16xi32>, vector<16xi32>], vector<16xf32>,
      %swap3A = arith.index_cast %scan3A_93 : i32 to index
      %swap3A_97 = arith.constant 0 : index
      %swap3A_98 = tpu.vector_load %arg6[%swap3A, %swap3A_97] {strides = array<i32>} : memref<128x128xf32, #tpu.memory_space<vmem>>, vector<16xf32>,
      tpu.vector_store %arg6[%swap3A, %swap3A_97], %gather3A {strides = array<i32>} : memref<128x128xf32, #tpu.memory_space<vmem>>, vector<16xf32>,
      %add3A_99 = arith.constant 16 : i32
      %add3A_100 = vector.broadcast %add3A_99 : i32 to vector<16xi32>
      %add3A_101 = arith.addi %add3A_100, %iota3A : vector<16xi32>
      %gather3A_102 = tpu.vector_load_idx %arg4[%add3A_101, %broadcast_in_dim3A] : memref<64x128xf32, #tpu.memory_space<vmem>>[vector<16xi32>, vector<16xi32>], vector<16xf32>,
      %swap3A_103 = arith.index_cast %scan3A_93 : i32 to index
      %swap3A_104 = arith.constant 16 : index
      %swap3A_105 = tpu.vector_load %arg6[%swap3A_103, %swap3A_104] {strides = array<i32>} : memref<128x128xf32, #tpu.memory_space<vmem>>, vector<16xf32>,
      tpu.vector_store %arg6[%swap3A_103, %swap3A_104], %gather3A_102 {strides = array<i32>} : memref<128x128xf32, #tpu.memory_space<vmem>>, vector<16xf32>,
      %add3A_106 = arith.constant 32 : i32
      %add3A_107 = vector.broadcast %add3A_106 : i32 to vector<16xi32>
      %add3A_108 = arith.addi %add3A_107, %iota3A : vector<16xi32>
      %gather3A_109 = tpu.vector_load_idx %arg4[%add3A_108, %broadcast_in_dim3A] : memref<64x128xf32, #tpu.memory_space<vmem>>[vector<16xi32>, vector<16xi32>], vector<16xf32>,
      %swap3A_110 = arith.index_cast %scan3A_93 : i32 to index
      %swap3A_111 = arith.constant 32 : index
      %swap3A_112 = tpu.vector_load %arg6[%swap3A_110, %swap3A_111] {strides = array<i32>} : memref<128x128xf32, #tpu.memory_space<vmem>>, vector<16xf32>,
      tpu.vector_store %arg6[%swap3A_110, %swap3A_111], %gather3A_109 {strides = array<i32>} : memref<128x128xf32, #tpu.memory_space<vmem>>, vector<16xf32>,
      %add3A_113 = arith.constant 48 : i32
      %add3A_114 = vector.broadcast %add3A_113 : i32 to vector<16xi32>
      %add3A_115 = arith.addi %add3A_114, %iota3A : vector<16xi32>
      %gather3A_116 = tpu.vector_load_idx %arg4[%add3A_115, %broadcast_in_dim3A] : memref<64x128xf32, #tpu.memory_space<vmem>>[vector<16xi32>, vector<16xi32>], vector<16xf32>,
      %swap3A_117 = arith.index_cast %scan3A_93 : i32 to index
      %swap3A_118 = arith.constant 48 : index
      %swap3A_119 = tpu.vector_load %arg6[%swap3A_117, %swap3A_118] {strides = array<i32>} : memref<128x128xf32, #tpu.memory_space<vmem>>, vector<16xf32>,
      tpu.vector_store %arg6[%swap3A_117, %swap3A_118], %gather3A_116 {strides = array<i32>} : memref<128x128xf32, #tpu.memory_space<vmem>>, vector<16xf32>,
    }
    %scan3A_56 = arith.constant 128 : i32
    %mul3A_57 = arith.constant 49 : i32
    %mul3A_58 = arith.muli %add3A, %mul3A_57 : i32
    %add3A_59 = arith.constant 48 : i32
    %add3A_60 = arith.addi %mul3A_58, %add3A_59 : i32
    %min3A_61 = arith.constant 1562 : i32
    %min3A_62 = arith.minsi %add3A_60, %min3A_61 : i32
    %mul3A_63 = arith.constant 128 : i32
    %mul3A_64 = arith.muli %min3A_62, %mul3A_63 : i32
    %dma_start3A_65 = arith.constant 0 : i32
    %dma_start3A_66 = tpu.memref_slice %arg3[%mul3A_64, %dma_start3A_65] : memref<200064x128xf32, #tpu.memory_space<hbm>> -> memref<128x128xf32, #tpu.memory_space<hbm>>
    %dma_start3A_67 = arith.constant 0 : i32
    %dma_start3A_68 = tpu.memref_slice %arg3[%mul3A_64, %dma_start3A_67] : memref<200064x128xf32, #tpu.memory_space<hbm>> -> memref<128x128xf32, #tpu.memory_space<hbm>>
    tpu.enqueue_dma source(%arg6 : memref<128x128xf32, #tpu.memory_space<vmem>>) target(%dma_start3A_68 : memref<128x128xf32, #tpu.memory_space<hbm>>) target_semaphore(%arg10 : memref<!tpu.dma_semaphore, #tpu.memory_space<semaphore_mem>>)
    %mul3A_69 = arith.constant 49 : i32
    %mul3A_70 = arith.muli %add3A, %mul3A_69 : i32
    %add3A_71 = arith.constant 47 : i32
    %add3A_72 = arith.addi %mul3A_70, %add3A_71 : i32
    %min3A_73 = arith.constant 1562 : i32
    %min3A_74 = arith.minsi %add3A_72, %min3A_73 : i32
    %mul3A_75 = arith.constant 128 : i32
    %mul3A_76 = arith.muli %min3A_74, %mul3A_75 : i32
    %dma_wait3A_77 = arith.constant 0 : i32
    %dma_wait3A_78 = tpu.memref_slice %arg3[%mul3A_76, %dma_wait3A_77] : memref<200064x128xf32, #tpu.memory_space<hbm>> -> memref<128x128xf32, #tpu.memory_space<hbm>>
    %dma_wait3A_79 = arith.constant 0 : i32
    %dma_wait3A_80 = tpu.memref_slice %arg3[%mul3A_76, %dma_wait3A_79] : memref<200064x128xf32, #tpu.memory_space<hbm>> -> memref<128x128xf32, #tpu.memory_space<hbm>>
    tpu.wait_dma2 semaphore(%arg11 : memref<!tpu.dma_semaphore, #tpu.memory_space<semaphore_mem>>) src(%arg7 : memref<128x128xf32, #tpu.memory_space<vmem>>) dst(%dma_wait3A_80 : memref<128x128xf32, #tpu.memory_space<hbm>>)
    %mul3A_81 = arith.constant 49 : i32
    %mul3A_82 = arith.muli %add3A, %mul3A_81 : i32
    %add3A_83 = arith.constant 48 : i32
    %add3A_84 = arith.addi %mul3A_82, %add3A_83 : i32
    %min3A_85 = arith.constant 1562 : i32
    %min3A_86 = arith.minsi %add3A_84, %min3A_85 : i32
    %mul3A_87 = arith.constant 128 : i32
    %mul3A_88 = arith.muli %min3A_86, %mul3A_87 : i32
    %dma_wait3A_89 = arith.constant 0 : i32
    %dma_wait3A_90 = tpu.memref_slice %arg3[%mul3A_88, %dma_wait3A_89] : memref<200064x128xf32, #tpu.memory_space<hbm>> -> memref<128x128xf32, #tpu.memory_space<hbm>>
    %dma_wait3A_91 = arith.constant 0 : i32
    %dma_wait3A_92 = tpu.memref_slice %arg3[%mul3A_88, %dma_wait3A_91] : memref<200064x128xf32, #tpu.memory_space<hbm>> -> memref<128x128xf32, #tpu.memory_space<hbm>>
    tpu.wait_dma2 semaphore(%arg10 : memref<!tpu.dma_semaphore, #tpu.memory_space<semaphore_mem>>) src(%arg6 : memref<128x128xf32, #tpu.memory_space<vmem>>) dst(%dma_wait3A_92 : memref<128x128xf32, #tpu.memory_space<hbm>>)
    return
  }
}

#map = affine_map<(d0, d1) -> (0)>
#map1 = affine_map<(d0, d1) -> (0, 0, 0)>
#map2 = affine_map<(d0, d1) -> (0, 0)>
module attributes {stable_mosaic.version = 14 : i64} {
  func.func @sc_kernel(%arg0: i32, %arg1: i32, %arg2: memref<819200xi32, #tpu.memory_space<hbm>>, %arg3: memref<4096x200x64xf32, #tpu.memory_space<hbm>>, %arg4: memref<200064x128xf32, #tpu.memory_space<hbm>>, %arg5: memref<262144xf32, #tpu.memory_space<hbm>>, %arg6: memref<12800xi32, #tpu.memory_space<vmem>>, %arg7: memref<200x128xf32, #tpu.memory_space<vmem>>, %arg8: memref<200x128xf32, #tpu.memory_space<vmem>>, %arg9: memref<200x64xf32, #tpu.memory_space<vmem>>, %arg10: memref<200x64xf32, #tpu.memory_space<vmem>>, %arg11: memref<8192xf32, #tpu.memory_space<vmem>>, %arg12: memref<!tpu.dma_semaphore, #tpu.memory_space<semaphore_mem>>, %arg13: memref<!tpu.dma_semaphore, #tpu.memory_space<semaphore_mem>>) attributes {dimension_semantics = [#tpu.dimension_semantics<core_parallel>, #tpu.dimension_semantics<subcore_parallel>], iteration_bounds = array<i64: 2, 16>, scalar_prefetch = 0 : i64, scratch_operands = 8 : i64, tpu.core_type = #tpu.core_type<sc_vector_subcore>, window_params = [{transform_indices = #map}, {transform_indices = #map1}, {transform_indices = #map2}, {transform_indices = #map}]} {
    %mul3A = arith.constant 2 : i32
    %mul3A_0 = arith.muli %arg1, %mul3A : i32
    %add3A = arith.addi %mul3A_0, %arg0 : i32
    %mul3A_1 = arith.constant 128 : i32
    %mul3A_2 = arith.muli %add3A, %mul3A_1 : i32
    %iota3A = tpu.iota {dimensions = array<i32: 0>} : vector<16xi32>
    %xor3A = arith.constant 8 : i32
    %xor3A_3 = vector.broadcast %xor3A : i32 to vector<16xi32>
    %xor3A_4 = arith.xori %iota3A, %xor3A_3 : vector<16xi32>
    %broadcast_in_dim3A = vector.shape_cast %xor3A_4 : vector<16xi32> to vector<16x1xi32>
    %xor3A_5 = arith.constant 4 : i32
    %xor3A_6 = vector.broadcast %xor3A_5 : i32 to vector<16xi32>
    %xor3A_7 = arith.xori %iota3A, %xor3A_6 : vector<16xi32>
    %broadcast_in_dim3A_8 = vector.shape_cast %xor3A_7 : vector<16xi32> to vector<16x1xi32>
    %xor3A_9 = arith.constant 2 : i32
    %xor3A_10 = vector.broadcast %xor3A_9 : i32 to vector<16xi32>
    %xor3A_11 = arith.xori %iota3A, %xor3A_10 : vector<16xi32>
    %broadcast_in_dim3A_12 = vector.shape_cast %xor3A_11 : vector<16xi32> to vector<16x1xi32>
    %xor3A_13 = arith.constant 1 : i32
    %xor3A_14 = vector.broadcast %xor3A_13 : i32 to vector<16xi32>
    %xor3A_15 = arith.xori %iota3A, %xor3A_14 : vector<16xi32>
    %broadcast_in_dim3A_16 = vector.shape_cast %xor3A_15 : vector<16xi32> to vector<16x1xi32>
    %add3A_17 = arith.constant 0 : i32
    %add3A_18 = arith.addi %mul3A_2, %add3A_17 : i32
    %mul3A_19 = arith.constant 200 : i32
    %mul3A_20 = arith.muli %add3A_18, %mul3A_19 : i32
    "tpu.region"() ({
      %run_scoped3A = tpu.sem_alloc : memref<!tpu.dma_semaphore, #tpu.memory_space<semaphore_mem>>
      %dma_start3A_89 = tpu.memref_slice %arg2[%mul3A_20] : memref<819200xi32, #tpu.memory_space<hbm>> -> memref<12800xi32, #tpu.memory_space<hbm>>
      %dma_start3A_90 = tpu.memref_slice %arg2[%mul3A_20] : memref<819200xi32, #tpu.memory_space<hbm>> -> memref<12800xi32, #tpu.memory_space<hbm>>
      tpu.enqueue_dma source(%dma_start3A_90 : memref<12800xi32, #tpu.memory_space<hbm>>) target(%arg6 : memref<12800xi32, #tpu.memory_space<vmem>>) target_semaphore(%run_scoped3A : memref<!tpu.dma_semaphore, #tpu.memory_space<semaphore_mem>>)
      %dma_wait3A = tpu.memref_slice %arg2[%mul3A_20] : memref<819200xi32, #tpu.memory_space<hbm>> -> memref<12800xi32, #tpu.memory_space<hbm>>
      %dma_wait3A_91 = tpu.memref_slice %arg2[%mul3A_20] : memref<819200xi32, #tpu.memory_space<hbm>> -> memref<12800xi32, #tpu.memory_space<hbm>>
      tpu.wait_dma2 semaphore(%run_scoped3A : memref<!tpu.dma_semaphore, #tpu.memory_space<semaphore_mem>>) src(%dma_wait3A_91 : memref<12800xi32, #tpu.memory_space<hbm>>) dst(%arg6 : memref<12800xi32, #tpu.memory_space<vmem>>)
      tpu.yield
    }) : () -> ()
    %dma_start3A = arith.constant 0 : i32
    %dma_start3A_21 = arith.constant 0 : i32
    %dma_start3A_22 = tpu.memref_slice %arg7[%dma_start3A, %dma_start3A_21] : memref<200x128xf32, #tpu.memory_space<vmem>> -> memref<104x128xf32, #tpu.memory_space<vmem>>
    %dma_start3A_23 = arith.constant 0 : i32
    %dma_start3A_24 = tpu.memref_slice %arg6[%dma_start3A_23] : memref<12800xi32, #tpu.memory_space<vmem>> -> memref<104xi32, #tpu.memory_space<vmem>>
    %dma_start3A_25 = arith.constant 0 : i32
    %dma_start3A_26 = arith.constant 0 : i32
    %dma_start3A_27 = tpu.memref_slice %arg4[%dma_start3A_25, %dma_start3A_26] : memref<200064x128xf32, #tpu.memory_space<hbm>> -> memref<200064x128xf32, #tpu.memory_space<hbm>>
    tpu.enqueue_indirect_dma source(%dma_start3A_27 : memref<200064x128xf32, #tpu.memory_space<hbm>>) target(%dma_start3A_22 : memref<104x128xf32, #tpu.memory_space<vmem>>) offsets(%dma_start3A_24 : memref<104xi32, #tpu.memory_space<vmem>>) semaphore(%arg12 : memref<!tpu.dma_semaphore, #tpu.memory_space<semaphore_mem>>)
    %dma_start3A_28 = arith.constant 104 : i32
    %dma_start3A_29 = arith.constant 0 : i32
    %dma_start3A_30 = tpu.memref_slice %arg7[%dma_start3A_28, %dma_start3A_29] : memref<200x128xf32, #tpu.memory_space<vmem>> -> memref<96x128xf32, #tpu.memory_space<vmem>>
    %dma_start3A_31 = arith.constant 104 : i32
    %dma_start3A_32 = tpu.memref_slice %arg6[%dma_start3A_31] : memref<12800xi32, #tpu.memory_space<vmem>> -> memref<96xi32, #tpu.memory_space<vmem>>
    %dma_start3A_33 = arith.constant 0 : i32
    %dma_start3A_34 = arith.constant 0 : i32
    %dma_start3A_35 = tpu.memref_slice %arg4[%dma_start3A_33, %dma_start3A_34] : memref<200064x128xf32, #tpu.memory_space<hbm>> -> memref<200064x128xf32, #tpu.memory_space<hbm>>
    tpu.enqueue_indirect_dma source(%dma_start3A_35 : memref<200064x128xf32, #tpu.memory_space<hbm>>) target(%dma_start3A_30 : memref<96x128xf32, #tpu.memory_space<vmem>>) offsets(%dma_start3A_32 : memref<96xi32, #tpu.memory_space<vmem>>) semaphore(%arg12 : memref<!tpu.dma_semaphore, #tpu.memory_space<semaphore_mem>>)
    %add3A_36 = arith.constant 0 : i32
    %add3A_37 = arith.addi %mul3A_2, %add3A_36 : i32
    %dma_start3A_38 = arith.constant 0 : i32
    %dma_start3A_39 = arith.constant 0 : i32
    %dma_start3A_40 = tpu.memref_slice %arg3[%add3A_37, %dma_start3A_38, %dma_start3A_39] : memref<4096x200x64xf32, #tpu.memory_space<hbm>> -> memref<1x200x64xf32, #tpu.memory_space<hbm>>
    %dma_start3A_41 = tpu.memref_squeeze %dma_start3A_40 : memref<1x200x64xf32, #tpu.memory_space<hbm>> -> memref<200x64xf32, #tpu.memory_space<hbm>>
    %dma_start3A_42 = arith.constant 0 : i32
    %dma_start3A_43 = arith.constant 0 : i32
    %dma_start3A_44 = tpu.memref_slice %arg3[%add3A_37, %dma_start3A_42, %dma_start3A_43] : memref<4096x200x64xf32, #tpu.memory_space<hbm>> -> memref<1x200x64xf32, #tpu.memory_space<hbm>>
    %dma_start3A_45 = tpu.memref_squeeze %dma_start3A_44 : memref<1x200x64xf32, #tpu.memory_space<hbm>> -> memref<200x64xf32, #tpu.memory_space<hbm>>
    tpu.enqueue_dma source(%dma_start3A_45 : memref<200x64xf32, #tpu.memory_space<hbm>>) target(%arg9 : memref<200x64xf32, #tpu.memory_space<vmem>>) target_semaphore(%arg12 : memref<!tpu.dma_semaphore, #tpu.memory_space<semaphore_mem>>)
    %scan3A = arith.constant 0 : i32
    %scan3A_46 = arith.constant 0 : i32
    %scan3A_47 = arith.constant 32 : i32
    %scan3A_48 = arith.addi %scan3A_46, %scan3A_47 : i32
    %scan3A_49 = arith.constant 1 : i32
    scf.for %scan3A_89 = %scan3A_46 to %scan3A_48 step %scan3A_49  : i32 {
      %mul3A_90 = arith.constant 2 : i32
      %mul3A_91 = arith.muli %mul3A_90, %scan3A_89 : i32
      %add3A_92 = arith.constant 0 : i32
      %add3A_93 = arith.addi %add3A_92, %mul3A_91 : i32
      %add3A_94 = arith.constant 1 : i32
      %add3A_95 = arith.addi %mul3A_91, %add3A_94 : i32
      %add3A_96 = arith.constant 1 : i32
      %add3A_97 = arith.addi %add3A_93, %add3A_96 : i32
      %mul3A_98 = arith.constant 200 : i32
      %mul3A_99 = arith.muli %add3A_95, %mul3A_98 : i32
      %dma_start3A_100 = arith.constant 0 : i32
      %dma_start3A_101 = arith.constant 0 : i32
      %dma_start3A_102 = tpu.memref_slice %arg8[%dma_start3A_100, %dma_start3A_101] : memref<200x128xf32, #tpu.memory_space<vmem>> -> memref<104x128xf32, #tpu.memory_space<vmem>>
      %dma_start3A_103 = tpu.memref_slice %arg6[%mul3A_99] : memref<12800xi32, #tpu.memory_space<vmem>> -> memref<104xi32, #tpu.memory_space<vmem>>
      %dma_start3A_104 = arith.constant 0 : i32
      %dma_start3A_105 = arith.constant 0 : i32
      %dma_start3A_106 = tpu.memref_slice %arg4[%dma_start3A_104, %dma_start3A_105] : memref<200064x128xf32, #tpu.memory_space<hbm>> -> memref<200064x128xf32, #tpu.memory_space<hbm>>
      tpu.enqueue_indirect_dma source(%dma_start3A_106 : memref<200064x128xf32, #tpu.memory_space<hbm>>) target(%dma_start3A_102 : memref<104x128xf32, #tpu.memory_space<vmem>>) offsets(%dma_start3A_103 : memref<104xi32, #tpu.memory_space<vmem>>) semaphore(%arg13 : memref<!tpu.dma_semaphore, #tpu.memory_space<semaphore_mem>>)
      %mul3A_107 = arith.constant 200 : i32
      %mul3A_108 = arith.muli %add3A_95, %mul3A_107 : i32
      %add3A_109 = arith.constant 104 : i32
      %add3A_110 = arith.addi %mul3A_108, %add3A_109 : i32
      %dma_start3A_111 = arith.constant 104 : i32
      %dma_start3A_112 = arith.constant 0 : i32
      %dma_start3A_113 = tpu.memref_slice %arg8[%dma_start3A_111, %dma_start3A_112] : memref<200x128xf32, #tpu.memory_space<vmem>> -> memref<96x128xf32, #tpu.memory_space<vmem>>
      %dma_start3A_114 = tpu.memref_slice %arg6[%add3A_110] : memref<12800xi32, #tpu.memory_space<vmem>> -> memref<96xi32, #tpu.memory_space<vmem>>
      %dma_start3A_115 = arith.constant 0 : i32
      %dma_start3A_116 = arith.constant 0 : i32
      %dma_start3A_117 = tpu.memref_slice %arg4[%dma_start3A_115, %dma_start3A_116] : memref<200064x128xf32, #tpu.memory_space<hbm>> -> memref<200064x128xf32, #tpu.memory_space<hbm>>
      tpu.enqueue_indirect_dma source(%dma_start3A_117 : memref<200064x128xf32, #tpu.memory_space<hbm>>) target(%dma_start3A_113 : memref<96x128xf32, #tpu.memory_space<vmem>>) offsets(%dma_start3A_114 : memref<96xi32, #tpu.memory_space<vmem>>) semaphore(%arg13 : memref<!tpu.dma_semaphore, #tpu.memory_space<semaphore_mem>>)
      %add3A_118 = arith.addi %mul3A_2, %add3A_97 : i32
      %dma_start3A_119 = arith.constant 0 : i32
      %dma_start3A_120 = arith.constant 0 : i32
      %dma_start3A_121 = tpu.memref_slice %arg3[%add3A_118, %dma_start3A_119, %dma_start3A_120] : memref<4096x200x64xf32, #tpu.memory_space<hbm>> -> memref<1x200x64xf32, #tpu.memory_space<hbm>>
      %dma_start3A_122 = tpu.memref_squeeze %dma_start3A_121 : memref<1x200x64xf32, #tpu.memory_space<hbm>> -> memref<200x64xf32, #tpu.memory_space<hbm>>
      %dma_start3A_123 = arith.constant 0 : i32
      %dma_start3A_124 = arith.constant 0 : i32
      %dma_start3A_125 = tpu.memref_slice %arg3[%add3A_118, %dma_start3A_123, %dma_start3A_124] : memref<4096x200x64xf32, #tpu.memory_space<hbm>> -> memref<1x200x64xf32, #tpu.memory_space<hbm>>
      %dma_start3A_126 = tpu.memref_squeeze %dma_start3A_125 : memref<1x200x64xf32, #tpu.memory_space<hbm>> -> memref<200x64xf32, #tpu.memory_space<hbm>>
      tpu.enqueue_dma source(%dma_start3A_126 : memref<200x64xf32, #tpu.memory_space<hbm>>) target(%arg10 : memref<200x64xf32, #tpu.memory_space<vmem>>) target_semaphore(%arg13 : memref<!tpu.dma_semaphore, #tpu.memory_space<semaphore_mem>>)
      %mul3A_127 = arith.constant 200 : i32
      %mul3A_128 = arith.muli %mul3A_91, %mul3A_127 : i32
      %dma_wait3A = arith.constant 0 : i32
      %dma_wait3A_129 = arith.constant 0 : i32
      %dma_wait3A_130 = tpu.memref_slice %arg7[%dma_wait3A, %dma_wait3A_129] : memref<200x128xf32, #tpu.memory_space<vmem>> -> memref<104x128xf32, #tpu.memory_space<vmem>>
      %dma_wait3A_131 = tpu.memref_slice %arg6[%mul3A_128] : memref<12800xi32, #tpu.memory_space<vmem>> -> memref<104xi32, #tpu.memory_space<vmem>>
      %dma_wait3A_132 = arith.constant 0 : i32
      %dma_wait3A_133 = arith.constant 0 : i32
      %dma_wait3A_134 = tpu.memref_slice %arg4[%dma_wait3A_132, %dma_wait3A_133] : memref<200064x128xf32, #tpu.memory_space<hbm>> -> memref<200064x128xf32, #tpu.memory_space<hbm>>
      tpu.wait_indirect_dma semaphore(%arg12 : memref<!tpu.dma_semaphore, #tpu.memory_space<semaphore_mem>>) src(%dma_wait3A_134 : memref<200064x128xf32, #tpu.memory_space<hbm>>) dst(%dma_wait3A_130 : memref<104x128xf32, #tpu.memory_space<vmem>>)
      %mul3A_135 = arith.constant 200 : i32
      %mul3A_136 = arith.muli %mul3A_91, %mul3A_135 : i32
      %add3A_137 = arith.constant 104 : i32
      %add3A_138 = arith.addi %mul3A_136, %add3A_137 : i32
      %dma_wait3A_139 = arith.constant 104 : i32
      %dma_wait3A_140 = arith.constant 0 : i32
      %dma_wait3A_141 = tpu.memref_slice %arg7[%dma_wait3A_139, %dma_wait3A_140] : memref<200x128xf32, #tpu.memory_space<vmem>> -> memref<96x128xf32, #tpu.memory_space<vmem>>
      %dma_wait3A_142 = tpu.memref_slice %arg6[%add3A_138] : memref<12800xi32, #tpu.memory_space<vmem>> -> memref<96xi32, #tpu.memory_space<vmem>>
      %dma_wait3A_143 = arith.constant 0 : i32
      %dma_wait3A_144 = arith.constant 0 : i32
      %dma_wait3A_145 = tpu.memref_slice %arg4[%dma_wait3A_143, %dma_wait3A_144] : memref<200064x128xf32, #tpu.memory_space<hbm>> -> memref<200064x128xf32, #tpu.memory_space<hbm>>
      tpu.wait_indirect_dma semaphore(%arg12 : memref<!tpu.dma_semaphore, #tpu.memory_space<semaphore_mem>>) src(%dma_wait3A_145 : memref<200064x128xf32, #tpu.memory_space<hbm>>) dst(%dma_wait3A_141 : memref<96x128xf32, #tpu.memory_space<vmem>>)
      %add3A_146 = arith.addi %mul3A_2, %add3A_93 : i32
      %dma_wait3A_147 = arith.constant 0 : i32
      %dma_wait3A_148 = arith.constant 0 : i32
      %dma_wait3A_149 = tpu.memref_slice %arg3[%add3A_146, %dma_wait3A_147, %dma_wait3A_148] : memref<4096x200x64xf32, #tpu.memory_space<hbm>> -> memref<1x200x64xf32, #tpu.memory_space<hbm>>
      %dma_wait3A_150 = tpu.memref_squeeze %dma_wait3A_149 : memref<1x200x64xf32, #tpu.memory_space<hbm>> -> memref<200x64xf32, #tpu.memory_space<hbm>>
      %dma_wait3A_151 = arith.constant 0 : i32
      %dma_wait3A_152 = arith.constant 0 : i32
      %dma_wait3A_153 = tpu.memref_slice %arg3[%add3A_146, %dma_wait3A_151, %dma_wait3A_152] : memref<4096x200x64xf32, #tpu.memory_space<hbm>> -> memref<1x200x64xf32, #tpu.memory_space<hbm>>
      %dma_wait3A_154 = tpu.memref_squeeze %dma_wait3A_153 : memref<1x200x64xf32, #tpu.memory_space<hbm>> -> memref<200x64xf32, #tpu.memory_space<hbm>>
      tpu.wait_dma2 semaphore(%arg12 : memref<!tpu.dma_semaphore, #tpu.memory_space<semaphore_mem>>) src(%dma_wait3A_154 : memref<200x64xf32, #tpu.memory_space<hbm>>) dst(%arg9 : memref<200x64xf32, #tpu.memory_space<vmem>>)
      %broadcast_in_dim3A_155 = arith.constant 0.000000e+00 : f32
      %broadcast_in_dim3A_156 = vector.broadcast %broadcast_in_dim3A_155 : f32 to vector<16xf32>
      %scan3A_157 = arith.constant 0 : i32
      %scan3A_158 = arith.constant 50 : i32
      %scan3A_159 = arith.addi %scan3A_157, %scan3A_158 : i32
      %scan3A_160 = arith.constant 1 : i32
      %scan3A_161:4 = scf.for %scan3A_278 = %scan3A_157 to %scan3A_159 step %scan3A_160 iter_args(%scan3A_279 = %broadcast_in_dim3A_156, %scan3A_280 = %broadcast_in_dim3A_156, %scan3A_281 = %broadcast_in_dim3A_156, %scan3A_282 = %broadcast_in_dim3A_156) -> (vector<16xf32>, vector<16xf32>, vector<16xf32>, vector<16xf32>)  : i32 {
        %mul3A_283 = arith.constant 4 : i32
        %mul3A_284 = arith.muli %scan3A_278, %mul3A_283 : i32
        %add3A_285 = arith.constant 0 : i32
        %add3A_286 = arith.addi %mul3A_284, %add3A_285 : i32
        %get3A = arith.index_cast %add3A_286 : i32 to index
        %get3A_287 = arith.constant 0 : index
        %get3A_288 = tpu.vector_load %arg7[%get3A, %get3A_287] {strides = array<i32>} : memref<200x128xf32, #tpu.memory_space<vmem>>, vector<1x16xf32>,
        %get3A_289 = vector.shape_cast %get3A_288 : vector<1x16xf32> to vector<16xf32>
        %get3A_290 = arith.index_cast %add3A_286 : i32 to index
        %get3A_291 = arith.constant 16 : index
        %get3A_292 = tpu.vector_load %arg7[%get3A_290, %get3A_291] {strides = array<i32>} : memref<200x128xf32, #tpu.memory_space<vmem>>, vector<1x16xf32>,
        %get3A_293 = vector.shape_cast %get3A_292 : vector<1x16xf32> to vector<16xf32>
        %get3A_294 = arith.index_cast %add3A_286 : i32 to index
        %get3A_295 = arith.constant 32 : index
        %get3A_296 = tpu.vector_load %arg7[%get3A_294, %get3A_295] {strides = array<i32>} : memref<200x128xf32, #tpu.memory_space<vmem>>, vector<1x16xf32>,
        %get3A_297 = vector.shape_cast %get3A_296 : vector<1x16xf32> to vector<16xf32>
        %get3A_298 = arith.index_cast %add3A_286 : i32 to index
        %get3A_299 = arith.constant 48 : index
        %get3A_300 = tpu.vector_load %arg7[%get3A_298, %get3A_299] {strides = array<i32>} : memref<200x128xf32, #tpu.memory_space<vmem>>, vector<1x16xf32>,
        %get3A_301 = vector.shape_cast %get3A_300 : vector<1x16xf32> to vector<16xf32>
        %get3A_302 = arith.index_cast %add3A_286 : i32 to index
        %get3A_303 = arith.constant 0 : index
        %get3A_304 = tpu.vector_load %arg9[%get3A_302, %get3A_303] {strides = array<i32>} : memref<200x64xf32, #tpu.memory_space<vmem>>, vector<1x16xf32>,
        %get3A_305 = vector.shape_cast %get3A_304 : vector<1x16xf32> to vector<16xf32>
        %get3A_306 = arith.index_cast %add3A_286 : i32 to index
        %get3A_307 = arith.constant 16 : index
        %get3A_308 = tpu.vector_load %arg9[%get3A_306, %get3A_307] {strides = array<i32>} : memref<200x64xf32, #tpu.memory_space<vmem>>, vector<1x16xf32>,
        %get3A_309 = vector.shape_cast %get3A_308 : vector<1x16xf32> to vector<16xf32>
        %get3A_310 = arith.index_cast %add3A_286 : i32 to index
        %get3A_311 = arith.constant 32 : index
        %get3A_312 = tpu.vector_load %arg9[%get3A_310, %get3A_311] {strides = array<i32>} : memref<200x64xf32, #tpu.memory_space<vmem>>, vector<1x16xf32>,
        %get3A_313 = vector.shape_cast %get3A_312 : vector<1x16xf32> to vector<16xf32>
        %get3A_314 = arith.index_cast %add3A_286 : i32 to index
        %get3A_315 = arith.constant 48 : index
        %get3A_316 = tpu.vector_load %arg9[%get3A_314, %get3A_315] {strides = array<i32>} : memref<200x64xf32, #tpu.memory_space<vmem>>, vector<1x16xf32>,
        %get3A_317 = vector.shape_cast %get3A_316 : vector<1x16xf32> to vector<16xf32>
        %mul3A_318 = arith.mulf %get3A_289, %get3A_289 : vector<16xf32>
        %mul3A_319 = arith.mulf %get3A_293, %get3A_293 : vector<16xf32>
        %add3A_320 = arith.addf %mul3A_318, %mul3A_319 : vector<16xf32>
        %mul3A_321 = arith.mulf %get3A_297, %get3A_297 : vector<16xf32>
        %add3A_322 = arith.addf %add3A_320, %mul3A_321 : vector<16xf32>
        %mul3A_323 = arith.mulf %get3A_301, %get3A_301 : vector<16xf32>
        %add3A_324 = arith.addf %add3A_322, %mul3A_323 : vector<16xf32>
        %mul3A_325 = arith.mulf %get3A_305, %get3A_289 : vector<16xf32>
        %mul3A_326 = arith.mulf %get3A_309, %get3A_293 : vector<16xf32>
        %add3A_327 = arith.addf %mul3A_325, %mul3A_326 : vector<16xf32>
        %mul3A_328 = arith.mulf %get3A_313, %get3A_297 : vector<16xf32>
        %add3A_329 = arith.addf %add3A_327, %mul3A_328 : vector<16xf32>
        %mul3A_330 = arith.mulf %get3A_317, %get3A_301 : vector<16xf32>
        %add3A_331 = arith.addf %add3A_329, %mul3A_330 : vector<16xf32>
        %gather3A = vector.shape_cast %broadcast_in_dim3A : vector<16x1xi32> to vector<16xi32>
        %gather3A_332 = tpu.dynamic_gather %add3A_324[%gather3A] in [0] : vector<16xf32>, vector<16xi32> -> vector<16xf32>
        %add3A_333 = arith.addf %add3A_324, %gather3A_332 : vector<16xf32>
        %gather3A_334 = vector.shape_cast %broadcast_in_dim3A_8 : vector<16x1xi32> to vector<16xi32>
        %gather3A_335 = tpu.dynamic_gather %add3A_333[%gather3A_334] in [0] : vector<16xf32>, vector<16xi32> -> vector<16xf32>
        %add3A_336 = arith.addf %add3A_333, %gather3A_335 : vector<16xf32>
        %gather3A_337 = vector.shape_cast %broadcast_in_dim3A_12 : vector<16x1xi32> to vector<16xi32>
        %gather3A_338 = tpu.dynamic_gather %add3A_336[%gather3A_337] in [0] : vector<16xf32>, vector<16xi32> -> vector<16xf32>
        %add3A_339 = arith.addf %add3A_336, %gather3A_338 : vector<16xf32>
        %gather3A_340 = vector.shape_cast %broadcast_in_dim3A_16 : vector<16x1xi32> to vector<16xi32>
        %gather3A_341 = tpu.dynamic_gather %add3A_339[%gather3A_340] in [0] : vector<16xf32>, vector<16xi32> -> vector<16xf32>
        %add3A_342 = arith.addf %add3A_339, %gather3A_341 : vector<16xf32>
        %gather3A_343 = vector.shape_cast %broadcast_in_dim3A : vector<16x1xi32> to vector<16xi32>
        %gather3A_344 = tpu.dynamic_gather %add3A_331[%gather3A_343] in [0] : vector<16xf32>, vector<16xi32> -> vector<16xf32>
        %add3A_345 = arith.addf %add3A_331, %gather3A_344 : vector<16xf32>
        %gather3A_346 = vector.shape_cast %broadcast_in_dim3A_8 : vector<16x1xi32> to vector<16xi32>
        %gather3A_347 = tpu.dynamic_gather %add3A_345[%gather3A_346] in [0] : vector<16xf32>, vector<16xi32> -> vector<16xf32>
        %add3A_348 = arith.addf %add3A_345, %gather3A_347 : vector<16xf32>
        %gather3A_349 = vector.shape_cast %broadcast_in_dim3A_12 : vector<16x1xi32> to vector<16xi32>
        %gather3A_350 = tpu.dynamic_gather %add3A_348[%gather3A_349] in [0] : vector<16xf32>, vector<16xi32> -> vector<16xf32>
        %add3A_351 = arith.addf %add3A_348, %gather3A_350 : vector<16xf32>
        %gather3A_352 = vector.shape_cast %broadcast_in_dim3A_16 : vector<16x1xi32> to vector<16xi32>
        %gather3A_353 = tpu.dynamic_gather %add3A_351[%gather3A_352] in [0] : vector<16xf32>, vector<16xi32> -> vector<16xf32>
        %add3A_354 = arith.addf %add3A_351, %gather3A_353 : vector<16xf32>
        %max3A = arith.constant 1.000000e-24 : f32
        %max3A_355 = vector.broadcast %max3A : f32 to vector<16xf32>
        %max3A_356 = arith.maximumf %add3A_342, %max3A_355 : vector<16xf32>
        %div3A_357 = arith.divf %add3A_354, %max3A_356 : vector<16xf32>
        %mul3A_358 = arith.mulf %div3A_357, %get3A_289 : vector<16xf32>
        %sub3A = arith.subf %get3A_305, %mul3A_358 : vector<16xf32>
        %add3A_359 = arith.addf %scan3A_279, %sub3A : vector<16xf32>
        %mul3A_360 = arith.mulf %div3A_357, %get3A_293 : vector<16xf32>
        %sub3A_361 = arith.subf %get3A_309, %mul3A_360 : vector<16xf32>
        %add3A_362 = arith.addf %scan3A_280, %sub3A_361 : vector<16xf32>
        %mul3A_363 = arith.mulf %div3A_357, %get3A_297 : vector<16xf32>
        %sub3A_364 = arith.subf %get3A_313, %mul3A_363 : vector<16xf32>
        %add3A_365 = arith.addf %scan3A_281, %sub3A_364 : vector<16xf32>
        %mul3A_366 = arith.mulf %div3A_357, %get3A_301 : vector<16xf32>
        %sub3A_367 = arith.subf %get3A_317, %mul3A_366 : vector<16xf32>
        %add3A_368 = arith.addf %scan3A_282, %sub3A_367 : vector<16xf32>
        %add3A_369 = arith.constant 1 : i32
        %add3A_370 = arith.addi %mul3A_284, %add3A_369 : i32
        %get3A_371 = arith.index_cast %add3A_370 : i32 to index
        %get3A_372 = arith.constant 0 : index
        %get3A_373 = tpu.vector_load %arg7[%get3A_371, %get3A_372] {strides = array<i32>} : memref<200x128xf32, #tpu.memory_space<vmem>>, vector<1x16xf32>,
        %get3A_374 = vector.shape_cast %get3A_373 : vector<1x16xf32> to vector<16xf32>
        %get3A_375 = arith.index_cast %add3A_370 : i32 to index
        %get3A_376 = arith.constant 16 : index
        %get3A_377 = tpu.vector_load %arg7[%get3A_375, %get3A_376] {strides = array<i32>} : memref<200x128xf32, #tpu.memory_space<vmem>>, vector<1x16xf32>,
        %get3A_378 = vector.shape_cast %get3A_377 : vector<1x16xf32> to vector<16xf32>
        %get3A_379 = arith.index_cast %add3A_370 : i32 to index
        %get3A_380 = arith.constant 32 : index
        %get3A_381 = tpu.vector_load %arg7[%get3A_379, %get3A_380] {strides = array<i32>} : memref<200x128xf32, #tpu.memory_space<vmem>>, vector<1x16xf32>,
        %get3A_382 = vector.shape_cast %get3A_381 : vector<1x16xf32> to vector<16xf32>
        %get3A_383 = arith.index_cast %add3A_370 : i32 to index
        %get3A_384 = arith.constant 48 : index
        %get3A_385 = tpu.vector_load %arg7[%get3A_383, %get3A_384] {strides = array<i32>} : memref<200x128xf32, #tpu.memory_space<vmem>>, vector<1x16xf32>,
        %get3A_386 = vector.shape_cast %get3A_385 : vector<1x16xf32> to vector<16xf32>
        %get3A_387 = arith.index_cast %add3A_370 : i32 to index
        %get3A_388 = arith.constant 0 : index
        %get3A_389 = tpu.vector_load %arg9[%get3A_387, %get3A_388] {strides = array<i32>} : memref<200x64xf32, #tpu.memory_space<vmem>>, vector<1x16xf32>,
        %get3A_390 = vector.shape_cast %get3A_389 : vector<1x16xf32> to vector<16xf32>
        %get3A_391 = arith.index_cast %add3A_370 : i32 to index
        %get3A_392 = arith.constant 16 : index
        %get3A_393 = tpu.vector_load %arg9[%get3A_391, %get3A_392] {strides = array<i32>} : memref<200x64xf32, #tpu.memory_space<vmem>>, vector<1x16xf32>,
        %get3A_394 = vector.shape_cast %get3A_393 : vector<1x16xf32> to vector<16xf32>
        %get3A_395 = arith.index_cast %add3A_370 : i32 to index
        %get3A_396 = arith.constant 32 : index
        %get3A_397 = tpu.vector_load %arg9[%get3A_395, %get3A_396] {strides = array<i32>} : memref<200x64xf32, #tpu.memory_space<vmem>>, vector<1x16xf32>,
        %get3A_398 = vector.shape_cast %get3A_397 : vector<1x16xf32> to vector<16xf32>
        %get3A_399 = arith.index_cast %add3A_370 : i32 to index
        %get3A_400 = arith.constant 48 : index
        %get3A_401 = tpu.vector_load %arg9[%get3A_399, %get3A_400] {strides = array<i32>} : memref<200x64xf32, #tpu.memory_space<vmem>>, vector<1x16xf32>,
        %get3A_402 = vector.shape_cast %get3A_401 : vector<1x16xf32> to vector<16xf32>
        %mul3A_403 = arith.mulf %get3A_374, %get3A_374 : vector<16xf32>
        %mul3A_404 = arith.mulf %get3A_378, %get3A_378 : vector<16xf32>
        %add3A_405 = arith.addf %mul3A_403, %mul3A_404 : vector<16xf32>
        %mul3A_406 = arith.mulf %get3A_382, %get3A_382 : vector<16xf32>
        %add3A_407 = arith.addf %add3A_405, %mul3A_406 : vector<16xf32>
        %mul3A_408 = arith.mulf %get3A_386, %get3A_386 : vector<16xf32>
        %add3A_409 = arith.addf %add3A_407, %mul3A_408 : vector<16xf32>
        %mul3A_410 = arith.mulf %get3A_390, %get3A_374 : vector<16xf32>
        %mul3A_411 = arith.mulf %get3A_394, %get3A_378 : vector<16xf32>
        %add3A_412 = arith.addf %mul3A_410, %mul3A_411 : vector<16xf32>
        %mul3A_413 = arith.mulf %get3A_398, %get3A_382 : vector<16xf32>
        %add3A_414 = arith.addf %add3A_412, %mul3A_413 : vector<16xf32>
        %mul3A_415 = arith.mulf %get3A_402, %get3A_386 : vector<16xf32>
        %add3A_416 = arith.addf %add3A_414, %mul3A_415 : vector<16xf32>
        %gather3A_417 = vector.shape_cast %broadcast_in_dim3A : vector<16x1xi32> to vector<16xi32>
        %gather3A_418 = tpu.dynamic_gather %add3A_409[%gather3A_417] in [0] : vector<16xf32>, vector<16xi32> -> vector<16xf32>
        %add3A_419 = arith.addf %add3A_409, %gather3A_418 : vector<16xf32>
        %gather3A_420 = vector.shape_cast %broadcast_in_dim3A_8 : vector<16x1xi32> to vector<16xi32>
        %gather3A_421 = tpu.dynamic_gather %add3A_419[%gather3A_420] in [0] : vector<16xf32>, vector<16xi32> -> vector<16xf32>
        %add3A_422 = arith.addf %add3A_419, %gather3A_421 : vector<16xf32>
        %gather3A_423 = vector.shape_cast %broadcast_in_dim3A_12 : vector<16x1xi32> to vector<16xi32>
        %gather3A_424 = tpu.dynamic_gather %add3A_422[%gather3A_423] in [0] : vector<16xf32>, vector<16xi32> -> vector<16xf32>
        %add3A_425 = arith.addf %add3A_422, %gather3A_424 : vector<16xf32>
        %gather3A_426 = vector.shape_cast %broadcast_in_dim3A_16 : vector<16x1xi32> to vector<16xi32>
        %gather3A_427 = tpu.dynamic_gather %add3A_425[%gather3A_426] in [0] : vector<16xf32>, vector<16xi32> -> vector<16xf32>
        %add3A_428 = arith.addf %add3A_425, %gather3A_427 : vector<16xf32>
        %gather3A_429 = vector.shape_cast %broadcast_in_dim3A : vector<16x1xi32> to vector<16xi32>
        %gather3A_430 = tpu.dynamic_gather %add3A_416[%gather3A_429] in [0] : vector<16xf32>, vector<16xi32> -> vector<16xf32>
        %add3A_431 = arith.addf %add3A_416, %gather3A_430 : vector<16xf32>
        %gather3A_432 = vector.shape_cast %broadcast_in_dim3A_8 : vector<16x1xi32> to vector<16xi32>
        %gather3A_433 = tpu.dynamic_gather %add3A_431[%gather3A_432] in [0] : vector<16xf32>, vector<16xi32> -> vector<16xf32>
        %add3A_434 = arith.addf %add3A_431, %gather3A_433 : vector<16xf32>
        %gather3A_435 = vector.shape_cast %broadcast_in_dim3A_12 : vector<16x1xi32> to vector<16xi32>
        %gather3A_436 = tpu.dynamic_gather %add3A_434[%gather3A_435] in [0] : vector<16xf32>, vector<16xi32> -> vector<16xf32>
        %add3A_437 = arith.addf %add3A_434, %gather3A_436 : vector<16xf32>
        %gather3A_438 = vector.shape_cast %broadcast_in_dim3A_16 : vector<16x1xi32> to vector<16xi32>
        %gather3A_439 = tpu.dynamic_gather %add3A_437[%gather3A_438] in [0] : vector<16xf32>, vector<16xi32> -> vector<16xf32>
        %add3A_440 = arith.addf %add3A_437, %gather3A_439 : vector<16xf32>
        %max3A_441 = arith.constant 1.000000e-24 : f32
        %max3A_442 = vector.broadcast %max3A_441 : f32 to vector<16xf32>
        %max3A_443 = arith.maximumf %add3A_428, %max3A_442 : vector<16xf32>
        %div3A_444 = arith.divf %add3A_440, %max3A_443 : vector<16xf32>
        %mul3A_445 = arith.mulf %div3A_444, %get3A_374 : vector<16xf32>
        %sub3A_446 = arith.subf %get3A_390, %mul3A_445 : vector<16xf32>
        %add3A_447 = arith.addf %add3A_359, %sub3A_446 : vector<16xf32>
        %mul3A_448 = arith.mulf %div3A_444, %get3A_378 : vector<16xf32>
        %sub3A_449 = arith.subf %get3A_394, %mul3A_448 : vector<16xf32>
        %add3A_450 = arith.addf %add3A_362, %sub3A_449 : vector<16xf32>
        %mul3A_451 = arith.mulf %div3A_444, %get3A_382 : vector<16xf32>
        %sub3A_452 = arith.subf %get3A_398, %mul3A_451 : vector<16xf32>
        %add3A_453 = arith.addf %add3A_365, %sub3A_452 : vector<16xf32>
        %mul3A_454 = arith.mulf %div3A_444, %get3A_386 : vector<16xf32>
        %sub3A_455 = arith.subf %get3A_402, %mul3A_454 : vector<16xf32>
        %add3A_456 = arith.addf %add3A_368, %sub3A_455 : vector<16xf32>
        %add3A_457 = arith.constant 2 : i32
        %add3A_458 = arith.addi %mul3A_284, %add3A_457 : i32
        %get3A_459 = arith.index_cast %add3A_458 : i32 to index
        %get3A_460 = arith.constant 0 : index
        %get3A_461 = tpu.vector_load %arg7[%get3A_459, %get3A_460] {strides = array<i32>} : memref<200x128xf32, #tpu.memory_space<vmem>>, vector<1x16xf32>,
        %get3A_462 = vector.shape_cast %get3A_461 : vector<1x16xf32> to vector<16xf32>
        %get3A_463 = arith.index_cast %add3A_458 : i32 to index
        %get3A_464 = arith.constant 16 : index
        %get3A_465 = tpu.vector_load %arg7[%get3A_463, %get3A_464] {strides = array<i32>} : memref<200x128xf32, #tpu.memory_space<vmem>>, vector<1x16xf32>,
        %get3A_466 = vector.shape_cast %get3A_465 : vector<1x16xf32> to vector<16xf32>
        %get3A_467 = arith.index_cast %add3A_458 : i32 to index
        %get3A_468 = arith.constant 32 : index
        %get3A_469 = tpu.vector_load %arg7[%get3A_467, %get3A_468] {strides = array<i32>} : memref<200x128xf32, #tpu.memory_space<vmem>>, vector<1x16xf32>,
        %get3A_470 = vector.shape_cast %get3A_469 : vector<1x16xf32> to vector<16xf32>
        %get3A_471 = arith.index_cast %add3A_458 : i32 to index
        %get3A_472 = arith.constant 48 : index
        %get3A_473 = tpu.vector_load %arg7[%get3A_471, %get3A_472] {strides = array<i32>} : memref<200x128xf32, #tpu.memory_space<vmem>>, vector<1x16xf32>,
        %get3A_474 = vector.shape_cast %get3A_473 : vector<1x16xf32> to vector<16xf32>
        %get3A_475 = arith.index_cast %add3A_458 : i32 to index
        %get3A_476 = arith.constant 0 : index
        %get3A_477 = tpu.vector_load %arg9[%get3A_475, %get3A_476] {strides = array<i32>} : memref<200x64xf32, #tpu.memory_space<vmem>>, vector<1x16xf32>,
        %get3A_478 = vector.shape_cast %get3A_477 : vector<1x16xf32> to vector<16xf32>
        %get3A_479 = arith.index_cast %add3A_458 : i32 to index
        %get3A_480 = arith.constant 16 : index
        %get3A_481 = tpu.vector_load %arg9[%get3A_479, %get3A_480] {strides = array<i32>} : memref<200x64xf32, #tpu.memory_space<vmem>>, vector<1x16xf32>,
        %get3A_482 = vector.shape_cast %get3A_481 : vector<1x16xf32> to vector<16xf32>
        %get3A_483 = arith.index_cast %add3A_458 : i32 to index
        %get3A_484 = arith.constant 32 : index
        %get3A_485 = tpu.vector_load %arg9[%get3A_483, %get3A_484] {strides = array<i32>} : memref<200x64xf32, #tpu.memory_space<vmem>>, vector<1x16xf32>,
        %get3A_486 = vector.shape_cast %get3A_485 : vector<1x16xf32> to vector<16xf32>
        %get3A_487 = arith.index_cast %add3A_458 : i32 to index
        %get3A_488 = arith.constant 48 : index
        %get3A_489 = tpu.vector_load %arg9[%get3A_487, %get3A_488] {strides = array<i32>} : memref<200x64xf32, #tpu.memory_space<vmem>>, vector<1x16xf32>,
        %get3A_490 = vector.shape_cast %get3A_489 : vector<1x16xf32> to vector<16xf32>
        %mul3A_491 = arith.mulf %get3A_462, %get3A_462 : vector<16xf32>
        %mul3A_492 = arith.mulf %get3A_466, %get3A_466 : vector<16xf32>
        %add3A_493 = arith.addf %mul3A_491, %mul3A_492 : vector<16xf32>
        %mul3A_494 = arith.mulf %get3A_470, %get3A_470 : vector<16xf32>
        %add3A_495 = arith.addf %add3A_493, %mul3A_494 : vector<16xf32>
        %mul3A_496 = arith.mulf %get3A_474, %get3A_474 : vector<16xf32>
        %add3A_497 = arith.addf %add3A_495, %mul3A_496 : vector<16xf32>
        %mul3A_498 = arith.mulf %get3A_478, %get3A_462 : vector<16xf32>
        %mul3A_499 = arith.mulf %get3A_482, %get3A_466 : vector<16xf32>
        %add3A_500 = arith.addf %mul3A_498, %mul3A_499 : vector<16xf32>
        %mul3A_501 = arith.mulf %get3A_486, %get3A_470 : vector<16xf32>
        %add3A_502 = arith.addf %add3A_500, %mul3A_501 : vector<16xf32>
        %mul3A_503 = arith.mulf %get3A_490, %get3A_474 : vector<16xf32>
        %add3A_504 = arith.addf %add3A_502, %mul3A_503 : vector<16xf32>
        %gather3A_505 = vector.shape_cast %broadcast_in_dim3A : vector<16x1xi32> to vector<16xi32>
        %gather3A_506 = tpu.dynamic_gather %add3A_497[%gather3A_505] in [0] : vector<16xf32>, vector<16xi32> -> vector<16xf32>
        %add3A_507 = arith.addf %add3A_497, %gather3A_506 : vector<16xf32>
        %gather3A_508 = vector.shape_cast %broadcast_in_dim3A_8 : vector<16x1xi32> to vector<16xi32>
        %gather3A_509 = tpu.dynamic_gather %add3A_507[%gather3A_508] in [0] : vector<16xf32>, vector<16xi32> -> vector<16xf32>
        %add3A_510 = arith.addf %add3A_507, %gather3A_509 : vector<16xf32>
        %gather3A_511 = vector.shape_cast %broadcast_in_dim3A_12 : vector<16x1xi32> to vector<16xi32>
        %gather3A_512 = tpu.dynamic_gather %add3A_510[%gather3A_511] in [0] : vector<16xf32>, vector<16xi32> -> vector<16xf32>
        %add3A_513 = arith.addf %add3A_510, %gather3A_512 : vector<16xf32>
        %gather3A_514 = vector.shape_cast %broadcast_in_dim3A_16 : vector<16x1xi32> to vector<16xi32>
        %gather3A_515 = tpu.dynamic_gather %add3A_513[%gather3A_514] in [0] : vector<16xf32>, vector<16xi32> -> vector<16xf32>
        %add3A_516 = arith.addf %add3A_513, %gather3A_515 : vector<16xf32>
        %gather3A_517 = vector.shape_cast %broadcast_in_dim3A : vector<16x1xi32> to vector<16xi32>
        %gather3A_518 = tpu.dynamic_gather %add3A_504[%gather3A_517] in [0] : vector<16xf32>, vector<16xi32> -> vector<16xf32>
        %add3A_519 = arith.addf %add3A_504, %gather3A_518 : vector<16xf32>
        %gather3A_520 = vector.shape_cast %broadcast_in_dim3A_8 : vector<16x1xi32> to vector<16xi32>
        %gather3A_521 = tpu.dynamic_gather %add3A_519[%gather3A_520] in [0] : vector<16xf32>, vector<16xi32> -> vector<16xf32>
        %add3A_522 = arith.addf %add3A_519, %gather3A_521 : vector<16xf32>
        %gather3A_523 = vector.shape_cast %broadcast_in_dim3A_12 : vector<16x1xi32> to vector<16xi32>
        %gather3A_524 = tpu.dynamic_gather %add3A_522[%gather3A_523] in [0] : vector<16xf32>, vector<16xi32> -> vector<16xf32>
        %add3A_525 = arith.addf %add3A_522, %gather3A_524 : vector<16xf32>
        %gather3A_526 = vector.shape_cast %broadcast_in_dim3A_16 : vector<16x1xi32> to vector<16xi32>
        %gather3A_527 = tpu.dynamic_gather %add3A_525[%gather3A_526] in [0] : vector<16xf32>, vector<16xi32> -> vector<16xf32>
        %add3A_528 = arith.addf %add3A_525, %gather3A_527 : vector<16xf32>
        %max3A_529 = arith.constant 1.000000e-24 : f32
        %max3A_530 = vector.broadcast %max3A_529 : f32 to vector<16xf32>
        %max3A_531 = arith.maximumf %add3A_516, %max3A_530 : vector<16xf32>
        %div3A_532 = arith.divf %add3A_528, %max3A_531 : vector<16xf32>
        %mul3A_533 = arith.mulf %div3A_532, %get3A_462 : vector<16xf32>
        %sub3A_534 = arith.subf %get3A_478, %mul3A_533 : vector<16xf32>
        %add3A_535 = arith.addf %add3A_447, %sub3A_534 : vector<16xf32>
        %mul3A_536 = arith.mulf %div3A_532, %get3A_466 : vector<16xf32>
        %sub3A_537 = arith.subf %get3A_482, %mul3A_536 : vector<16xf32>
        %add3A_538 = arith.addf %add3A_450, %sub3A_537 : vector<16xf32>
        %mul3A_539 = arith.mulf %div3A_532, %get3A_470 : vector<16xf32>
        %sub3A_540 = arith.subf %get3A_486, %mul3A_539 : vector<16xf32>
        %add3A_541 = arith.addf %add3A_453, %sub3A_540 : vector<16xf32>
        %mul3A_542 = arith.mulf %div3A_532, %get3A_474 : vector<16xf32>
        %sub3A_543 = arith.subf %get3A_490, %mul3A_542 : vector<16xf32>
        %add3A_544 = arith.addf %add3A_456, %sub3A_543 : vector<16xf32>
        %add3A_545 = arith.constant 3 : i32
        %add3A_546 = arith.addi %mul3A_284, %add3A_545 : i32
        %get3A_547 = arith.index_cast %add3A_546 : i32 to index
        %get3A_548 = arith.constant 0 : index
        %get3A_549 = tpu.vector_load %arg7[%get3A_547, %get3A_548] {strides = array<i32>} : memref<200x128xf32, #tpu.memory_space<vmem>>, vector<1x16xf32>,
        %get3A_550 = vector.shape_cast %get3A_549 : vector<1x16xf32> to vector<16xf32>
        %get3A_551 = arith.index_cast %add3A_546 : i32 to index
        %get3A_552 = arith.constant 16 : index
        %get3A_553 = tpu.vector_load %arg7[%get3A_551, %get3A_552] {strides = array<i32>} : memref<200x128xf32, #tpu.memory_space<vmem>>, vector<1x16xf32>,
        %get3A_554 = vector.shape_cast %get3A_553 : vector<1x16xf32> to vector<16xf32>
        %get3A_555 = arith.index_cast %add3A_546 : i32 to index
        %get3A_556 = arith.constant 32 : index
        %get3A_557 = tpu.vector_load %arg7[%get3A_555, %get3A_556] {strides = array<i32>} : memref<200x128xf32, #tpu.memory_space<vmem>>, vector<1x16xf32>,
        %get3A_558 = vector.shape_cast %get3A_557 : vector<1x16xf32> to vector<16xf32>
        %get3A_559 = arith.index_cast %add3A_546 : i32 to index
        %get3A_560 = arith.constant 48 : index
        %get3A_561 = tpu.vector_load %arg7[%get3A_559, %get3A_560] {strides = array<i32>} : memref<200x128xf32, #tpu.memory_space<vmem>>, vector<1x16xf32>,
        %get3A_562 = vector.shape_cast %get3A_561 : vector<1x16xf32> to vector<16xf32>
        %get3A_563 = arith.index_cast %add3A_546 : i32 to index
        %get3A_564 = arith.constant 0 : index
        %get3A_565 = tpu.vector_load %arg9[%get3A_563, %get3A_564] {strides = array<i32>} : memref<200x64xf32, #tpu.memory_space<vmem>>, vector<1x16xf32>,
        %get3A_566 = vector.shape_cast %get3A_565 : vector<1x16xf32> to vector<16xf32>
        %get3A_567 = arith.index_cast %add3A_546 : i32 to index
        %get3A_568 = arith.constant 16 : index
        %get3A_569 = tpu.vector_load %arg9[%get3A_567, %get3A_568] {strides = array<i32>} : memref<200x64xf32, #tpu.memory_space<vmem>>, vector<1x16xf32>,
        %get3A_570 = vector.shape_cast %get3A_569 : vector<1x16xf32> to vector<16xf32>
        %get3A_571 = arith.index_cast %add3A_546 : i32 to index
        %get3A_572 = arith.constant 32 : index
        %get3A_573 = tpu.vector_load %arg9[%get3A_571, %get3A_572] {strides = array<i32>} : memref<200x64xf32, #tpu.memory_space<vmem>>, vector<1x16xf32>,
        %get3A_574 = vector.shape_cast %get3A_573 : vector<1x16xf32> to vector<16xf32>
        %get3A_575 = arith.index_cast %add3A_546 : i32 to index
        %get3A_576 = arith.constant 48 : index
        %get3A_577 = tpu.vector_load %arg9[%get3A_575, %get3A_576] {strides = array<i32>} : memref<200x64xf32, #tpu.memory_space<vmem>>, vector<1x16xf32>,
        %get3A_578 = vector.shape_cast %get3A_577 : vector<1x16xf32> to vector<16xf32>
        %mul3A_579 = arith.mulf %get3A_550, %get3A_550 : vector<16xf32>
        %mul3A_580 = arith.mulf %get3A_554, %get3A_554 : vector<16xf32>
        %add3A_581 = arith.addf %mul3A_579, %mul3A_580 : vector<16xf32>
        %mul3A_582 = arith.mulf %get3A_558, %get3A_558 : vector<16xf32>
        %add3A_583 = arith.addf %add3A_581, %mul3A_582 : vector<16xf32>
        %mul3A_584 = arith.mulf %get3A_562, %get3A_562 : vector<16xf32>
        %add3A_585 = arith.addf %add3A_583, %mul3A_584 : vector<16xf32>
        %mul3A_586 = arith.mulf %get3A_566, %get3A_550 : vector<16xf32>
        %mul3A_587 = arith.mulf %get3A_570, %get3A_554 : vector<16xf32>
        %add3A_588 = arith.addf %mul3A_586, %mul3A_587 : vector<16xf32>
        %mul3A_589 = arith.mulf %get3A_574, %get3A_558 : vector<16xf32>
        %add3A_590 = arith.addf %add3A_588, %mul3A_589 : vector<16xf32>
        %mul3A_591 = arith.mulf %get3A_578, %get3A_562 : vector<16xf32>
        %add3A_592 = arith.addf %add3A_590, %mul3A_591 : vector<16xf32>
        %gather3A_593 = vector.shape_cast %broadcast_in_dim3A : vector<16x1xi32> to vector<16xi32>
        %gather3A_594 = tpu.dynamic_gather %add3A_585[%gather3A_593] in [0] : vector<16xf32>, vector<16xi32> -> vector<16xf32>
        %add3A_595 = arith.addf %add3A_585, %gather3A_594 : vector<16xf32>
        %gather3A_596 = vector.shape_cast %broadcast_in_dim3A_8 : vector<16x1xi32> to vector<16xi32>
        %gather3A_597 = tpu.dynamic_gather %add3A_595[%gather3A_596] in [0] : vector<16xf32>, vector<16xi32> -> vector<16xf32>
        %add3A_598 = arith.addf %add3A_595, %gather3A_597 : vector<16xf32>
        %gather3A_599 = vector.shape_cast %broadcast_in_dim3A_12 : vector<16x1xi32> to vector<16xi32>
        %gather3A_600 = tpu.dynamic_gather %add3A_598[%gather3A_599] in [0] : vector<16xf32>, vector<16xi32> -> vector<16xf32>
        %add3A_601 = arith.addf %add3A_598, %gather3A_600 : vector<16xf32>
        %gather3A_602 = vector.shape_cast %broadcast_in_dim3A_16 : vector<16x1xi32> to vector<16xi32>
        %gather3A_603 = tpu.dynamic_gather %add3A_601[%gather3A_602] in [0] : vector<16xf32>, vector<16xi32> -> vector<16xf32>
        %add3A_604 = arith.addf %add3A_601, %gather3A_603 : vector<16xf32>
        %gather3A_605 = vector.shape_cast %broadcast_in_dim3A : vector<16x1xi32> to vector<16xi32>
        %gather3A_606 = tpu.dynamic_gather %add3A_592[%gather3A_605] in [0] : vector<16xf32>, vector<16xi32> -> vector<16xf32>
        %add3A_607 = arith.addf %add3A_592, %gather3A_606 : vector<16xf32>
        %gather3A_608 = vector.shape_cast %broadcast_in_dim3A_8 : vector<16x1xi32> to vector<16xi32>
        %gather3A_609 = tpu.dynamic_gather %add3A_607[%gather3A_608] in [0] : vector<16xf32>, vector<16xi32> -> vector<16xf32>
        %add3A_610 = arith.addf %add3A_607, %gather3A_609 : vector<16xf32>
        %gather3A_611 = vector.shape_cast %broadcast_in_dim3A_12 : vector<16x1xi32> to vector<16xi32>
        %gather3A_612 = tpu.dynamic_gather %add3A_610[%gather3A_611] in [0] : vector<16xf32>, vector<16xi32> -> vector<16xf32>
        %add3A_613 = arith.addf %add3A_610, %gather3A_612 : vector<16xf32>
        %gather3A_614 = vector.shape_cast %broadcast_in_dim3A_16 : vector<16x1xi32> to vector<16xi32>
        %gather3A_615 = tpu.dynamic_gather %add3A_613[%gather3A_614] in [0] : vector<16xf32>, vector<16xi32> -> vector<16xf32>
        %add3A_616 = arith.addf %add3A_613, %gather3A_615 : vector<16xf32>
        %max3A_617 = arith.constant 1.000000e-24 : f32
        %max3A_618 = vector.broadcast %max3A_617 : f32 to vector<16xf32>
        %max3A_619 = arith.maximumf %add3A_604, %max3A_618 : vector<16xf32>
        %div3A_620 = arith.divf %add3A_616, %max3A_619 : vector<16xf32>
        %mul3A_621 = arith.mulf %div3A_620, %get3A_550 : vector<16xf32>
        %sub3A_622 = arith.subf %get3A_566, %mul3A_621 : vector<16xf32>
        %add3A_623 = arith.addf %add3A_535, %sub3A_622 : vector<16xf32>
        %mul3A_624 = arith.mulf %div3A_620, %get3A_554 : vector<16xf32>
        %sub3A_625 = arith.subf %get3A_570, %mul3A_624 : vector<16xf32>
        %add3A_626 = arith.addf %add3A_538, %sub3A_625 : vector<16xf32>
        %mul3A_627 = arith.mulf %div3A_620, %get3A_558 : vector<16xf32>
        %sub3A_628 = arith.subf %get3A_574, %mul3A_627 : vector<16xf32>
        %add3A_629 = arith.addf %add3A_541, %sub3A_628 : vector<16xf32>
        %mul3A_630 = arith.mulf %div3A_620, %get3A_562 : vector<16xf32>
        %sub3A_631 = arith.subf %get3A_578, %mul3A_630 : vector<16xf32>
        %add3A_632 = arith.addf %add3A_544, %sub3A_631 : vector<16xf32>
        scf.yield %add3A_623, %add3A_626, %add3A_629, %add3A_632 : vector<16xf32>, vector<16xf32>, vector<16xf32>, vector<16xf32>
      }
      %scan3A_162 = arith.constant 50 : i32
      %mul3A_163 = arith.constant 64 : i32
      %mul3A_164 = arith.muli %add3A_93, %mul3A_163 : i32
      %div3A = arith.constant 2.000000e+02 : f32
      %div3A_165 = vector.broadcast %div3A : f32 to vector<16xf32>
      %div3A_166 = arith.divf %scan3A_161#0, %div3A_165 : vector<16xf32>
      %swap3A = arith.index_cast %mul3A_164 : i32 to index
      %swap3A_167 = tpu.vector_load %arg11[%swap3A] {strides = array<i32>} : memref<8192xf32, #tpu.memory_space<vmem>>, vector<16xf32>,
      %swap3A_168 = vector.shape_cast %swap3A_167 : vector<16xf32> to vector<16xf32>
      %swap3A_169 = vector.shape_cast %div3A_166 : vector<16xf32> to vector<16xf32>
      tpu.vector_store %arg11[%swap3A], %swap3A_169 {strides = array<i32>} : memref<8192xf32, #tpu.memory_space<vmem>>, vector<16xf32>,
      %div3A_170 = arith.constant 2.000000e+02 : f32
      %div3A_171 = vector.broadcast %div3A_170 : f32 to vector<16xf32>
      %div3A_172 = arith.divf %scan3A_161#1, %div3A_171 : vector<16xf32>
      %add3A_173 = arith.constant 16 : i32
      %add3A_174 = arith.addi %mul3A_164, %add3A_173 : i32
      %swap3A_175 = arith.index_cast %add3A_174 : i32 to index
      %swap3A_176 = tpu.vector_load %arg11[%swap3A_175] {strides = array<i32>} : memref<8192xf32, #tpu.memory_space<vmem>>, vector<16xf32>,
      %swap3A_177 = vector.shape_cast %swap3A_176 : vector<16xf32> to vector<16xf32>
      %swap3A_178 = vector.shape_cast %div3A_172 : vector<16xf32> to vector<16xf32>
      tpu.vector_store %arg11[%swap3A_175], %swap3A_178 {strides = array<i32>} : memref<8192xf32, #tpu.memory_space<vmem>>, vector<16xf32>,
      %div3A_179 = arith.constant 2.000000e+02 : f32
      %div3A_180 = vector.broadcast %div3A_179 : f32 to vector<16xf32>
      %div3A_181 = arith.divf %scan3A_161#2, %div3A_180 : vector<16xf32>
      %add3A_182 = arith.constant 32 : i32
      %add3A_183 = arith.addi %mul3A_164, %add3A_182 : i32
      %swap3A_184 = arith.index_cast %add3A_183 : i32 to index
      %swap3A_185 = tpu.vector_load %arg11[%swap3A_184] {strides = array<i32>} : memref<8192xf32, #tpu.memory_space<vmem>>, vector<16xf32>,
      %swap3A_186 = vector.shape_cast %swap3A_185 : vector<16xf32> to vector<16xf32>
      %swap3A_187 = vector.shape_cast %div3A_181 : vector<16xf32> to vector<16xf32>
      tpu.vector_store %arg11[%swap3A_184], %swap3A_187 {strides = array<i32>} : memref<8192xf32, #tpu.memory_space<vmem>>, vector<16xf32>,
      %div3A_188 = arith.constant 2.000000e+02 : f32
      %div3A_189 = vector.broadcast %div3A_188 : f32 to vector<16xf32>
      %div3A_190 = arith.divf %scan3A_161#3, %div3A_189 : vector<16xf32>
      %add3A_191 = arith.constant 48 : i32
      %add3A_192 = arith.addi %mul3A_164, %add3A_191 : i32
      %swap3A_193 = arith.index_cast %add3A_192 : i32 to index
      %swap3A_194 = tpu.vector_load %arg11[%swap3A_193] {strides = array<i32>} : memref<8192xf32, #tpu.memory_space<vmem>>, vector<16xf32>,
      %swap3A_195 = vector.shape_cast %swap3A_194 : vector<16xf32> to vector<16xf32>
      %swap3A_196 = vector.shape_cast %div3A_190 : vector<16xf32> to vector<16xf32>
      tpu.vector_store %arg11[%swap3A_193], %swap3A_196 {strides = array<i32>} : memref<8192xf32, #tpu.memory_space<vmem>>, vector<16xf32>,
      %lt3A = arith.constant 31 : i32
      %lt3A_197 = arith.cmpi slt, %scan3A_89, %lt3A : i32
      %convert_element_type3A = arith.extui %lt3A_197 : i1 to i32
      %cond3A = arith.constant 0 : i32
      %cond3A_198 = arith.cmpi ne, %convert_element_type3A, %cond3A : i32
      scf.if %cond3A_198 {
        %add3A_278 = arith.constant 2 : i32
        %add3A_279 = arith.addi %mul3A_91, %add3A_278 : i32
        %add3A_280 = arith.constant 2 : i32
        %add3A_281 = arith.addi %add3A_93, %add3A_280 : i32
        %mul3A_282 = arith.constant 200 : i32
        %mul3A_283 = arith.muli %add3A_279, %mul3A_282 : i32
        %dma_start3A_284 = arith.constant 0 : i32
        %dma_start3A_285 = arith.constant 0 : i32
        %dma_start3A_286 = tpu.memref_slice %arg7[%dma_start3A_284, %dma_start3A_285] : memref<200x128xf32, #tpu.memory_space<vmem>> -> memref<104x128xf32, #tpu.memory_space<vmem>>
        %dma_start3A_287 = tpu.memref_slice %arg6[%mul3A_283] : memref<12800xi32, #tpu.memory_space<vmem>> -> memref<104xi32, #tpu.memory_space<vmem>>
        %dma_start3A_288 = arith.constant 0 : i32
        %dma_start3A_289 = arith.constant 0 : i32
        %dma_start3A_290 = tpu.memref_slice %arg4[%dma_start3A_288, %dma_start3A_289] : memref<200064x128xf32, #tpu.memory_space<hbm>> -> memref<200064x128xf32, #tpu.memory_space<hbm>>
        tpu.enqueue_indirect_dma source(%dma_start3A_290 : memref<200064x128xf32, #tpu.memory_space<hbm>>) target(%dma_start3A_286 : memref<104x128xf32, #tpu.memory_space<vmem>>) offsets(%dma_start3A_287 : memref<104xi32, #tpu.memory_space<vmem>>) semaphore(%arg12 : memref<!tpu.dma_semaphore, #tpu.memory_space<semaphore_mem>>)
        %mul3A_291 = arith.constant 200 : i32
        %mul3A_292 = arith.muli %add3A_279, %mul3A_291 : i32
        %add3A_293 = arith.constant 104 : i32
        %add3A_294 = arith.addi %mul3A_292, %add3A_293 : i32
        %dma_start3A_295 = arith.constant 104 : i32
        %dma_start3A_296 = arith.constant 0 : i32
        %dma_start3A_297 = tpu.memref_slice %arg7[%dma_start3A_295, %dma_start3A_296] : memref<200x128xf32, #tpu.memory_space<vmem>> -> memref<96x128xf32, #tpu.memory_space<vmem>>
        %dma_start3A_298 = tpu.memref_slice %arg6[%add3A_294] : memref<12800xi32, #tpu.memory_space<vmem>> -> memref<96xi32, #tpu.memory_space<vmem>>
        %dma_start3A_299 = arith.constant 0 : i32
        %dma_start3A_300 = arith.constant 0 : i32
        %dma_start3A_301 = tpu.memref_slice %arg4[%dma_start3A_299, %dma_start3A_300] : memref<200064x128xf32, #tpu.memory_space<hbm>> -> memref<200064x128xf32, #tpu.memory_space<hbm>>
        tpu.enqueue_indirect_dma source(%dma_start3A_301 : memref<200064x128xf32, #tpu.memory_space<hbm>>) target(%dma_start3A_297 : memref<96x128xf32, #tpu.memory_space<vmem>>) offsets(%dma_start3A_298 : memref<96xi32, #tpu.memory_space<vmem>>) semaphore(%arg12 : memref<!tpu.dma_semaphore, #tpu.memory_space<semaphore_mem>>)
        %add3A_302 = arith.addi %mul3A_2, %add3A_281 : i32
        %dma_start3A_303 = arith.constant 0 : i32
        %dma_start3A_304 = arith.constant 0 : i32
        %dma_start3A_305 = tpu.memref_slice %arg3[%add3A_302, %dma_start3A_303, %dma_start3A_304] : memref<4096x200x64xf32, #tpu.memory_space<hbm>> -> memref<1x200x64xf32, #tpu.memory_space<hbm>>
        %dma_start3A_306 = tpu.memref_squeeze %dma_start3A_305 : memref<1x200x64xf32, #tpu.memory_space<hbm>> -> memref<200x64xf32, #tpu.memory_space<hbm>>
        %dma_start3A_307 = arith.constant 0 : i32
        %dma_start3A_308 = arith.constant 0 : i32
        %dma_start3A_309 = tpu.memref_slice %arg3[%add3A_302, %dma_start3A_307, %dma_start3A_308] : memref<4096x200x64xf32, #tpu.memory_space<hbm>> -> memref<1x200x64xf32, #tpu.memory_space<hbm>>
        %dma_start3A_310 = tpu.memref_squeeze %dma_start3A_309 : memref<1x200x64xf32, #tpu.memory_space<hbm>> -> memref<200x64xf32, #tpu.memory_space<hbm>>
        tpu.enqueue_dma source(%dma_start3A_310 : memref<200x64xf32, #tpu.memory_space<hbm>>) target(%arg9 : memref<200x64xf32, #tpu.memory_space<vmem>>) target_semaphore(%arg12 : memref<!tpu.dma_semaphore, #tpu.memory_space<semaphore_mem>>)
      } else {
      }
      %add3A_199 = arith.constant 1 : i32
      %add3A_200 = arith.addi %mul3A_91, %add3A_199 : i32
      %add3A_201 = arith.constant 1 : i32
      %add3A_202 = arith.addi %add3A_93, %add3A_201 : i32
      %mul3A_203 = arith.constant 200 : i32
      %mul3A_204 = arith.muli %add3A_200, %mul3A_203 : i32
      %dma_wait3A_205 = arith.constant 0 : i32
      %dma_wait3A_206 = arith.constant 0 : i32
      %dma_wait3A_207 = tpu.memref_slice %arg8[%dma_wait3A_205, %dma_wait3A_206] : memref<200x128xf32, #tpu.memory_space<vmem>> -> memref<104x128xf32, #tpu.memory_space<vmem>>
      %dma_wait3A_208 = tpu.memref_slice %arg6[%mul3A_204] : memref<12800xi32, #tpu.memory_space<vmem>> -> memref<104xi32, #tpu.memory_space<vmem>>
      %dma_wait3A_209 = arith.constant 0 : i32
      %dma_wait3A_210 = arith.constant 0 : i32
      %dma_wait3A_211 = tpu.memref_slice %arg4[%dma_wait3A_209, %dma_wait3A_210] : memref<200064x128xf32, #tpu.memory_space<hbm>> -> memref<200064x128xf32, #tpu.memory_space<hbm>>
      tpu.wait_indirect_dma semaphore(%arg13 : memref<!tpu.dma_semaphore, #tpu.memory_space<semaphore_mem>>) src(%dma_wait3A_211 : memref<200064x128xf32, #tpu.memory_space<hbm>>) dst(%dma_wait3A_207 : memref<104x128xf32, #tpu.memory_space<vmem>>)
      %mul3A_212 = arith.constant 200 : i32
      %mul3A_213 = arith.muli %add3A_200, %mul3A_212 : i32
      %add3A_214 = arith.constant 104 : i32
      %add3A_215 = arith.addi %mul3A_213, %add3A_214 : i32
      %dma_wait3A_216 = arith.constant 104 : i32
      %dma_wait3A_217 = arith.constant 0 : i32
      %dma_wait3A_218 = tpu.memref_slice %arg8[%dma_wait3A_216, %dma_wait3A_217] : memref<200x128xf32, #tpu.memory_space<vmem>> -> memref<96x128xf32, #tpu.memory_space<vmem>>
      %dma_wait3A_219 = tpu.memref_slice %arg6[%add3A_215] : memref<12800xi32, #tpu.memory_space<vmem>> -> memref<96xi32, #tpu.memory_space<vmem>>
      %dma_wait3A_220 = arith.constant 0 : i32
      %dma_wait3A_221 = arith.constant 0 : i32
      %dma_wait3A_222 = tpu.memref_slice %arg4[%dma_wait3A_220, %dma_wait3A_221] : memref<200064x128xf32, #tpu.memory_space<hbm>> -> memref<200064x128xf32, #tpu.memory_space<hbm>>
      tpu.wait_indirect_dma semaphore(%arg13 : memref<!tpu.dma_semaphore, #tpu.memory_space<semaphore_mem>>) src(%dma_wait3A_222 : memref<200064x128xf32, #tpu.memory_space<hbm>>) dst(%dma_wait3A_218 : memref<96x128xf32, #tpu.memory_space<vmem>>)
      %add3A_223 = arith.addi %mul3A_2, %add3A_202 : i32
      %dma_wait3A_224 = arith.constant 0 : i32
      %dma_wait3A_225 = arith.constant 0 : i32
      %dma_wait3A_226 = tpu.memref_slice %arg3[%add3A_223, %dma_wait3A_224, %dma_wait3A_225] : memref<4096x200x64xf32, #tpu.memory_space<hbm>> -> memref<1x200x64xf32, #tpu.memory_space<hbm>>
      %dma_wait3A_227 = tpu.memref_squeeze %dma_wait3A_226 : memref<1x200x64xf32, #tpu.memory_space<hbm>> -> memref<200x64xf32, #tpu.memory_space<hbm>>
      %dma_wait3A_228 = arith.constant 0 : i32
      %dma_wait3A_229 = arith.constant 0 : i32
      %dma_wait3A_230 = tpu.memref_slice %arg3[%add3A_223, %dma_wait3A_228, %dma_wait3A_229] : memref<4096x200x64xf32, #tpu.memory_space<hbm>> -> memref<1x200x64xf32, #tpu.memory_space<hbm>>
      %dma_wait3A_231 = tpu.memref_squeeze %dma_wait3A_230 : memref<1x200x64xf32, #tpu.memory_space<hbm>> -> memref<200x64xf32, #tpu.memory_space<hbm>>
      tpu.wait_dma2 semaphore(%arg13 : memref<!tpu.dma_semaphore, #tpu.memory_space<semaphore_mem>>) src(%dma_wait3A_231 : memref<200x64xf32, #tpu.memory_space<hbm>>) dst(%arg10 : memref<200x64xf32, #tpu.memory_space<vmem>>)
      %add3A_232 = arith.constant 1 : i32
      %add3A_233 = arith.addi %add3A_93, %add3A_232 : i32
      %broadcast_in_dim3A_234 = arith.constant 0.000000e+00 : f32
      %broadcast_in_dim3A_235 = vector.broadcast %broadcast_in_dim3A_234 : f32 to vector<16xf32>
      %scan3A_236 = arith.constant 0 : i32
      %scan3A_237 = arith.constant 50 : i32
      %scan3A_238 = arith.addi %scan3A_236, %scan3A_237 : i32
      %scan3A_239 = arith.constant 1 : i32
      %scan3A_240:4 = scf.for %scan3A_278 = %scan3A_236 to %scan3A_238 step %scan3A_239 iter_args(%scan3A_279 = %broadcast_in_dim3A_235, %scan3A_280 = %broadcast_in_dim3A_235, %scan3A_281 = %broadcast_in_dim3A_235, %scan3A_282 = %broadcast_in_dim3A_235) -> (vector<16xf32>, vector<16xf32>, vector<16xf32>, vector<16xf32>)  : i32 {
        %mul3A_283 = arith.constant 4 : i32
        %mul3A_284 = arith.muli %scan3A_278, %mul3A_283 : i32
        %add3A_285 = arith.constant 0 : i32
        %add3A_286 = arith.addi %mul3A_284, %add3A_285 : i32
        %get3A = arith.index_cast %add3A_286 : i32 to index
        %get3A_287 = arith.constant 0 : index
        %get3A_288 = tpu.vector_load %arg8[%get3A, %get3A_287] {strides = array<i32>} : memref<200x128xf32, #tpu.memory_space<vmem>>, vector<1x16xf32>,
        %get3A_289 = vector.shape_cast %get3A_288 : vector<1x16xf32> to vector<16xf32>
        %get3A_290 = arith.index_cast %add3A_286 : i32 to index
        %get3A_291 = arith.constant 16 : index
        %get3A_292 = tpu.vector_load %arg8[%get3A_290, %get3A_291] {strides = array<i32>} : memref<200x128xf32, #tpu.memory_space<vmem>>, vector<1x16xf32>,
        %get3A_293 = vector.shape_cast %get3A_292 : vector<1x16xf32> to vector<16xf32>
        %get3A_294 = arith.index_cast %add3A_286 : i32 to index
        %get3A_295 = arith.constant 32 : index
        %get3A_296 = tpu.vector_load %arg8[%get3A_294, %get3A_295] {strides = array<i32>} : memref<200x128xf32, #tpu.memory_space<vmem>>, vector<1x16xf32>,
        %get3A_297 = vector.shape_cast %get3A_296 : vector<1x16xf32> to vector<16xf32>
        %get3A_298 = arith.index_cast %add3A_286 : i32 to index
        %get3A_299 = arith.constant 48 : index
        %get3A_300 = tpu.vector_load %arg8[%get3A_298, %get3A_299] {strides = array<i32>} : memref<200x128xf32, #tpu.memory_space<vmem>>, vector<1x16xf32>,
        %get3A_301 = vector.shape_cast %get3A_300 : vector<1x16xf32> to vector<16xf32>
        %get3A_302 = arith.index_cast %add3A_286 : i32 to index
        %get3A_303 = arith.constant 0 : index
        %get3A_304 = tpu.vector_load %arg10[%get3A_302, %get3A_303] {strides = array<i32>} : memref<200x64xf32, #tpu.memory_space<vmem>>, vector<1x16xf32>,
        %get3A_305 = vector.shape_cast %get3A_304 : vector<1x16xf32> to vector<16xf32>
        %get3A_306 = arith.index_cast %add3A_286 : i32 to index
        %get3A_307 = arith.constant 16 : index
        %get3A_308 = tpu.vector_load %arg10[%get3A_306, %get3A_307] {strides = array<i32>} : memref<200x64xf32, #tpu.memory_space<vmem>>, vector<1x16xf32>,
        %get3A_309 = vector.shape_cast %get3A_308 : vector<1x16xf32> to vector<16xf32>
        %get3A_310 = arith.index_cast %add3A_286 : i32 to index
        %get3A_311 = arith.constant 32 : index
        %get3A_312 = tpu.vector_load %arg10[%get3A_310, %get3A_311] {strides = array<i32>} : memref<200x64xf32, #tpu.memory_space<vmem>>, vector<1x16xf32>,
        %get3A_313 = vector.shape_cast %get3A_312 : vector<1x16xf32> to vector<16xf32>
        %get3A_314 = arith.index_cast %add3A_286 : i32 to index
        %get3A_315 = arith.constant 48 : index
        %get3A_316 = tpu.vector_load %arg10[%get3A_314, %get3A_315] {strides = array<i32>} : memref<200x64xf32, #tpu.memory_space<vmem>>, vector<1x16xf32>,
        %get3A_317 = vector.shape_cast %get3A_316 : vector<1x16xf32> to vector<16xf32>
        %mul3A_318 = arith.mulf %get3A_289, %get3A_289 : vector<16xf32>
        %mul3A_319 = arith.mulf %get3A_293, %get3A_293 : vector<16xf32>
        %add3A_320 = arith.addf %mul3A_318, %mul3A_319 : vector<16xf32>
        %mul3A_321 = arith.mulf %get3A_297, %get3A_297 : vector<16xf32>
        %add3A_322 = arith.addf %add3A_320, %mul3A_321 : vector<16xf32>
        %mul3A_323 = arith.mulf %get3A_301, %get3A_301 : vector<16xf32>
        %add3A_324 = arith.addf %add3A_322, %mul3A_323 : vector<16xf32>
        %mul3A_325 = arith.mulf %get3A_305, %get3A_289 : vector<16xf32>
        %mul3A_326 = arith.mulf %get3A_309, %get3A_293 : vector<16xf32>
        %add3A_327 = arith.addf %mul3A_325, %mul3A_326 : vector<16xf32>
        %mul3A_328 = arith.mulf %get3A_313, %get3A_297 : vector<16xf32>
        %add3A_329 = arith.addf %add3A_327, %mul3A_328 : vector<16xf32>
        %mul3A_330 = arith.mulf %get3A_317, %get3A_301 : vector<16xf32>
        %add3A_331 = arith.addf %add3A_329, %mul3A_330 : vector<16xf32>
        %gather3A = vector.shape_cast %broadcast_in_dim3A : vector<16x1xi32> to vector<16xi32>
        %gather3A_332 = tpu.dynamic_gather %add3A_324[%gather3A] in [0] : vector<16xf32>, vector<16xi32> -> vector<16xf32>
        %add3A_333 = arith.addf %add3A_324, %gather3A_332 : vector<16xf32>
        %gather3A_334 = vector.shape_cast %broadcast_in_dim3A_8 : vector<16x1xi32> to vector<16xi32>
        %gather3A_335 = tpu.dynamic_gather %add3A_333[%gather3A_334] in [0] : vector<16xf32>, vector<16xi32> -> vector<16xf32>
        %add3A_336 = arith.addf %add3A_333, %gather3A_335 : vector<16xf32>
        %gather3A_337 = vector.shape_cast %broadcast_in_dim3A_12 : vector<16x1xi32> to vector<16xi32>
        %gather3A_338 = tpu.dynamic_gather %add3A_336[%gather3A_337] in [0] : vector<16xf32>, vector<16xi32> -> vector<16xf32>
        %add3A_339 = arith.addf %add3A_336, %gather3A_338 : vector<16xf32>
        %gather3A_340 = vector.shape_cast %broadcast_in_dim3A_16 : vector<16x1xi32> to vector<16xi32>
        %gather3A_341 = tpu.dynamic_gather %add3A_339[%gather3A_340] in [0] : vector<16xf32>, vector<16xi32> -> vector<16xf32>
        %add3A_342 = arith.addf %add3A_339, %gather3A_341 : vector<16xf32>
        %gather3A_343 = vector.shape_cast %broadcast_in_dim3A : vector<16x1xi32> to vector<16xi32>
        %gather3A_344 = tpu.dynamic_gather %add3A_331[%gather3A_343] in [0] : vector<16xf32>, vector<16xi32> -> vector<16xf32>
        %add3A_345 = arith.addf %add3A_331, %gather3A_344 : vector<16xf32>
        %gather3A_346 = vector.shape_cast %broadcast_in_dim3A_8 : vector<16x1xi32> to vector<16xi32>
        %gather3A_347 = tpu.dynamic_gather %add3A_345[%gather3A_346] in [0] : vector<16xf32>, vector<16xi32> -> vector<16xf32>
        %add3A_348 = arith.addf %add3A_345, %gather3A_347 : vector<16xf32>
        %gather3A_349 = vector.shape_cast %broadcast_in_dim3A_12 : vector<16x1xi32> to vector<16xi32>
        %gather3A_350 = tpu.dynamic_gather %add3A_348[%gather3A_349] in [0] : vector<16xf32>, vector<16xi32> -> vector<16xf32>
        %add3A_351 = arith.addf %add3A_348, %gather3A_350 : vector<16xf32>
        %gather3A_352 = vector.shape_cast %broadcast_in_dim3A_16 : vector<16x1xi32> to vector<16xi32>
        %gather3A_353 = tpu.dynamic_gather %add3A_351[%gather3A_352] in [0] : vector<16xf32>, vector<16xi32> -> vector<16xf32>
        %add3A_354 = arith.addf %add3A_351, %gather3A_353 : vector<16xf32>
        %max3A = arith.constant 1.000000e-24 : f32
        %max3A_355 = vector.broadcast %max3A : f32 to vector<16xf32>
        %max3A_356 = arith.maximumf %add3A_342, %max3A_355 : vector<16xf32>
        %div3A_357 = arith.divf %add3A_354, %max3A_356 : vector<16xf32>
        %mul3A_358 = arith.mulf %div3A_357, %get3A_289 : vector<16xf32>
        %sub3A = arith.subf %get3A_305, %mul3A_358 : vector<16xf32>
        %add3A_359 = arith.addf %scan3A_279, %sub3A : vector<16xf32>
        %mul3A_360 = arith.mulf %div3A_357, %get3A_293 : vector<16xf32>
        %sub3A_361 = arith.subf %get3A_309, %mul3A_360 : vector<16xf32>
        %add3A_362 = arith.addf %scan3A_280, %sub3A_361 : vector<16xf32>
        %mul3A_363 = arith.mulf %div3A_357, %get3A_297 : vector<16xf32>
        %sub3A_364 = arith.subf %get3A_313, %mul3A_363 : vector<16xf32>
        %add3A_365 = arith.addf %scan3A_281, %sub3A_364 : vector<16xf32>
        %mul3A_366 = arith.mulf %div3A_357, %get3A_301 : vector<16xf32>
        %sub3A_367 = arith.subf %get3A_317, %mul3A_366 : vector<16xf32>
        %add3A_368 = arith.addf %scan3A_282, %sub3A_367 : vector<16xf32>
        %add3A_369 = arith.constant 1 : i32
        %add3A_370 = arith.addi %mul3A_284, %add3A_369 : i32
        %get3A_371 = arith.index_cast %add3A_370 : i32 to index
        %get3A_372 = arith.constant 0 : index
        %get3A_373 = tpu.vector_load %arg8[%get3A_371, %get3A_372] {strides = array<i32>} : memref<200x128xf32, #tpu.memory_space<vmem>>, vector<1x16xf32>,
        %get3A_374 = vector.shape_cast %get3A_373 : vector<1x16xf32> to vector<16xf32>
        %get3A_375 = arith.index_cast %add3A_370 : i32 to index
        %get3A_376 = arith.constant 16 : index
        %get3A_377 = tpu.vector_load %arg8[%get3A_375, %get3A_376] {strides = array<i32>} : memref<200x128xf32, #tpu.memory_space<vmem>>, vector<1x16xf32>,
        %get3A_378 = vector.shape_cast %get3A_377 : vector<1x16xf32> to vector<16xf32>
        %get3A_379 = arith.index_cast %add3A_370 : i32 to index
        %get3A_380 = arith.constant 32 : index
        %get3A_381 = tpu.vector_load %arg8[%get3A_379, %get3A_380] {strides = array<i32>} : memref<200x128xf32, #tpu.memory_space<vmem>>, vector<1x16xf32>,
        %get3A_382 = vector.shape_cast %get3A_381 : vector<1x16xf32> to vector<16xf32>
        %get3A_383 = arith.index_cast %add3A_370 : i32 to index
        %get3A_384 = arith.constant 48 : index
        %get3A_385 = tpu.vector_load %arg8[%get3A_383, %get3A_384] {strides = array<i32>} : memref<200x128xf32, #tpu.memory_space<vmem>>, vector<1x16xf32>,
        %get3A_386 = vector.shape_cast %get3A_385 : vector<1x16xf32> to vector<16xf32>
        %get3A_387 = arith.index_cast %add3A_370 : i32 to index
        %get3A_388 = arith.constant 0 : index
        %get3A_389 = tpu.vector_load %arg10[%get3A_387, %get3A_388] {strides = array<i32>} : memref<200x64xf32, #tpu.memory_space<vmem>>, vector<1x16xf32>,
        %get3A_390 = vector.shape_cast %get3A_389 : vector<1x16xf32> to vector<16xf32>
        %get3A_391 = arith.index_cast %add3A_370 : i32 to index
        %get3A_392 = arith.constant 16 : index
        %get3A_393 = tpu.vector_load %arg10[%get3A_391, %get3A_392] {strides = array<i32>} : memref<200x64xf32, #tpu.memory_space<vmem>>, vector<1x16xf32>,
        %get3A_394 = vector.shape_cast %get3A_393 : vector<1x16xf32> to vector<16xf32>
        %get3A_395 = arith.index_cast %add3A_370 : i32 to index
        %get3A_396 = arith.constant 32 : index
        %get3A_397 = tpu.vector_load %arg10[%get3A_395, %get3A_396] {strides = array<i32>} : memref<200x64xf32, #tpu.memory_space<vmem>>, vector<1x16xf32>,
        %get3A_398 = vector.shape_cast %get3A_397 : vector<1x16xf32> to vector<16xf32>
        %get3A_399 = arith.index_cast %add3A_370 : i32 to index
        %get3A_400 = arith.constant 48 : index
        %get3A_401 = tpu.vector_load %arg10[%get3A_399, %get3A_400] {strides = array<i32>} : memref<200x64xf32, #tpu.memory_space<vmem>>, vector<1x16xf32>,
        %get3A_402 = vector.shape_cast %get3A_401 : vector<1x16xf32> to vector<16xf32>
        %mul3A_403 = arith.mulf %get3A_374, %get3A_374 : vector<16xf32>
        %mul3A_404 = arith.mulf %get3A_378, %get3A_378 : vector<16xf32>
        %add3A_405 = arith.addf %mul3A_403, %mul3A_404 : vector<16xf32>
        %mul3A_406 = arith.mulf %get3A_382, %get3A_382 : vector<16xf32>
        %add3A_407 = arith.addf %add3A_405, %mul3A_406 : vector<16xf32>
        %mul3A_408 = arith.mulf %get3A_386, %get3A_386 : vector<16xf32>
        %add3A_409 = arith.addf %add3A_407, %mul3A_408 : vector<16xf32>
        %mul3A_410 = arith.mulf %get3A_390, %get3A_374 : vector<16xf32>
        %mul3A_411 = arith.mulf %get3A_394, %get3A_378 : vector<16xf32>
        %add3A_412 = arith.addf %mul3A_410, %mul3A_411 : vector<16xf32>
        %mul3A_413 = arith.mulf %get3A_398, %get3A_382 : vector<16xf32>
        %add3A_414 = arith.addf %add3A_412, %mul3A_413 : vector<16xf32>
        %mul3A_415 = arith.mulf %get3A_402, %get3A_386 : vector<16xf32>
        %add3A_416 = arith.addf %add3A_414, %mul3A_415 : vector<16xf32>
        %gather3A_417 = vector.shape_cast %broadcast_in_dim3A : vector<16x1xi32> to vector<16xi32>
        %gather3A_418 = tpu.dynamic_gather %add3A_409[%gather3A_417] in [0] : vector<16xf32>, vector<16xi32> -> vector<16xf32>
        %add3A_419 = arith.addf %add3A_409, %gather3A_418 : vector<16xf32>
        %gather3A_420 = vector.shape_cast %broadcast_in_dim3A_8 : vector<16x1xi32> to vector<16xi32>
        %gather3A_421 = tpu.dynamic_gather %add3A_419[%gather3A_420] in [0] : vector<16xf32>, vector<16xi32> -> vector<16xf32>
        %add3A_422 = arith.addf %add3A_419, %gather3A_421 : vector<16xf32>
        %gather3A_423 = vector.shape_cast %broadcast_in_dim3A_12 : vector<16x1xi32> to vector<16xi32>
        %gather3A_424 = tpu.dynamic_gather %add3A_422[%gather3A_423] in [0] : vector<16xf32>, vector<16xi32> -> vector<16xf32>
        %add3A_425 = arith.addf %add3A_422, %gather3A_424 : vector<16xf32>
        %gather3A_426 = vector.shape_cast %broadcast_in_dim3A_16 : vector<16x1xi32> to vector<16xi32>
        %gather3A_427 = tpu.dynamic_gather %add3A_425[%gather3A_426] in [0] : vector<16xf32>, vector<16xi32> -> vector<16xf32>
        %add3A_428 = arith.addf %add3A_425, %gather3A_427 : vector<16xf32>
        %gather3A_429 = vector.shape_cast %broadcast_in_dim3A : vector<16x1xi32> to vector<16xi32>
        %gather3A_430 = tpu.dynamic_gather %add3A_416[%gather3A_429] in [0] : vector<16xf32>, vector<16xi32> -> vector<16xf32>
        %add3A_431 = arith.addf %add3A_416, %gather3A_430 : vector<16xf32>
        %gather3A_432 = vector.shape_cast %broadcast_in_dim3A_8 : vector<16x1xi32> to vector<16xi32>
        %gather3A_433 = tpu.dynamic_gather %add3A_431[%gather3A_432] in [0] : vector<16xf32>, vector<16xi32> -> vector<16xf32>
        %add3A_434 = arith.addf %add3A_431, %gather3A_433 : vector<16xf32>
        %gather3A_435 = vector.shape_cast %broadcast_in_dim3A_12 : vector<16x1xi32> to vector<16xi32>
        %gather3A_436 = tpu.dynamic_gather %add3A_434[%gather3A_435] in [0] : vector<16xf32>, vector<16xi32> -> vector<16xf32>
        %add3A_437 = arith.addf %add3A_434, %gather3A_436 : vector<16xf32>
        %gather3A_438 = vector.shape_cast %broadcast_in_dim3A_16 : vector<16x1xi32> to vector<16xi32>
        %gather3A_439 = tpu.dynamic_gather %add3A_437[%gather3A_438] in [0] : vector<16xf32>, vector<16xi32> -> vector<16xf32>
        %add3A_440 = arith.addf %add3A_437, %gather3A_439 : vector<16xf32>
        %max3A_441 = arith.constant 1.000000e-24 : f32
        %max3A_442 = vector.broadcast %max3A_441 : f32 to vector<16xf32>
        %max3A_443 = arith.maximumf %add3A_428, %max3A_442 : vector<16xf32>
        %div3A_444 = arith.divf %add3A_440, %max3A_443 : vector<16xf32>
        %mul3A_445 = arith.mulf %div3A_444, %get3A_374 : vector<16xf32>
        %sub3A_446 = arith.subf %get3A_390, %mul3A_445 : vector<16xf32>
        %add3A_447 = arith.addf %add3A_359, %sub3A_446 : vector<16xf32>
        %mul3A_448 = arith.mulf %div3A_444, %get3A_378 : vector<16xf32>
        %sub3A_449 = arith.subf %get3A_394, %mul3A_448 : vector<16xf32>
        %add3A_450 = arith.addf %add3A_362, %sub3A_449 : vector<16xf32>
        %mul3A_451 = arith.mulf %div3A_444, %get3A_382 : vector<16xf32>
        %sub3A_452 = arith.subf %get3A_398, %mul3A_451 : vector<16xf32>
        %add3A_453 = arith.addf %add3A_365, %sub3A_452 : vector<16xf32>
        %mul3A_454 = arith.mulf %div3A_444, %get3A_386 : vector<16xf32>
        %sub3A_455 = arith.subf %get3A_402, %mul3A_454 : vector<16xf32>
        %add3A_456 = arith.addf %add3A_368, %sub3A_455 : vector<16xf32>
        %add3A_457 = arith.constant 2 : i32
        %add3A_458 = arith.addi %mul3A_284, %add3A_457 : i32
        %get3A_459 = arith.index_cast %add3A_458 : i32 to index
        %get3A_460 = arith.constant 0 : index
        %get3A_461 = tpu.vector_load %arg8[%get3A_459, %get3A_460] {strides = array<i32>} : memref<200x128xf32, #tpu.memory_space<vmem>>, vector<1x16xf32>,
        %get3A_462 = vector.shape_cast %get3A_461 : vector<1x16xf32> to vector<16xf32>
        %get3A_463 = arith.index_cast %add3A_458 : i32 to index
        %get3A_464 = arith.constant 16 : index
        %get3A_465 = tpu.vector_load %arg8[%get3A_463, %get3A_464] {strides = array<i32>} : memref<200x128xf32, #tpu.memory_space<vmem>>, vector<1x16xf32>,
        %get3A_466 = vector.shape_cast %get3A_465 : vector<1x16xf32> to vector<16xf32>
        %get3A_467 = arith.index_cast %add3A_458 : i32 to index
        %get3A_468 = arith.constant 32 : index
        %get3A_469 = tpu.vector_load %arg8[%get3A_467, %get3A_468] {strides = array<i32>} : memref<200x128xf32, #tpu.memory_space<vmem>>, vector<1x16xf32>,
        %get3A_470 = vector.shape_cast %get3A_469 : vector<1x16xf32> to vector<16xf32>
        %get3A_471 = arith.index_cast %add3A_458 : i32 to index
        %get3A_472 = arith.constant 48 : index
        %get3A_473 = tpu.vector_load %arg8[%get3A_471, %get3A_472] {strides = array<i32>} : memref<200x128xf32, #tpu.memory_space<vmem>>, vector<1x16xf32>,
        %get3A_474 = vector.shape_cast %get3A_473 : vector<1x16xf32> to vector<16xf32>
        %get3A_475 = arith.index_cast %add3A_458 : i32 to index
        %get3A_476 = arith.constant 0 : index
        %get3A_477 = tpu.vector_load %arg10[%get3A_475, %get3A_476] {strides = array<i32>} : memref<200x64xf32, #tpu.memory_space<vmem>>, vector<1x16xf32>,
        %get3A_478 = vector.shape_cast %get3A_477 : vector<1x16xf32> to vector<16xf32>
        %get3A_479 = arith.index_cast %add3A_458 : i32 to index
        %get3A_480 = arith.constant 16 : index
        %get3A_481 = tpu.vector_load %arg10[%get3A_479, %get3A_480] {strides = array<i32>} : memref<200x64xf32, #tpu.memory_space<vmem>>, vector<1x16xf32>,
        %get3A_482 = vector.shape_cast %get3A_481 : vector<1x16xf32> to vector<16xf32>
        %get3A_483 = arith.index_cast %add3A_458 : i32 to index
        %get3A_484 = arith.constant 32 : index
        %get3A_485 = tpu.vector_load %arg10[%get3A_483, %get3A_484] {strides = array<i32>} : memref<200x64xf32, #tpu.memory_space<vmem>>, vector<1x16xf32>,
        %get3A_486 = vector.shape_cast %get3A_485 : vector<1x16xf32> to vector<16xf32>
        %get3A_487 = arith.index_cast %add3A_458 : i32 to index
        %get3A_488 = arith.constant 48 : index
        %get3A_489 = tpu.vector_load %arg10[%get3A_487, %get3A_488] {strides = array<i32>} : memref<200x64xf32, #tpu.memory_space<vmem>>, vector<1x16xf32>,
        %get3A_490 = vector.shape_cast %get3A_489 : vector<1x16xf32> to vector<16xf32>
        %mul3A_491 = arith.mulf %get3A_462, %get3A_462 : vector<16xf32>
        %mul3A_492 = arith.mulf %get3A_466, %get3A_466 : vector<16xf32>
        %add3A_493 = arith.addf %mul3A_491, %mul3A_492 : vector<16xf32>
        %mul3A_494 = arith.mulf %get3A_470, %get3A_470 : vector<16xf32>
        %add3A_495 = arith.addf %add3A_493, %mul3A_494 : vector<16xf32>
        %mul3A_496 = arith.mulf %get3A_474, %get3A_474 : vector<16xf32>
        %add3A_497 = arith.addf %add3A_495, %mul3A_496 : vector<16xf32>
        %mul3A_498 = arith.mulf %get3A_478, %get3A_462 : vector<16xf32>
        %mul3A_499 = arith.mulf %get3A_482, %get3A_466 : vector<16xf32>
        %add3A_500 = arith.addf %mul3A_498, %mul3A_499 : vector<16xf32>
        %mul3A_501 = arith.mulf %get3A_486, %get3A_470 : vector<16xf32>
        %add3A_502 = arith.addf %add3A_500, %mul3A_501 : vector<16xf32>
        %mul3A_503 = arith.mulf %get3A_490, %get3A_474 : vector<16xf32>
        %add3A_504 = arith.addf %add3A_502, %mul3A_503 : vector<16xf32>
        %gather3A_505 = vector.shape_cast %broadcast_in_dim3A : vector<16x1xi32> to vector<16xi32>
        %gather3A_506 = tpu.dynamic_gather %add3A_497[%gather3A_505] in [0] : vector<16xf32>, vector<16xi32> -> vector<16xf32>
        %add3A_507 = arith.addf %add3A_497, %gather3A_506 : vector<16xf32>
        %gather3A_508 = vector.shape_cast %broadcast_in_dim3A_8 : vector<16x1xi32> to vector<16xi32>
        %gather3A_509 = tpu.dynamic_gather %add3A_507[%gather3A_508] in [0] : vector<16xf32>, vector<16xi32> -> vector<16xf32>
        %add3A_510 = arith.addf %add3A_507, %gather3A_509 : vector<16xf32>
        %gather3A_511 = vector.shape_cast %broadcast_in_dim3A_12 : vector<16x1xi32> to vector<16xi32>
        %gather3A_512 = tpu.dynamic_gather %add3A_510[%gather3A_511] in [0] : vector<16xf32>, vector<16xi32> -> vector<16xf32>
        %add3A_513 = arith.addf %add3A_510, %gather3A_512 : vector<16xf32>
        %gather3A_514 = vector.shape_cast %broadcast_in_dim3A_16 : vector<16x1xi32> to vector<16xi32>
        %gather3A_515 = tpu.dynamic_gather %add3A_513[%gather3A_514] in [0] : vector<16xf32>, vector<16xi32> -> vector<16xf32>
        %add3A_516 = arith.addf %add3A_513, %gather3A_515 : vector<16xf32>
        %gather3A_517 = vector.shape_cast %broadcast_in_dim3A : vector<16x1xi32> to vector<16xi32>
        %gather3A_518 = tpu.dynamic_gather %add3A_504[%gather3A_517] in [0] : vector<16xf32>, vector<16xi32> -> vector<16xf32>
        %add3A_519 = arith.addf %add3A_504, %gather3A_518 : vector<16xf32>
        %gather3A_520 = vector.shape_cast %broadcast_in_dim3A_8 : vector<16x1xi32> to vector<16xi32>
        %gather3A_521 = tpu.dynamic_gather %add3A_519[%gather3A_520] in [0] : vector<16xf32>, vector<16xi32> -> vector<16xf32>
        %add3A_522 = arith.addf %add3A_519, %gather3A_521 : vector<16xf32>
        %gather3A_523 = vector.shape_cast %broadcast_in_dim3A_12 : vector<16x1xi32> to vector<16xi32>
        %gather3A_524 = tpu.dynamic_gather %add3A_522[%gather3A_523] in [0] : vector<16xf32>, vector<16xi32> -> vector<16xf32>
        %add3A_525 = arith.addf %add3A_522, %gather3A_524 : vector<16xf32>
        %gather3A_526 = vector.shape_cast %broadcast_in_dim3A_16 : vector<16x1xi32> to vector<16xi32>
        %gather3A_527 = tpu.dynamic_gather %add3A_525[%gather3A_526] in [0] : vector<16xf32>, vector<16xi32> -> vector<16xf32>
        %add3A_528 = arith.addf %add3A_525, %gather3A_527 : vector<16xf32>
        %max3A_529 = arith.constant 1.000000e-24 : f32
        %max3A_530 = vector.broadcast %max3A_529 : f32 to vector<16xf32>
        %max3A_531 = arith.maximumf %add3A_516, %max3A_530 : vector<16xf32>
        %div3A_532 = arith.divf %add3A_528, %max3A_531 : vector<16xf32>
        %mul3A_533 = arith.mulf %div3A_532, %get3A_462 : vector<16xf32>
        %sub3A_534 = arith.subf %get3A_478, %mul3A_533 : vector<16xf32>
        %add3A_535 = arith.addf %add3A_447, %sub3A_534 : vector<16xf32>
        %mul3A_536 = arith.mulf %div3A_532, %get3A_466 : vector<16xf32>
        %sub3A_537 = arith.subf %get3A_482, %mul3A_536 : vector<16xf32>
        %add3A_538 = arith.addf %add3A_450, %sub3A_537 : vector<16xf32>
        %mul3A_539 = arith.mulf %div3A_532, %get3A_470 : vector<16xf32>
        %sub3A_540 = arith.subf %get3A_486, %mul3A_539 : vector<16xf32>
        %add3A_541 = arith.addf %add3A_453, %sub3A_540 : vector<16xf32>
        %mul3A_542 = arith.mulf %div3A_532, %get3A_474 : vector<16xf32>
        %sub3A_543 = arith.subf %get3A_490, %mul3A_542 : vector<16xf32>
        %add3A_544 = arith.addf %add3A_456, %sub3A_543 : vector<16xf32>
        %add3A_545 = arith.constant 3 : i32
        %add3A_546 = arith.addi %mul3A_284, %add3A_545 : i32
        %get3A_547 = arith.index_cast %add3A_546 : i32 to index
        %get3A_548 = arith.constant 0 : index
        %get3A_549 = tpu.vector_load %arg8[%get3A_547, %get3A_548] {strides = array<i32>} : memref<200x128xf32, #tpu.memory_space<vmem>>, vector<1x16xf32>,
        %get3A_550 = vector.shape_cast %get3A_549 : vector<1x16xf32> to vector<16xf32>
        %get3A_551 = arith.index_cast %add3A_546 : i32 to index
        %get3A_552 = arith.constant 16 : index
        %get3A_553 = tpu.vector_load %arg8[%get3A_551, %get3A_552] {strides = array<i32>} : memref<200x128xf32, #tpu.memory_space<vmem>>, vector<1x16xf32>,
        %get3A_554 = vector.shape_cast %get3A_553 : vector<1x16xf32> to vector<16xf32>
        %get3A_555 = arith.index_cast %add3A_546 : i32 to index
        %get3A_556 = arith.constant 32 : index
        %get3A_557 = tpu.vector_load %arg8[%get3A_555, %get3A_556] {strides = array<i32>} : memref<200x128xf32, #tpu.memory_space<vmem>>, vector<1x16xf32>,
        %get3A_558 = vector.shape_cast %get3A_557 : vector<1x16xf32> to vector<16xf32>
        %get3A_559 = arith.index_cast %add3A_546 : i32 to index
        %get3A_560 = arith.constant 48 : index
        %get3A_561 = tpu.vector_load %arg8[%get3A_559, %get3A_560] {strides = array<i32>} : memref<200x128xf32, #tpu.memory_space<vmem>>, vector<1x16xf32>,
        %get3A_562 = vector.shape_cast %get3A_561 : vector<1x16xf32> to vector<16xf32>
        %get3A_563 = arith.index_cast %add3A_546 : i32 to index
        %get3A_564 = arith.constant 0 : index
        %get3A_565 = tpu.vector_load %arg10[%get3A_563, %get3A_564] {strides = array<i32>} : memref<200x64xf32, #tpu.memory_space<vmem>>, vector<1x16xf32>,
        %get3A_566 = vector.shape_cast %get3A_565 : vector<1x16xf32> to vector<16xf32>
        %get3A_567 = arith.index_cast %add3A_546 : i32 to index
        %get3A_568 = arith.constant 16 : index
        %get3A_569 = tpu.vector_load %arg10[%get3A_567, %get3A_568] {strides = array<i32>} : memref<200x64xf32, #tpu.memory_space<vmem>>, vector<1x16xf32>,
        %get3A_570 = vector.shape_cast %get3A_569 : vector<1x16xf32> to vector<16xf32>
        %get3A_571 = arith.index_cast %add3A_546 : i32 to index
        %get3A_572 = arith.constant 32 : index
        %get3A_573 = tpu.vector_load %arg10[%get3A_571, %get3A_572] {strides = array<i32>} : memref<200x64xf32, #tpu.memory_space<vmem>>, vector<1x16xf32>,
        %get3A_574 = vector.shape_cast %get3A_573 : vector<1x16xf32> to vector<16xf32>
        %get3A_575 = arith.index_cast %add3A_546 : i32 to index
        %get3A_576 = arith.constant 48 : index
        %get3A_577 = tpu.vector_load %arg10[%get3A_575, %get3A_576] {strides = array<i32>} : memref<200x64xf32, #tpu.memory_space<vmem>>, vector<1x16xf32>,
        %get3A_578 = vector.shape_cast %get3A_577 : vector<1x16xf32> to vector<16xf32>
        %mul3A_579 = arith.mulf %get3A_550, %get3A_550 : vector<16xf32>
        %mul3A_580 = arith.mulf %get3A_554, %get3A_554 : vector<16xf32>
        %add3A_581 = arith.addf %mul3A_579, %mul3A_580 : vector<16xf32>
        %mul3A_582 = arith.mulf %get3A_558, %get3A_558 : vector<16xf32>
        %add3A_583 = arith.addf %add3A_581, %mul3A_582 : vector<16xf32>
        %mul3A_584 = arith.mulf %get3A_562, %get3A_562 : vector<16xf32>
        %add3A_585 = arith.addf %add3A_583, %mul3A_584 : vector<16xf32>
        %mul3A_586 = arith.mulf %get3A_566, %get3A_550 : vector<16xf32>
        %mul3A_587 = arith.mulf %get3A_570, %get3A_554 : vector<16xf32>
        %add3A_588 = arith.addf %mul3A_586, %mul3A_587 : vector<16xf32>
        %mul3A_589 = arith.mulf %get3A_574, %get3A_558 : vector<16xf32>
        %add3A_590 = arith.addf %add3A_588, %mul3A_589 : vector<16xf32>
        %mul3A_591 = arith.mulf %get3A_578, %get3A_562 : vector<16xf32>
        %add3A_592 = arith.addf %add3A_590, %mul3A_591 : vector<16xf32>
        %gather3A_593 = vector.shape_cast %broadcast_in_dim3A : vector<16x1xi32> to vector<16xi32>
        %gather3A_594 = tpu.dynamic_gather %add3A_585[%gather3A_593] in [0] : vector<16xf32>, vector<16xi32> -> vector<16xf32>
        %add3A_595 = arith.addf %add3A_585, %gather3A_594 : vector<16xf32>
        %gather3A_596 = vector.shape_cast %broadcast_in_dim3A_8 : vector<16x1xi32> to vector<16xi32>
        %gather3A_597 = tpu.dynamic_gather %add3A_595[%gather3A_596] in [0] : vector<16xf32>, vector<16xi32> -> vector<16xf32>
        %add3A_598 = arith.addf %add3A_595, %gather3A_597 : vector<16xf32>
        %gather3A_599 = vector.shape_cast %broadcast_in_dim3A_12 : vector<16x1xi32> to vector<16xi32>
        %gather3A_600 = tpu.dynamic_gather %add3A_598[%gather3A_599] in [0] : vector<16xf32>, vector<16xi32> -> vector<16xf32>
        %add3A_601 = arith.addf %add3A_598, %gather3A_600 : vector<16xf32>
        %gather3A_602 = vector.shape_cast %broadcast_in_dim3A_16 : vector<16x1xi32> to vector<16xi32>
        %gather3A_603 = tpu.dynamic_gather %add3A_601[%gather3A_602] in [0] : vector<16xf32>, vector<16xi32> -> vector<16xf32>
        %add3A_604 = arith.addf %add3A_601, %gather3A_603 : vector<16xf32>
        %gather3A_605 = vector.shape_cast %broadcast_in_dim3A : vector<16x1xi32> to vector<16xi32>
        %gather3A_606 = tpu.dynamic_gather %add3A_592[%gather3A_605] in [0] : vector<16xf32>, vector<16xi32> -> vector<16xf32>
        %add3A_607 = arith.addf %add3A_592, %gather3A_606 : vector<16xf32>
        %gather3A_608 = vector.shape_cast %broadcast_in_dim3A_8 : vector<16x1xi32> to vector<16xi32>
        %gather3A_609 = tpu.dynamic_gather %add3A_607[%gather3A_608] in [0] : vector<16xf32>, vector<16xi32> -> vector<16xf32>
        %add3A_610 = arith.addf %add3A_607, %gather3A_609 : vector<16xf32>
        %gather3A_611 = vector.shape_cast %broadcast_in_dim3A_12 : vector<16x1xi32> to vector<16xi32>
        %gather3A_612 = tpu.dynamic_gather %add3A_610[%gather3A_611] in [0] : vector<16xf32>, vector<16xi32> -> vector<16xf32>
        %add3A_613 = arith.addf %add3A_610, %gather3A_612 : vector<16xf32>
        %gather3A_614 = vector.shape_cast %broadcast_in_dim3A_16 : vector<16x1xi32> to vector<16xi32>
        %gather3A_615 = tpu.dynamic_gather %add3A_613[%gather3A_614] in [0] : vector<16xf32>, vector<16xi32> -> vector<16xf32>
        %add3A_616 = arith.addf %add3A_613, %gather3A_615 : vector<16xf32>
        %max3A_617 = arith.constant 1.000000e-24 : f32
        %max3A_618 = vector.broadcast %max3A_617 : f32 to vector<16xf32>
        %max3A_619 = arith.maximumf %add3A_604, %max3A_618 : vector<16xf32>
        %div3A_620 = arith.divf %add3A_616, %max3A_619 : vector<16xf32>
        %mul3A_621 = arith.mulf %div3A_620, %get3A_550 : vector<16xf32>
        %sub3A_622 = arith.subf %get3A_566, %mul3A_621 : vector<16xf32>
        %add3A_623 = arith.addf %add3A_535, %sub3A_622 : vector<16xf32>
        %mul3A_624 = arith.mulf %div3A_620, %get3A_554 : vector<16xf32>
        %sub3A_625 = arith.subf %get3A_570, %mul3A_624 : vector<16xf32>
        %add3A_626 = arith.addf %add3A_538, %sub3A_625 : vector<16xf32>
        %mul3A_627 = arith.mulf %div3A_620, %get3A_558 : vector<16xf32>
        %sub3A_628 = arith.subf %get3A_574, %mul3A_627 : vector<16xf32>
        %add3A_629 = arith.addf %add3A_541, %sub3A_628 : vector<16xf32>
        %mul3A_630 = arith.mulf %div3A_620, %get3A_562 : vector<16xf32>
        %sub3A_631 = arith.subf %get3A_578, %mul3A_630 : vector<16xf32>
        %add3A_632 = arith.addf %add3A_544, %sub3A_631 : vector<16xf32>
        scf.yield %add3A_623, %add3A_626, %add3A_629, %add3A_632 : vector<16xf32>, vector<16xf32>, vector<16xf32>, vector<16xf32>
      }
      %scan3A_241 = arith.constant 50 : i32
      %mul3A_242 = arith.constant 64 : i32
      %mul3A_243 = arith.muli %add3A_233, %mul3A_242 : i32
      %div3A_244 = arith.constant 2.000000e+02 : f32
      %div3A_245 = vector.broadcast %div3A_244 : f32 to vector<16xf32>
      %div3A_246 = arith.divf %scan3A_240#0, %div3A_245 : vector<16xf32>
      %swap3A_247 = arith.index_cast %mul3A_243 : i32 to index
      %swap3A_248 = tpu.vector_load %arg11[%swap3A_247] {strides = array<i32>} : memref<8192xf32, #tpu.memory_space<vmem>>, vector<16xf32>,
      %swap3A_249 = vector.shape_cast %swap3A_248 : vector<16xf32> to vector<16xf32>
      %swap3A_250 = vector.shape_cast %div3A_246 : vector<16xf32> to vector<16xf32>
      tpu.vector_store %arg11[%swap3A_247], %swap3A_250 {strides = array<i32>} : memref<8192xf32, #tpu.memory_space<vmem>>, vector<16xf32>,
      %div3A_251 = arith.constant 2.000000e+02 : f32
      %div3A_252 = vector.broadcast %div3A_251 : f32 to vector<16xf32>
      %div3A_253 = arith.divf %scan3A_240#1, %div3A_252 : vector<16xf32>
      %add3A_254 = arith.constant 16 : i32
      %add3A_255 = arith.addi %mul3A_243, %add3A_254 : i32
      %swap3A_256 = arith.index_cast %add3A_255 : i32 to index
      %swap3A_257 = tpu.vector_load %arg11[%swap3A_256] {strides = array<i32>} : memref<8192xf32, #tpu.memory_space<vmem>>, vector<16xf32>,
      %swap3A_258 = vector.shape_cast %swap3A_257 : vector<16xf32> to vector<16xf32>
      %swap3A_259 = vector.shape_cast %div3A_253 : vector<16xf32> to vector<16xf32>
      tpu.vector_store %arg11[%swap3A_256], %swap3A_259 {strides = array<i32>} : memref<8192xf32, #tpu.memory_space<vmem>>, vector<16xf32>,
      %div3A_260 = arith.constant 2.000000e+02 : f32
      %div3A_261 = vector.broadcast %div3A_260 : f32 to vector<16xf32>
      %div3A_262 = arith.divf %scan3A_240#2, %div3A_261 : vector<16xf32>
      %add3A_263 = arith.constant 32 : i32
      %add3A_264 = arith.addi %mul3A_243, %add3A_263 : i32
      %swap3A_265 = arith.index_cast %add3A_264 : i32 to index
      %swap3A_266 = tpu.vector_load %arg11[%swap3A_265] {strides = array<i32>} : memref<8192xf32, #tpu.memory_space<vmem>>, vector<16xf32>,
      %swap3A_267 = vector.shape_cast %swap3A_266 : vector<16xf32> to vector<16xf32>
      %swap3A_268 = vector.shape_cast %div3A_262 : vector<16xf32> to vector<16xf32>
      tpu.vector_store %arg11[%swap3A_265], %swap3A_268 {strides = array<i32>} : memref<8192xf32, #tpu.memory_space<vmem>>, vector<16xf32>,
      %div3A_269 = arith.constant 2.000000e+02 : f32
      %div3A_270 = vector.broadcast %div3A_269 : f32 to vector<16xf32>
      %div3A_271 = arith.divf %scan3A_240#3, %div3A_270 : vector<16xf32>
      %add3A_272 = arith.constant 48 : i32
      %add3A_273 = arith.addi %mul3A_243, %add3A_272 : i32
      %swap3A_274 = arith.index_cast %add3A_273 : i32 to index
      %swap3A_275 = tpu.vector_load %arg11[%swap3A_274] {strides = array<i32>} : memref<8192xf32, #tpu.memory_space<vmem>>, vector<16xf32>,
      %swap3A_276 = vector.shape_cast %swap3A_275 : vector<16xf32> to vector<16xf32>
      %swap3A_277 = vector.shape_cast %div3A_271 : vector<16xf32> to vector<16xf32>
      tpu.vector_store %arg11[%swap3A_274], %swap3A_277 {strides = array<i32>} : memref<8192xf32, #tpu.memory_space<vmem>>, vector<16xf32>,
    }
    %scan3A_50 = arith.constant 32 : i32
    %add3A_51 = arith.constant 64 : i32
    %add3A_52 = arith.addi %mul3A_2, %add3A_51 : i32
    %mul3A_53 = arith.constant 200 : i32
    %mul3A_54 = arith.muli %add3A_52, %mul3A_53 : i32
    "tpu.region"() ({
      %run_scoped3A = tpu.sem_alloc : memref<!tpu.dma_semaphore, #tpu.memory_space<semaphore_mem>>
      %dma_start3A_89 = tpu.memref_slice %arg2[%mul3A_54] : memref<819200xi32, #tpu.memory_space<hbm>> -> memref<12800xi32, #tpu.memory_space<hbm>>
      %dma_start3A_90 = tpu.memref_slice %arg2[%mul3A_54] : memref<819200xi32, #tpu.memory_space<hbm>> -> memref<12800xi32, #tpu.memory_space<hbm>>
      tpu.enqueue_dma source(%dma_start3A_90 : memref<12800xi32, #tpu.memory_space<hbm>>) target(%arg6 : memref<12800xi32, #tpu.memory_space<vmem>>) target_semaphore(%run_scoped3A : memref<!tpu.dma_semaphore, #tpu.memory_space<semaphore_mem>>)
      %dma_wait3A = tpu.memref_slice %arg2[%mul3A_54] : memref<819200xi32, #tpu.memory_space<hbm>> -> memref<12800xi32, #tpu.memory_space<hbm>>
      %dma_wait3A_91 = tpu.memref_slice %arg2[%mul3A_54] : memref<819200xi32, #tpu.memory_space<hbm>> -> memref<12800xi32, #tpu.memory_space<hbm>>
      tpu.wait_dma2 semaphore(%run_scoped3A : memref<!tpu.dma_semaphore, #tpu.memory_space<semaphore_mem>>) src(%dma_wait3A_91 : memref<12800xi32, #tpu.memory_space<hbm>>) dst(%arg6 : memref<12800xi32, #tpu.memory_space<vmem>>)
      tpu.yield
    }) : () -> ()
    %dma_start3A_55 = arith.constant 0 : i32
    %dma_start3A_56 = arith.constant 0 : i32
    %dma_start3A_57 = tpu.memref_slice %arg7[%dma_start3A_55, %dma_start3A_56] : memref<200x128xf32, #tpu.memory_space<vmem>> -> memref<104x128xf32, #tpu.memory_space<vmem>>
    %dma_start3A_58 = arith.constant 0 : i32
    %dma_start3A_59 = tpu.memref_slice %arg6[%dma_start3A_58] : memref<12800xi32, #tpu.memory_space<vmem>> -> memref<104xi32, #tpu.memory_space<vmem>>
    %dma_start3A_60 = arith.constant 0 : i32
    %dma_start3A_61 = arith.constant 0 : i32
    %dma_start3A_62 = tpu.memref_slice %arg4[%dma_start3A_60, %dma_start3A_61] : memref<200064x128xf32, #tpu.memory_space<hbm>> -> memref<200064x128xf32, #tpu.memory_space<hbm>>
    tpu.enqueue_indirect_dma source(%dma_start3A_62 : memref<200064x128xf32, #tpu.memory_space<hbm>>) target(%dma_start3A_57 : memref<104x128xf32, #tpu.memory_space<vmem>>) offsets(%dma_start3A_59 : memref<104xi32, #tpu.memory_space<vmem>>) semaphore(%arg12 : memref<!tpu.dma_semaphore, #tpu.memory_space<semaphore_mem>>)
    %dma_start3A_63 = arith.constant 104 : i32
    %dma_start3A_64 = arith.constant 0 : i32
    %dma_start3A_65 = tpu.memref_slice %arg7[%dma_start3A_63, %dma_start3A_64] : memref<200x128xf32, #tpu.memory_space<vmem>> -> memref<96x128xf32, #tpu.memory_space<vmem>>
    %dma_start3A_66 = arith.constant 104 : i32
    %dma_start3A_67 = tpu.memref_slice %arg6[%dma_start3A_66] : memref<12800xi32, #tpu.memory_space<vmem>> -> memref<96xi32, #tpu.memory_space<vmem>>
    %dma_start3A_68 = arith.constant 0 : i32
    %dma_start3A_69 = arith.constant 0 : i32
    %dma_start3A_70 = tpu.memref_slice %arg4[%dma_start3A_68, %dma_start3A_69] : memref<200064x128xf32, #tpu.memory_space<hbm>> -> memref<200064x128xf32, #tpu.memory_space<hbm>>
    tpu.enqueue_indirect_dma source(%dma_start3A_70 : memref<200064x128xf32, #tpu.memory_space<hbm>>) target(%dma_start3A_65 : memref<96x128xf32, #tpu.memory_space<vmem>>) offsets(%dma_start3A_67 : memref<96xi32, #tpu.memory_space<vmem>>) semaphore(%arg12 : memref<!tpu.dma_semaphore, #tpu.memory_space<semaphore_mem>>)
    %add3A_71 = arith.constant 64 : i32
    %add3A_72 = arith.addi %mul3A_2, %add3A_71 : i32
    %dma_start3A_73 = arith.constant 0 : i32
    %dma_start3A_74 = arith.constant 0 : i32
    %dma_start3A_75 = tpu.memref_slice %arg3[%add3A_72, %dma_start3A_73, %dma_start3A_74] : memref<4096x200x64xf32, #tpu.memory_space<hbm>> -> memref<1x200x64xf32, #tpu.memory_space<hbm>>
    %dma_start3A_76 = tpu.memref_squeeze %dma_start3A_75 : memref<1x200x64xf32, #tpu.memory_space<hbm>> -> memref<200x64xf32, #tpu.memory_space<hbm>>
    %dma_start3A_77 = arith.constant 0 : i32
    %dma_start3A_78 = arith.constant 0 : i32
    %dma_start3A_79 = tpu.memref_slice %arg3[%add3A_72, %dma_start3A_77, %dma_start3A_78] : memref<4096x200x64xf32, #tpu.memory_space<hbm>> -> memref<1x200x64xf32, #tpu.memory_space<hbm>>
    %dma_start3A_80 = tpu.memref_squeeze %dma_start3A_79 : memref<1x200x64xf32, #tpu.memory_space<hbm>> -> memref<200x64xf32, #tpu.memory_space<hbm>>
    tpu.enqueue_dma source(%dma_start3A_80 : memref<200x64xf32, #tpu.memory_space<hbm>>) target(%arg9 : memref<200x64xf32, #tpu.memory_space<vmem>>) target_semaphore(%arg12 : memref<!tpu.dma_semaphore, #tpu.memory_space<semaphore_mem>>)
    %scan3A_81 = arith.constant 0 : i32
    %scan3A_82 = arith.constant 0 : i32
    %scan3A_83 = arith.constant 32 : i32
    %scan3A_84 = arith.addi %scan3A_82, %scan3A_83 : i32
    %scan3A_85 = arith.constant 1 : i32
    scf.for %scan3A_89 = %scan3A_82 to %scan3A_84 step %scan3A_85  : i32 {
      %mul3A_90 = arith.constant 2 : i32
      %mul3A_91 = arith.muli %mul3A_90, %scan3A_89 : i32
      %add3A_92 = arith.constant 64 : i32
      %add3A_93 = arith.addi %add3A_92, %mul3A_91 : i32
      %add3A_94 = arith.constant 1 : i32
      %add3A_95 = arith.addi %mul3A_91, %add3A_94 : i32
      %add3A_96 = arith.constant 1 : i32
      %add3A_97 = arith.addi %add3A_93, %add3A_96 : i32
      %mul3A_98 = arith.constant 200 : i32
      %mul3A_99 = arith.muli %add3A_95, %mul3A_98 : i32
      %dma_start3A_100 = arith.constant 0 : i32
      %dma_start3A_101 = arith.constant 0 : i32
      %dma_start3A_102 = tpu.memref_slice %arg8[%dma_start3A_100, %dma_start3A_101] : memref<200x128xf32, #tpu.memory_space<vmem>> -> memref<104x128xf32, #tpu.memory_space<vmem>>
      %dma_start3A_103 = tpu.memref_slice %arg6[%mul3A_99] : memref<12800xi32, #tpu.memory_space<vmem>> -> memref<104xi32, #tpu.memory_space<vmem>>
      %dma_start3A_104 = arith.constant 0 : i32
      %dma_start3A_105 = arith.constant 0 : i32
      %dma_start3A_106 = tpu.memref_slice %arg4[%dma_start3A_104, %dma_start3A_105] : memref<200064x128xf32, #tpu.memory_space<hbm>> -> memref<200064x128xf32, #tpu.memory_space<hbm>>
      tpu.enqueue_indirect_dma source(%dma_start3A_106 : memref<200064x128xf32, #tpu.memory_space<hbm>>) target(%dma_start3A_102 : memref<104x128xf32, #tpu.memory_space<vmem>>) offsets(%dma_start3A_103 : memref<104xi32, #tpu.memory_space<vmem>>) semaphore(%arg13 : memref<!tpu.dma_semaphore, #tpu.memory_space<semaphore_mem>>)
      %mul3A_107 = arith.constant 200 : i32
      %mul3A_108 = arith.muli %add3A_95, %mul3A_107 : i32
      %add3A_109 = arith.constant 104 : i32
      %add3A_110 = arith.addi %mul3A_108, %add3A_109 : i32
      %dma_start3A_111 = arith.constant 104 : i32
      %dma_start3A_112 = arith.constant 0 : i32
      %dma_start3A_113 = tpu.memref_slice %arg8[%dma_start3A_111, %dma_start3A_112] : memref<200x128xf32, #tpu.memory_space<vmem>> -> memref<96x128xf32, #tpu.memory_space<vmem>>
      %dma_start3A_114 = tpu.memref_slice %arg6[%add3A_110] : memref<12800xi32, #tpu.memory_space<vmem>> -> memref<96xi32, #tpu.memory_space<vmem>>
      %dma_start3A_115 = arith.constant 0 : i32
      %dma_start3A_116 = arith.constant 0 : i32
      %dma_start3A_117 = tpu.memref_slice %arg4[%dma_start3A_115, %dma_start3A_116] : memref<200064x128xf32, #tpu.memory_space<hbm>> -> memref<200064x128xf32, #tpu.memory_space<hbm>>
      tpu.enqueue_indirect_dma source(%dma_start3A_117 : memref<200064x128xf32, #tpu.memory_space<hbm>>) target(%dma_start3A_113 : memref<96x128xf32, #tpu.memory_space<vmem>>) offsets(%dma_start3A_114 : memref<96xi32, #tpu.memory_space<vmem>>) semaphore(%arg13 : memref<!tpu.dma_semaphore, #tpu.memory_space<semaphore_mem>>)
      %add3A_118 = arith.addi %mul3A_2, %add3A_97 : i32
      %dma_start3A_119 = arith.constant 0 : i32
      %dma_start3A_120 = arith.constant 0 : i32
      %dma_start3A_121 = tpu.memref_slice %arg3[%add3A_118, %dma_start3A_119, %dma_start3A_120] : memref<4096x200x64xf32, #tpu.memory_space<hbm>> -> memref<1x200x64xf32, #tpu.memory_space<hbm>>
      %dma_start3A_122 = tpu.memref_squeeze %dma_start3A_121 : memref<1x200x64xf32, #tpu.memory_space<hbm>> -> memref<200x64xf32, #tpu.memory_space<hbm>>
      %dma_start3A_123 = arith.constant 0 : i32
      %dma_start3A_124 = arith.constant 0 : i32
      %dma_start3A_125 = tpu.memref_slice %arg3[%add3A_118, %dma_start3A_123, %dma_start3A_124] : memref<4096x200x64xf32, #tpu.memory_space<hbm>> -> memref<1x200x64xf32, #tpu.memory_space<hbm>>
      %dma_start3A_126 = tpu.memref_squeeze %dma_start3A_125 : memref<1x200x64xf32, #tpu.memory_space<hbm>> -> memref<200x64xf32, #tpu.memory_space<hbm>>
      tpu.enqueue_dma source(%dma_start3A_126 : memref<200x64xf32, #tpu.memory_space<hbm>>) target(%arg10 : memref<200x64xf32, #tpu.memory_space<vmem>>) target_semaphore(%arg13 : memref<!tpu.dma_semaphore, #tpu.memory_space<semaphore_mem>>)
      %mul3A_127 = arith.constant 200 : i32
      %mul3A_128 = arith.muli %mul3A_91, %mul3A_127 : i32
      %dma_wait3A = arith.constant 0 : i32
      %dma_wait3A_129 = arith.constant 0 : i32
      %dma_wait3A_130 = tpu.memref_slice %arg7[%dma_wait3A, %dma_wait3A_129] : memref<200x128xf32, #tpu.memory_space<vmem>> -> memref<104x128xf32, #tpu.memory_space<vmem>>
      %dma_wait3A_131 = tpu.memref_slice %arg6[%mul3A_128] : memref<12800xi32, #tpu.memory_space<vmem>> -> memref<104xi32, #tpu.memory_space<vmem>>
      %dma_wait3A_132 = arith.constant 0 : i32
      %dma_wait3A_133 = arith.constant 0 : i32
      %dma_wait3A_134 = tpu.memref_slice %arg4[%dma_wait3A_132, %dma_wait3A_133] : memref<200064x128xf32, #tpu.memory_space<hbm>> -> memref<200064x128xf32, #tpu.memory_space<hbm>>
      tpu.wait_indirect_dma semaphore(%arg12 : memref<!tpu.dma_semaphore, #tpu.memory_space<semaphore_mem>>) src(%dma_wait3A_134 : memref<200064x128xf32, #tpu.memory_space<hbm>>) dst(%dma_wait3A_130 : memref<104x128xf32, #tpu.memory_space<vmem>>)
      %mul3A_135 = arith.constant 200 : i32
      %mul3A_136 = arith.muli %mul3A_91, %mul3A_135 : i32
      %add3A_137 = arith.constant 104 : i32
      %add3A_138 = arith.addi %mul3A_136, %add3A_137 : i32
      %dma_wait3A_139 = arith.constant 104 : i32
      %dma_wait3A_140 = arith.constant 0 : i32
      %dma_wait3A_141 = tpu.memref_slice %arg7[%dma_wait3A_139, %dma_wait3A_140] : memref<200x128xf32, #tpu.memory_space<vmem>> -> memref<96x128xf32, #tpu.memory_space<vmem>>
      %dma_wait3A_142 = tpu.memref_slice %arg6[%add3A_138] : memref<12800xi32, #tpu.memory_space<vmem>> -> memref<96xi32, #tpu.memory_space<vmem>>
      %dma_wait3A_143 = arith.constant 0 : i32
      %dma_wait3A_144 = arith.constant 0 : i32
      %dma_wait3A_145 = tpu.memref_slice %arg4[%dma_wait3A_143, %dma_wait3A_144] : memref<200064x128xf32, #tpu.memory_space<hbm>> -> memref<200064x128xf32, #tpu.memory_space<hbm>>
      tpu.wait_indirect_dma semaphore(%arg12 : memref<!tpu.dma_semaphore, #tpu.memory_space<semaphore_mem>>) src(%dma_wait3A_145 : memref<200064x128xf32, #tpu.memory_space<hbm>>) dst(%dma_wait3A_141 : memref<96x128xf32, #tpu.memory_space<vmem>>)
      %add3A_146 = arith.addi %mul3A_2, %add3A_93 : i32
      %dma_wait3A_147 = arith.constant 0 : i32
      %dma_wait3A_148 = arith.constant 0 : i32
      %dma_wait3A_149 = tpu.memref_slice %arg3[%add3A_146, %dma_wait3A_147, %dma_wait3A_148] : memref<4096x200x64xf32, #tpu.memory_space<hbm>> -> memref<1x200x64xf32, #tpu.memory_space<hbm>>
      %dma_wait3A_150 = tpu.memref_squeeze %dma_wait3A_149 : memref<1x200x64xf32, #tpu.memory_space<hbm>> -> memref<200x64xf32, #tpu.memory_space<hbm>>
      %dma_wait3A_151 = arith.constant 0 : i32
      %dma_wait3A_152 = arith.constant 0 : i32
      %dma_wait3A_153 = tpu.memref_slice %arg3[%add3A_146, %dma_wait3A_151, %dma_wait3A_152] : memref<4096x200x64xf32, #tpu.memory_space<hbm>> -> memref<1x200x64xf32, #tpu.memory_space<hbm>>
      %dma_wait3A_154 = tpu.memref_squeeze %dma_wait3A_153 : memref<1x200x64xf32, #tpu.memory_space<hbm>> -> memref<200x64xf32, #tpu.memory_space<hbm>>
      tpu.wait_dma2 semaphore(%arg12 : memref<!tpu.dma_semaphore, #tpu.memory_space<semaphore_mem>>) src(%dma_wait3A_154 : memref<200x64xf32, #tpu.memory_space<hbm>>) dst(%arg9 : memref<200x64xf32, #tpu.memory_space<vmem>>)
      %broadcast_in_dim3A_155 = arith.constant 0.000000e+00 : f32
      %broadcast_in_dim3A_156 = vector.broadcast %broadcast_in_dim3A_155 : f32 to vector<16xf32>
      %scan3A_157 = arith.constant 0 : i32
      %scan3A_158 = arith.constant 50 : i32
      %scan3A_159 = arith.addi %scan3A_157, %scan3A_158 : i32
      %scan3A_160 = arith.constant 1 : i32
      %scan3A_161:4 = scf.for %scan3A_278 = %scan3A_157 to %scan3A_159 step %scan3A_160 iter_args(%scan3A_279 = %broadcast_in_dim3A_156, %scan3A_280 = %broadcast_in_dim3A_156, %scan3A_281 = %broadcast_in_dim3A_156, %scan3A_282 = %broadcast_in_dim3A_156) -> (vector<16xf32>, vector<16xf32>, vector<16xf32>, vector<16xf32>)  : i32 {
        %mul3A_283 = arith.constant 4 : i32
        %mul3A_284 = arith.muli %scan3A_278, %mul3A_283 : i32
        %add3A_285 = arith.constant 0 : i32
        %add3A_286 = arith.addi %mul3A_284, %add3A_285 : i32
        %get3A = arith.index_cast %add3A_286 : i32 to index
        %get3A_287 = arith.constant 0 : index
        %get3A_288 = tpu.vector_load %arg7[%get3A, %get3A_287] {strides = array<i32>} : memref<200x128xf32, #tpu.memory_space<vmem>>, vector<1x16xf32>,
        %get3A_289 = vector.shape_cast %get3A_288 : vector<1x16xf32> to vector<16xf32>
        %get3A_290 = arith.index_cast %add3A_286 : i32 to index
        %get3A_291 = arith.constant 16 : index
        %get3A_292 = tpu.vector_load %arg7[%get3A_290, %get3A_291] {strides = array<i32>} : memref<200x128xf32, #tpu.memory_space<vmem>>, vector<1x16xf32>,
        %get3A_293 = vector.shape_cast %get3A_292 : vector<1x16xf32> to vector<16xf32>
        %get3A_294 = arith.index_cast %add3A_286 : i32 to index
        %get3A_295 = arith.constant 32 : index
        %get3A_296 = tpu.vector_load %arg7[%get3A_294, %get3A_295] {strides = array<i32>} : memref<200x128xf32, #tpu.memory_space<vmem>>, vector<1x16xf32>,
        %get3A_297 = vector.shape_cast %get3A_296 : vector<1x16xf32> to vector<16xf32>
        %get3A_298 = arith.index_cast %add3A_286 : i32 to index
        %get3A_299 = arith.constant 48 : index
        %get3A_300 = tpu.vector_load %arg7[%get3A_298, %get3A_299] {strides = array<i32>} : memref<200x128xf32, #tpu.memory_space<vmem>>, vector<1x16xf32>,
        %get3A_301 = vector.shape_cast %get3A_300 : vector<1x16xf32> to vector<16xf32>
        %get3A_302 = arith.index_cast %add3A_286 : i32 to index
        %get3A_303 = arith.constant 0 : index
        %get3A_304 = tpu.vector_load %arg9[%get3A_302, %get3A_303] {strides = array<i32>} : memref<200x64xf32, #tpu.memory_space<vmem>>, vector<1x16xf32>,
        %get3A_305 = vector.shape_cast %get3A_304 : vector<1x16xf32> to vector<16xf32>
        %get3A_306 = arith.index_cast %add3A_286 : i32 to index
        %get3A_307 = arith.constant 16 : index
        %get3A_308 = tpu.vector_load %arg9[%get3A_306, %get3A_307] {strides = array<i32>} : memref<200x64xf32, #tpu.memory_space<vmem>>, vector<1x16xf32>,
        %get3A_309 = vector.shape_cast %get3A_308 : vector<1x16xf32> to vector<16xf32>
        %get3A_310 = arith.index_cast %add3A_286 : i32 to index
        %get3A_311 = arith.constant 32 : index
        %get3A_312 = tpu.vector_load %arg9[%get3A_310, %get3A_311] {strides = array<i32>} : memref<200x64xf32, #tpu.memory_space<vmem>>, vector<1x16xf32>,
        %get3A_313 = vector.shape_cast %get3A_312 : vector<1x16xf32> to vector<16xf32>
        %get3A_314 = arith.index_cast %add3A_286 : i32 to index
        %get3A_315 = arith.constant 48 : index
        %get3A_316 = tpu.vector_load %arg9[%get3A_314, %get3A_315] {strides = array<i32>} : memref<200x64xf32, #tpu.memory_space<vmem>>, vector<1x16xf32>,
        %get3A_317 = vector.shape_cast %get3A_316 : vector<1x16xf32> to vector<16xf32>
        %mul3A_318 = arith.mulf %get3A_289, %get3A_289 : vector<16xf32>
        %mul3A_319 = arith.mulf %get3A_293, %get3A_293 : vector<16xf32>
        %add3A_320 = arith.addf %mul3A_318, %mul3A_319 : vector<16xf32>
        %mul3A_321 = arith.mulf %get3A_297, %get3A_297 : vector<16xf32>
        %add3A_322 = arith.addf %add3A_320, %mul3A_321 : vector<16xf32>
        %mul3A_323 = arith.mulf %get3A_301, %get3A_301 : vector<16xf32>
        %add3A_324 = arith.addf %add3A_322, %mul3A_323 : vector<16xf32>
        %mul3A_325 = arith.mulf %get3A_305, %get3A_289 : vector<16xf32>
        %mul3A_326 = arith.mulf %get3A_309, %get3A_293 : vector<16xf32>
        %add3A_327 = arith.addf %mul3A_325, %mul3A_326 : vector<16xf32>
        %mul3A_328 = arith.mulf %get3A_313, %get3A_297 : vector<16xf32>
        %add3A_329 = arith.addf %add3A_327, %mul3A_328 : vector<16xf32>
        %mul3A_330 = arith.mulf %get3A_317, %get3A_301 : vector<16xf32>
        %add3A_331 = arith.addf %add3A_329, %mul3A_330 : vector<16xf32>
        %gather3A = vector.shape_cast %broadcast_in_dim3A : vector<16x1xi32> to vector<16xi32>
        %gather3A_332 = tpu.dynamic_gather %add3A_324[%gather3A] in [0] : vector<16xf32>, vector<16xi32> -> vector<16xf32>
        %add3A_333 = arith.addf %add3A_324, %gather3A_332 : vector<16xf32>
        %gather3A_334 = vector.shape_cast %broadcast_in_dim3A_8 : vector<16x1xi32> to vector<16xi32>
        %gather3A_335 = tpu.dynamic_gather %add3A_333[%gather3A_334] in [0] : vector<16xf32>, vector<16xi32> -> vector<16xf32>
        %add3A_336 = arith.addf %add3A_333, %gather3A_335 : vector<16xf32>
        %gather3A_337 = vector.shape_cast %broadcast_in_dim3A_12 : vector<16x1xi32> to vector<16xi32>
        %gather3A_338 = tpu.dynamic_gather %add3A_336[%gather3A_337] in [0] : vector<16xf32>, vector<16xi32> -> vector<16xf32>
        %add3A_339 = arith.addf %add3A_336, %gather3A_338 : vector<16xf32>
        %gather3A_340 = vector.shape_cast %broadcast_in_dim3A_16 : vector<16x1xi32> to vector<16xi32>
        %gather3A_341 = tpu.dynamic_gather %add3A_339[%gather3A_340] in [0] : vector<16xf32>, vector<16xi32> -> vector<16xf32>
        %add3A_342 = arith.addf %add3A_339, %gather3A_341 : vector<16xf32>
        %gather3A_343 = vector.shape_cast %broadcast_in_dim3A : vector<16x1xi32> to vector<16xi32>
        %gather3A_344 = tpu.dynamic_gather %add3A_331[%gather3A_343] in [0] : vector<16xf32>, vector<16xi32> -> vector<16xf32>
        %add3A_345 = arith.addf %add3A_331, %gather3A_344 : vector<16xf32>
        %gather3A_346 = vector.shape_cast %broadcast_in_dim3A_8 : vector<16x1xi32> to vector<16xi32>
        %gather3A_347 = tpu.dynamic_gather %add3A_345[%gather3A_346] in [0] : vector<16xf32>, vector<16xi32> -> vector<16xf32>
        %add3A_348 = arith.addf %add3A_345, %gather3A_347 : vector<16xf32>
        %gather3A_349 = vector.shape_cast %broadcast_in_dim3A_12 : vector<16x1xi32> to vector<16xi32>
        %gather3A_350 = tpu.dynamic_gather %add3A_348[%gather3A_349] in [0] : vector<16xf32>, vector<16xi32> -> vector<16xf32>
        %add3A_351 = arith.addf %add3A_348, %gather3A_350 : vector<16xf32>
        %gather3A_352 = vector.shape_cast %broadcast_in_dim3A_16 : vector<16x1xi32> to vector<16xi32>
        %gather3A_353 = tpu.dynamic_gather %add3A_351[%gather3A_352] in [0] : vector<16xf32>, vector<16xi32> -> vector<16xf32>
        %add3A_354 = arith.addf %add3A_351, %gather3A_353 : vector<16xf32>
        %max3A = arith.constant 1.000000e-24 : f32
        %max3A_355 = vector.broadcast %max3A : f32 to vector<16xf32>
        %max3A_356 = arith.maximumf %add3A_342, %max3A_355 : vector<16xf32>
        %div3A_357 = arith.divf %add3A_354, %max3A_356 : vector<16xf32>
        %mul3A_358 = arith.mulf %div3A_357, %get3A_289 : vector<16xf32>
        %sub3A = arith.subf %get3A_305, %mul3A_358 : vector<16xf32>
        %add3A_359 = arith.addf %scan3A_279, %sub3A : vector<16xf32>
        %mul3A_360 = arith.mulf %div3A_357, %get3A_293 : vector<16xf32>
        %sub3A_361 = arith.subf %get3A_309, %mul3A_360 : vector<16xf32>
        %add3A_362 = arith.addf %scan3A_280, %sub3A_361 : vector<16xf32>
        %mul3A_363 = arith.mulf %div3A_357, %get3A_297 : vector<16xf32>
        %sub3A_364 = arith.subf %get3A_313, %mul3A_363 : vector<16xf32>
        %add3A_365 = arith.addf %scan3A_281, %sub3A_364 : vector<16xf32>
        %mul3A_366 = arith.mulf %div3A_357, %get3A_301 : vector<16xf32>
        %sub3A_367 = arith.subf %get3A_317, %mul3A_366 : vector<16xf32>
        %add3A_368 = arith.addf %scan3A_282, %sub3A_367 : vector<16xf32>
        %add3A_369 = arith.constant 1 : i32
        %add3A_370 = arith.addi %mul3A_284, %add3A_369 : i32
        %get3A_371 = arith.index_cast %add3A_370 : i32 to index
        %get3A_372 = arith.constant 0 : index
        %get3A_373 = tpu.vector_load %arg7[%get3A_371, %get3A_372] {strides = array<i32>} : memref<200x128xf32, #tpu.memory_space<vmem>>, vector<1x16xf32>,
        %get3A_374 = vector.shape_cast %get3A_373 : vector<1x16xf32> to vector<16xf32>
        %get3A_375 = arith.index_cast %add3A_370 : i32 to index
        %get3A_376 = arith.constant 16 : index
        %get3A_377 = tpu.vector_load %arg7[%get3A_375, %get3A_376] {strides = array<i32>} : memref<200x128xf32, #tpu.memory_space<vmem>>, vector<1x16xf32>,
        %get3A_378 = vector.shape_cast %get3A_377 : vector<1x16xf32> to vector<16xf32>
        %get3A_379 = arith.index_cast %add3A_370 : i32 to index
        %get3A_380 = arith.constant 32 : index
        %get3A_381 = tpu.vector_load %arg7[%get3A_379, %get3A_380] {strides = array<i32>} : memref<200x128xf32, #tpu.memory_space<vmem>>, vector<1x16xf32>,
        %get3A_382 = vector.shape_cast %get3A_381 : vector<1x16xf32> to vector<16xf32>
        %get3A_383 = arith.index_cast %add3A_370 : i32 to index
        %get3A_384 = arith.constant 48 : index
        %get3A_385 = tpu.vector_load %arg7[%get3A_383, %get3A_384] {strides = array<i32>} : memref<200x128xf32, #tpu.memory_space<vmem>>, vector<1x16xf32>,
        %get3A_386 = vector.shape_cast %get3A_385 : vector<1x16xf32> to vector<16xf32>
        %get3A_387 = arith.index_cast %add3A_370 : i32 to index
        %get3A_388 = arith.constant 0 : index
        %get3A_389 = tpu.vector_load %arg9[%get3A_387, %get3A_388] {strides = array<i32>} : memref<200x64xf32, #tpu.memory_space<vmem>>, vector<1x16xf32>,
        %get3A_390 = vector.shape_cast %get3A_389 : vector<1x16xf32> to vector<16xf32>
        %get3A_391 = arith.index_cast %add3A_370 : i32 to index
        %get3A_392 = arith.constant 16 : index
        %get3A_393 = tpu.vector_load %arg9[%get3A_391, %get3A_392] {strides = array<i32>} : memref<200x64xf32, #tpu.memory_space<vmem>>, vector<1x16xf32>,
        %get3A_394 = vector.shape_cast %get3A_393 : vector<1x16xf32> to vector<16xf32>
        %get3A_395 = arith.index_cast %add3A_370 : i32 to index
        %get3A_396 = arith.constant 32 : index
        %get3A_397 = tpu.vector_load %arg9[%get3A_395, %get3A_396] {strides = array<i32>} : memref<200x64xf32, #tpu.memory_space<vmem>>, vector<1x16xf32>,
        %get3A_398 = vector.shape_cast %get3A_397 : vector<1x16xf32> to vector<16xf32>
        %get3A_399 = arith.index_cast %add3A_370 : i32 to index
        %get3A_400 = arith.constant 48 : index
        %get3A_401 = tpu.vector_load %arg9[%get3A_399, %get3A_400] {strides = array<i32>} : memref<200x64xf32, #tpu.memory_space<vmem>>, vector<1x16xf32>,
        %get3A_402 = vector.shape_cast %get3A_401 : vector<1x16xf32> to vector<16xf32>
        %mul3A_403 = arith.mulf %get3A_374, %get3A_374 : vector<16xf32>
        %mul3A_404 = arith.mulf %get3A_378, %get3A_378 : vector<16xf32>
        %add3A_405 = arith.addf %mul3A_403, %mul3A_404 : vector<16xf32>
        %mul3A_406 = arith.mulf %get3A_382, %get3A_382 : vector<16xf32>
        %add3A_407 = arith.addf %add3A_405, %mul3A_406 : vector<16xf32>
        %mul3A_408 = arith.mulf %get3A_386, %get3A_386 : vector<16xf32>
        %add3A_409 = arith.addf %add3A_407, %mul3A_408 : vector<16xf32>
        %mul3A_410 = arith.mulf %get3A_390, %get3A_374 : vector<16xf32>
        %mul3A_411 = arith.mulf %get3A_394, %get3A_378 : vector<16xf32>
        %add3A_412 = arith.addf %mul3A_410, %mul3A_411 : vector<16xf32>
        %mul3A_413 = arith.mulf %get3A_398, %get3A_382 : vector<16xf32>
        %add3A_414 = arith.addf %add3A_412, %mul3A_413 : vector<16xf32>
        %mul3A_415 = arith.mulf %get3A_402, %get3A_386 : vector<16xf32>
        %add3A_416 = arith.addf %add3A_414, %mul3A_415 : vector<16xf32>
        %gather3A_417 = vector.shape_cast %broadcast_in_dim3A : vector<16x1xi32> to vector<16xi32>
        %gather3A_418 = tpu.dynamic_gather %add3A_409[%gather3A_417] in [0] : vector<16xf32>, vector<16xi32> -> vector<16xf32>
        %add3A_419 = arith.addf %add3A_409, %gather3A_418 : vector<16xf32>
        %gather3A_420 = vector.shape_cast %broadcast_in_dim3A_8 : vector<16x1xi32> to vector<16xi32>
        %gather3A_421 = tpu.dynamic_gather %add3A_419[%gather3A_420] in [0] : vector<16xf32>, vector<16xi32> -> vector<16xf32>
        %add3A_422 = arith.addf %add3A_419, %gather3A_421 : vector<16xf32>
        %gather3A_423 = vector.shape_cast %broadcast_in_dim3A_12 : vector<16x1xi32> to vector<16xi32>
        %gather3A_424 = tpu.dynamic_gather %add3A_422[%gather3A_423] in [0] : vector<16xf32>, vector<16xi32> -> vector<16xf32>
        %add3A_425 = arith.addf %add3A_422, %gather3A_424 : vector<16xf32>
        %gather3A_426 = vector.shape_cast %broadcast_in_dim3A_16 : vector<16x1xi32> to vector<16xi32>
        %gather3A_427 = tpu.dynamic_gather %add3A_425[%gather3A_426] in [0] : vector<16xf32>, vector<16xi32> -> vector<16xf32>
        %add3A_428 = arith.addf %add3A_425, %gather3A_427 : vector<16xf32>
        %gather3A_429 = vector.shape_cast %broadcast_in_dim3A : vector<16x1xi32> to vector<16xi32>
        %gather3A_430 = tpu.dynamic_gather %add3A_416[%gather3A_429] in [0] : vector<16xf32>, vector<16xi32> -> vector<16xf32>
        %add3A_431 = arith.addf %add3A_416, %gather3A_430 : vector<16xf32>
        %gather3A_432 = vector.shape_cast %broadcast_in_dim3A_8 : vector<16x1xi32> to vector<16xi32>
        %gather3A_433 = tpu.dynamic_gather %add3A_431[%gather3A_432] in [0] : vector<16xf32>, vector<16xi32> -> vector<16xf32>
        %add3A_434 = arith.addf %add3A_431, %gather3A_433 : vector<16xf32>
        %gather3A_435 = vector.shape_cast %broadcast_in_dim3A_12 : vector<16x1xi32> to vector<16xi32>
        %gather3A_436 = tpu.dynamic_gather %add3A_434[%gather3A_435] in [0] : vector<16xf32>, vector<16xi32> -> vector<16xf32>
        %add3A_437 = arith.addf %add3A_434, %gather3A_436 : vector<16xf32>
        %gather3A_438 = vector.shape_cast %broadcast_in_dim3A_16 : vector<16x1xi32> to vector<16xi32>
        %gather3A_439 = tpu.dynamic_gather %add3A_437[%gather3A_438] in [0] : vector<16xf32>, vector<16xi32> -> vector<16xf32>
        %add3A_440 = arith.addf %add3A_437, %gather3A_439 : vector<16xf32>
        %max3A_441 = arith.constant 1.000000e-24 : f32
        %max3A_442 = vector.broadcast %max3A_441 : f32 to vector<16xf32>
        %max3A_443 = arith.maximumf %add3A_428, %max3A_442 : vector<16xf32>
        %div3A_444 = arith.divf %add3A_440, %max3A_443 : vector<16xf32>
        %mul3A_445 = arith.mulf %div3A_444, %get3A_374 : vector<16xf32>
        %sub3A_446 = arith.subf %get3A_390, %mul3A_445 : vector<16xf32>
        %add3A_447 = arith.addf %add3A_359, %sub3A_446 : vector<16xf32>
        %mul3A_448 = arith.mulf %div3A_444, %get3A_378 : vector<16xf32>
        %sub3A_449 = arith.subf %get3A_394, %mul3A_448 : vector<16xf32>
        %add3A_450 = arith.addf %add3A_362, %sub3A_449 : vector<16xf32>
        %mul3A_451 = arith.mulf %div3A_444, %get3A_382 : vector<16xf32>
        %sub3A_452 = arith.subf %get3A_398, %mul3A_451 : vector<16xf32>
        %add3A_453 = arith.addf %add3A_365, %sub3A_452 : vector<16xf32>
        %mul3A_454 = arith.mulf %div3A_444, %get3A_386 : vector<16xf32>
        %sub3A_455 = arith.subf %get3A_402, %mul3A_454 : vector<16xf32>
        %add3A_456 = arith.addf %add3A_368, %sub3A_455 : vector<16xf32>
        %add3A_457 = arith.constant 2 : i32
        %add3A_458 = arith.addi %mul3A_284, %add3A_457 : i32
        %get3A_459 = arith.index_cast %add3A_458 : i32 to index
        %get3A_460 = arith.constant 0 : index
        %get3A_461 = tpu.vector_load %arg7[%get3A_459, %get3A_460] {strides = array<i32>} : memref<200x128xf32, #tpu.memory_space<vmem>>, vector<1x16xf32>,
        %get3A_462 = vector.shape_cast %get3A_461 : vector<1x16xf32> to vector<16xf32>
        %get3A_463 = arith.index_cast %add3A_458 : i32 to index
        %get3A_464 = arith.constant 16 : index
        %get3A_465 = tpu.vector_load %arg7[%get3A_463, %get3A_464] {strides = array<i32>} : memref<200x128xf32, #tpu.memory_space<vmem>>, vector<1x16xf32>,
        %get3A_466 = vector.shape_cast %get3A_465 : vector<1x16xf32> to vector<16xf32>
        %get3A_467 = arith.index_cast %add3A_458 : i32 to index
        %get3A_468 = arith.constant 32 : index
        %get3A_469 = tpu.vector_load %arg7[%get3A_467, %get3A_468] {strides = array<i32>} : memref<200x128xf32, #tpu.memory_space<vmem>>, vector<1x16xf32>,
        %get3A_470 = vector.shape_cast %get3A_469 : vector<1x16xf32> to vector<16xf32>
        %get3A_471 = arith.index_cast %add3A_458 : i32 to index
        %get3A_472 = arith.constant 48 : index
        %get3A_473 = tpu.vector_load %arg7[%get3A_471, %get3A_472] {strides = array<i32>} : memref<200x128xf32, #tpu.memory_space<vmem>>, vector<1x16xf32>,
        %get3A_474 = vector.shape_cast %get3A_473 : vector<1x16xf32> to vector<16xf32>
        %get3A_475 = arith.index_cast %add3A_458 : i32 to index
        %get3A_476 = arith.constant 0 : index
        %get3A_477 = tpu.vector_load %arg9[%get3A_475, %get3A_476] {strides = array<i32>} : memref<200x64xf32, #tpu.memory_space<vmem>>, vector<1x16xf32>,
        %get3A_478 = vector.shape_cast %get3A_477 : vector<1x16xf32> to vector<16xf32>
        %get3A_479 = arith.index_cast %add3A_458 : i32 to index
        %get3A_480 = arith.constant 16 : index
        %get3A_481 = tpu.vector_load %arg9[%get3A_479, %get3A_480] {strides = array<i32>} : memref<200x64xf32, #tpu.memory_space<vmem>>, vector<1x16xf32>,
        %get3A_482 = vector.shape_cast %get3A_481 : vector<1x16xf32> to vector<16xf32>
        %get3A_483 = arith.index_cast %add3A_458 : i32 to index
        %get3A_484 = arith.constant 32 : index
        %get3A_485 = tpu.vector_load %arg9[%get3A_483, %get3A_484] {strides = array<i32>} : memref<200x64xf32, #tpu.memory_space<vmem>>, vector<1x16xf32>,
        %get3A_486 = vector.shape_cast %get3A_485 : vector<1x16xf32> to vector<16xf32>
        %get3A_487 = arith.index_cast %add3A_458 : i32 to index
        %get3A_488 = arith.constant 48 : index
        %get3A_489 = tpu.vector_load %arg9[%get3A_487, %get3A_488] {strides = array<i32>} : memref<200x64xf32, #tpu.memory_space<vmem>>, vector<1x16xf32>,
        %get3A_490 = vector.shape_cast %get3A_489 : vector<1x16xf32> to vector<16xf32>
        %mul3A_491 = arith.mulf %get3A_462, %get3A_462 : vector<16xf32>
        %mul3A_492 = arith.mulf %get3A_466, %get3A_466 : vector<16xf32>
        %add3A_493 = arith.addf %mul3A_491, %mul3A_492 : vector<16xf32>
        %mul3A_494 = arith.mulf %get3A_470, %get3A_470 : vector<16xf32>
        %add3A_495 = arith.addf %add3A_493, %mul3A_494 : vector<16xf32>
        %mul3A_496 = arith.mulf %get3A_474, %get3A_474 : vector<16xf32>
        %add3A_497 = arith.addf %add3A_495, %mul3A_496 : vector<16xf32>
        %mul3A_498 = arith.mulf %get3A_478, %get3A_462 : vector<16xf32>
        %mul3A_499 = arith.mulf %get3A_482, %get3A_466 : vector<16xf32>
        %add3A_500 = arith.addf %mul3A_498, %mul3A_499 : vector<16xf32>
        %mul3A_501 = arith.mulf %get3A_486, %get3A_470 : vector<16xf32>
        %add3A_502 = arith.addf %add3A_500, %mul3A_501 : vector<16xf32>
        %mul3A_503 = arith.mulf %get3A_490, %get3A_474 : vector<16xf32>
        %add3A_504 = arith.addf %add3A_502, %mul3A_503 : vector<16xf32>
        %gather3A_505 = vector.shape_cast %broadcast_in_dim3A : vector<16x1xi32> to vector<16xi32>
        %gather3A_506 = tpu.dynamic_gather %add3A_497[%gather3A_505] in [0] : vector<16xf32>, vector<16xi32> -> vector<16xf32>
        %add3A_507 = arith.addf %add3A_497, %gather3A_506 : vector<16xf32>
        %gather3A_508 = vector.shape_cast %broadcast_in_dim3A_8 : vector<16x1xi32> to vector<16xi32>
        %gather3A_509 = tpu.dynamic_gather %add3A_507[%gather3A_508] in [0] : vector<16xf32>, vector<16xi32> -> vector<16xf32>
        %add3A_510 = arith.addf %add3A_507, %gather3A_509 : vector<16xf32>
        %gather3A_511 = vector.shape_cast %broadcast_in_dim3A_12 : vector<16x1xi32> to vector<16xi32>
        %gather3A_512 = tpu.dynamic_gather %add3A_510[%gather3A_511] in [0] : vector<16xf32>, vector<16xi32> -> vector<16xf32>
        %add3A_513 = arith.addf %add3A_510, %gather3A_512 : vector<16xf32>
        %gather3A_514 = vector.shape_cast %broadcast_in_dim3A_16 : vector<16x1xi32> to vector<16xi32>
        %gather3A_515 = tpu.dynamic_gather %add3A_513[%gather3A_514] in [0] : vector<16xf32>, vector<16xi32> -> vector<16xf32>
        %add3A_516 = arith.addf %add3A_513, %gather3A_515 : vector<16xf32>
        %gather3A_517 = vector.shape_cast %broadcast_in_dim3A : vector<16x1xi32> to vector<16xi32>
        %gather3A_518 = tpu.dynamic_gather %add3A_504[%gather3A_517] in [0] : vector<16xf32>, vector<16xi32> -> vector<16xf32>
        %add3A_519 = arith.addf %add3A_504, %gather3A_518 : vector<16xf32>
        %gather3A_520 = vector.shape_cast %broadcast_in_dim3A_8 : vector<16x1xi32> to vector<16xi32>
        %gather3A_521 = tpu.dynamic_gather %add3A_519[%gather3A_520] in [0] : vector<16xf32>, vector<16xi32> -> vector<16xf32>
        %add3A_522 = arith.addf %add3A_519, %gather3A_521 : vector<16xf32>
        %gather3A_523 = vector.shape_cast %broadcast_in_dim3A_12 : vector<16x1xi32> to vector<16xi32>
        %gather3A_524 = tpu.dynamic_gather %add3A_522[%gather3A_523] in [0] : vector<16xf32>, vector<16xi32> -> vector<16xf32>
        %add3A_525 = arith.addf %add3A_522, %gather3A_524 : vector<16xf32>
        %gather3A_526 = vector.shape_cast %broadcast_in_dim3A_16 : vector<16x1xi32> to vector<16xi32>
        %gather3A_527 = tpu.dynamic_gather %add3A_525[%gather3A_526] in [0] : vector<16xf32>, vector<16xi32> -> vector<16xf32>
        %add3A_528 = arith.addf %add3A_525, %gather3A_527 : vector<16xf32>
        %max3A_529 = arith.constant 1.000000e-24 : f32
        %max3A_530 = vector.broadcast %max3A_529 : f32 to vector<16xf32>
        %max3A_531 = arith.maximumf %add3A_516, %max3A_530 : vector<16xf32>
        %div3A_532 = arith.divf %add3A_528, %max3A_531 : vector<16xf32>
        %mul3A_533 = arith.mulf %div3A_532, %get3A_462 : vector<16xf32>
        %sub3A_534 = arith.subf %get3A_478, %mul3A_533 : vector<16xf32>
        %add3A_535 = arith.addf %add3A_447, %sub3A_534 : vector<16xf32>
        %mul3A_536 = arith.mulf %div3A_532, %get3A_466 : vector<16xf32>
        %sub3A_537 = arith.subf %get3A_482, %mul3A_536 : vector<16xf32>
        %add3A_538 = arith.addf %add3A_450, %sub3A_537 : vector<16xf32>
        %mul3A_539 = arith.mulf %div3A_532, %get3A_470 : vector<16xf32>
        %sub3A_540 = arith.subf %get3A_486, %mul3A_539 : vector<16xf32>
        %add3A_541 = arith.addf %add3A_453, %sub3A_540 : vector<16xf32>
        %mul3A_542 = arith.mulf %div3A_532, %get3A_474 : vector<16xf32>
        %sub3A_543 = arith.subf %get3A_490, %mul3A_542 : vector<16xf32>
        %add3A_544 = arith.addf %add3A_456, %sub3A_543 : vector<16xf32>
        %add3A_545 = arith.constant 3 : i32
        %add3A_546 = arith.addi %mul3A_284, %add3A_545 : i32
        %get3A_547 = arith.index_cast %add3A_546 : i32 to index
        %get3A_548 = arith.constant 0 : index
        %get3A_549 = tpu.vector_load %arg7[%get3A_547, %get3A_548] {strides = array<i32>} : memref<200x128xf32, #tpu.memory_space<vmem>>, vector<1x16xf32>,
        %get3A_550 = vector.shape_cast %get3A_549 : vector<1x16xf32> to vector<16xf32>
        %get3A_551 = arith.index_cast %add3A_546 : i32 to index
        %get3A_552 = arith.constant 16 : index
        %get3A_553 = tpu.vector_load %arg7[%get3A_551, %get3A_552] {strides = array<i32>} : memref<200x128xf32, #tpu.memory_space<vmem>>, vector<1x16xf32>,
        %get3A_554 = vector.shape_cast %get3A_553 : vector<1x16xf32> to vector<16xf32>
        %get3A_555 = arith.index_cast %add3A_546 : i32 to index
        %get3A_556 = arith.constant 32 : index
        %get3A_557 = tpu.vector_load %arg7[%get3A_555, %get3A_556] {strides = array<i32>} : memref<200x128xf32, #tpu.memory_space<vmem>>, vector<1x16xf32>,
        %get3A_558 = vector.shape_cast %get3A_557 : vector<1x16xf32> to vector<16xf32>
        %get3A_559 = arith.index_cast %add3A_546 : i32 to index
        %get3A_560 = arith.constant 48 : index
        %get3A_561 = tpu.vector_load %arg7[%get3A_559, %get3A_560] {strides = array<i32>} : memref<200x128xf32, #tpu.memory_space<vmem>>, vector<1x16xf32>,
        %get3A_562 = vector.shape_cast %get3A_561 : vector<1x16xf32> to vector<16xf32>
        %get3A_563 = arith.index_cast %add3A_546 : i32 to index
        %get3A_564 = arith.constant 0 : index
        %get3A_565 = tpu.vector_load %arg9[%get3A_563, %get3A_564] {strides = array<i32>} : memref<200x64xf32, #tpu.memory_space<vmem>>, vector<1x16xf32>,
        %get3A_566 = vector.shape_cast %get3A_565 : vector<1x16xf32> to vector<16xf32>
        %get3A_567 = arith.index_cast %add3A_546 : i32 to index
        %get3A_568 = arith.constant 16 : index
        %get3A_569 = tpu.vector_load %arg9[%get3A_567, %get3A_568] {strides = array<i32>} : memref<200x64xf32, #tpu.memory_space<vmem>>, vector<1x16xf32>,
        %get3A_570 = vector.shape_cast %get3A_569 : vector<1x16xf32> to vector<16xf32>
        %get3A_571 = arith.index_cast %add3A_546 : i32 to index
        %get3A_572 = arith.constant 32 : index
        %get3A_573 = tpu.vector_load %arg9[%get3A_571, %get3A_572] {strides = array<i32>} : memref<200x64xf32, #tpu.memory_space<vmem>>, vector<1x16xf32>,
        %get3A_574 = vector.shape_cast %get3A_573 : vector<1x16xf32> to vector<16xf32>
        %get3A_575 = arith.index_cast %add3A_546 : i32 to index
        %get3A_576 = arith.constant 48 : index
        %get3A_577 = tpu.vector_load %arg9[%get3A_575, %get3A_576] {strides = array<i32>} : memref<200x64xf32, #tpu.memory_space<vmem>>, vector<1x16xf32>,
        %get3A_578 = vector.shape_cast %get3A_577 : vector<1x16xf32> to vector<16xf32>
        %mul3A_579 = arith.mulf %get3A_550, %get3A_550 : vector<16xf32>
        %mul3A_580 = arith.mulf %get3A_554, %get3A_554 : vector<16xf32>
        %add3A_581 = arith.addf %mul3A_579, %mul3A_580 : vector<16xf32>
        %mul3A_582 = arith.mulf %get3A_558, %get3A_558 : vector<16xf32>
        %add3A_583 = arith.addf %add3A_581, %mul3A_582 : vector<16xf32>
        %mul3A_584 = arith.mulf %get3A_562, %get3A_562 : vector<16xf32>
        %add3A_585 = arith.addf %add3A_583, %mul3A_584 : vector<16xf32>
        %mul3A_586 = arith.mulf %get3A_566, %get3A_550 : vector<16xf32>
        %mul3A_587 = arith.mulf %get3A_570, %get3A_554 : vector<16xf32>
        %add3A_588 = arith.addf %mul3A_586, %mul3A_587 : vector<16xf32>
        %mul3A_589 = arith.mulf %get3A_574, %get3A_558 : vector<16xf32>
        %add3A_590 = arith.addf %add3A_588, %mul3A_589 : vector<16xf32>
        %mul3A_591 = arith.mulf %get3A_578, %get3A_562 : vector<16xf32>
        %add3A_592 = arith.addf %add3A_590, %mul3A_591 : vector<16xf32>
        %gather3A_593 = vector.shape_cast %broadcast_in_dim3A : vector<16x1xi32> to vector<16xi32>
        %gather3A_594 = tpu.dynamic_gather %add3A_585[%gather3A_593] in [0] : vector<16xf32>, vector<16xi32> -> vector<16xf32>
        %add3A_595 = arith.addf %add3A_585, %gather3A_594 : vector<16xf32>
        %gather3A_596 = vector.shape_cast %broadcast_in_dim3A_8 : vector<16x1xi32> to vector<16xi32>
        %gather3A_597 = tpu.dynamic_gather %add3A_595[%gather3A_596] in [0] : vector<16xf32>, vector<16xi32> -> vector<16xf32>
        %add3A_598 = arith.addf %add3A_595, %gather3A_597 : vector<16xf32>
        %gather3A_599 = vector.shape_cast %broadcast_in_dim3A_12 : vector<16x1xi32> to vector<16xi32>
        %gather3A_600 = tpu.dynamic_gather %add3A_598[%gather3A_599] in [0] : vector<16xf32>, vector<16xi32> -> vector<16xf32>
        %add3A_601 = arith.addf %add3A_598, %gather3A_600 : vector<16xf32>
        %gather3A_602 = vector.shape_cast %broadcast_in_dim3A_16 : vector<16x1xi32> to vector<16xi32>
        %gather3A_603 = tpu.dynamic_gather %add3A_601[%gather3A_602] in [0] : vector<16xf32>, vector<16xi32> -> vector<16xf32>
        %add3A_604 = arith.addf %add3A_601, %gather3A_603 : vector<16xf32>
        %gather3A_605 = vector.shape_cast %broadcast_in_dim3A : vector<16x1xi32> to vector<16xi32>
        %gather3A_606 = tpu.dynamic_gather %add3A_592[%gather3A_605] in [0] : vector<16xf32>, vector<16xi32> -> vector<16xf32>
        %add3A_607 = arith.addf %add3A_592, %gather3A_606 : vector<16xf32>
        %gather3A_608 = vector.shape_cast %broadcast_in_dim3A_8 : vector<16x1xi32> to vector<16xi32>
        %gather3A_609 = tpu.dynamic_gather %add3A_607[%gather3A_608] in [0] : vector<16xf32>, vector<16xi32> -> vector<16xf32>
        %add3A_610 = arith.addf %add3A_607, %gather3A_609 : vector<16xf32>
        %gather3A_611 = vector.shape_cast %broadcast_in_dim3A_12 : vector<16x1xi32> to vector<16xi32>
        %gather3A_612 = tpu.dynamic_gather %add3A_610[%gather3A_611] in [0] : vector<16xf32>, vector<16xi32> -> vector<16xf32>
        %add3A_613 = arith.addf %add3A_610, %gather3A_612 : vector<16xf32>
        %gather3A_614 = vector.shape_cast %broadcast_in_dim3A_16 : vector<16x1xi32> to vector<16xi32>
        %gather3A_615 = tpu.dynamic_gather %add3A_613[%gather3A_614] in [0] : vector<16xf32>, vector<16xi32> -> vector<16xf32>
        %add3A_616 = arith.addf %add3A_613, %gather3A_615 : vector<16xf32>
        %max3A_617 = arith.constant 1.000000e-24 : f32
        %max3A_618 = vector.broadcast %max3A_617 : f32 to vector<16xf32>
        %max3A_619 = arith.maximumf %add3A_604, %max3A_618 : vector<16xf32>
        %div3A_620 = arith.divf %add3A_616, %max3A_619 : vector<16xf32>
        %mul3A_621 = arith.mulf %div3A_620, %get3A_550 : vector<16xf32>
        %sub3A_622 = arith.subf %get3A_566, %mul3A_621 : vector<16xf32>
        %add3A_623 = arith.addf %add3A_535, %sub3A_622 : vector<16xf32>
        %mul3A_624 = arith.mulf %div3A_620, %get3A_554 : vector<16xf32>
        %sub3A_625 = arith.subf %get3A_570, %mul3A_624 : vector<16xf32>
        %add3A_626 = arith.addf %add3A_538, %sub3A_625 : vector<16xf32>
        %mul3A_627 = arith.mulf %div3A_620, %get3A_558 : vector<16xf32>
        %sub3A_628 = arith.subf %get3A_574, %mul3A_627 : vector<16xf32>
        %add3A_629 = arith.addf %add3A_541, %sub3A_628 : vector<16xf32>
        %mul3A_630 = arith.mulf %div3A_620, %get3A_562 : vector<16xf32>
        %sub3A_631 = arith.subf %get3A_578, %mul3A_630 : vector<16xf32>
        %add3A_632 = arith.addf %add3A_544, %sub3A_631 : vector<16xf32>
        scf.yield %add3A_623, %add3A_626, %add3A_629, %add3A_632 : vector<16xf32>, vector<16xf32>, vector<16xf32>, vector<16xf32>
      }
      %scan3A_162 = arith.constant 50 : i32
      %mul3A_163 = arith.constant 64 : i32
      %mul3A_164 = arith.muli %add3A_93, %mul3A_163 : i32
      %div3A = arith.constant 2.000000e+02 : f32
      %div3A_165 = vector.broadcast %div3A : f32 to vector<16xf32>
      %div3A_166 = arith.divf %scan3A_161#0, %div3A_165 : vector<16xf32>
      %swap3A = arith.index_cast %mul3A_164 : i32 to index
      %swap3A_167 = tpu.vector_load %arg11[%swap3A] {strides = array<i32>} : memref<8192xf32, #tpu.memory_space<vmem>>, vector<16xf32>,
      %swap3A_168 = vector.shape_cast %swap3A_167 : vector<16xf32> to vector<16xf32>
      %swap3A_169 = vector.shape_cast %div3A_166 : vector<16xf32> to vector<16xf32>
      tpu.vector_store %arg11[%swap3A], %swap3A_169 {strides = array<i32>} : memref<8192xf32, #tpu.memory_space<vmem>>, vector<16xf32>,
      %div3A_170 = arith.constant 2.000000e+02 : f32
      %div3A_171 = vector.broadcast %div3A_170 : f32 to vector<16xf32>
      %div3A_172 = arith.divf %scan3A_161#1, %div3A_171 : vector<16xf32>
      %add3A_173 = arith.constant 16 : i32
      %add3A_174 = arith.addi %mul3A_164, %add3A_173 : i32
      %swap3A_175 = arith.index_cast %add3A_174 : i32 to index
      %swap3A_176 = tpu.vector_load %arg11[%swap3A_175] {strides = array<i32>} : memref<8192xf32, #tpu.memory_space<vmem>>, vector<16xf32>,
      %swap3A_177 = vector.shape_cast %swap3A_176 : vector<16xf32> to vector<16xf32>
      %swap3A_178 = vector.shape_cast %div3A_172 : vector<16xf32> to vector<16xf32>
      tpu.vector_store %arg11[%swap3A_175], %swap3A_178 {strides = array<i32>} : memref<8192xf32, #tpu.memory_space<vmem>>, vector<16xf32>,
      %div3A_179 = arith.constant 2.000000e+02 : f32
      %div3A_180 = vector.broadcast %div3A_179 : f32 to vector<16xf32>
      %div3A_181 = arith.divf %scan3A_161#2, %div3A_180 : vector<16xf32>
      %add3A_182 = arith.constant 32 : i32
      %add3A_183 = arith.addi %mul3A_164, %add3A_182 : i32
      %swap3A_184 = arith.index_cast %add3A_183 : i32 to index
      %swap3A_185 = tpu.vector_load %arg11[%swap3A_184] {strides = array<i32>} : memref<8192xf32, #tpu.memory_space<vmem>>, vector<16xf32>,
      %swap3A_186 = vector.shape_cast %swap3A_185 : vector<16xf32> to vector<16xf32>
      %swap3A_187 = vector.shape_cast %div3A_181 : vector<16xf32> to vector<16xf32>
      tpu.vector_store %arg11[%swap3A_184], %swap3A_187 {strides = array<i32>} : memref<8192xf32, #tpu.memory_space<vmem>>, vector<16xf32>,
      %div3A_188 = arith.constant 2.000000e+02 : f32
      %div3A_189 = vector.broadcast %div3A_188 : f32 to vector<16xf32>
      %div3A_190 = arith.divf %scan3A_161#3, %div3A_189 : vector<16xf32>
      %add3A_191 = arith.constant 48 : i32
      %add3A_192 = arith.addi %mul3A_164, %add3A_191 : i32
      %swap3A_193 = arith.index_cast %add3A_192 : i32 to index
      %swap3A_194 = tpu.vector_load %arg11[%swap3A_193] {strides = array<i32>} : memref<8192xf32, #tpu.memory_space<vmem>>, vector<16xf32>,
      %swap3A_195 = vector.shape_cast %swap3A_194 : vector<16xf32> to vector<16xf32>
      %swap3A_196 = vector.shape_cast %div3A_190 : vector<16xf32> to vector<16xf32>
      tpu.vector_store %arg11[%swap3A_193], %swap3A_196 {strides = array<i32>} : memref<8192xf32, #tpu.memory_space<vmem>>, vector<16xf32>,
      %lt3A = arith.constant 31 : i32
      %lt3A_197 = arith.cmpi slt, %scan3A_89, %lt3A : i32
      %convert_element_type3A = arith.extui %lt3A_197 : i1 to i32
      %cond3A = arith.constant 0 : i32
      %cond3A_198 = arith.cmpi ne, %convert_element_type3A, %cond3A : i32
      scf.if %cond3A_198 {
        %add3A_278 = arith.constant 2 : i32
        %add3A_279 = arith.addi %mul3A_91, %add3A_278 : i32
        %add3A_280 = arith.constant 2 : i32
        %add3A_281 = arith.addi %add3A_93, %add3A_280 : i32
        %mul3A_282 = arith.constant 200 : i32
        %mul3A_283 = arith.muli %add3A_279, %mul3A_282 : i32
        %dma_start3A_284 = arith.constant 0 : i32
        %dma_start3A_285 = arith.constant 0 : i32
        %dma_start3A_286 = tpu.memref_slice %arg7[%dma_start3A_284, %dma_start3A_285] : memref<200x128xf32, #tpu.memory_space<vmem>> -> memref<104x128xf32, #tpu.memory_space<vmem>>
        %dma_start3A_287 = tpu.memref_slice %arg6[%mul3A_283] : memref<12800xi32, #tpu.memory_space<vmem>> -> memref<104xi32, #tpu.memory_space<vmem>>
        %dma_start3A_288 = arith.constant 0 : i32
        %dma_start3A_289 = arith.constant 0 : i32
        %dma_start3A_290 = tpu.memref_slice %arg4[%dma_start3A_288, %dma_start3A_289] : memref<200064x128xf32, #tpu.memory_space<hbm>> -> memref<200064x128xf32, #tpu.memory_space<hbm>>
        tpu.enqueue_indirect_dma source(%dma_start3A_290 : memref<200064x128xf32, #tpu.memory_space<hbm>>) target(%dma_start3A_286 : memref<104x128xf32, #tpu.memory_space<vmem>>) offsets(%dma_start3A_287 : memref<104xi32, #tpu.memory_space<vmem>>) semaphore(%arg12 : memref<!tpu.dma_semaphore, #tpu.memory_space<semaphore_mem>>)
        %mul3A_291 = arith.constant 200 : i32
        %mul3A_292 = arith.muli %add3A_279, %mul3A_291 : i32
        %add3A_293 = arith.constant 104 : i32
        %add3A_294 = arith.addi %mul3A_292, %add3A_293 : i32
        %dma_start3A_295 = arith.constant 104 : i32
        %dma_start3A_296 = arith.constant 0 : i32
        %dma_start3A_297 = tpu.memref_slice %arg7[%dma_start3A_295, %dma_start3A_296] : memref<200x128xf32, #tpu.memory_space<vmem>> -> memref<96x128xf32, #tpu.memory_space<vmem>>
        %dma_start3A_298 = tpu.memref_slice %arg6[%add3A_294] : memref<12800xi32, #tpu.memory_space<vmem>> -> memref<96xi32, #tpu.memory_space<vmem>>
        %dma_start3A_299 = arith.constant 0 : i32
        %dma_start3A_300 = arith.constant 0 : i32
        %dma_start3A_301 = tpu.memref_slice %arg4[%dma_start3A_299, %dma_start3A_300] : memref<200064x128xf32, #tpu.memory_space<hbm>> -> memref<200064x128xf32, #tpu.memory_space<hbm>>
        tpu.enqueue_indirect_dma source(%dma_start3A_301 : memref<200064x128xf32, #tpu.memory_space<hbm>>) target(%dma_start3A_297 : memref<96x128xf32, #tpu.memory_space<vmem>>) offsets(%dma_start3A_298 : memref<96xi32, #tpu.memory_space<vmem>>) semaphore(%arg12 : memref<!tpu.dma_semaphore, #tpu.memory_space<semaphore_mem>>)
        %add3A_302 = arith.addi %mul3A_2, %add3A_281 : i32
        %dma_start3A_303 = arith.constant 0 : i32
        %dma_start3A_304 = arith.constant 0 : i32
        %dma_start3A_305 = tpu.memref_slice %arg3[%add3A_302, %dma_start3A_303, %dma_start3A_304] : memref<4096x200x64xf32, #tpu.memory_space<hbm>> -> memref<1x200x64xf32, #tpu.memory_space<hbm>>
        %dma_start3A_306 = tpu.memref_squeeze %dma_start3A_305 : memref<1x200x64xf32, #tpu.memory_space<hbm>> -> memref<200x64xf32, #tpu.memory_space<hbm>>
        %dma_start3A_307 = arith.constant 0 : i32
        %dma_start3A_308 = arith.constant 0 : i32
        %dma_start3A_309 = tpu.memref_slice %arg3[%add3A_302, %dma_start3A_307, %dma_start3A_308] : memref<4096x200x64xf32, #tpu.memory_space<hbm>> -> memref<1x200x64xf32, #tpu.memory_space<hbm>>
        %dma_start3A_310 = tpu.memref_squeeze %dma_start3A_309 : memref<1x200x64xf32, #tpu.memory_space<hbm>> -> memref<200x64xf32, #tpu.memory_space<hbm>>
        tpu.enqueue_dma source(%dma_start3A_310 : memref<200x64xf32, #tpu.memory_space<hbm>>) target(%arg9 : memref<200x64xf32, #tpu.memory_space<vmem>>) target_semaphore(%arg12 : memref<!tpu.dma_semaphore, #tpu.memory_space<semaphore_mem>>)
      } else {
      }
      %add3A_199 = arith.constant 1 : i32
      %add3A_200 = arith.addi %mul3A_91, %add3A_199 : i32
      %add3A_201 = arith.constant 1 : i32
      %add3A_202 = arith.addi %add3A_93, %add3A_201 : i32
      %mul3A_203 = arith.constant 200 : i32
      %mul3A_204 = arith.muli %add3A_200, %mul3A_203 : i32
      %dma_wait3A_205 = arith.constant 0 : i32
      %dma_wait3A_206 = arith.constant 0 : i32
      %dma_wait3A_207 = tpu.memref_slice %arg8[%dma_wait3A_205, %dma_wait3A_206] : memref<200x128xf32, #tpu.memory_space<vmem>> -> memref<104x128xf32, #tpu.memory_space<vmem>>
      %dma_wait3A_208 = tpu.memref_slice %arg6[%mul3A_204] : memref<12800xi32, #tpu.memory_space<vmem>> -> memref<104xi32, #tpu.memory_space<vmem>>
      %dma_wait3A_209 = arith.constant 0 : i32
      %dma_wait3A_210 = arith.constant 0 : i32
      %dma_wait3A_211 = tpu.memref_slice %arg4[%dma_wait3A_209, %dma_wait3A_210] : memref<200064x128xf32, #tpu.memory_space<hbm>> -> memref<200064x128xf32, #tpu.memory_space<hbm>>
      tpu.wait_indirect_dma semaphore(%arg13 : memref<!tpu.dma_semaphore, #tpu.memory_space<semaphore_mem>>) src(%dma_wait3A_211 : memref<200064x128xf32, #tpu.memory_space<hbm>>) dst(%dma_wait3A_207 : memref<104x128xf32, #tpu.memory_space<vmem>>)
      %mul3A_212 = arith.constant 200 : i32
      %mul3A_213 = arith.muli %add3A_200, %mul3A_212 : i32
      %add3A_214 = arith.constant 104 : i32
      %add3A_215 = arith.addi %mul3A_213, %add3A_214 : i32
      %dma_wait3A_216 = arith.constant 104 : i32
      %dma_wait3A_217 = arith.constant 0 : i32
      %dma_wait3A_218 = tpu.memref_slice %arg8[%dma_wait3A_216, %dma_wait3A_217] : memref<200x128xf32, #tpu.memory_space<vmem>> -> memref<96x128xf32, #tpu.memory_space<vmem>>
      %dma_wait3A_219 = tpu.memref_slice %arg6[%add3A_215] : memref<12800xi32, #tpu.memory_space<vmem>> -> memref<96xi32, #tpu.memory_space<vmem>>
      %dma_wait3A_220 = arith.constant 0 : i32
      %dma_wait3A_221 = arith.constant 0 : i32
      %dma_wait3A_222 = tpu.memref_slice %arg4[%dma_wait3A_220, %dma_wait3A_221] : memref<200064x128xf32, #tpu.memory_space<hbm>> -> memref<200064x128xf32, #tpu.memory_space<hbm>>
      tpu.wait_indirect_dma semaphore(%arg13 : memref<!tpu.dma_semaphore, #tpu.memory_space<semaphore_mem>>) src(%dma_wait3A_222 : memref<200064x128xf32, #tpu.memory_space<hbm>>) dst(%dma_wait3A_218 : memref<96x128xf32, #tpu.memory_space<vmem>>)
      %add3A_223 = arith.addi %mul3A_2, %add3A_202 : i32
      %dma_wait3A_224 = arith.constant 0 : i32
      %dma_wait3A_225 = arith.constant 0 : i32
      %dma_wait3A_226 = tpu.memref_slice %arg3[%add3A_223, %dma_wait3A_224, %dma_wait3A_225] : memref<4096x200x64xf32, #tpu.memory_space<hbm>> -> memref<1x200x64xf32, #tpu.memory_space<hbm>>
      %dma_wait3A_227 = tpu.memref_squeeze %dma_wait3A_226 : memref<1x200x64xf32, #tpu.memory_space<hbm>> -> memref<200x64xf32, #tpu.memory_space<hbm>>
      %dma_wait3A_228 = arith.constant 0 : i32
      %dma_wait3A_229 = arith.constant 0 : i32
      %dma_wait3A_230 = tpu.memref_slice %arg3[%add3A_223, %dma_wait3A_228, %dma_wait3A_229] : memref<4096x200x64xf32, #tpu.memory_space<hbm>> -> memref<1x200x64xf32, #tpu.memory_space<hbm>>
      %dma_wait3A_231 = tpu.memref_squeeze %dma_wait3A_230 : memref<1x200x64xf32, #tpu.memory_space<hbm>> -> memref<200x64xf32, #tpu.memory_space<hbm>>
      tpu.wait_dma2 semaphore(%arg13 : memref<!tpu.dma_semaphore, #tpu.memory_space<semaphore_mem>>) src(%dma_wait3A_231 : memref<200x64xf32, #tpu.memory_space<hbm>>) dst(%arg10 : memref<200x64xf32, #tpu.memory_space<vmem>>)
      %add3A_232 = arith.constant 1 : i32
      %add3A_233 = arith.addi %add3A_93, %add3A_232 : i32
      %broadcast_in_dim3A_234 = arith.constant 0.000000e+00 : f32
      %broadcast_in_dim3A_235 = vector.broadcast %broadcast_in_dim3A_234 : f32 to vector<16xf32>
      %scan3A_236 = arith.constant 0 : i32
      %scan3A_237 = arith.constant 50 : i32
      %scan3A_238 = arith.addi %scan3A_236, %scan3A_237 : i32
      %scan3A_239 = arith.constant 1 : i32
      %scan3A_240:4 = scf.for %scan3A_278 = %scan3A_236 to %scan3A_238 step %scan3A_239 iter_args(%scan3A_279 = %broadcast_in_dim3A_235, %scan3A_280 = %broadcast_in_dim3A_235, %scan3A_281 = %broadcast_in_dim3A_235, %scan3A_282 = %broadcast_in_dim3A_235) -> (vector<16xf32>, vector<16xf32>, vector<16xf32>, vector<16xf32>)  : i32 {
        %mul3A_283 = arith.constant 4 : i32
        %mul3A_284 = arith.muli %scan3A_278, %mul3A_283 : i32
        %add3A_285 = arith.constant 0 : i32
        %add3A_286 = arith.addi %mul3A_284, %add3A_285 : i32
        %get3A = arith.index_cast %add3A_286 : i32 to index
        %get3A_287 = arith.constant 0 : index
        %get3A_288 = tpu.vector_load %arg8[%get3A, %get3A_287] {strides = array<i32>} : memref<200x128xf32, #tpu.memory_space<vmem>>, vector<1x16xf32>,
        %get3A_289 = vector.shape_cast %get3A_288 : vector<1x16xf32> to vector<16xf32>
        %get3A_290 = arith.index_cast %add3A_286 : i32 to index
        %get3A_291 = arith.constant 16 : index
        %get3A_292 = tpu.vector_load %arg8[%get3A_290, %get3A_291] {strides = array<i32>} : memref<200x128xf32, #tpu.memory_space<vmem>>, vector<1x16xf32>,
        %get3A_293 = vector.shape_cast %get3A_292 : vector<1x16xf32> to vector<16xf32>
        %get3A_294 = arith.index_cast %add3A_286 : i32 to index
        %get3A_295 = arith.constant 32 : index
        %get3A_296 = tpu.vector_load %arg8[%get3A_294, %get3A_295] {strides = array<i32>} : memref<200x128xf32, #tpu.memory_space<vmem>>, vector<1x16xf32>,
        %get3A_297 = vector.shape_cast %get3A_296 : vector<1x16xf32> to vector<16xf32>
        %get3A_298 = arith.index_cast %add3A_286 : i32 to index
        %get3A_299 = arith.constant 48 : index
        %get3A_300 = tpu.vector_load %arg8[%get3A_298, %get3A_299] {strides = array<i32>} : memref<200x128xf32, #tpu.memory_space<vmem>>, vector<1x16xf32>,
        %get3A_301 = vector.shape_cast %get3A_300 : vector<1x16xf32> to vector<16xf32>
        %get3A_302 = arith.index_cast %add3A_286 : i32 to index
        %get3A_303 = arith.constant 0 : index
        %get3A_304 = tpu.vector_load %arg10[%get3A_302, %get3A_303] {strides = array<i32>} : memref<200x64xf32, #tpu.memory_space<vmem>>, vector<1x16xf32>,
        %get3A_305 = vector.shape_cast %get3A_304 : vector<1x16xf32> to vector<16xf32>
        %get3A_306 = arith.index_cast %add3A_286 : i32 to index
        %get3A_307 = arith.constant 16 : index
        %get3A_308 = tpu.vector_load %arg10[%get3A_306, %get3A_307] {strides = array<i32>} : memref<200x64xf32, #tpu.memory_space<vmem>>, vector<1x16xf32>,
        %get3A_309 = vector.shape_cast %get3A_308 : vector<1x16xf32> to vector<16xf32>
        %get3A_310 = arith.index_cast %add3A_286 : i32 to index
        %get3A_311 = arith.constant 32 : index
        %get3A_312 = tpu.vector_load %arg10[%get3A_310, %get3A_311] {strides = array<i32>} : memref<200x64xf32, #tpu.memory_space<vmem>>, vector<1x16xf32>,
        %get3A_313 = vector.shape_cast %get3A_312 : vector<1x16xf32> to vector<16xf32>
        %get3A_314 = arith.index_cast %add3A_286 : i32 to index
        %get3A_315 = arith.constant 48 : index
        %get3A_316 = tpu.vector_load %arg10[%get3A_314, %get3A_315] {strides = array<i32>} : memref<200x64xf32, #tpu.memory_space<vmem>>, vector<1x16xf32>,
        %get3A_317 = vector.shape_cast %get3A_316 : vector<1x16xf32> to vector<16xf32>
        %mul3A_318 = arith.mulf %get3A_289, %get3A_289 : vector<16xf32>
        %mul3A_319 = arith.mulf %get3A_293, %get3A_293 : vector<16xf32>
        %add3A_320 = arith.addf %mul3A_318, %mul3A_319 : vector<16xf32>
        %mul3A_321 = arith.mulf %get3A_297, %get3A_297 : vector<16xf32>
        %add3A_322 = arith.addf %add3A_320, %mul3A_321 : vector<16xf32>
        %mul3A_323 = arith.mulf %get3A_301, %get3A_301 : vector<16xf32>
        %add3A_324 = arith.addf %add3A_322, %mul3A_323 : vector<16xf32>
        %mul3A_325 = arith.mulf %get3A_305, %get3A_289 : vector<16xf32>
        %mul3A_326 = arith.mulf %get3A_309, %get3A_293 : vector<16xf32>
        %add3A_327 = arith.addf %mul3A_325, %mul3A_326 : vector<16xf32>
        %mul3A_328 = arith.mulf %get3A_313, %get3A_297 : vector<16xf32>
        %add3A_329 = arith.addf %add3A_327, %mul3A_328 : vector<16xf32>
        %mul3A_330 = arith.mulf %get3A_317, %get3A_301 : vector<16xf32>
        %add3A_331 = arith.addf %add3A_329, %mul3A_330 : vector<16xf32>
        %gather3A = vector.shape_cast %broadcast_in_dim3A : vector<16x1xi32> to vector<16xi32>
        %gather3A_332 = tpu.dynamic_gather %add3A_324[%gather3A] in [0] : vector<16xf32>, vector<16xi32> -> vector<16xf32>
        %add3A_333 = arith.addf %add3A_324, %gather3A_332 : vector<16xf32>
        %gather3A_334 = vector.shape_cast %broadcast_in_dim3A_8 : vector<16x1xi32> to vector<16xi32>
        %gather3A_335 = tpu.dynamic_gather %add3A_333[%gather3A_334] in [0] : vector<16xf32>, vector<16xi32> -> vector<16xf32>
        %add3A_336 = arith.addf %add3A_333, %gather3A_335 : vector<16xf32>
        %gather3A_337 = vector.shape_cast %broadcast_in_dim3A_12 : vector<16x1xi32> to vector<16xi32>
        %gather3A_338 = tpu.dynamic_gather %add3A_336[%gather3A_337] in [0] : vector<16xf32>, vector<16xi32> -> vector<16xf32>
        %add3A_339 = arith.addf %add3A_336, %gather3A_338 : vector<16xf32>
        %gather3A_340 = vector.shape_cast %broadcast_in_dim3A_16 : vector<16x1xi32> to vector<16xi32>
        %gather3A_341 = tpu.dynamic_gather %add3A_339[%gather3A_340] in [0] : vector<16xf32>, vector<16xi32> -> vector<16xf32>
        %add3A_342 = arith.addf %add3A_339, %gather3A_341 : vector<16xf32>
        %gather3A_343 = vector.shape_cast %broadcast_in_dim3A : vector<16x1xi32> to vector<16xi32>
        %gather3A_344 = tpu.dynamic_gather %add3A_331[%gather3A_343] in [0] : vector<16xf32>, vector<16xi32> -> vector<16xf32>
        %add3A_345 = arith.addf %add3A_331, %gather3A_344 : vector<16xf32>
        %gather3A_346 = vector.shape_cast %broadcast_in_dim3A_8 : vector<16x1xi32> to vector<16xi32>
        %gather3A_347 = tpu.dynamic_gather %add3A_345[%gather3A_346] in [0] : vector<16xf32>, vector<16xi32> -> vector<16xf32>
        %add3A_348 = arith.addf %add3A_345, %gather3A_347 : vector<16xf32>
        %gather3A_349 = vector.shape_cast %broadcast_in_dim3A_12 : vector<16x1xi32> to vector<16xi32>
        %gather3A_350 = tpu.dynamic_gather %add3A_348[%gather3A_349] in [0] : vector<16xf32>, vector<16xi32> -> vector<16xf32>
        %add3A_351 = arith.addf %add3A_348, %gather3A_350 : vector<16xf32>
        %gather3A_352 = vector.shape_cast %broadcast_in_dim3A_16 : vector<16x1xi32> to vector<16xi32>
        %gather3A_353 = tpu.dynamic_gather %add3A_351[%gather3A_352] in [0] : vector<16xf32>, vector<16xi32> -> vector<16xf32>
        %add3A_354 = arith.addf %add3A_351, %gather3A_353 : vector<16xf32>
        %max3A = arith.constant 1.000000e-24 : f32
        %max3A_355 = vector.broadcast %max3A : f32 to vector<16xf32>
        %max3A_356 = arith.maximumf %add3A_342, %max3A_355 : vector<16xf32>
        %div3A_357 = arith.divf %add3A_354, %max3A_356 : vector<16xf32>
        %mul3A_358 = arith.mulf %div3A_357, %get3A_289 : vector<16xf32>
        %sub3A = arith.subf %get3A_305, %mul3A_358 : vector<16xf32>
        %add3A_359 = arith.addf %scan3A_279, %sub3A : vector<16xf32>
        %mul3A_360 = arith.mulf %div3A_357, %get3A_293 : vector<16xf32>
        %sub3A_361 = arith.subf %get3A_309, %mul3A_360 : vector<16xf32>
        %add3A_362 = arith.addf %scan3A_280, %sub3A_361 : vector<16xf32>
        %mul3A_363 = arith.mulf %div3A_357, %get3A_297 : vector<16xf32>
        %sub3A_364 = arith.subf %get3A_313, %mul3A_363 : vector<16xf32>
        %add3A_365 = arith.addf %scan3A_281, %sub3A_364 : vector<16xf32>
        %mul3A_366 = arith.mulf %div3A_357, %get3A_301 : vector<16xf32>
        %sub3A_367 = arith.subf %get3A_317, %mul3A_366 : vector<16xf32>
        %add3A_368 = arith.addf %scan3A_282, %sub3A_367 : vector<16xf32>
        %add3A_369 = arith.constant 1 : i32
        %add3A_370 = arith.addi %mul3A_284, %add3A_369 : i32
        %get3A_371 = arith.index_cast %add3A_370 : i32 to index
        %get3A_372 = arith.constant 0 : index
        %get3A_373 = tpu.vector_load %arg8[%get3A_371, %get3A_372] {strides = array<i32>} : memref<200x128xf32, #tpu.memory_space<vmem>>, vector<1x16xf32>,
        %get3A_374 = vector.shape_cast %get3A_373 : vector<1x16xf32> to vector<16xf32>
        %get3A_375 = arith.index_cast %add3A_370 : i32 to index
        %get3A_376 = arith.constant 16 : index
        %get3A_377 = tpu.vector_load %arg8[%get3A_375, %get3A_376] {strides = array<i32>} : memref<200x128xf32, #tpu.memory_space<vmem>>, vector<1x16xf32>,
        %get3A_378 = vector.shape_cast %get3A_377 : vector<1x16xf32> to vector<16xf32>
        %get3A_379 = arith.index_cast %add3A_370 : i32 to index
        %get3A_380 = arith.constant 32 : index
        %get3A_381 = tpu.vector_load %arg8[%get3A_379, %get3A_380] {strides = array<i32>} : memref<200x128xf32, #tpu.memory_space<vmem>>, vector<1x16xf32>,
        %get3A_382 = vector.shape_cast %get3A_381 : vector<1x16xf32> to vector<16xf32>
        %get3A_383 = arith.index_cast %add3A_370 : i32 to index
        %get3A_384 = arith.constant 48 : index
        %get3A_385 = tpu.vector_load %arg8[%get3A_383, %get3A_384] {strides = array<i32>} : memref<200x128xf32, #tpu.memory_space<vmem>>, vector<1x16xf32>,
        %get3A_386 = vector.shape_cast %get3A_385 : vector<1x16xf32> to vector<16xf32>
        %get3A_387 = arith.index_cast %add3A_370 : i32 to index
        %get3A_388 = arith.constant 0 : index
        %get3A_389 = tpu.vector_load %arg10[%get3A_387, %get3A_388] {strides = array<i32>} : memref<200x64xf32, #tpu.memory_space<vmem>>, vector<1x16xf32>,
        %get3A_390 = vector.shape_cast %get3A_389 : vector<1x16xf32> to vector<16xf32>
        %get3A_391 = arith.index_cast %add3A_370 : i32 to index
        %get3A_392 = arith.constant 16 : index
        %get3A_393 = tpu.vector_load %arg10[%get3A_391, %get3A_392] {strides = array<i32>} : memref<200x64xf32, #tpu.memory_space<vmem>>, vector<1x16xf32>,
        %get3A_394 = vector.shape_cast %get3A_393 : vector<1x16xf32> to vector<16xf32>
        %get3A_395 = arith.index_cast %add3A_370 : i32 to index
        %get3A_396 = arith.constant 32 : index
        %get3A_397 = tpu.vector_load %arg10[%get3A_395, %get3A_396] {strides = array<i32>} : memref<200x64xf32, #tpu.memory_space<vmem>>, vector<1x16xf32>,
        %get3A_398 = vector.shape_cast %get3A_397 : vector<1x16xf32> to vector<16xf32>
        %get3A_399 = arith.index_cast %add3A_370 : i32 to index
        %get3A_400 = arith.constant 48 : index
        %get3A_401 = tpu.vector_load %arg10[%get3A_399, %get3A_400] {strides = array<i32>} : memref<200x64xf32, #tpu.memory_space<vmem>>, vector<1x16xf32>,
        %get3A_402 = vector.shape_cast %get3A_401 : vector<1x16xf32> to vector<16xf32>
        %mul3A_403 = arith.mulf %get3A_374, %get3A_374 : vector<16xf32>
        %mul3A_404 = arith.mulf %get3A_378, %get3A_378 : vector<16xf32>
        %add3A_405 = arith.addf %mul3A_403, %mul3A_404 : vector<16xf32>
        %mul3A_406 = arith.mulf %get3A_382, %get3A_382 : vector<16xf32>
        %add3A_407 = arith.addf %add3A_405, %mul3A_406 : vector<16xf32>
        %mul3A_408 = arith.mulf %get3A_386, %get3A_386 : vector<16xf32>
        %add3A_409 = arith.addf %add3A_407, %mul3A_408 : vector<16xf32>
        %mul3A_410 = arith.mulf %get3A_390, %get3A_374 : vector<16xf32>
        %mul3A_411 = arith.mulf %get3A_394, %get3A_378 : vector<16xf32>
        %add3A_412 = arith.addf %mul3A_410, %mul3A_411 : vector<16xf32>
        %mul3A_413 = arith.mulf %get3A_398, %get3A_382 : vector<16xf32>
        %add3A_414 = arith.addf %add3A_412, %mul3A_413 : vector<16xf32>
        %mul3A_415 = arith.mulf %get3A_402, %get3A_386 : vector<16xf32>
        %add3A_416 = arith.addf %add3A_414, %mul3A_415 : vector<16xf32>
        %gather3A_417 = vector.shape_cast %broadcast_in_dim3A : vector<16x1xi32> to vector<16xi32>
        %gather3A_418 = tpu.dynamic_gather %add3A_409[%gather3A_417] in [0] : vector<16xf32>, vector<16xi32> -> vector<16xf32>
        %add3A_419 = arith.addf %add3A_409, %gather3A_418 : vector<16xf32>
        %gather3A_420 = vector.shape_cast %broadcast_in_dim3A_8 : vector<16x1xi32> to vector<16xi32>
        %gather3A_421 = tpu.dynamic_gather %add3A_419[%gather3A_420] in [0] : vector<16xf32>, vector<16xi32> -> vector<16xf32>
        %add3A_422 = arith.addf %add3A_419, %gather3A_421 : vector<16xf32>
        %gather3A_423 = vector.shape_cast %broadcast_in_dim3A_12 : vector<16x1xi32> to vector<16xi32>
        %gather3A_424 = tpu.dynamic_gather %add3A_422[%gather3A_423] in [0] : vector<16xf32>, vector<16xi32> -> vector<16xf32>
        %add3A_425 = arith.addf %add3A_422, %gather3A_424 : vector<16xf32>
        %gather3A_426 = vector.shape_cast %broadcast_in_dim3A_16 : vector<16x1xi32> to vector<16xi32>
        %gather3A_427 = tpu.dynamic_gather %add3A_425[%gather3A_426] in [0] : vector<16xf32>, vector<16xi32> -> vector<16xf32>
        %add3A_428 = arith.addf %add3A_425, %gather3A_427 : vector<16xf32>
        %gather3A_429 = vector.shape_cast %broadcast_in_dim3A : vector<16x1xi32> to vector<16xi32>
        %gather3A_430 = tpu.dynamic_gather %add3A_416[%gather3A_429] in [0] : vector<16xf32>, vector<16xi32> -> vector<16xf32>
        %add3A_431 = arith.addf %add3A_416, %gather3A_430 : vector<16xf32>
        %gather3A_432 = vector.shape_cast %broadcast_in_dim3A_8 : vector<16x1xi32> to vector<16xi32>
        %gather3A_433 = tpu.dynamic_gather %add3A_431[%gather3A_432] in [0] : vector<16xf32>, vector<16xi32> -> vector<16xf32>
        %add3A_434 = arith.addf %add3A_431, %gather3A_433 : vector<16xf32>
        %gather3A_435 = vector.shape_cast %broadcast_in_dim3A_12 : vector<16x1xi32> to vector<16xi32>
        %gather3A_436 = tpu.dynamic_gather %add3A_434[%gather3A_435] in [0] : vector<16xf32>, vector<16xi32> -> vector<16xf32>
        %add3A_437 = arith.addf %add3A_434, %gather3A_436 : vector<16xf32>
        %gather3A_438 = vector.shape_cast %broadcast_in_dim3A_16 : vector<16x1xi32> to vector<16xi32>
        %gather3A_439 = tpu.dynamic_gather %add3A_437[%gather3A_438] in [0] : vector<16xf32>, vector<16xi32> -> vector<16xf32>
        %add3A_440 = arith.addf %add3A_437, %gather3A_439 : vector<16xf32>
        %max3A_441 = arith.constant 1.000000e-24 : f32
        %max3A_442 = vector.broadcast %max3A_441 : f32 to vector<16xf32>
        %max3A_443 = arith.maximumf %add3A_428, %max3A_442 : vector<16xf32>
        %div3A_444 = arith.divf %add3A_440, %max3A_443 : vector<16xf32>
        %mul3A_445 = arith.mulf %div3A_444, %get3A_374 : vector<16xf32>
        %sub3A_446 = arith.subf %get3A_390, %mul3A_445 : vector<16xf32>
        %add3A_447 = arith.addf %add3A_359, %sub3A_446 : vector<16xf32>
        %mul3A_448 = arith.mulf %div3A_444, %get3A_378 : vector<16xf32>
        %sub3A_449 = arith.subf %get3A_394, %mul3A_448 : vector<16xf32>
        %add3A_450 = arith.addf %add3A_362, %sub3A_449 : vector<16xf32>
        %mul3A_451 = arith.mulf %div3A_444, %get3A_382 : vector<16xf32>
        %sub3A_452 = arith.subf %get3A_398, %mul3A_451 : vector<16xf32>
        %add3A_453 = arith.addf %add3A_365, %sub3A_452 : vector<16xf32>
        %mul3A_454 = arith.mulf %div3A_444, %get3A_386 : vector<16xf32>
        %sub3A_455 = arith.subf %get3A_402, %mul3A_454 : vector<16xf32>
        %add3A_456 = arith.addf %add3A_368, %sub3A_455 : vector<16xf32>
        %add3A_457 = arith.constant 2 : i32
        %add3A_458 = arith.addi %mul3A_284, %add3A_457 : i32
        %get3A_459 = arith.index_cast %add3A_458 : i32 to index
        %get3A_460 = arith.constant 0 : index
        %get3A_461 = tpu.vector_load %arg8[%get3A_459, %get3A_460] {strides = array<i32>} : memref<200x128xf32, #tpu.memory_space<vmem>>, vector<1x16xf32>,
        %get3A_462 = vector.shape_cast %get3A_461 : vector<1x16xf32> to vector<16xf32>
        %get3A_463 = arith.index_cast %add3A_458 : i32 to index
        %get3A_464 = arith.constant 16 : index
        %get3A_465 = tpu.vector_load %arg8[%get3A_463, %get3A_464] {strides = array<i32>} : memref<200x128xf32, #tpu.memory_space<vmem>>, vector<1x16xf32>,
        %get3A_466 = vector.shape_cast %get3A_465 : vector<1x16xf32> to vector<16xf32>
        %get3A_467 = arith.index_cast %add3A_458 : i32 to index
        %get3A_468 = arith.constant 32 : index
        %get3A_469 = tpu.vector_load %arg8[%get3A_467, %get3A_468] {strides = array<i32>} : memref<200x128xf32, #tpu.memory_space<vmem>>, vector<1x16xf32>,
        %get3A_470 = vector.shape_cast %get3A_469 : vector<1x16xf32> to vector<16xf32>
        %get3A_471 = arith.index_cast %add3A_458 : i32 to index
        %get3A_472 = arith.constant 48 : index
        %get3A_473 = tpu.vector_load %arg8[%get3A_471, %get3A_472] {strides = array<i32>} : memref<200x128xf32, #tpu.memory_space<vmem>>, vector<1x16xf32>,
        %get3A_474 = vector.shape_cast %get3A_473 : vector<1x16xf32> to vector<16xf32>
        %get3A_475 = arith.index_cast %add3A_458 : i32 to index
        %get3A_476 = arith.constant 0 : index
        %get3A_477 = tpu.vector_load %arg10[%get3A_475, %get3A_476] {strides = array<i32>} : memref<200x64xf32, #tpu.memory_space<vmem>>, vector<1x16xf32>,
        %get3A_478 = vector.shape_cast %get3A_477 : vector<1x16xf32> to vector<16xf32>
        %get3A_479 = arith.index_cast %add3A_458 : i32 to index
        %get3A_480 = arith.constant 16 : index
        %get3A_481 = tpu.vector_load %arg10[%get3A_479, %get3A_480] {strides = array<i32>} : memref<200x64xf32, #tpu.memory_space<vmem>>, vector<1x16xf32>,
        %get3A_482 = vector.shape_cast %get3A_481 : vector<1x16xf32> to vector<16xf32>
        %get3A_483 = arith.index_cast %add3A_458 : i32 to index
        %get3A_484 = arith.constant 32 : index
        %get3A_485 = tpu.vector_load %arg10[%get3A_483, %get3A_484] {strides = array<i32>} : memref<200x64xf32, #tpu.memory_space<vmem>>, vector<1x16xf32>,
        %get3A_486 = vector.shape_cast %get3A_485 : vector<1x16xf32> to vector<16xf32>
        %get3A_487 = arith.index_cast %add3A_458 : i32 to index
        %get3A_488 = arith.constant 48 : index
        %get3A_489 = tpu.vector_load %arg10[%get3A_487, %get3A_488] {strides = array<i32>} : memref<200x64xf32, #tpu.memory_space<vmem>>, vector<1x16xf32>,
        %get3A_490 = vector.shape_cast %get3A_489 : vector<1x16xf32> to vector<16xf32>
        %mul3A_491 = arith.mulf %get3A_462, %get3A_462 : vector<16xf32>
        %mul3A_492 = arith.mulf %get3A_466, %get3A_466 : vector<16xf32>
        %add3A_493 = arith.addf %mul3A_491, %mul3A_492 : vector<16xf32>
        %mul3A_494 = arith.mulf %get3A_470, %get3A_470 : vector<16xf32>
        %add3A_495 = arith.addf %add3A_493, %mul3A_494 : vector<16xf32>
        %mul3A_496 = arith.mulf %get3A_474, %get3A_474 : vector<16xf32>
        %add3A_497 = arith.addf %add3A_495, %mul3A_496 : vector<16xf32>
        %mul3A_498 = arith.mulf %get3A_478, %get3A_462 : vector<16xf32>
        %mul3A_499 = arith.mulf %get3A_482, %get3A_466 : vector<16xf32>
        %add3A_500 = arith.addf %mul3A_498, %mul3A_499 : vector<16xf32>
        %mul3A_501 = arith.mulf %get3A_486, %get3A_470 : vector<16xf32>
        %add3A_502 = arith.addf %add3A_500, %mul3A_501 : vector<16xf32>
        %mul3A_503 = arith.mulf %get3A_490, %get3A_474 : vector<16xf32>
        %add3A_504 = arith.addf %add3A_502, %mul3A_503 : vector<16xf32>
        %gather3A_505 = vector.shape_cast %broadcast_in_dim3A : vector<16x1xi32> to vector<16xi32>
        %gather3A_506 = tpu.dynamic_gather %add3A_497[%gather3A_505] in [0] : vector<16xf32>, vector<16xi32> -> vector<16xf32>
        %add3A_507 = arith.addf %add3A_497, %gather3A_506 : vector<16xf32>
        %gather3A_508 = vector.shape_cast %broadcast_in_dim3A_8 : vector<16x1xi32> to vector<16xi32>
        %gather3A_509 = tpu.dynamic_gather %add3A_507[%gather3A_508] in [0] : vector<16xf32>, vector<16xi32> -> vector<16xf32>
        %add3A_510 = arith.addf %add3A_507, %gather3A_509 : vector<16xf32>
        %gather3A_511 = vector.shape_cast %broadcast_in_dim3A_12 : vector<16x1xi32> to vector<16xi32>
        %gather3A_512 = tpu.dynamic_gather %add3A_510[%gather3A_511] in [0] : vector<16xf32>, vector<16xi32> -> vector<16xf32>
        %add3A_513 = arith.addf %add3A_510, %gather3A_512 : vector<16xf32>
        %gather3A_514 = vector.shape_cast %broadcast_in_dim3A_16 : vector<16x1xi32> to vector<16xi32>
        %gather3A_515 = tpu.dynamic_gather %add3A_513[%gather3A_514] in [0] : vector<16xf32>, vector<16xi32> -> vector<16xf32>
        %add3A_516 = arith.addf %add3A_513, %gather3A_515 : vector<16xf32>
        %gather3A_517 = vector.shape_cast %broadcast_in_dim3A : vector<16x1xi32> to vector<16xi32>
        %gather3A_518 = tpu.dynamic_gather %add3A_504[%gather3A_517] in [0] : vector<16xf32>, vector<16xi32> -> vector<16xf32>
        %add3A_519 = arith.addf %add3A_504, %gather3A_518 : vector<16xf32>
        %gather3A_520 = vector.shape_cast %broadcast_in_dim3A_8 : vector<16x1xi32> to vector<16xi32>
        %gather3A_521 = tpu.dynamic_gather %add3A_519[%gather3A_520] in [0] : vector<16xf32>, vector<16xi32> -> vector<16xf32>
        %add3A_522 = arith.addf %add3A_519, %gather3A_521 : vector<16xf32>
        %gather3A_523 = vector.shape_cast %broadcast_in_dim3A_12 : vector<16x1xi32> to vector<16xi32>
        %gather3A_524 = tpu.dynamic_gather %add3A_522[%gather3A_523] in [0] : vector<16xf32>, vector<16xi32> -> vector<16xf32>
        %add3A_525 = arith.addf %add3A_522, %gather3A_524 : vector<16xf32>
        %gather3A_526 = vector.shape_cast %broadcast_in_dim3A_16 : vector<16x1xi32> to vector<16xi32>
        %gather3A_527 = tpu.dynamic_gather %add3A_525[%gather3A_526] in [0] : vector<16xf32>, vector<16xi32> -> vector<16xf32>
        %add3A_528 = arith.addf %add3A_525, %gather3A_527 : vector<16xf32>
        %max3A_529 = arith.constant 1.000000e-24 : f32
        %max3A_530 = vector.broadcast %max3A_529 : f32 to vector<16xf32>
        %max3A_531 = arith.maximumf %add3A_516, %max3A_530 : vector<16xf32>
        %div3A_532 = arith.divf %add3A_528, %max3A_531 : vector<16xf32>
        %mul3A_533 = arith.mulf %div3A_532, %get3A_462 : vector<16xf32>
        %sub3A_534 = arith.subf %get3A_478, %mul3A_533 : vector<16xf32>
        %add3A_535 = arith.addf %add3A_447, %sub3A_534 : vector<16xf32>
        %mul3A_536 = arith.mulf %div3A_532, %get3A_466 : vector<16xf32>
        %sub3A_537 = arith.subf %get3A_482, %mul3A_536 : vector<16xf32>
        %add3A_538 = arith.addf %add3A_450, %sub3A_537 : vector<16xf32>
        %mul3A_539 = arith.mulf %div3A_532, %get3A_470 : vector<16xf32>
        %sub3A_540 = arith.subf %get3A_486, %mul3A_539 : vector<16xf32>
        %add3A_541 = arith.addf %add3A_453, %sub3A_540 : vector<16xf32>
        %mul3A_542 = arith.mulf %div3A_532, %get3A_474 : vector<16xf32>
        %sub3A_543 = arith.subf %get3A_490, %mul3A_542 : vector<16xf32>
        %add3A_544 = arith.addf %add3A_456, %sub3A_543 : vector<16xf32>
        %add3A_545 = arith.constant 3 : i32
        %add3A_546 = arith.addi %mul3A_284, %add3A_545 : i32
        %get3A_547 = arith.index_cast %add3A_546 : i32 to index
        %get3A_548 = arith.constant 0 : index
        %get3A_549 = tpu.vector_load %arg8[%get3A_547, %get3A_548] {strides = array<i32>} : memref<200x128xf32, #tpu.memory_space<vmem>>, vector<1x16xf32>,
        %get3A_550 = vector.shape_cast %get3A_549 : vector<1x16xf32> to vector<16xf32>
        %get3A_551 = arith.index_cast %add3A_546 : i32 to index
        %get3A_552 = arith.constant 16 : index
        %get3A_553 = tpu.vector_load %arg8[%get3A_551, %get3A_552] {strides = array<i32>} : memref<200x128xf32, #tpu.memory_space<vmem>>, vector<1x16xf32>,
        %get3A_554 = vector.shape_cast %get3A_553 : vector<1x16xf32> to vector<16xf32>
        %get3A_555 = arith.index_cast %add3A_546 : i32 to index
        %get3A_556 = arith.constant 32 : index
        %get3A_557 = tpu.vector_load %arg8[%get3A_555, %get3A_556] {strides = array<i32>} : memref<200x128xf32, #tpu.memory_space<vmem>>, vector<1x16xf32>,
        %get3A_558 = vector.shape_cast %get3A_557 : vector<1x16xf32> to vector<16xf32>
        %get3A_559 = arith.index_cast %add3A_546 : i32 to index
        %get3A_560 = arith.constant 48 : index
        %get3A_561 = tpu.vector_load %arg8[%get3A_559, %get3A_560] {strides = array<i32>} : memref<200x128xf32, #tpu.memory_space<vmem>>, vector<1x16xf32>,
        %get3A_562 = vector.shape_cast %get3A_561 : vector<1x16xf32> to vector<16xf32>
        %get3A_563 = arith.index_cast %add3A_546 : i32 to index
        %get3A_564 = arith.constant 0 : index
        %get3A_565 = tpu.vector_load %arg10[%get3A_563, %get3A_564] {strides = array<i32>} : memref<200x64xf32, #tpu.memory_space<vmem>>, vector<1x16xf32>,
        %get3A_566 = vector.shape_cast %get3A_565 : vector<1x16xf32> to vector<16xf32>
        %get3A_567 = arith.index_cast %add3A_546 : i32 to index
        %get3A_568 = arith.constant 16 : index
        %get3A_569 = tpu.vector_load %arg10[%get3A_567, %get3A_568] {strides = array<i32>} : memref<200x64xf32, #tpu.memory_space<vmem>>, vector<1x16xf32>,
        %get3A_570 = vector.shape_cast %get3A_569 : vector<1x16xf32> to vector<16xf32>
        %get3A_571 = arith.index_cast %add3A_546 : i32 to index
        %get3A_572 = arith.constant 32 : index
        %get3A_573 = tpu.vector_load %arg10[%get3A_571, %get3A_572] {strides = array<i32>} : memref<200x64xf32, #tpu.memory_space<vmem>>, vector<1x16xf32>,
        %get3A_574 = vector.shape_cast %get3A_573 : vector<1x16xf32> to vector<16xf32>
        %get3A_575 = arith.index_cast %add3A_546 : i32 to index
        %get3A_576 = arith.constant 48 : index
        %get3A_577 = tpu.vector_load %arg10[%get3A_575, %get3A_576] {strides = array<i32>} : memref<200x64xf32, #tpu.memory_space<vmem>>, vector<1x16xf32>,
        %get3A_578 = vector.shape_cast %get3A_577 : vector<1x16xf32> to vector<16xf32>
        %mul3A_579 = arith.mulf %get3A_550, %get3A_550 : vector<16xf32>
        %mul3A_580 = arith.mulf %get3A_554, %get3A_554 : vector<16xf32>
        %add3A_581 = arith.addf %mul3A_579, %mul3A_580 : vector<16xf32>
        %mul3A_582 = arith.mulf %get3A_558, %get3A_558 : vector<16xf32>
        %add3A_583 = arith.addf %add3A_581, %mul3A_582 : vector<16xf32>
        %mul3A_584 = arith.mulf %get3A_562, %get3A_562 : vector<16xf32>
        %add3A_585 = arith.addf %add3A_583, %mul3A_584 : vector<16xf32>
        %mul3A_586 = arith.mulf %get3A_566, %get3A_550 : vector<16xf32>
        %mul3A_587 = arith.mulf %get3A_570, %get3A_554 : vector<16xf32>
        %add3A_588 = arith.addf %mul3A_586, %mul3A_587 : vector<16xf32>
        %mul3A_589 = arith.mulf %get3A_574, %get3A_558 : vector<16xf32>
        %add3A_590 = arith.addf %add3A_588, %mul3A_589 : vector<16xf32>
        %mul3A_591 = arith.mulf %get3A_578, %get3A_562 : vector<16xf32>
        %add3A_592 = arith.addf %add3A_590, %mul3A_591 : vector<16xf32>
        %gather3A_593 = vector.shape_cast %broadcast_in_dim3A : vector<16x1xi32> to vector<16xi32>
        %gather3A_594 = tpu.dynamic_gather %add3A_585[%gather3A_593] in [0] : vector<16xf32>, vector<16xi32> -> vector<16xf32>
        %add3A_595 = arith.addf %add3A_585, %gather3A_594 : vector<16xf32>
        %gather3A_596 = vector.shape_cast %broadcast_in_dim3A_8 : vector<16x1xi32> to vector<16xi32>
        %gather3A_597 = tpu.dynamic_gather %add3A_595[%gather3A_596] in [0] : vector<16xf32>, vector<16xi32> -> vector<16xf32>
        %add3A_598 = arith.addf %add3A_595, %gather3A_597 : vector<16xf32>
        %gather3A_599 = vector.shape_cast %broadcast_in_dim3A_12 : vector<16x1xi32> to vector<16xi32>
        %gather3A_600 = tpu.dynamic_gather %add3A_598[%gather3A_599] in [0] : vector<16xf32>, vector<16xi32> -> vector<16xf32>
        %add3A_601 = arith.addf %add3A_598, %gather3A_600 : vector<16xf32>
        %gather3A_602 = vector.shape_cast %broadcast_in_dim3A_16 : vector<16x1xi32> to vector<16xi32>
        %gather3A_603 = tpu.dynamic_gather %add3A_601[%gather3A_602] in [0] : vector<16xf32>, vector<16xi32> -> vector<16xf32>
        %add3A_604 = arith.addf %add3A_601, %gather3A_603 : vector<16xf32>
        %gather3A_605 = vector.shape_cast %broadcast_in_dim3A : vector<16x1xi32> to vector<16xi32>
        %gather3A_606 = tpu.dynamic_gather %add3A_592[%gather3A_605] in [0] : vector<16xf32>, vector<16xi32> -> vector<16xf32>
        %add3A_607 = arith.addf %add3A_592, %gather3A_606 : vector<16xf32>
        %gather3A_608 = vector.shape_cast %broadcast_in_dim3A_8 : vector<16x1xi32> to vector<16xi32>
        %gather3A_609 = tpu.dynamic_gather %add3A_607[%gather3A_608] in [0] : vector<16xf32>, vector<16xi32> -> vector<16xf32>
        %add3A_610 = arith.addf %add3A_607, %gather3A_609 : vector<16xf32>
        %gather3A_611 = vector.shape_cast %broadcast_in_dim3A_12 : vector<16x1xi32> to vector<16xi32>
        %gather3A_612 = tpu.dynamic_gather %add3A_610[%gather3A_611] in [0] : vector<16xf32>, vector<16xi32> -> vector<16xf32>
        %add3A_613 = arith.addf %add3A_610, %gather3A_612 : vector<16xf32>
        %gather3A_614 = vector.shape_cast %broadcast_in_dim3A_16 : vector<16x1xi32> to vector<16xi32>
        %gather3A_615 = tpu.dynamic_gather %add3A_613[%gather3A_614] in [0] : vector<16xf32>, vector<16xi32> -> vector<16xf32>
        %add3A_616 = arith.addf %add3A_613, %gather3A_615 : vector<16xf32>
        %max3A_617 = arith.constant 1.000000e-24 : f32
        %max3A_618 = vector.broadcast %max3A_617 : f32 to vector<16xf32>
        %max3A_619 = arith.maximumf %add3A_604, %max3A_618 : vector<16xf32>
        %div3A_620 = arith.divf %add3A_616, %max3A_619 : vector<16xf32>
        %mul3A_621 = arith.mulf %div3A_620, %get3A_550 : vector<16xf32>
        %sub3A_622 = arith.subf %get3A_566, %mul3A_621 : vector<16xf32>
        %add3A_623 = arith.addf %add3A_535, %sub3A_622 : vector<16xf32>
        %mul3A_624 = arith.mulf %div3A_620, %get3A_554 : vector<16xf32>
        %sub3A_625 = arith.subf %get3A_570, %mul3A_624 : vector<16xf32>
        %add3A_626 = arith.addf %add3A_538, %sub3A_625 : vector<16xf32>
        %mul3A_627 = arith.mulf %div3A_620, %get3A_558 : vector<16xf32>
        %sub3A_628 = arith.subf %get3A_574, %mul3A_627 : vector<16xf32>
        %add3A_629 = arith.addf %add3A_541, %sub3A_628 : vector<16xf32>
        %mul3A_630 = arith.mulf %div3A_620, %get3A_562 : vector<16xf32>
        %sub3A_631 = arith.subf %get3A_578, %mul3A_630 : vector<16xf32>
        %add3A_632 = arith.addf %add3A_544, %sub3A_631 : vector<16xf32>
        scf.yield %add3A_623, %add3A_626, %add3A_629, %add3A_632 : vector<16xf32>, vector<16xf32>, vector<16xf32>, vector<16xf32>
      }
      %scan3A_241 = arith.constant 50 : i32
      %mul3A_242 = arith.constant 64 : i32
      %mul3A_243 = arith.muli %add3A_233, %mul3A_242 : i32
      %div3A_244 = arith.constant 2.000000e+02 : f32
      %div3A_245 = vector.broadcast %div3A_244 : f32 to vector<16xf32>
      %div3A_246 = arith.divf %scan3A_240#0, %div3A_245 : vector<16xf32>
      %swap3A_247 = arith.index_cast %mul3A_243 : i32 to index
      %swap3A_248 = tpu.vector_load %arg11[%swap3A_247] {strides = array<i32>} : memref<8192xf32, #tpu.memory_space<vmem>>, vector<16xf32>,
      %swap3A_249 = vector.shape_cast %swap3A_248 : vector<16xf32> to vector<16xf32>
      %swap3A_250 = vector.shape_cast %div3A_246 : vector<16xf32> to vector<16xf32>
      tpu.vector_store %arg11[%swap3A_247], %swap3A_250 {strides = array<i32>} : memref<8192xf32, #tpu.memory_space<vmem>>, vector<16xf32>,
      %div3A_251 = arith.constant 2.000000e+02 : f32
      %div3A_252 = vector.broadcast %div3A_251 : f32 to vector<16xf32>
      %div3A_253 = arith.divf %scan3A_240#1, %div3A_252 : vector<16xf32>
      %add3A_254 = arith.constant 16 : i32
      %add3A_255 = arith.addi %mul3A_243, %add3A_254 : i32
      %swap3A_256 = arith.index_cast %add3A_255 : i32 to index
      %swap3A_257 = tpu.vector_load %arg11[%swap3A_256] {strides = array<i32>} : memref<8192xf32, #tpu.memory_space<vmem>>, vector<16xf32>,
      %swap3A_258 = vector.shape_cast %swap3A_257 : vector<16xf32> to vector<16xf32>
      %swap3A_259 = vector.shape_cast %div3A_253 : vector<16xf32> to vector<16xf32>
      tpu.vector_store %arg11[%swap3A_256], %swap3A_259 {strides = array<i32>} : memref<8192xf32, #tpu.memory_space<vmem>>, vector<16xf32>,
      %div3A_260 = arith.constant 2.000000e+02 : f32
      %div3A_261 = vector.broadcast %div3A_260 : f32 to vector<16xf32>
      %div3A_262 = arith.divf %scan3A_240#2, %div3A_261 : vector<16xf32>
      %add3A_263 = arith.constant 32 : i32
      %add3A_264 = arith.addi %mul3A_243, %add3A_263 : i32
      %swap3A_265 = arith.index_cast %add3A_264 : i32 to index
      %swap3A_266 = tpu.vector_load %arg11[%swap3A_265] {strides = array<i32>} : memref<8192xf32, #tpu.memory_space<vmem>>, vector<16xf32>,
      %swap3A_267 = vector.shape_cast %swap3A_266 : vector<16xf32> to vector<16xf32>
      %swap3A_268 = vector.shape_cast %div3A_262 : vector<16xf32> to vector<16xf32>
      tpu.vector_store %arg11[%swap3A_265], %swap3A_268 {strides = array<i32>} : memref<8192xf32, #tpu.memory_space<vmem>>, vector<16xf32>,
      %div3A_269 = arith.constant 2.000000e+02 : f32
      %div3A_270 = vector.broadcast %div3A_269 : f32 to vector<16xf32>
      %div3A_271 = arith.divf %scan3A_240#3, %div3A_270 : vector<16xf32>
      %add3A_272 = arith.constant 48 : i32
      %add3A_273 = arith.addi %mul3A_243, %add3A_272 : i32
      %swap3A_274 = arith.index_cast %add3A_273 : i32 to index
      %swap3A_275 = tpu.vector_load %arg11[%swap3A_274] {strides = array<i32>} : memref<8192xf32, #tpu.memory_space<vmem>>, vector<16xf32>,
      %swap3A_276 = vector.shape_cast %swap3A_275 : vector<16xf32> to vector<16xf32>
      %swap3A_277 = vector.shape_cast %div3A_271 : vector<16xf32> to vector<16xf32>
      tpu.vector_store %arg11[%swap3A_274], %swap3A_277 {strides = array<i32>} : memref<8192xf32, #tpu.memory_space<vmem>>, vector<16xf32>,
    }
    %scan3A_86 = arith.constant 32 : i32
    %mul3A_87 = arith.constant 64 : i32
    %mul3A_88 = arith.muli %mul3A_2, %mul3A_87 : i32
    "tpu.region"() ({
      %run_scoped3A = tpu.sem_alloc : memref<!tpu.dma_semaphore, #tpu.memory_space<semaphore_mem>>
      %dma_start3A_89 = tpu.memref_slice %arg5[%mul3A_88] : memref<262144xf32, #tpu.memory_space<hbm>> -> memref<8192xf32, #tpu.memory_space<hbm>>
      %dma_start3A_90 = tpu.memref_slice %arg5[%mul3A_88] : memref<262144xf32, #tpu.memory_space<hbm>> -> memref<8192xf32, #tpu.memory_space<hbm>>
      tpu.enqueue_dma source(%arg11 : memref<8192xf32, #tpu.memory_space<vmem>>) target(%dma_start3A_90 : memref<8192xf32, #tpu.memory_space<hbm>>) target_semaphore(%run_scoped3A : memref<!tpu.dma_semaphore, #tpu.memory_space<semaphore_mem>>)
      %dma_wait3A = tpu.memref_slice %arg5[%mul3A_88] : memref<262144xf32, #tpu.memory_space<hbm>> -> memref<8192xf32, #tpu.memory_space<hbm>>
      %dma_wait3A_91 = tpu.memref_slice %arg5[%mul3A_88] : memref<262144xf32, #tpu.memory_space<hbm>> -> memref<8192xf32, #tpu.memory_space<hbm>>
      tpu.wait_dma2 semaphore(%run_scoped3A : memref<!tpu.dma_semaphore, #tpu.memory_space<semaphore_mem>>) src(%arg11 : memref<8192xf32, #tpu.memory_space<vmem>>) dst(%dma_wait3A_91 : memref<8192xf32, #tpu.memory_space<hbm>>)
      tpu.yield
    }) : () -> ()
    return
  }
}

</mosaic_0001>

<sc_bundles>
// kernel: kernel.4.cloned.1.call-start
scs
__scs_entry_jumppad:
0x0: {  	(pc) =	sbr.rel $0x88, $3  }
0x1: {  	(tag) =	ssettag $0x0;
	lr =	simm.s32 $0x1  }
0x2: {  	[smem:$0x3F9E] =	sst lr;
	_ =	strace $0xD0000000  }
0x3: {  	_ = 	snop  }
0x4: {  	_ = 	snop  }
0x5: {  	_ = 	snop  }
0x6: {  	_ = 	snop  }
0x7: {  	_ = 	snop  }
__scs_overlays_trampoline_lowered:
0x8: {  	[smem:$0x3FAD] =	sst s0  }
0x9: {  	[smem:$0x3FAE] =	sst s1  }
0xa: {  	[smem:$0x3FAF] =	sst s2  }
0xb: {  	[smem:$0x3FB0] =	sst s3  }
0xc: {  	[smem:$0x3FB1] =	sst s4  }
0xd: {  	[smem:$0x3FB2] =	sst s5  }
0xe: {  	[smem:$0x3FB3] =	sst s6  }
0xf: {  	[smem:$0x3FB4] =	sst s7  }
0x10: {  	[smem:$0x3FB5] =	sst s8  }
0x11: {  	[smem:$0x3FB6] =	sst s9;
	s0 =	simm.s32 @!p0 $0x0  }
0x12: {  	s1 =	sld [smem:$0x3F9C];
	s0 =	simm.s32 @p0 $0x1  }
0x13: {  	[smem:$0x3FB7] =	sst s0;
	s0 =	simm.s32 @!p1 $0x0  }
0x14: {  	s2 =	sld [smem:$0x3F9B];
	s0 =	simm.s32 @p1 $0x1  }
0x15: {  	[smem:$0x3FB8] =	sst s0;
	s0 =	simm.s32 @!p2 $0x0  }
0x16: {  	s3 =	sld [smem:$0x3FDB];
	s0 =	simm.s32 @p2 $0x1  }
0x17: {  	s4 =	simm.s32 $0x1BF5;
	[smem:$0x3FBA] =	sst s0  }
0x18: {  	s0 =	sld [smem:$0x3F9D];
	_ =	swait.ge [sflag:s4], $0x0  }
0x19: {  	s7 =	sld [smem:$0x3F9E]  }
0x1a: {  	s8 =	sadd.s32 $0xFFFFE003, lr  }
0x1b: {  	s9 =	sadd.s32 $0xFFFFFEF7, lr;
	s5 =	simm.s32 $0xFFFFFFFF;
	p2 =	slt.u32 s8, $0xFFFFF086  }
0x1c: {  	p1 =	slt.u32 s9, $0xF7A;
	s5 =	simm.s32 @!p2 $0x0  }
0x1d: {  	s5 =	simm.s32 @p1 $0x1;
	p0 =	seq.s32 s7, s2  }
0x1e: {  	s7 =	smul.u32 @!p0 $0xF7A, s2;
	p2 =	seq.s32 @!p0 s5, $0x0  }
0x1f: {  	s9 =	smul.u32 $0xF7A, s1;
	s8 =	simm.s32 @!p0 $0x1BF5;
	p2 =	por !p2, p0  }
0x20: {  	[sflag:s8] =	ssyncset.s32 @!p0 $0xFFFFF086;
	s6 =	sadd.s32 @!p0 s3, s7;
	s7 =	simm.s32 @!p0 $0x108  }
0x21: {  	s3 =	sadd.s32 s3, s9;
	s6 =	sadd.s32 @!p0 $0x88, s6;
	s7 =	simm.s32 @p2 $0x1082  }
0x22: {  	[simem:s7], [sflag:s8] =	dma.local @!p0 [hbm:s6], $0xF7A  }
0x23: {  	s9 =	sor.u32 $0xD0000000, s2;
	s6 =	simm.s32 $0x108;
	_ =	swait.ge @!p0 [sflag:s8], $0x0  }
0x24: {  	s3 =	sadd.s32 $0x88, s3;
	s6 =	simm.s32 @!p1 $0x1082;
	[sflag:s4] =	ssyncset.s32 $0xFFFFF086  }
0x25: {  	[simem:s6], [sflag:s4] =	dma.local [hbm:s3], $0xF7A  }
0x26: {  	[smem:$0x3F9E] =	sst s1;
	(tag) =	ssettag s2;
	_ =	strace s9  }
0x27: {  	s1 =	sld [smem:$0x3FAE]  }
0x28: {  	s2 =	sld [smem:$0x3FAF]  }
0x29: {  	s4 =	sld [smem:$0x3FB1]  }
0x2a: {  	p0 =	seq.s32 s5, $0x0;
	s5 =	sld [smem:$0x3FB2]  }
0x2b: {  	s6 =	sld [smem:$0x3FB3]  }
0x2c: {  	s7 =	sld [smem:$0x3FB4]  }
0x2d: {  	s3 =	simm.s32 $0x108;
	s8 =	sld [smem:$0x3FB5]  }
0x2e: {  	s3 =	simm.s32 @!p0 $0x1082;
	s9 =	sld [smem:$0x3FB6]  }
0x2f: {  	lr =	sadd.s32 s0, s3;
	s0 =	sld [smem:$0x3FAD]  }
0x30: {  	s3 =	sld [smem:$0x3FB0]  }
0x31: {  	[smem:$0x3FB9] =	sst s10  }
0x32: {  	s10 =	sld [smem:$0x3FB7];
	_ =	sdelay $0x3  }
0x33: {  	p0 =	seq.s32 s10, $0x1;
	s10 =	sld [smem:$0x3FB9];
	_ =	sdelay $0x3  }
0x34: {  	[smem:$0x3FB9] =	sst s10  }
0x35: {  	s10 =	sld [smem:$0x3FB8];
	_ =	sdelay $0x3  }
0x36: {  	p1 =	seq.s32 s10, $0x1;
	s10 =	sld [smem:$0x3FB9];
	_ =	sdelay $0x3  }
0x37: {  	[smem:$0x3FB9] =	sst s10  }
0x38: {  	s10 =	sld [smem:$0x3FBA]  }
0x39: {  	_ = 	snop;
	(pc) =	sbr.ind lr, $3  }
0x3a: {  	_ = 	snop  }
0x3b: {  	_ = 	snop  }
0x3c: {  	p2 =	seq.s32 s10, $0x1;
	s10 =	sld [smem:$0x3FB9]  }
0x3d: {  	_ =	shalt  }
0x3e: {  	_ =	shalt  }
0x3f: {  	_ =	shalt  }
0x40: {  	_ =	shalt  }
0x41: {  	_ =	shalt  }
0x42: {  	_ =	shalt  }
0x43: {  	_ =	shalt  }
0x44: {  	_ =	shalt  }
0x45: {  	_ =	shalt  }
0x46: {  	_ =	shalt  }
0x47: {  	_ =	shalt  }
0x48: {  	_ =	shalt  }
0x49: {  	_ =	shalt  }
0x4a: {  	_ =	shalt  }
0x4b: {  	_ =	shalt  }
0x4c: {  	_ =	shalt  }
0x4d: {  	_ =	shalt  }
0x4e: {  	_ =	shalt  }
0x4f: {  	_ =	shalt  }
0x50: {  	_ =	shalt  }
0x51: {  	_ =	shalt  }
0x52: {  	_ =	shalt  }
0x53: {  	_ =	shalt  }
0x54: {  	_ =	shalt  }
0x55: {  	_ =	shalt  }
0x56: {  	_ =	shalt  }
0x57: {  	_ =	shalt  }
0x58: {  	_ =	shalt  }
0x59: {  	_ =	shalt  }
0x5a: {  	_ =	shalt  }
0x5b: {  	_ =	shalt  }
0x5c: {  	_ =	shalt  }
0x5d: {  	_ =	shalt  }
0x5e: {  	_ =	shalt  }
0x5f: {  	_ =	shalt  }
0x60: {  	_ =	shalt  }
0x61: {  	_ =	shalt  }
0x62: {  	_ =	shalt  }
0x63: {  	_ =	shalt  }
0x64: {  	_ =	shalt  }
0x65: {  	_ =	shalt  }
0x66: {  	_ =	shalt  }
0x67: {  	_ =	shalt  }
0x68: {  	_ =	shalt  }
0x69: {  	_ =	shalt  }
0x6a: {  	_ =	shalt  }
0x6b: {  	_ =	shalt  }
0x6c: {  	_ =	shalt  }
0x6d: {  	_ =	shalt  }
0x6e: {  	_ =	shalt  }
0x6f: {  	_ =	shalt  }
0x70: {  	_ =	shalt  }
0x71: {  	_ =	shalt  }
0x72: {  	_ =	shalt  }
0x73: {  	_ =	shalt  }
0x74: {  	_ =	shalt  }
0x75: {  	_ =	shalt  }
0x76: {  	_ =	shalt  }
0x77: {  	_ =	shalt  }
0x78: {  	_ =	shalt  }
0x79: {  	_ =	shalt  }
0x7a: {  	_ =	shalt  }
0x7b: {  	_ =	shalt  }
0x7c: {  	_ =	shalt  }
0x7d: {  	_ =	shalt  }
0x7e: {  	_ =	shalt  }
0x7f: {  	_ =	shalt  }
0x80: {  	_ =	shalt  }
0x81: {  	_ =	shalt  }
0x82: {  	_ =	shalt  }
0x83: {  	_ =	shalt  }
0x84: {  	_ =	shalt  }
0x85: {  	_ =	shalt  }
0x86: {  	_ =	shalt  }
0x87: {  	_ =	shalt  }
.Lfunc_end0:
.L_simem_size_0:
called_computation_lowered:
.L_overlay_start_0:
0x88: {  	s2 =	sld [smem:$0x3FD9]  }
0x89: {  	s3 =	sld [smem:$0x3FFE];
	_ =	sdelay $0x1  }
0x8a: {  	s1 =	srdreg.scid  }
0x8b: {  	s0 =	sand.u32 $0x1, s1  }
0x8c: {  	s17 =	sshll.u32 s0, $0xA;
	s2 =	sadd.s32 s3, s2  }
0x8d: {  	s2 =	sadd.s32 s2, s17  }
0x8e: {  	[smem:$0x3FC5] =	sst s2  }
0x8f: {  	_ = 	snop  }
0x90: {  	s2 =	sld [smem:$0x3FC7];
	(tm) =	ssettm $0x1  }
0x91: {  	s18 =	sld [smem:$0x3FFB];
	_ =	sdelay $0x3  }
0x92: {  	_ =	strace s18  }
0x93: {  	s3 =	sld [smem:$0x3FFC];
	_ =	sdelay $0x3  }
0x94: {  	_ =	strace s3  }
0x95: {  	s3 =	sld [smem:$0x3FFD];
	_ =	sdelay $0x3  }
0x96: {  	_ =	strace s3  }
0x97: {  	_ =	strace $0x8FFFFFFF  }
0x98: {  	s19 =	sld [smem:$0x3FDB];
	_ =	sdelay $0x1  }
0x99: {  	s4 =	simm.s32 $_scs_section_size  }
0x9a: {  	s5 =	simm.s32 $_size__tile_overlayer_lowered;
	s6 =	simm.s32 $_tile_overlayer_lowered  }
0x9b: {  	s22 =	simm.s32 $0x1BFF;
	s21 =	sshll.u32 s6, $0x1;
	s3 =	sadd.s32 s4, s19  }
0x9c: {  	s7 =	simm.s32 $0x0;
	s20 =	sshll.u32 s5, $0x1;
	s5 =	sadd.s32 s21, s3  }
0x9d: {  	[timem:s7], [sflag:s22] =	dma.local [hbm:s5], s20  }
0x9e: {  	_ =	swait.ge [sflag:s22], s20  }
0x9f: {  	s4 =	ssub.s32 $0x0, s20;
	[sflag:s22] =	ssyncset.done $0x0  }
0xa0: {  	[sflag:s22] =	ssyncadd.s32 s4;
	_ =	sdelay $0x1  }
0xa1: {  	s23 =	simm.s32 $0x1B8B  }
0xa2: {  	_ =	swait.ge [sflag:s23], $0x1  }
0xa3: {  	[sflag:s23] =	ssyncset.done $0x0  }
0xa4: {  	s25 =	simm.s32 $0x1B8E;
	s24 =	sld [smem:$0x3FFE];
	[sflag:s23] =	ssyncadd.s32 $0xFFFFFFFF  }
0xa5: {  	s26 =	simm.s32 $execute0_lowered;
	[smem:$0x3FD2] =	sst s25  }
0xa6: {  	s5 =	sshll.u32 s26, $0x1;
	_ =	strace $0x80000046;
	[dreg:$0x1] =	wrdreg $0xFFFFFFFF  }
0xa7: {  	s28 =	simm.s32 $_size_execute0_lowered;
	s3 =	sadd.s32 s3, s5;
	[dreg:$0x0] =	wrdreg $0x0  }
0xa8: {  	s5 =	sshll.u32 s28, $0x1;
	[dreg:$0x2] =	wrdreg s3  }
0xa9: {  	[dreg:$0x3] =	wrdreg s5  }
0xaa: {  	[dreg:$0x4] =	wrdreg $0xC0  }
0xab: {  	_ =	task [dreg:s7], $0x5FFFF  }
0xac: {  	[dreg:$0x1] =	wrdreg $0xFFFFFFFF  }
0xad: {  	[dreg:$0x0] =	wrdreg $0x60  }
0xae: {  	[dreg:$0x2] =	wrdreg s2  }
0xaf: {  	[dreg:$0x3] =	wrdreg s24  }
0xb0: {  	[dreg:$0x4] =	wrdreg $0x9  }
0xb1: {  	_ =	task.clear_ibuf [dreg:s7], $0x5FFFF;
	_ =	strace $0x90000046  }
0xb2: {  	s29 =	simm.s32 $0x9;
	_ =	strace $0x80000048  }
0xb3: {  	_ =	swait.ge [sflag:s29], $0x1  }
0xb4: {  	[sflag:s29] =	ssyncadd.s32 $0xFFFFFFFF  }
0xb5: {  	_ =	strace $0x90000048  }
0xb6: {  	_ =	sfence  }
0xb7: {  	s30 =	sld [smem:$0x0];
	_ =	sdelay $0x2  }
0xb8: {  	s31 =	sshll.u32 s1, $0xD;
	s1 =	sshrl.u32 s1, $0x2  }
0xb9: {  	s3 =	sand.u32 $0x4000, s31;
	s1 =	sadd.s32 s1, s30  }
0xba: {  	s0 =	sor.u32 s3, s0;
	s1 =	sshll.u32 s1, $0x11  }
0xbb: {  	s0 =	sor.u32 s1, s0  }
0xbc: {  	s0 =	sadd.s32 $0x8F2B, s0  }
0xbd: {  	[sflag:s0] =	ssyncadd.remote.s32 $0x1  }
0xbe: {  	_ =	sfence.sel $0xFFFF  }
0xbf: {  	[dreg:$0x0] =	wrdreg $0xFFFFFFFF;
	(pc) =	sbr.abs _section_cstart, $3  }
0xc0: {  	[dreg:$0x1] =	wrdreg $0xFFFFFFFF  }
0xc1: {  	_ =	task.clear_ibuf [dreg:s7], $0x2FFFF;
	_ =	strace $0x9FFFFFFF  }
0xc2: {  	(tm) =	ssettm $0x7FFFFFFF  }
0xc3: {  	_ =	shalt  }
tec
execute0_lowered:
.L_overlay_start_1:
0x0: {  	(tag) =	ssettag $0x1  }
0x1: {  	s1 =	srdreg.scid;
	s2 =	rddreg [dreg:$0x0]  }
0x2: {  	s0 =	stileid.u32;
	s6 =	rddreg [dreg:$0x1]  }
0x3: {  	s3 =	simm.s32 $0x0;
	s13 =	simm.s32 $0x400;
	s14 =	simm.s32 $0x186C00  }
0x4: {  	s15 =	simm.s32 $0x2000;
	s16 =	simm.s32 $0x1;
	s17 =	simm.s32 $0x4000  }
0x5: {  	s18 =	simm.s32 $0x2;
	s19 =	simm.s32 $0x8000;
	s20 =	simm.s32 $0x3  }
0x6: {  	s21 =	simm.s32 $0x4;
	s5 =	sand.u32 $0x1, s1;
	s30 =	sshll.u32 s0, $0x1  }
0x7: {  	s22 =	simm.s32 $0x0;
	s1 =	rddreg [dreg:$0x2];
	s7 =	sor.u32 s5, s30  }
0x8: {  	[smem:$0x7FF] =	sst s3;
	s8 =	ssub.s32 $0x2, s5;
	s4 =	smul.u32 $0x31, s7  }
0x9: {  	_ =	strace $0x80000047;
	s7 =	smul.u32 $0x1880, s7;
	s31 =	sshrl.u32 s8, $0x1  }
0xa: {  	v0 =	vlaneseq.u32;
	s5 =	sadd.s32 $0xA00, s6;
	s12 =	ssub.s32 s8, s31;
	s9 =	smin.u32 s4, $0x5EA  }
0xb: {  	v0 =	vmul.u32 $0x80, v0;
	s6 =	sadd.s32 s2, s7;
	s8 =	sadd.s32 $0x2, s4;
	s11 =	sshll.u32 s9, $0xB  }
0xc: {  	s10 =	sadd.s32 $0x3, s4;
	s12 =	smax.u32 s12, $0x1;
	s11 =	sadd.s32 s11, s5  }
0xd: {  	v1 =	vor.u32 $0x800, v0;
	v2 =	vor.u32 $0x1000, v0;
	v3 =	vor.u32 $0x1800, v0;
	s7 =	sadd.s32 $0x80, s6;
	s9 =	sadd.s32 $0x1, s4;
	s11 =	sadd.s32 $0x18000, s11  }
.LBB2_1:
0xe: {  	[tilespmem:s3], [sflag:$0x1] =	stream.strided.gather [hbm4b:s6+s13], $0x2000, s14, s13, $0x38;
	[tilespmem:$0xC000] =	vst v63  }
0xf: {  	s23 =	simm.s32 $0x0  }
0x10: {  	[tilespmem:s15], [sflag:$0x2] =	stream.strided.gather [hbm4b:s7+s13], $0x2000, s14, s13, $0x38;
	[tilespmem:$0xC000] =	vst v63  }
.LBB2_2:
0x11: {  	s24 =	simm.s32 $0x0  }
0x12: {  	v4 =	vmov s24  }
0x13: {  	v4 =	vand.u32 $0x7F, v4  }
0x14: {  	v4 =	vbroadcast v4, $0x0  }
0x15: {  	_ =	swait.ge [sflag:s16], $0x2000  }
0x16: {  	p0 =	seq.s32 s23, $0x0;
	[sflag:s16] =	ssyncset.done $0x0;
	v5 =	vor.u32 v0, v4  }
0x17: {  	s24 =	simm.s32 @!p0 $0x3;
	[sflag:s16] =	ssyncadd.s32 $0xFFFFE000  }
0x18: {  	_ =	swait.ge @!p0 [sflag:s24], $0x4000  }
0x19: {  	[sflag:s24] =	ssyncset.done @!p0 $0x0  }
0x1a: {  	[sflag:s24] =	ssyncadd.s32 @!p0 $0xFFFFC000  }
0x1b: {  	v5 =	vld.idx.msk [tilespmem:v5+s3+$0x0], $0xffff  }
0x1c: {  	v6 =	vor.u32 v1, v4;
	_ =	sdelay $0x2  }
0x1d: {  	s26 =	simm.s32 $0x4020  }
0x1e: {  	[tilespmem:s26+$0xFFFFFFE0] =	vst v5  }
0x1f: {  	v5 =	vld.idx.msk [tilespmem:v6+s3+$0x0], $0xffff  }
0x20: {  	v6 =	vor.u32 v2, v4;
	_ =	sdelay $0x3  }
0x21: {  	[tilespmem:s26+$0xFFFFFFF0] =	vst v5  }
0x22: {  	v5 =	vld.idx.msk [tilespmem:v6+s3+$0x0], $0xffff  }
0x23: {  	v4 =	vor.u32 v3, v4  }
0x24: {  	s24 =	sshll.u32 s23, $0x1  }
0x25: {  	s28 =	simm.s32 $0x1;
	s25 =	sadd.s32 s4, s24  }
0x26: {  	s25 =	smin.u32 s25, $0x61A;
	v6 =	vmov s28;
	s28 =	simm.s32 $0x2  }
.LBB2_3:
0x27: {  	p1 =	sne.s32 s28, $0x7F;
	v6 =	vand.u32 $0x7F, v6;
	[tilespmem:s26+$0x0] =	vst v5  }
0x28: {  	v6 =	vbroadcast v6, $0x0;
	v4 =	vld.idx.msk [tilespmem:v4+s3+$0x0], $0xffff;
	_ =	sdelay $0x1  }
0x29: {  	v5 =	vor.u32 v0, v6;
	_ =	sdelay $0x3  }
0x2a: {  	[tilespmem:s26+$0x10] =	vst v4  }
0x2b: {  	v4 =	vld.idx.msk [tilespmem:v5+s3+$0x0], $0xffff;
	_ =	sdelay $0x1  }
0x2c: {  	v5 =	vor.u32 v1, v6;
	_ =	sdelay $0x2  }
0x2d: {  	s26 =	sadd.s32 $0x80, s26  }
0x2e: {  	[tilespmem:s26+$0xFFFFFFE0] =	vst v4  }
0x2f: {  	v4 =	vld.idx.msk [tilespmem:v5+s3+$0x0], $0xffff;
	_ =	sdelay $0x1  }
0x30: {  	v5 =	vor.u32 v2, v6;
	_ =	sdelay $0x3  }
0x31: {  	[tilespmem:s26+$0xFFFFFFF0] =	vst v4  }
0x32: {  	v5 =	vld.idx.msk [tilespmem:v5+s3+$0x0], $0xffff  }
.Ltmp0:
0x33: {  	(pc) =	sbr.rel @p1 .LBB2_3-.Ltmp0, $2  }
0x34: {  	v4 =	vor.u32 v3, v6;
	_ =	sdelay $0x2  }
0x35: {  	v6 =	vmov s28;
	s28 =	sadd.s32 $0x1, s28  }
0x36: {  	_ =	sdelay $0x1  }
0x37: {  	v6 =	vand.u32 $0x7F, v6  }
0x38: {  	[tilespmem:s26+$0x0] =	vst v5;
	v5 =	vbroadcast v6, $0x0  }
0x39: {  	v4 =	vld.idx.msk [tilespmem:v4+s3+$0x0], $0xffff  }
0x3a: {  	v6 =	vor.u32 v0, v5;
	_ =	sdelay $0x3  }
0x3b: {  	[tilespmem:s26+$0x10] =	vst v4  }
0x3c: {  	v4 =	vld.idx.msk [tilespmem:v6+s3+$0x0], $0xffff  }
0x3d: {  	v6 =	vor.u32 v1, v5;
	_ =	sdelay $0x2  }
0x3e: {  	s31 =	sadd.s32 $0x80, s26  }
0x3f: {  	[tilespmem:s31+$0xFFFFFFE0] =	vst v4  }
0x40: {  	v4 =	vld.idx.msk [tilespmem:v6+s3+$0x0], $0xffff  }
0x41: {  	v6 =	vor.u32 v2, v5;
	_ =	sdelay $0x3  }
0x42: {  	[tilespmem:s31+$0xFFFFFFF0] =	vst v4  }
0x43: {  	v4 =	vld.idx.msk [tilespmem:v6+s3+$0x0], $0xffff  }
0x44: {  	v5 =	vor.u32 v3, v5;
	_ =	sdelay $0x3  }
0x45: {  	[tilespmem:s31+$0x0] =	vst v4  }
0x46: {  	v4 =	vld.idx.msk [tilespmem:v5+s3+$0x0], $0xffff;
	_ =	sdelay $0x3  }
0x47: {  	s25 =	sshll.u32 s25, $0xB  }
0x48: {  	s29 =	sadd.s32 s24, s8;
	s25 =	sadd.s32 s5, s25;
	[tilespmem:s31+$0x10] =	vst v4  }
0x49: {  	[hbm4b:s25+s3] =	stream.linear.scatter [tilespmem:s17], [sflag:$0x3], $0x4000, $0x38;
	[tilespmem:$0xC000] =	vst v63  }
0x4a: {  	s30 =	simm.s32 $0x0;
	s25 =	smin.u32 s29, $0x61A  }
0x4b: {  	v4 =	vmov s30;
	s25 =	sshll.u32 s25, $0x7  }
0x4c: {  	v4 =	vand.u32 $0x7F, v4;
	s25 =	sadd.s32 s2, s25  }
0x4d: {  	v4 =	vbroadcast v4, $0x0;
	[tilespmem:s3], [sflag:$0x1] =	stream.strided.gather [hbm4b:s25+s13], $0x2000, s14, s13, $0x38;
	[tilespmem:$0xC000] =	vst v63  }
0x4e: {  	_ =	swait.ge [sflag:s18], $0x2000  }
0x4f: {  	v5 =	vor.u32 v0, v4;
	[sflag:s18] =	ssyncset.done $0x0  }
0x50: {  	s25 =	simm.s32 @!p0 $0x4;
	[sflag:s18] =	ssyncadd.s32 $0xFFFFE000  }
0x51: {  	_ =	swait.ge @!p0 [sflag:s25], $0x4000  }
0x52: {  	[sflag:s25] =	ssyncset.done @!p0 $0x0  }
0x53: {  	[sflag:s25] =	ssyncadd.s32 @!p0 $0xFFFFC000  }
0x54: {  	v5 =	vld.idx.msk [tilespmem:v5+s15+$0x0], $0xffff  }
0x55: {  	v6 =	vor.u32 v1, v4;
	_ =	sdelay $0x2  }
0x56: {  	s26 =	simm.s32 $0x8020  }
0x57: {  	[tilespmem:s26+$0xFFFFFFE0] =	vst v5  }
0x58: {  	v5 =	vld.idx.msk [tilespmem:v6+s15+$0x0], $0xffff  }
0x59: {  	v6 =	vor.u32 v2, v4;
	_ =	sdelay $0x3  }
0x5a: {  	[tilespmem:s26+$0xFFFFFFF0] =	vst v5  }
0x5b: {  	v5 =	vld.idx.msk [tilespmem:v6+s15+$0x0], $0xffff  }
0x5c: {  	v4 =	vor.u32 v3, v4;
	_ =	sdelay $0x1  }
0x5d: {  	s28 =	simm.s32 $0x1;
	s31 =	sadd.s32 s24, s9  }
0x5e: {  	s25 =	smin.u32 s31, $0x61A;
	v6 =	vmov s28;
	s28 =	simm.s32 $0x2  }
.LBB2_5:
0x5f: {  	p0 =	sne.s32 s28, $0x7F;
	v6 =	vand.u32 $0x7F, v6;
	[tilespmem:s26+$0x0] =	vst v5  }
0x60: {  	v6 =	vbroadcast v6, $0x0;
	v4 =	vld.idx.msk [tilespmem:v4+s15+$0x0], $0xffff;
	_ =	sdelay $0x1  }
0x61: {  	v5 =	vor.u32 v0, v6;
	_ =	sdelay $0x3  }
0x62: {  	[tilespmem:s26+$0x10] =	vst v4  }
0x63: {  	v4 =	vld.idx.msk [tilespmem:v5+s15+$0x0], $0xffff;
	_ =	sdelay $0x1  }
0x64: {  	v5 =	vor.u32 v1, v6;
	_ =	sdelay $0x2  }
0x65: {  	s26 =	sadd.s32 $0x80, s26  }
0x66: {  	[tilespmem:s26+$0xFFFFFFE0] =	vst v4  }
0x67: {  	v4 =	vld.idx.msk [tilespmem:v5+s15+$0x0], $0xffff;
	_ =	sdelay $0x1  }
0x68: {  	v5 =	vor.u32 v2, v6;
	_ =	sdelay $0x3  }
0x69: {  	[tilespmem:s26+$0xFFFFFFF0] =	vst v4  }
0x6a: {  	v5 =	vld.idx.msk [tilespmem:v5+s15+$0x0], $0xffff  }
.Ltmp1:
0x6b: {  	(pc) =	sbr.rel @p0 .LBB2_5-.Ltmp1, $2  }
0x6c: {  	v4 =	vor.u32 v3, v6;
	_ =	sdelay $0x2  }
0x6d: {  	v6 =	vmov s28;
	s28 =	sadd.s32 $0x1, s28  }
0x6e: {  	_ =	sdelay $0x1  }
0x6f: {  	v6 =	vand.u32 $0x7F, v6  }
0x70: {  	[tilespmem:s26+$0x0] =	vst v5;
	v5 =	vbroadcast v6, $0x0  }
0x71: {  	v4 =	vld.idx.msk [tilespmem:v4+s15+$0x0], $0xffff  }
0x72: {  	v6 =	vor.u32 v0, v5;
	_ =	sdelay $0x3  }
0x73: {  	[tilespmem:s26+$0x10] =	vst v4  }
0x74: {  	v4 =	vld.idx.msk [tilespmem:v6+s15+$0x0], $0xffff  }
0x75: {  	v62 =	vor.u32 v1, v5;
	_ =	sdelay $0x2  }
0x76: {  	s31 =	sadd.s32 $0x80, s26  }
0x77: {  	[tilespmem:s31+$0xFFFFFFE0] =	vst v4  }
0x78: {  	v4 =	vld.idx.msk [tilespmem:v62+s15+$0x0], $0xffff  }
0x79: {  	v63 =	vor.u32 v2, v5;
	_ =	sdelay $0x3  }
0x7a: {  	[tilespmem:s31+$0xFFFFFFF0] =	vst v4  }
0x7b: {  	v4 =	vld.idx.msk [tilespmem:v63+s15+$0x0], $0xffff  }
0x7c: {  	v5 =	vor.u32 v3, v5;
	_ =	sdelay $0x3  }
0x7d: {  	[tilespmem:s31+$0x0] =	vst v4  }
0x7e: {  	v4 =	vld.idx.msk [tilespmem:v5+s15+$0x0], $0xffff  }
0x7f: {  	p0 =	seq.s32 s23, $0x17  }
.Ltmp2:
0x80: {  	_ = 	snop;
	(pc) =	sbr.rel @p0 .LBB2_8-.Ltmp2, $4  }
0x81: {  	_ = 	snop  }
0x82: {  	s25 =	sshll.u32 s25, $0xB  }
0x83: {  	s25 =	sadd.s32 s5, s25;
	[tilespmem:s31+$0x10] =	vst v4  }
0x84: {  	[hbm4b:s25+s3] =	stream.linear.scatter [tilespmem:s19], [sflag:$0x4], $0x4000, $0x38;
	[tilespmem:$0xC000] =	vst v63  }
.Ltmp3:
0x85: {  	s24 =	sadd.s32 s24, s10;
	(pc) =	sbr.rel .LBB2_2-.Ltmp3, $4  }
0x86: {  	s24 =	smin.u32 s24, $0x61A  }
0x87: {  	s24 =	sshll.u32 s24, $0x7  }
0x88: {  	s23 =	sadd.s32 $0x1, s23;
	s24 =	sadd.s32 s2, s24  }
0x89: {  	[tilespmem:s15], [sflag:$0x2] =	stream.strided.gather [hbm4b:s24+s13], $0x2000, s14, s13, $0x38;
	[tilespmem:$0xC000] =	vst v63  }
.LBB2_8:
0x8a: {  	s23 =	simm.s32 $0x0  }
0x8b: {  	v4 =	vmov s23  }
0x8c: {  	v4 =	vand.u32 $0x7F, v4  }
0x8d: {  	v4 =	vbroadcast v4, $0x0  }
0x8e: {  	_ =	swait.ge [sflag:s16], $0x2000  }
0x8f: {  	[sflag:s16] =	ssyncset.done $0x0;
	v5 =	vor.u32 v0, v4  }
0x90: {  	[sflag:s16] =	ssyncadd.s32 $0xFFFFE000  }
0x91: {  	_ =	swait.ge [sflag:s20], $0x4000  }
0x92: {  	[sflag:s20] =	ssyncset.done $0x0  }
0x93: {  	[sflag:s20] =	ssyncadd.s32 $0xFFFFC000  }
0x94: {  	v5 =	vld.idx.msk [tilespmem:v5+s3+$0x0], $0xffff  }
0x95: {  	v6 =	vor.u32 v1, v4;
	_ =	sdelay $0x2  }
0x96: {  	s23 =	simm.s32 $0x4020  }
0x97: {  	[tilespmem:s23+$0xFFFFFFE0] =	vst v5  }
0x98: {  	v5 =	vld.idx.msk [tilespmem:v6+s3+$0x0], $0xffff  }
0x99: {  	v6 =	vor.u32 v2, v4;
	_ =	sdelay $0x3  }
0x9a: {  	[tilespmem:s23+$0xFFFFFFF0] =	vst v5  }
0x9b: {  	v5 =	vld.idx.msk [tilespmem:v6+s3+$0x0], $0xffff  }
0x9c: {  	v4 =	vor.u32 v3, v4;
	_ =	sdelay $0x1  }
0x9d: {  	s24 =	simm.s32 $0x1  }
0x9e: {  	v6 =	vmov s24;
	s24 =	simm.s32 $0x2  }
.LBB2_9:
0x9f: {  	p0 =	sne.s32 s24, $0x7F;
	v6 =	vand.u32 $0x7F, v6;
	[tilespmem:s23+$0x0] =	vst v5  }
0xa0: {  	v6 =	vbroadcast v6, $0x0;
	v4 =	vld.idx.msk [tilespmem:v4+s3+$0x0], $0xffff;
	_ =	sdelay $0x1  }
0xa1: {  	v5 =	vor.u32 v0, v6;
	_ =	sdelay $0x3  }
0xa2: {  	[tilespmem:s23+$0x10] =	vst v4  }
0xa3: {  	v4 =	vld.idx.msk [tilespmem:v5+s3+$0x0], $0xffff;
	_ =	sdelay $0x1  }
0xa4: {  	v5 =	vor.u32 v1, v6;
	_ =	sdelay $0x2  }
0xa5: {  	s23 =	sadd.s32 $0x80, s23  }
0xa6: {  	[tilespmem:s23+$0xFFFFFFE0] =	vst v4  }
0xa7: {  	v4 =	vld.idx.msk [tilespmem:v5+s3+$0x0], $0xffff;
	_ =	sdelay $0x1  }
0xa8: {  	v5 =	vor.u32 v2, v6;
	_ =	sdelay $0x3  }
0xa9: {  	[tilespmem:s23+$0xFFFFFFF0] =	vst v4  }
0xaa: {  	v5 =	vld.idx.msk [tilespmem:v5+s3+$0x0], $0xffff  }
.Ltmp4:
0xab: {  	(pc) =	sbr.rel @p0 .LBB2_9-.Ltmp4, $2  }
0xac: {  	v4 =	vor.u32 v3, v6;
	_ =	sdelay $0x2  }
0xad: {  	v6 =	vmov s24;
	s24 =	sadd.s32 $0x1, s24  }
0xae: {  	_ =	sdelay $0x1  }
0xaf: {  	v6 =	vand.u32 $0x7F, v6  }
0xb0: {  	[tilespmem:s23+$0x0] =	vst v5;
	v5 =	vbroadcast v6, $0x0  }
0xb1: {  	v4 =	vld.idx.msk [tilespmem:v4+s3+$0x0], $0xffff  }
0xb2: {  	v6 =	vor.u32 v0, v5;
	_ =	sdelay $0x3  }
0xb3: {  	[tilespmem:s23+$0x10] =	vst v4  }
0xb4: {  	v4 =	vld.idx.msk [tilespmem:v6+s3+$0x0], $0xffff  }
0xb5: {  	v62 =	vor.u32 v1, v5;
	_ =	sdelay $0x2  }
0xb6: {  	s31 =	sadd.s32 $0x80, s23  }
0xb7: {  	[tilespmem:s31+$0xFFFFFFE0] =	vst v4  }
0xb8: {  	v4 =	vld.idx.msk [tilespmem:v62+s3+$0x0], $0xffff  }
0xb9: {  	v63 =	vor.u32 v2, v5;
	_ =	sdelay $0x3  }
0xba: {  	[tilespmem:s31+$0xFFFFFFF0] =	vst v4  }
0xbb: {  	v4 =	vld.idx.msk [tilespmem:v63+s3+$0x0], $0xffff  }
0xbc: {  	v5 =	vor.u32 v3, v5;
	_ =	sdelay $0x3  }
0xbd: {  	[tilespmem:s31+$0x0] =	vst v4  }
0xbe: {  	v4 =	vld.idx.msk [tilespmem:v5+s3+$0x0], $0xffff;
	_ =	sdelay $0x4  }
0xbf: {  	s22 =	sadd.s32 $0x1, s22;
	[tilespmem:s31+$0x10] =	vst v4  }
0xc0: {  	[hbm4b:s11+s3] =	stream.linear.scatter [tilespmem:s17], [sflag:$0x3], $0x4000, $0x38;
	[tilespmem:$0xC000] =	vst v63  }
0xc1: {  	p0 =	sne.s32 s22, s12;
	_ =	swait.ge [sflag:s21], $0x4000  }
.Ltmp5:
0xc2: {  	[sflag:s21] =	ssyncset.done $0x0;
	(pc) =	sbr.rel @p0 .LBB2_1-.Ltmp5, $4  }
0xc3: {  	[sflag:s21] =	ssyncadd.s32 $0xFFFFC000  }
0xc4: {  	_ =	swait.ge [sflag:s20], $0x4000  }
0xc5: {  	[sflag:s20] =	ssyncset.done $0x0  }
0xc6: {  	[sflag:s20] =	ssyncadd.s32 $0xFFFFC000  }
0xc7: {  	_ =	sfence.sel $0x180000  }
0xc8: {  	[bflag:$0x0] =	sbarrier.arrive $0xFFFF  }
0xc9: {  	p0 =	sne.s32 s0, $0x0;
	_ =	strace $0x90000047  }
0xca: {  	s0 =	sadd.s32 @!p0 $0x100000, s1;
	[bflag:$0x2] =	sbarrier.arrive $0xFFFF  }
0xcb: {  	[sflag:s0] =	ssyncadd.tile.s32 @!p0 $0x1;
	_ =	shalt  }
.Lfunc_end2:
_tile_overlayer_lowered:
.L_overlay_start_2:
0xcc: {  	(tag) =	ssettag $0x2  }
0xcd: {  	s0 =	rddreg [dreg:$0x0];
	s2 =	stileid.u32  }
0xce: {  	s1 =	rddreg [dreg:$0x1];
	p0 =	sne.s32 s2, $0x0  }
0xcf: {  	s3 =	rddreg [dreg:$0x2];
	[bflag:$0x3] =	sbarrier.arrive $0xFFFF;
	s2 =	simm.s32 @!p0 $0x1C05  }
0xd0: {  	[timem:s3], [sflag:s2] =	dma.local @!p0 [hbm:s0], s1  }
0xd1: {  	s0 =	simm.s32 @!p0 $0x5  }
0xd2: {  	_ =	swait.ge @!p0 [sflag:s0], s1  }
0xd3: {  	s1 =	ssub.s32 @!p0 $0x0, s1;
	[sflag:s0] =	ssyncset.done @!p0 $0x0  }
0xd4: {  	[sflag:s0] =	ssyncadd.s32 @!p0 s1  }
0xd5: {  	[bflag:$0x3] =	sbarrier.arrive $0xFFFF  }
0xd6: {  	_ =	shalt  }

// kernel: kernel.7.cloned.1.call-start
scs
__scs_entry_jumppad:
0x0: {  	(pc) =	sbr.rel $0x88, $3  }
0x1: {  	(tag) =	ssettag $0x0;
	lr =	simm.s32 $0x1  }
0x2: {  	[smem:$0x3F9E] =	sst lr;
	_ =	strace $0xD0000000  }
0x3: {  	_ = 	snop  }
0x4: {  	_ = 	snop  }
0x5: {  	_ = 	snop  }
0x6: {  	_ = 	snop  }
0x7: {  	_ = 	snop  }
__scs_overlays_trampoline_lowered:
0x8: {  	[smem:$0x3FAD] =	sst s0  }
0x9: {  	[smem:$0x3FAE] =	sst s1  }
0xa: {  	[smem:$0x3FAF] =	sst s2  }
0xb: {  	[smem:$0x3FB0] =	sst s3  }
0xc: {  	[smem:$0x3FB1] =	sst s4  }
0xd: {  	[smem:$0x3FB2] =	sst s5  }
0xe: {  	[smem:$0x3FB3] =	sst s6  }
0xf: {  	[smem:$0x3FB4] =	sst s7  }
0x10: {  	[smem:$0x3FB5] =	sst s8  }
0x11: {  	[smem:$0x3FB6] =	sst s9;
	s0 =	simm.s32 @!p0 $0x0  }
0x12: {  	s1 =	sld [smem:$0x3F9C];
	s0 =	simm.s32 @p0 $0x1  }
0x13: {  	[smem:$0x3FB7] =	sst s0;
	s0 =	simm.s32 @!p1 $0x0  }
0x14: {  	s2 =	sld [smem:$0x3F9B];
	s0 =	simm.s32 @p1 $0x1  }
0x15: {  	[smem:$0x3FB8] =	sst s0;
	s0 =	simm.s32 @!p2 $0x0  }
0x16: {  	s3 =	sld [smem:$0x3FDB];
	s0 =	simm.s32 @p2 $0x1  }
0x17: {  	s4 =	simm.s32 $0x1BF5;
	[smem:$0x3FBA] =	sst s0  }
0x18: {  	s0 =	sld [smem:$0x3F9D];
	_ =	swait.ge [sflag:s4], $0x0  }
0x19: {  	s7 =	sld [smem:$0x3F9E]  }
0x1a: {  	s8 =	sadd.s32 $0xFFFFE003, lr  }
0x1b: {  	s9 =	sadd.s32 $0xFFFFFEF7, lr;
	s5 =	simm.s32 $0xFFFFFFFF;
	p2 =	slt.u32 s8, $0xFFFFF086  }
0x1c: {  	p1 =	slt.u32 s9, $0xF7A;
	s5 =	simm.s32 @!p2 $0x0  }
0x1d: {  	s5 =	simm.s32 @p1 $0x1;
	p0 =	seq.s32 s7, s2  }
0x1e: {  	s7 =	smul.u32 @!p0 $0xF7A, s2;
	p2 =	seq.s32 @!p0 s5, $0x0  }
0x1f: {  	s9 =	smul.u32 $0xF7A, s1;
	s8 =	simm.s32 @!p0 $0x1BF5;
	p2 =	por !p2, p0  }
0x20: {  	[sflag:s8] =	ssyncset.s32 @!p0 $0xFFFFF086;
	s6 =	sadd.s32 @!p0 s3, s7;
	s7 =	simm.s32 @!p0 $0x108  }
0x21: {  	s3 =	sadd.s32 s3, s9;
	s6 =	sadd.s32 @!p0 $0x88, s6;
	s7 =	simm.s32 @p2 $0x1082  }
0x22: {  	[simem:s7], [sflag:s8] =	dma.local @!p0 [hbm:s6], $0xF7A  }
0x23: {  	s9 =	sor.u32 $0xD0000000, s2;
	s6 =	simm.s32 $0x108;
	_ =	swait.ge @!p0 [sflag:s8], $0x0  }
0x24: {  	s3 =	sadd.s32 $0x88, s3;
	s6 =	simm.s32 @!p1 $0x1082;
	[sflag:s4] =	ssyncset.s32 $0xFFFFF086  }
0x25: {  	[simem:s6], [sflag:s4] =	dma.local [hbm:s3], $0xF7A  }
0x26: {  	[smem:$0x3F9E] =	sst s1;
	(tag) =	ssettag s2;
	_ =	strace s9  }
0x27: {  	s1 =	sld [smem:$0x3FAE]  }
0x28: {  	s2 =	sld [smem:$0x3FAF]  }
0x29: {  	s4 =	sld [smem:$0x3FB1]  }
0x2a: {  	p0 =	seq.s32 s5, $0x0;
	s5 =	sld [smem:$0x3FB2]  }
0x2b: {  	s6 =	sld [smem:$0x3FB3]  }
0x2c: {  	s7 =	sld [smem:$0x3FB4]  }
0x2d: {  	s3 =	simm.s32 $0x108;
	s8 =	sld [smem:$0x3FB5]  }
0x2e: {  	s3 =	simm.s32 @!p0 $0x1082;
	s9 =	sld [smem:$0x3FB6]  }
0x2f: {  	lr =	sadd.s32 s0, s3;
	s0 =	sld [smem:$0x3FAD]  }
0x30: {  	s3 =	sld [smem:$0x3FB0]  }
0x31: {  	[smem:$0x3FB9] =	sst s10  }
0x32: {  	s10 =	sld [smem:$0x3FB7];
	_ =	sdelay $0x3  }
0x33: {  	p0 =	seq.s32 s10, $0x1;
	s10 =	sld [smem:$0x3FB9];
	_ =	sdelay $0x3  }
0x34: {  	[smem:$0x3FB9] =	sst s10  }
0x35: {  	s10 =	sld [smem:$0x3FB8];
	_ =	sdelay $0x3  }
0x36: {  	p1 =	seq.s32 s10, $0x1;
	s10 =	sld [smem:$0x3FB9];
	_ =	sdelay $0x3  }
0x37: {  	[smem:$0x3FB9] =	sst s10  }
0x38: {  	s10 =	sld [smem:$0x3FBA]  }
0x39: {  	_ = 	snop;
	(pc) =	sbr.ind lr, $3  }
0x3a: {  	_ = 	snop  }
0x3b: {  	_ = 	snop  }
0x3c: {  	p2 =	seq.s32 s10, $0x1;
	s10 =	sld [smem:$0x3FB9]  }
0x3d: {  	_ =	shalt  }
0x3e: {  	_ =	shalt  }
0x3f: {  	_ =	shalt  }
0x40: {  	_ =	shalt  }
0x41: {  	_ =	shalt  }
0x42: {  	_ =	shalt  }
0x43: {  	_ =	shalt  }
0x44: {  	_ =	shalt  }
0x45: {  	_ =	shalt  }
0x46: {  	_ =	shalt  }
0x47: {  	_ =	shalt  }
0x48: {  	_ =	shalt  }
0x49: {  	_ =	shalt  }
0x4a: {  	_ =	shalt  }
0x4b: {  	_ =	shalt  }
0x4c: {  	_ =	shalt  }
0x4d: {  	_ =	shalt  }
0x4e: {  	_ =	shalt  }
0x4f: {  	_ =	shalt  }
0x50: {  	_ =	shalt  }
0x51: {  	_ =	shalt  }
0x52: {  	_ =	shalt  }
0x53: {  	_ =	shalt  }
0x54: {  	_ =	shalt  }
0x55: {  	_ =	shalt  }
0x56: {  	_ =	shalt  }
0x57: {  	_ =	shalt  }
0x58: {  	_ =	shalt  }
0x59: {  	_ =	shalt  }
0x5a: {  	_ =	shalt  }
0x5b: {  	_ =	shalt  }
0x5c: {  	_ =	shalt  }
0x5d: {  	_ =	shalt  }
0x5e: {  	_ =	shalt  }
0x5f: {  	_ =	shalt  }
0x60: {  	_ =	shalt  }
0x61: {  	_ =	shalt  }
0x62: {  	_ =	shalt  }
0x63: {  	_ =	shalt  }
0x64: {  	_ =	shalt  }
0x65: {  	_ =	shalt  }
0x66: {  	_ =	shalt  }
0x67: {  	_ =	shalt  }
0x68: {  	_ =	shalt  }
0x69: {  	_ =	shalt  }
0x6a: {  	_ =	shalt  }
0x6b: {  	_ =	shalt  }
0x6c: {  	_ =	shalt  }
0x6d: {  	_ =	shalt  }
0x6e: {  	_ =	shalt  }
0x6f: {  	_ =	shalt  }
0x70: {  	_ =	shalt  }
0x71: {  	_ =	shalt  }
0x72: {  	_ =	shalt  }
0x73: {  	_ =	shalt  }
0x74: {  	_ =	shalt  }
0x75: {  	_ =	shalt  }
0x76: {  	_ =	shalt  }
0x77: {  	_ =	shalt  }
0x78: {  	_ =	shalt  }
0x79: {  	_ =	shalt  }
0x7a: {  	_ =	shalt  }
0x7b: {  	_ =	shalt  }
0x7c: {  	_ =	shalt  }
0x7d: {  	_ =	shalt  }
0x7e: {  	_ =	shalt  }
0x7f: {  	_ =	shalt  }
0x80: {  	_ =	shalt  }
0x81: {  	_ =	shalt  }
0x82: {  	_ =	shalt  }
0x83: {  	_ =	shalt  }
0x84: {  	_ =	shalt  }
0x85: {  	_ =	shalt  }
0x86: {  	_ =	shalt  }
0x87: {  	_ =	shalt  }
.Lfunc_end0:
.L_simem_size_0:
called_computation.1_lowered:
.L_overlay_start_0:
0x88: {  	s2 =	sld [smem:$0x3FD9]  }
0x89: {  	s3 =	sld [smem:$0x3FFE];
	_ =	sdelay $0x1  }
0x8a: {  	s1 =	srdreg.scid  }
0x8b: {  	s0 =	sand.u32 $0x1, s1  }
0x8c: {  	s17 =	sshll.u32 s0, $0xA;
	s2 =	sadd.s32 s3, s2  }
0x8d: {  	s2 =	sadd.s32 s2, s17  }
0x8e: {  	[smem:$0x3FC5] =	sst s2  }
0x8f: {  	_ = 	snop  }
0x90: {  	s2 =	sld [smem:$0x3FD0];
	(tm) =	ssettm $0x1  }
0x91: {  	s18 =	sld [smem:$0x3FFB];
	_ =	sdelay $0x3  }
0x92: {  	_ =	strace s18  }
0x93: {  	s3 =	sld [smem:$0x3FFC];
	_ =	sdelay $0x3  }
0x94: {  	_ =	strace s3  }
0x95: {  	s3 =	sld [smem:$0x3FFD];
	_ =	sdelay $0x3  }
0x96: {  	_ =	strace s3  }
0x97: {  	_ =	strace $0x8FFFFFFF  }
0x98: {  	s19 =	sld [smem:$0x3FDB];
	_ =	sdelay $0x1  }
0x99: {  	s4 =	simm.s32 $_scs_section_size  }
0x9a: {  	s5 =	simm.s32 $_size__tile_overlayer_lowered;
	s6 =	simm.s32 $_tile_overlayer_lowered  }
0x9b: {  	s22 =	simm.s32 $0x1BFF;
	s21 =	sshll.u32 s6, $0x1;
	s3 =	sadd.s32 s4, s19  }
0x9c: {  	s7 =	simm.s32 $0x0;
	s20 =	sshll.u32 s5, $0x1;
	s5 =	sadd.s32 s21, s3  }
0x9d: {  	[timem:s7], [sflag:s22] =	dma.local [hbm:s5], s20  }
0x9e: {  	_ =	swait.ge [sflag:s22], s20  }
0x9f: {  	s4 =	ssub.s32 $0x0, s20;
	[sflag:s22] =	ssyncset.done $0x0  }
0xa0: {  	[sflag:s22] =	ssyncadd.s32 s4;
	_ =	sdelay $0x1  }
0xa1: {  	s23 =	simm.s32 $0x1B8B  }
0xa2: {  	_ =	swait.ge [sflag:s23], $0x1  }
0xa3: {  	[sflag:s23] =	ssyncset.done $0x0  }
0xa4: {  	s25 =	simm.s32 $0x1B8E;
	s24 =	sld [smem:$0x3FFE];
	[sflag:s23] =	ssyncadd.s32 $0xFFFFFFFF  }
0xa5: {  	s26 =	simm.s32 $execute0_lowered;
	[smem:$0x3FD2] =	sst s25  }
0xa6: {  	s5 =	sshll.u32 s26, $0x1;
	_ =	strace $0x80000049;
	[dreg:$0x1] =	wrdreg $0xFFFFFFFF  }
0xa7: {  	s28 =	simm.s32 $_size_execute0_lowered;
	s3 =	sadd.s32 s3, s5;
	[dreg:$0x0] =	wrdreg $0x0  }
0xa8: {  	s5 =	sshll.u32 s28, $0x1;
	[dreg:$0x2] =	wrdreg s3  }
0xa9: {  	[dreg:$0x3] =	wrdreg s5  }
0xaa: {  	[dreg:$0x4] =	wrdreg $0xC0  }
0xab: {  	_ =	task [dreg:s7], $0x5FFFF  }
0xac: {  	[dreg:$0x1] =	wrdreg $0xFFFFFFFF  }
0xad: {  	[dreg:$0x0] =	wrdreg $0x60  }
0xae: {  	[dreg:$0x2] =	wrdreg s24  }
0xaf: {  	[dreg:$0x3] =	wrdreg s2  }
0xb0: {  	[dreg:$0x4] =	wrdreg $0x9  }
0xb1: {  	_ =	task.clear_ibuf [dreg:s7], $0x5FFFF;
	_ =	strace $0x90000049  }
0xb2: {  	s29 =	simm.s32 $0x9;
	_ =	strace $0x8000004B  }
0xb3: {  	_ =	swait.ge [sflag:s29], $0x1  }
0xb4: {  	[sflag:s29] =	ssyncadd.s32 $0xFFFFFFFF  }
0xb5: {  	_ =	strace $0x9000004B  }
0xb6: {  	_ =	sfence  }
0xb7: {  	s30 =	sld [smem:$0x0];
	_ =	sdelay $0x2  }
0xb8: {  	s31 =	sshll.u32 s1, $0xD;
	s1 =	sshrl.u32 s1, $0x2  }
0xb9: {  	s3 =	sand.u32 $0x4000, s31;
	s1 =	sadd.s32 s1, s30  }
0xba: {  	s0 =	sor.u32 s3, s0;
	s1 =	sshll.u32 s1, $0x11  }
0xbb: {  	s0 =	sor.u32 s1, s0  }
0xbc: {  	s0 =	sadd.s32 $0x8F2B, s0  }
0xbd: {  	[sflag:s0] =	ssyncadd.remote.s32 $0x1  }
0xbe: {  	_ =	sfence.sel $0xFFFF  }
0xbf: {  	[dreg:$0x0] =	wrdreg $0xFFFFFFFF;
	(pc) =	sbr.abs _section_cstart, $3  }
0xc0: {  	[dreg:$0x1] =	wrdreg $0xFFFFFFFF  }
0xc1: {  	_ =	task.clear_ibuf [dreg:s7], $0x2FFFF;
	_ =	strace $0x9FFFFFFF  }
0xc2: {  	(tm) =	ssettm $0x7FFFFFFF  }
0xc3: {  	_ =	shalt  }
tec
execute0_lowered:
.L_overlay_start_1:
0x0: {  	(tag) =	ssettag $0x1  }
0x1: {  	s0 =	rddreg [dreg:$0x0];
	s2 =	simm.s32 $0x0  }
0x2: {  	v0 =	vimm.s32 $0xFEDCBA98;
	v1 =	vimm.f32 $2.000000000e+02;
	v2 =	vimm.s32 $0x76543210;
	[smem:$0x7FF] =	sst s2  }
0x3: {  	s1 =	rddreg [dreg:$0x1];
	s3 =	srdreg.scid;
	v3 =	vimm.s32 $0x32107654;
	v4 =	vimm.s32 $0xDCFE98BA;
	_ =	strace $0x8000004A  }
0x4: {  	s4 =	stileid.u32;
	v5 =	vimm.s32 $0x54761032;
	v6 =	vimm.s32 $0xEFCDAB89;
	s13 =	simm.s32 $0x3;
	s14 =	simm.s32 $0x68;
	(erf) = vrcp.f32 v1  }
0x5: {  	v7 =	vimm.s32 $0x67452301;
	s15 =	simm.s32 $0x3200;
	s16 =	simm.s32 $0x60;
	s17 =	simm.s32 $0x6600;
	v0 =	vunpack.c.l.s4.s8 v0;
	v3 =	vunpack.c.l.s4.s8 v3  }
0x6: {  	s18 =	simm.s32 $0xFA00;
	s19 =	simm.s32 $0x9600;
	s20 =	simm.s32 $0xCA00;
	v4 =	vunpack.c.l.s4.s8 v4;
	v1 =	vunpack.c.l.s4.s8 v2;
	v2 =	vimm.s32 $0xBA98FEDC  }
0x7: {  	s21 =	simm.s32 $0x15E00;
	s22 =	simm.s32 $0x1;
	s23 =	simm.s32 $0x2;
	v5 =	vunpack.c.l.s4.s8 v5;
	v6 =	vunpack.c.l.s4.s8 v6;
	v2 =	vunpack.c.l.s4.s8 v2  }
0x8: {  	s25 =	simm.s32 $0x0;
	s5 =	sand.u32 $0x1, s3;
	s30 =	sshll.u32 s4, $0x1;
	v7 =	vunpack.c.l.s4.s8 v7;
	v0 =	vunpack.c.0.s8.s32 v0;
	v3 =	vunpack.c.0.s8.s32 v3  }
0x9: {  	s8 =	sadd.s32 $0x30E200, s0;
	s4 =	sadd.s32 $0x327200, s0;
	s11 =	sor.u32 s5, s30;
	v4 =	vunpack.c.0.s8.s32 v4;
	v1 =	vunpack.c.0.s8.s32 v1;
	v2 =	vunpack.c.0.s8.s32 v2  }
0xa: {  	s12 =	ssub.s32 $0x2, s5;
	s3 =	sshll.u32 s11, $0x7;
	s6 =	smul.u32 $0xC80, s11;
	v5 =	vunpack.c.0.s8.s32 v5;
	v6 =	vunpack.c.0.s8.s32 v6;
	v7 =	vunpack.c.0.s8.s32 v7  }
0xb: {  	s5 =	sadd.s32 $0xA00, s0;
	s7 =	smul.u32 $0x64000, s11;
	s9 =	sor.u32 $0x40, s3;
	v2 =	vcombine.low v3, v2  }
0xc: {  	s31 =	sshrl.u32 s12, $0x1;
	s11 =	sshll.u32 s11, $0xA;
	s10 =	smul.u32 $0x19, s9;
	v0 =	vand.u32 $0xF, v0;
	v3 =	vcombine.low v5, v4;
	v4 =	vcombine.low v7, v6  }
0xd: {  	s0 =	ssub.s32 s12, s31;
	s11 =	sadd.s32 s1, s11;
	s9 =	smul.u32 $0xC80, s9;
	v0 =	vcombine.low v0, v1;
	v1 =	vpop (erf)  }
0xe: {  	s6 =	sadd.s32 s8, s6;
	s7 =	sadd.s32 s4, s7;
	s12 =	smax.u32 s0, $0x1;
	[tilespmem:$0x1FFE0] =	vst v1;
	v1 =	vand.u32 $0xF, v4  }
0xf: {  	s8 =	sadd.s32 s8, s10;
	s9 =	sadd.s32 s4, s9;
	s10 =	sor.u32 $0x42, s3;
	v2 =	vand.u32 $0xF, v2;
	v3 =	vand.u32 $0xF, v3;
	[tilespmem:$0x1FFF0] =	vst v1  }
.LBB2_1:
0x10: {  	[tilespmem:s2], [sflag:$0x3] =	stream.linear.gather [hbm4b:s6+s2], $0x3200, $0x38;
	[tilespmem:$0x1E200] =	vst v63  }
0x11: {  	_ =	swait.ge [sflag:s13], $0x3200  }
0x12: {  	[sflag:s13] =	ssyncset.done $0x0  }
0x13: {  	[sflag:s13] =	ssyncadd.s32 $0xFFFFCE00  }
0x14: {  	[tilespmem:s15], [sflag:$0x1] =	stream.indirect.gather [hbm4b:s5+s14], $0x80, s2, s14, $0xb8;
	[tilespmem:$0x1E200] =	vst v63  }
0x15: {  	_ = 	snop  }
0x16: {  	[tilespmem:s17], [sflag:$0x1] =	stream.indirect.gather [hbm4b:s5+s16], $0x80, s14, s16, $0xb8;
	[tilespmem:$0x1E200] =	vst v63  }
0x17: {  	s26 =	simm.s32 $0x0  }
0x18: {  	[tilespmem:s18], [sflag:$0x1] =	stream.linear.gather [hbm4b:s7+s2], $0x6400, $0x38;
	[tilespmem:$0x1E200] =	vst v63  }
.LBB2_2:
0x19: {  	s28 =	sshllo.u32 s26, $0x1  }
0x1a: {  	s0 =	smul.u32 $0x320, s28;
	_ =	sdelay $0x1  }
0x1b: {  	s1 =	sadd.s32 s3, s28;
	s0 =	sshra.s32 s0, $0x2  }
0x1c: {  	[tilespmem:s19], [sflag:$0x2] =	stream.indirect.gather [hbm4b:s5+s14], $0x80, s0, s14, $0xb8;
	[tilespmem:$0x1E200] =	vst v63  }
0x1d: {  	s1 =	smul.u32 $0xC80, s1;
	s0 =	sadd.s32 $0x68, s0  }
0x1e: {  	[tilespmem:s20], [sflag:$0x2] =	stream.indirect.gather [hbm4b:s5+s16], $0x80, s0, s16, $0xb8;
	[tilespmem:$0x1E200] =	vst v63  }
0x1f: {  	s24 =	simm.s32 $0x0;
	s1 =	sadd.s32 s4, s1  }
0x20: {  	[tilespmem:s21], [sflag:$0x2] =	stream.linear.gather [hbm4b:s1+s24], $0x6400, $0x38;
	[tilespmem:$0x1E200] =	vst v63  }
0x21: {  	_ =	swait.ge [sflag:s22], $0x3400  }
0x22: {  	[sflag:s22] =	ssyncset.done $0x0  }
0x23: {  	[sflag:s22] =	ssyncadd.s32 $0xFFFFCC00  }
0x24: {  	_ =	swait.ge [sflag:s22], $0x3000  }
0x25: {  	[sflag:s22] =	ssyncset.done $0x0  }
0x26: {  	[sflag:s22] =	ssyncadd.s32 $0xFFFFD000  }
0x27: {  	_ =	swait.ge [sflag:s22], $0x6400  }
0x28: {  	[sflag:s22] =	ssyncset.done $0x0  }
0x29: {  	s31 =	simm.s32 $0x0;
	[sflag:s22] =	ssyncadd.s32 $0xFFFF9C00  }
0x2a: {  	v6 =	vld [tilespmem:s31+$0xFBB0]  }
0x2b: {  	v5 =	vld [tilespmem:s31+$0xFB30]  }
0x2c: {  	v11 =	vld [tilespmem:s31+$0x33B0]  }
0x2d: {  	v9 =	vld [tilespmem:s31+$0x3330]  }
0x2e: {  	v8 =	vld [tilespmem:s31+$0xFBA0]  }
0x2f: {  	v1 =	vld [tilespmem:s31+$0xFAB0]  }
0x30: {  	v17 =	vld [tilespmem:s31+$0x33A0]  }
0x31: {  	v19 =	vld [tilespmem:s31+$0x32B0]  }
0x32: {  	v10 =	vld [tilespmem:s31+$0xFB20]  }
0x33: {  	v12 =	vld [tilespmem:s31+$0xFB80]  }
0x34: {  	v21 =	vld [tilespmem:s31+$0xFB90]  }
0x35: {  	v7 =	vld [tilespmem:s31+$0xFA30]  }
0x36: {  	v15 =	vld [tilespmem:s31+$0xFAA0]  }
0x37: {  	v34 =	vld [tilespmem:s31+$0xFB00]  }
0x38: {  	v27 =	vld [tilespmem:s31+$0xFB10]  }
0x39: {  	v13 =	vld [tilespmem:s31+$0xFA20]  }
0x3a: {  	v25 =	vld [tilespmem:s31+$0xFA80]  }
0x3b: {  	v28 =	vld [tilespmem:s31+$0xFA90]  }
0x3c: {  	v22 =	vld [tilespmem:s31+$0xFA00]  }
0x3d: {  	v62 =	vld [tilespmem:s31+$0xFA10]  }
0x3e: {  	v14 =	vld [tilespmem:s31+$0x3320]  }
0x3f: {  	v20 =	vld [tilespmem:s31+$0x3380]  }
0x40: {  	v29 =	vld [tilespmem:s31+$0x3390]  }
0x41: {  	v31 =	vld [tilespmem:s31+$0x3230]  }
0x42: {  	v16 =	vld [tilespmem:s31+$0x32A0]  }
0x43: {  	v32 =	vld [tilespmem:s31+$0x3300]  }
0x44: {  	v35 =	vld [tilespmem:s31+$0x3310]  }
0x45: {  	v18 =	vld [tilespmem:s31+$0x3220]  }
0x46: {  	v36 =	vld [tilespmem:s31+$0x3280]  }
0x47: {  	v37 =	vld [tilespmem:s31+$0x3290];
	v41 =	vmul.f32 v6, v11;
	v26 =	vmul.f32 v5, v9  }
0x48: {  	v33 =	vld [tilespmem:s31+$0x3200];
	v38 =	vmul.f32 v8, v17;
	v43 =	vmul.f32 v1, v19  }
0x49: {  	v24 =	vld [tilespmem:s31+$0x3210];
	v39 =	vmul.f32 v10, v14;
	v40 =	vmul.f32 v12, v20  }
0x4a: {  	v44 =	vmul.f32 v21, v29;
	v48 =	vmul.f32 v7, v31  }
0x4b: {  	v49 =	vmul.f32 v15, v16;
	v45 =	vmul.f32 v34, v32  }
0x4c: {  	v46 =	vmul.f32 v27, v35;
	v51 =	vmul.f32 v13, v18  }
0x4d: {  	v50 =	vmul.f32 v25, v36;
	v52 =	vmul.f32 v28, v37  }
0x4e: {  	v53 =	vmul.f32 v22, v33;
	v54 =	vmul.f32 v62, v24  }
0x4f: {  	v47 =	vmul.f32 v9, v9;
	v58 =	vmul.f32 v11, v11  }
0x50: {  	[tilespmem:$0x1FF50] =	vst v6;
	v55 =	vmul.f32 v20, v20;
	v56 =	vmul.f32 v29, v29  }
0x51: {  	v63 =	vimm.f32 $0.0e+00;
	[tilespmem:$0x1FF60] =	vst v5;
	v57 =	vmul.f32 v32, v32;
	v59 =	vmul.f32 v35, v35  }
0x52: {  	[tilespmem:$0x1FF70] =	vst v8;
	v60 =	vmul.f32 v36, v36;
	v61 =	vmul.f32 v37, v37;
	v40 =	vadd.f32 v44, v40  }
0x53: {  	[tilespmem:$0x1FF80] =	vst v1;
	v42 =	vmul.f32 v24, v24;
	v50 =	vadd.f32 v52, v50;
	v45 =	vadd.f32 v46, v45  }
0x54: {  	[tilespmem:$0x1FF90] =	vst v10;
	v44 =	vmul.f32 v33, v33;
	v46 =	vadd.f32 v54, v53;
	v54 =	vadd.f32 v56, v55  }
0x55: {  	[tilespmem:$0x1FFA0] =	vst v12;
	v1 =	vimm.f32 $0.0e+00;
	v60 =	vadd.f32 v61, v60;
	v56 =	vadd.f32 v59, v57  }
0x56: {  	[tilespmem:$0x1FFB0] =	vst v15;
	v57 =	vmul.f32 v17, v17;
	v59 =	vmul.f32 v14, v14;
	v53 =	vadd.f32 v42, v44  }
0x57: {  	v15 =	vmovc v16;
	v55 =	vmul.f32 v18, v18;
	v52 =	vadd.f32 v38, v40;
	v45 =	vadd.f32 v39, v45  }
0x58: {  	v12 =	vmovc v9;
	v42 =	vmul.f32 v16, v16;
	v61 =	vadd.f32 v57, v54;
	v49 =	vadd.f32 v49, v50  }
0x59: {  	[tilespmem:$0x1FFC0] =	vst v13;
	v56 =	vadd.f32 v59, v56;
	v16 =	vmovc v19;
	v57 =	vmul.f32 v19, v19;
	v19 =	vmovc v20;
	v59 =	vimm.f32 $0.0e+00  }
0x5a: {  	s29 =	sshll.u32 s26, $0x1;
	s30 =	simm.s32 $0x800;
	[tilespmem:$0x1FFD0] =	vst v1;
	v40 =	vmovc v14;
	v54 =	vadd.f32 v42, v60;
	v44 =	vadd.f32 v58, v61;
	v50 =	vmovc v31;
	v58 =	vimm.f32 $0.0e+00  }
.LBB2_3:
0x5b: {  	v50 =	vmul.f32 v50, v31;
	v47 =	vadd.f32 v47, v56  }
0x5c: {  	v53 =	vadd.f32 v55, v53;
	v61 =	vadd.f32 v57, v54;
	v38 =	vperm.xlane v44, v0  }
0x5d: {  	v46 =	vadd.f32 v51, v46;
	v56 =	vperm.xlane v47, v0  }
0x5e: {  	v50 =	vadd.f32 v50, v53;
	v57 =	vperm.xlane v61, v0;
	v44 =	vadd.f32 v38, v44  }
0x5f: {  	v46 =	vadd.f32 v48, v46;
	v47 =	vadd.f32 v56, v47  }
0x60: {  	v60 =	vperm.xlane v50, v0;
	v48 =	vadd.f32 v57, v61;
	v61 =	vperm.xlane v44, v2  }
0x61: {  	v41 =	vadd.f32 v41, v52;
	v42 =	vadd.f32 v26, v45;
	v38 =	vperm.xlane v47, v2  }
0x62: {  	v45 =	vadd.f32 v60, v50;
	v52 =	vperm.xlane v48, v2;
	v44 =	vadd.f32 v61, v44  }
0x63: {  	v1 =	vld [tilespmem:$0x1FFF0];
	v43 =	vadd.f32 v43, v49;
	v47 =	vadd.f32 v38, v47  }
0x64: {  	v39 =	vperm.xlane v45, v2;
	v48 =	vadd.f32 v52, v48;
	v61 =	vperm.xlane v44, v3  }
0x65: {  	v57 =	vperm.xlane v43, v0;
	v38 =	vperm.xlane v47, v3  }
0x66: {  	v45 =	vadd.f32 v39, v45;
	v39 =	vperm.xlane v48, v3;
	v44 =	vadd.f32 v61, v44  }
0x67: {  	v60 =	vperm.xlane v46, v0;
	v47 =	vadd.f32 v38, v47  }
0x68: {  	v43 =	vadd.f32 v57, v43;
	v57 =	vadd.f32 v39, v48;
	v61 =	vperm.xlane v44, v1  }
0x69: {  	v51 =	vperm.xlane v41, v0;
	v38 =	vperm.xlane v47, v1  }
0x6a: {  	v49 =	vadd.f32 v60, v46;
	v60 =	vperm.xlane v57, v1;
	v44 =	vadd.f32 v61, v44  }
0x6b: {  	v47 =	vadd.f32 v38, v47  }
0x6c: {  	v41 =	vadd.f32 v51, v41;
	v52 =	vadd.f32 v60, v57;
	v44 =	vmax.f32 v44, $1.000000020e-24  }
0x6d: {  	v54 =	vperm.xlane v43, v2;
	(erf) = vrcp.f32 v44;
	v47 =	vmax.f32 v47, $1.000000020e-24  }
0x6e: {  	v56 =	vperm.xlane v45, v3;
	v57 =	vmax.f32 v52, $1.000000020e-24;
	(erf) = vrcp.f32 v47  }
0x6f: {  	s0 =	sshra.s32 s30, $0x2;
	v43 =	vadd.f32 v54, v43;
	v38 =	vperm.xlane v49, v2;
	(erf) = vrcp.f32 v57  }
0x70: {  	v9 =	vmovc v7;
	v7 =	vmov v62;
	v62 =	vld [tilespmem:s0+$0xFB00];
	v39 =	vperm.xlane v41, v2;
	v45 =	vadd.f32 v56, v45  }
0x71: {  	v4 =	vmov v59;
	v59 =	vld [tilespmem:s0+$0xFA20];
	v49 =	vadd.f32 v38, v49;
	v38 =	vperm.xlane v43, v3  }
0x72: {  	v10 =	vld [tilespmem:s0+$0xFA00];
	v53 =	vperm.xlane v42, v0;
	v48 =	vadd.f32 v39, v41;
	v61 =	vperm.xlane v45, v1  }
0x73: {  	v20 =	vld [tilespmem:s0+$0x3320];
	v57 =	vadd.f32 v38, v43  }
0x74: {  	v51 =	vld [tilespmem:s0+$0xFBA0];
	v42 =	vadd.f32 v53, v42;
	v45 =	vadd.f32 v61, v45;
	v61 =	vperm.xlane v48, v3  }
0x75: {  	v50 =	vld [tilespmem:s0+$0xFBB0];
	v38 =	vperm.xlane v57, v1  }
0x76: {  	v53 =	vperm.xlane v42, v2;
	v44 =	vld [tilespmem:s0+$0x32B0];
	v48 =	vadd.f32 v61, v48;
	v39 =	vpop (erf)  }
0x77: {  	v52 =	vld [tilespmem:s0+$0xFAB0];
	v57 =	vadd.f32 v38, v57;
	v43 =	vpop (erf)  }
0x78: {  	v46 =	vld [tilespmem:s0+$0x33B0];
	v42 =	vadd.f32 v53, v42;
	v6 =	vperm.xlane v48, v1;
	v61 =	vpop (erf)  }
0x79: {  	v56 =	vld [tilespmem:s0+$0xFB30];
	v57 =	vmul.f32 v57, v61  }
0x7a: {  	v53 =	vperm.xlane v42, v3;
	v47 =	vld [tilespmem:s0+$0x3330];
	v60 =	vmax.f32 v45, $1.000000020e-24;
	v48 =	vadd.f32 v6, v48  }
0x7b: {  	(erf) = vrcp.f32 v60;
	v30 =	vmul.f32 v57, v15;
	v15 =	vld [tilespmem:$0x1FF70]  }
0x7c: {  	v54 =	vld [tilespmem:s0+$0xFB20];
	v6 =	vmul.f32 v52, v44;
	v48 =	vmul.f32 v48, v39  }
0x7d: {  	v13 =	vmovc v3;
	v53 =	vadd.f32 v53, v42;
	v45 =	vld [tilespmem:s0+$0x33A0];
	v55 =	vperm.xlane v49, v3;
	v3 =	vmov v2  }
0x7e: {  	v2 =	vmovc v0;
	v0 =	vmov v58;
	v58 =	vld [tilespmem:s0+$0xFB80];
	[tilespmem:$0x1FF20] =	vst v6;
	v29 =	vmul.f32 v48, v29;
	v6 =	vmul.f32 v48, v17  }
0x7f: {  	v60 =	vld [tilespmem:s0+$0xFB90];
	v55 =	vadd.f32 v55, v49;
	v49 =	vperm.xlane v53, v1;
	v5 =	vmul.f32 v56, v47  }
0x80: {  	v39 =	vsub.f32 v21, v29;
	v21 =	vmul.f32 v57, v16;
	v16 =	vmovc v50;
	v6 =	vsub.f32 v15, v6;
	v15 =	vld [tilespmem:$0x1FF50]  }
0x81: {  	v8 =	vperm.xlane v55, v1;
	[tilespmem:$0x1FF50] =	vst v16;
	v16 =	vld [tilespmem:$0x1FFB0]  }
0x82: {  	v1 =	vld [tilespmem:s0+$0xFA30];
	v53 =	vadd.f32 v49, v53;
	[tilespmem:$0x1FF40] =	vst v5;
	v5 =	vmul.f32 v51, v45  }
0x83: {  	v55 =	vadd.f32 v8, v55;
	v8 =	vld [tilespmem:s0+$0xFA90]  }
0x84: {  	[tilespmem:$0x1FF30] =	vst v5;
	v5 =	vld [tilespmem:s0+$0xFAA0];
	v53 =	vmul.f32 v53, v43;
	v26 =	vmul.f32 v48, v19;
	v49 =	vpop (erf)  }
0x85: {  	v48 =	vmul.f32 v48, v11;
	v19 =	vld [tilespmem:s0+$0x3380];
	v55 =	vmul.f32 v55, v49  }
0x86: {  	v32 =	vmul.f32 v53, v32;
	v35 =	vmul.f32 v53, v35;
	v30 =	vsub.f32 v16, v30;
	v16 =	vld [tilespmem:$0x1FF80]  }
0x87: {  	v61 =	vld [tilespmem:s0+$0xFA80];
	v14 =	vmul.f32 v53, v40;
	v53 =	vmul.f32 v53, v12  }
0x88: {  	v12 =	vld [tilespmem:$0x1FFA0];
	v36 =	vmul.f32 v57, v36;
	v37 =	vmul.f32 v57, v37;
	v57 =	vsub.f32 v15, v48;
	v15 =	vmovc v51  }
0x89: {  	[tilespmem:$0x1FF70] =	vst v15;
	v15 =	vld [tilespmem:$0x1FF90]  }
0x8a: {  	v29 =	vld [tilespmem:s0+$0x3390];
	v33 =	vmul.f32 v55, v33;
	v24 =	vmul.f32 v55, v24  }
0x8b: {  	v41 =	vmul.f32 v50, v46;
	v40 =	vsub.f32 v27, v35;
	v35 =	vld [tilespmem:s0+$0x3310];
	v51 =	vsub.f32 v16, v21;
	v16 =	vmovc v52  }
0x8c: {  	v11 =	vmov v47;
	[tilespmem:$0x1FF80] =	vst v16;
	v16 =	vsub.f32 v22, v33;
	v22 =	vsub.f32 v7, v24;
	v7 =	vld [tilespmem:$0x1FFC0]  }
0x8d: {  	v42 =	vmovc v63;
	v47 =	vmul.f32 v47, v11;
	v27 =	vmul.f32 v55, v18;
	v28 =	vsub.f32 v28, v37;
	v37 =	vld [tilespmem:s0+$0x3290]  }
0x8e: {  	v43 =	vmovc v45;
	v31 =	vmul.f32 v55, v31;
	v55 =	vmul.f32 v54, v20;
	v14 =	vsub.f32 v15, v14;
	v15 =	vld [tilespmem:$0x1FF60]  }
0x8f: {  	v49 =	vmovc v46;
	v18 =	vmovc v54;
	v25 =	vsub.f32 v25, v36;
	v36 =	vld [tilespmem:s0+$0x3280];
	v38 =	vsub.f32 v12, v26;
	v12 =	vmov v58  }
0x90: {  	v58 =	vsub.f32 v34, v32;
	v32 =	vld [tilespmem:s0+$0x3300];
	v34 =	vmovc v62;
	[tilespmem:$0x1FFA0] =	vst v12;
	v52 =	vmul.f32 v12, v19;
	v21 =	vmov v60  }
0x91: {  	v60 =	vmul.f32 v35, v35;
	v12 =	vadd.f32 v16, v42;
	v17 =	vsub.f32 v7, v27;
	v7 =	vmovc v1;
	v1 =	vld [tilespmem:$0x1FFD0]  }
0x92: {  	v63 =	vld [tilespmem:s0+$0xFB10];
	[tilespmem:$0x1FF90] =	vst v18;
	v24 =	vsub.f32 v9, v31;
	v54 =	vmul.f32 v21, v29;
	v22 =	vadd.f32 v22, v4  }
0x93: {  	v50 =	vld [tilespmem:s0+$0x3230];
	v42 =	vmul.f32 v37, v37;
	v4 =	vadd.f32 v25, v12;
	v53 =	vsub.f32 v15, v53;
	v15 =	vmovc v56  }
0x94: {  	v9 =	vmovc v5;
	v52 =	vadd.f32 v54, v52;
	v22 =	vadd.f32 v28, v22;
	v25 =	vmov v61;
	[tilespmem:$0x1FF60] =	vst v15;
	v15 =	vld [tilespmem:s0+$0x32A0]  }
0x95: {  	v18 =	vld [tilespmem:s0+$0x3220];
	v28 =	vmovc v8;
	v61 =	vmul.f32 v36, v36;
	v56 =	vmul.f32 v34, v32;
	v31 =	vadd.f32 v58, v4  }
0x96: {  	[tilespmem:$0x1FFB0] =	vst v9;
	v8 =	vmul.f32 v28, v37;
	v1 =	vadd.f32 v17, v1;
	v17 =	vadd.f32 v24, v0;
	v24 =	vld [tilespmem:s0+$0x3210]  }
0x97: {  	v23 =	vld [tilespmem:s0+$0xFA10];
	v27 =	vmovc v63;
	v4 =	vadd.f32 v40, v22;
	v40 =	vmul.f32 v25, v36;
	v63 =	vadd.f32 v38, v31  }
0x98: {  	v33 =	vld [tilespmem:s0+$0x3200];
	v48 =	vmul.f32 v7, v50;
	v22 =	vmovc v10;
	v1 =	vadd.f32 v30, v1;
	v12 =	vadd.f32 v51, v17  }
0x99: {  	v10 =	vmul.f32 v46, v49;
	v8 =	vadd.f32 v8, v40;
	v5 =	vmul.f32 v9, v15;
	v9 =	vmovc v59  }
0x9a: {  	[tilespmem:$0x1FFC0] =	vst v9;
	v51 =	vmul.f32 v9, v18;
	v9 =	vld [tilespmem:$0x1FF30];
	v1 =	vadd.f32 v14, v1;
	v14 =	vadd.f32 v53, v12  }
0x9b: {  	v26 =	vmovc v44;
	v59 =	vadd.f32 v39, v4;
	v30 =	vmul.f32 v27, v35;
	v4 =	vmul.f32 v24, v24  }
0x9c: {  	v62 =	vmovc v23;
	v1 =	vadd.f32 v6, v1;
	v58 =	vadd.f32 v57, v14;
	v6 =	vmul.f32 v23, v24  }
0x9d: {  	v16 =	vmovc v26;
	v12 =	vmovc v11;
	v11 =	vmov v49;
	v14 =	vmul.f32 v19, v19;
	v49 =	vmul.f32 v33, v33  }
0x9e: {  	v30 =	vadd.f32 v30, v56;
	v23 =	vmul.f32 v29, v29;
	[tilespmem:$0x1FFD0] =	vst v1;
	v1 =	vmul.f32 v22, v33  }
0x9f: {  	p0 =	sne.s32 s30, $0x18800;
	v38 =	vmul.f32 v32, v32;
	v17 =	vmovc v43;
	v52 =	vadd.f32 v9, v52;
	v53 =	vadd.f32 v4, v49  }
.Ltmp0:
0xa0: {  	v0 =	vmovc v2;
	v46 =	vadd.f32 v6, v1;
	v1 =	vadd.f32 v23, v14;
	v23 =	vmul.f32 v45, v17;
	(pc) =	sbr.rel @p0 .LBB2_3-.Ltmp0, $4  }
0xa1: {  	v2 =	vmovc v3;
	v49 =	vadd.f32 v5, v8;
	v14 =	vadd.f32 v60, v38;
	v60 =	vmul.f32 v20, v20  }
0xa2: {  	v3 =	vmovc v13;
	v6 =	vadd.f32 v42, v61;
	v61 =	vmul.f32 v15, v15;
	v1 =	vadd.f32 v23, v1  }
0xa3: {  	v31 =	vmovc v50;
	v43 =	vld [tilespmem:$0x1FF20];
	v57 =	vmul.f32 v44, v26;
	v45 =	vadd.f32 v55, v30;
	v56 =	vadd.f32 v60, v14  }
0xa4: {  	s30 =	sadd.s32 $0x800, s30;
	v40 =	vmovc v20;
	v26 =	vld [tilespmem:$0x1FF40];
	v55 =	vmul.f32 v18, v18;
	v54 =	vadd.f32 v61, v6;
	v44 =	vadd.f32 v10, v1  }
0xa5: {  	_ = 	snop  }
0xa6: {  	v5 =	vmul.f32 v50, v31;
	v6 =	vadd.f32 v47, v56;
	v1 =	vadd.f32 v55, v53  }
0xa7: {  	v14 =	vadd.f32 v51, v46;
	v8 =	vadd.f32 v57, v54;
	v10 =	vperm.xlane v44, v0  }
0xa8: {  	v23 =	vadd.f32 v41, v52;
	v1 =	vadd.f32 v5, v1  }
0xa9: {  	v5 =	vperm.xlane v6, v0;
	v30 =	vperm.xlane v8, v0;
	v10 =	vadd.f32 v10, v44  }
0xaa: {  	v14 =	vadd.f32 v48, v14;
	v38 =	vadd.f32 v26, v45;
	v39 =	vperm.xlane v1, v0  }
0xab: {  	v5 =	vadd.f32 v5, v6;
	v8 =	vadd.f32 v30, v8;
	v30 =	vperm.xlane v10, v2  }
0xac: {  	v45 =	vperm.xlane v23, v0;
	v6 =	vadd.f32 v43, v49;
	v1 =	vadd.f32 v39, v1  }
0xad: {  	v61 =	vperm.xlane v5, v2;
	v46 =	vperm.xlane v8, v2;
	v10 =	vadd.f32 v30, v10  }
0xae: {  	v4 =	vld [tilespmem:$0x1FFF0];
	v49 =	vperm.xlane v14, v0;
	v23 =	vadd.f32 v45, v23;
	v42 =	vperm.xlane v1, v2  }
0xaf: {  	v5 =	vadd.f32 v61, v5;
	v8 =	vadd.f32 v46, v8;
	v48 =	vperm.xlane v10, v3  }
0xb0: {  	v30 =	vperm.xlane v38, v0;
	v47 =	vperm.xlane v6, v0;
	v1 =	vadd.f32 v42, v1  }
0xb1: {  	v50 =	vperm.xlane v5, v3;
	v51 =	vperm.xlane v8, v3;
	v10 =	vadd.f32 v48, v10  }
0xb2: {  	v55 =	vperm.xlane v23, v2;
	v30 =	vadd.f32 v30, v38;
	v52 =	vperm.xlane v1, v3  }
0xb3: {  	v5 =	vadd.f32 v50, v5;
	v8 =	vadd.f32 v51, v8;
	v53 =	vperm.xlane v10, v4  }
0xb4: {  	v6 =	vadd.f32 v47, v6;
	v57 =	vperm.xlane v30, v2;
	v1 =	vadd.f32 v52, v1  }
0xb5: {  	v54 =	vperm.xlane v5, v4;
	v56 =	vperm.xlane v8, v4;
	v10 =	vadd.f32 v53, v10  }
0xb6: {  	v14 =	vadd.f32 v49, v14;
	v61 =	vperm.xlane v6, v2;
	v60 =	vperm.xlane v1, v4  }
0xb7: {  	v5 =	vadd.f32 v54, v5;
	v8 =	vadd.f32 v56, v8;
	v10 =	vmax.f32 v10, $1.000000020e-24  }
0xb8: {  	(erf) = vrcp.f32 v10;
	v10 =	vperm.xlane v14, v2  }
0xb9: {  	v1 =	vadd.f32 v60, v1;
	v5 =	vmax.f32 v5, $1.000000020e-24;
	v8 =	vmax.f32 v8, $1.000000020e-24  }
0xba: {  	(erf) = vrcp.f32 v5;
	v5 =	vadd.f32 v55, v23;
	v10 =	vadd.f32 v10, v14  }
0xbb: {  	v1 =	vmax.f32 v1, $1.000000020e-24;
	(erf) = vrcp.f32 v8;
	v8 =	vadd.f32 v57, v30  }
0xbc: {  	(erf) = vrcp.f32 v1;
	v1 =	vadd.f32 v61, v6;
	v6 =	vperm.xlane v5, v3  }
0xbd: {  	v14 =	vperm.xlane v8, v3  }
0xbe: {  	v23 =	vperm.xlane v10, v3;
	v30 =	vperm.xlane v1, v3;
	v5 =	vadd.f32 v6, v5  }
0xbf: {  	v6 =	vadd.f32 v14, v8  }
0xc0: {  	v8 =	vadd.f32 v23, v10;
	v1 =	vadd.f32 v30, v1;
	v10 =	vperm.xlane v5, v4  }
0xc1: {  	v14 =	vperm.xlane v6, v4  }
0xc2: {  	v42 =	vperm.xlane v1, v4;
	v5 =	vadd.f32 v10, v5  }
0xc3: {  	v23 =	vperm.xlane v8, v4;
	v30 =	vpop (erf);
	v6 =	vadd.f32 v14, v6  }
0xc4: {  	v10 =	vpop (erf);
	v1 =	vadd.f32 v42, v1;
	v5 =	vmul.f32 v5, v30  }
0xc5: {  	v14 =	vpop (erf);
	v6 =	vmul.f32 v6, v10  }
0xc6: {  	v8 =	vadd.f32 v23, v8;
	v1 =	vmul.f32 v1, v14;
	v10 =	vmul.f32 v5, v19  }
0xc7: {  	v23 =	vpop (erf);
	v14 =	vmul.f32 v5, v29;
	v13 =	vmul.f32 v5, v17  }
0xc8: {  	v5 =	vmul.f32 v5, v11;
	v8 =	vmul.f32 v8, v23  }
0xc9: {  	v9 =	vmov v40;
	v20 =	vld [tilespmem:$0x1FF70];
	v11 =	vmul.f32 v6, v32;
	v23 =	vmul.f32 v6, v35  }
0xca: {  	v19 =	vmul.f32 v6, v9;
	v6 =	vmul.f32 v6, v12;
	v12 =	vld [tilespmem:$0x1FFA0];
	_ =	sdelay $0x3  }
0xcb: {  	v13 =	vsub.f32 v20, v13;
	v20 =	vld [tilespmem:$0x1FF50]  }
0xcc: {  	v10 =	vsub.f32 v12, v10;
	v12 =	vsub.f32 v21, v14;
	v21 =	vld [tilespmem:$0x1FF90]  }
0xcd: {  	v9 =	vmul.f32 v1, v36;
	v26 =	vmul.f32 v1, v37  }
0xce: {  	v14 =	vmul.f32 v1, v15;
	v1 =	vmul.f32 v1, v16;
	v16 =	vld [tilespmem:$0x1FFB0];
	_ =	sdelay $0x1  }
0xcf: {  	v17 =	vld [tilespmem:$0x1FFC0]  }
0xd0: {  	v5 =	vsub.f32 v20, v5;
	v20 =	vmul.f32 v8, v33;
	v19 =	vsub.f32 v21, v19;
	v21 =	vld [tilespmem:$0x1FF60];
	_ =	sdelay $0x1  }
0xd1: {  	v14 =	vsub.f32 v16, v14;
	v16 =	vsub.f32 v22, v20;
	v20 =	vld [tilespmem:$0x1FF80]  }
0xd2: {  	v11 =	vsub.f32 v34, v11;
	v18 =	vmul.f32 v8, v18  }
0xd3: {  	v9 =	vsub.f32 v25, v9;
	v16 =	vadd.f32 v16, v63  }
0xd4: {  	v4 =	vld [tilespmem:$0x1FFD0];
	v17 =	vsub.f32 v17, v18;
	v6 =	vsub.f32 v21, v6;
	v21 =	vmul.f32 v8, v24  }
0xd5: {  	v15 =	vsub.f32 v27, v23;
	v9 =	vadd.f32 v9, v16  }
0xd6: {  	v8 =	vmul.f32 v8, v31;
	v1 =	vsub.f32 v20, v1;
	v20 =	vsub.f32 v62, v21  }
0xd7: {  	v23 =	vsub.f32 v28, v26;
	v9 =	vadd.f32 v11, v9  }
0xd8: {  	v7 =	vsub.f32 v7, v8;
	v8 =	vadd.f32 v20, v59  }
0xd9: {  	v17 =	vadd.f32 v17, v4;
	v9 =	vadd.f32 v10, v9  }
0xda: {  	v10 =	vld [tilespmem:$0x1FFE0];
	v7 =	vadd.f32 v7, v58;
	v8 =	vadd.f32 v23, v8  }
0xdb: {  	v14 =	vadd.f32 v14, v17  }
0xdc: {  	v1 =	vadd.f32 v1, v7;
	v7 =	vadd.f32 v15, v8  }
0xdd: {  	v8 =	vadd.f32 v19, v14  }
0xde: {  	v1 =	vadd.f32 v6, v1;
	v6 =	vadd.f32 v12, v7  }
0xdf: {  	s0 =	sshll.u32 s26, $0x7;
	v7 =	vadd.f32 v13, v8;
	v8 =	vmul.f32 v9, v10  }
0xe0: {  	p0 =	seq.s32 s26, $0x1F;
	s0 =	sand.u32 $0x3FFFFF80, s0;
	v1 =	vadd.f32 v5, v1;
	v5 =	vmul.f32 v6, v10  }
0xe1: {  	s1 =	sadd.s32 @!p0 $0x2, s29;
	[tilespmem:s0+$0x1C200] =	vst v8;
	v6 =	vmul.f32 v7, v10  }
0xe2: {  	s29 =	smul.u32 @!p0 $0x320, s1;
	v1 =	vmul.f32 v1, v10;
	[tilespmem:s0+$0x1C210] =	vst v5  }
0xe3: {  	s30 =	simm.s32 @!p0 $0x3200;
	s1 =	sadd.s32 @!p0 s3, s1;
	[tilespmem:s0+$0x1C220] =	vst v6  }
0xe4: {  	s1 =	smul.u32 @!p0 $0xC80, s1;
	[tilespmem:s0+$0x1C230] =	vst v1;
	s0 =	sshra.s32 @!p0 s29, $0x2;
	s29 =	simm.s32 @!p0 $0x68  }
0xe5: {  	[tilespmem:s30], [sflag:$0x1] =	stream.indirect.gather @!p0 [hbm4b:s5+s29], $0x80, s0, s29, $0xb8;
	[tilespmem:$0x1E200] =	vst v63  }
0xe6: {  	s0 =	sadd.s32 @!p0 $0x68, s0;
	s29 =	simm.s32 @!p0 $0x60;
	s30 =	simm.s32 @!p0 $0x6600  }
0xe7: {  	[tilespmem:s30], [sflag:$0x1] =	stream.indirect.gather @!p0 [hbm4b:s5+s29], $0x80, s0, s29, $0xb8;
	[tilespmem:$0x1E200] =	vst v63  }
0xe8: {  	s0 =	sadd.s32 @!p0 s4, s1;
	s1 =	simm.s32 @!p0 $0x0;
	s29 =	simm.s32 @!p0 $0xFA00  }
0xe9: {  	[tilespmem:s29], [sflag:$0x1] =	stream.linear.gather @!p0 [hbm4b:s0+s1], $0x6400, $0x38;
	[tilespmem:$0x1E200] =	vst v63  }
0xea: {  	_ =	swait.ge [sflag:s23], $0x3400  }
0xeb: {  	[sflag:s23] =	ssyncset.done $0x0  }
0xec: {  	[sflag:s23] =	ssyncadd.s32 $0xFFFFCC00  }
0xed: {  	_ =	swait.ge [sflag:s23], $0x3000  }
0xee: {  	[sflag:s23] =	ssyncset.done $0x0  }
0xef: {  	[sflag:s23] =	ssyncadd.s32 $0xFFFFD000  }
0xf0: {  	_ =	swait.ge [sflag:s23], $0x6400  }
0xf1: {  	[sflag:s23] =	ssyncset.done $0x0  }
0xf2: {  	s31 =	simm.s32 $0x0;
	[sflag:s23] =	ssyncadd.s32 $0xFFFF9C00  }
0xf3: {  	v6 =	vld [tilespmem:s31+$0x15FB0]  }
0xf4: {  	v1 =	vld [tilespmem:s31+$0x15F30]  }
0xf5: {  	v11 =	vld [tilespmem:s31+$0x97B0]  }
0xf6: {  	v9 =	vld [tilespmem:s31+$0x9730]  }
0xf7: {  	v8 =	vld [tilespmem:s31+$0x15FA0]  }
0xf8: {  	v5 =	vld [tilespmem:s31+$0x15EB0]  }
0xf9: {  	v22 =	vld [tilespmem:s31+$0x97A0]  }
0xfa: {  	v19 =	vld [tilespmem:s31+$0x96B0]  }
0xfb: {  	v10 =	vld [tilespmem:s31+$0x15F20]  }
0xfc: {  	v12 =	vld [tilespmem:s31+$0x15F80]  }
0xfd: {  	v16 =	vld [tilespmem:s31+$0x15F90]  }
0xfe: {  	v7 =	vld [tilespmem:s31+$0x15E30]  }
0xff: {  	v63 =	vld [tilespmem:s31+$0x15EA0]  }
0x100: {  	v34 =	vld [tilespmem:s31+$0x15F00]  }
0x101: {  	v27 =	vld [tilespmem:s31+$0x15F10]  }
0x102: {  	v62 =	vld [tilespmem:s31+$0x15E20]  }
0x103: {  	v25 =	vld [tilespmem:s31+$0x15E80]  }
0x104: {  	v28 =	vld [tilespmem:s31+$0x15E90]  }
0x105: {  	v4 =	vld [tilespmem:s31+$0x15E00]  }
0x106: {  	v61 =	vld [tilespmem:s31+$0x15E10]  }
0x107: {  	v14 =	vld [tilespmem:s31+$0x9720]  }
0x108: {  	v17 =	vld [tilespmem:s31+$0x9780]  }
0x109: {  	v29 =	vld [tilespmem:s31+$0x9790]  }
0x10a: {  	v31 =	vld [tilespmem:s31+$0x9630]  }
0x10b: {  	v15 =	vld [tilespmem:s31+$0x96A0]  }
0x10c: {  	v32 =	vld [tilespmem:s31+$0x9700]  }
0x10d: {  	v35 =	vld [tilespmem:s31+$0x9710]  }
0x10e: {  	v18 =	vld [tilespmem:s31+$0x9620]  }
0x10f: {  	v36 =	vld [tilespmem:s31+$0x9680]  }
0x110: {  	v37 =	vld [tilespmem:s31+$0x9690];
	v13 =	vmul.f32 v6, v11;
	v20 =	vmul.f32 v1, v9  }
0x111: {  	v33 =	vld [tilespmem:s31+$0x9600];
	[tilespmem:$0x1FE90] =	vst v1;
	v1 =	vmul.f32 v8, v22;
	v26 =	vmul.f32 v5, v19  }
0x112: {  	v24 =	vld [tilespmem:s31+$0x9610];
	v38 =	vmul.f32 v10, v14;
	v39 =	vmul.f32 v12, v17  }
0x113: {  	v40 =	vmul.f32 v16, v29;
	v48 =	vmul.f32 v7, v31  }
0x114: {  	v44 =	vmul.f32 v63, v15;
	v45 =	vmul.f32 v34, v32  }
0x115: {  	v46 =	vmul.f32 v27, v35;
	v51 =	vmul.f32 v62, v18  }
0x116: {  	v49 =	vmul.f32 v25, v36;
	v50 =	vmul.f32 v28, v37  }
0x117: {  	v52 =	vmul.f32 v4, v33;
	v53 =	vmul.f32 v61, v24  }
0x118: {  	v47 =	vmul.f32 v9, v9;
	v58 =	vmul.f32 v11, v11  }
0x119: {  	[tilespmem:$0x1FE80] =	vst v6;
	v54 =	vmul.f32 v17, v17;
	v55 =	vmul.f32 v29, v29  }
0x11a: {  	[tilespmem:$0x1FEB0] =	vst v5;
	v5 =	vimm.f32 $0.0e+00;
	v56 =	vmul.f32 v32, v32;
	v57 =	vmul.f32 v35, v35  }
0x11b: {  	[tilespmem:$0x1FEA0] =	vst v8;
	v59 =	vmul.f32 v36, v36;
	v60 =	vmul.f32 v37, v37;
	v39 =	vadd.f32 v40, v39  }
0x11c: {  	[tilespmem:$0x1FEC0] =	vst v10;
	v43 =	vmul.f32 v24, v24;
	v49 =	vadd.f32 v50, v49;
	v45 =	vadd.f32 v46, v45  }
0x11d: {  	[tilespmem:$0x1FED0] =	vst v12;
	v40 =	vmul.f32 v33, v33;
	v46 =	vadd.f32 v53, v52;
	v54 =	vadd.f32 v55, v54  }
0x11e: {  	[tilespmem:$0x1FEE0] =	vst v16;
	v59 =	vadd.f32 v60, v59;
	v56 =	vadd.f32 v57, v56;
	v60 =	vmul.f32 v22, v22  }
0x11f: {  	[tilespmem:$0x1FEF0] =	vst v4;
	v57 =	vmul.f32 v14, v14;
	v53 =	vadd.f32 v43, v40;
	v52 =	vadd.f32 v1, v39  }
0x120: {  	v21 =	vmovc v15;
	v1 =	vmul.f32 v15, v15;
	v45 =	vadd.f32 v38, v45;
	v60 =	vadd.f32 v60, v54  }
0x121: {  	v55 =	vmul.f32 v18, v18;
	v49 =	vadd.f32 v44, v49;
	v56 =	vadd.f32 v57, v56;
	v15 =	vmovc v19  }
0x122: {  	v12 =	vmovc v9;
	v16 =	vmovc v14;
	[tilespmem:$0x1FF00] =	vst v5;
	v57 =	vmul.f32 v15, v15;
	v54 =	vadd.f32 v1, v59;
	v1 =	vimm.f32 $0.0e+00  }
0x123: {  	s29 =	simm.s32 $0x800;
	v19 =	vmovc v17;
	v50 =	vmovc v31;
	v44 =	vadd.f32 v58, v60;
	v60 =	vimm.f32 $0.0e+00;
	v58 =	vimm.f32 $0.0e+00;
	[tilespmem:$0x1FF10] =	vst v1  }
.LBB2_5:
0x124: {  	_ = 	snop  }
0x125: {  	v47 =	vadd.f32 v47, v56  }
0x126: {  	v46 =	vadd.f32 v51, v46;
	v51 =	vadd.f32 v57, v54;
	v56 =	vperm.xlane v44, v0  }
0x127: {  	v50 =	vmul.f32 v50, v31;
	v57 =	vperm.xlane v47, v0  }
0x128: {  	v1 =	vadd.f32 v55, v53;
	v59 =	vperm.xlane v51, v0;
	v44 =	vadd.f32 v56, v44  }
0x129: {  	v43 =	vadd.f32 v26, v49;
	v47 =	vadd.f32 v57, v47  }
0x12a: {  	v1 =	vadd.f32 v50, v1;
	v39 =	vadd.f32 v59, v51;
	v40 =	vperm.xlane v44, v2  }
0x12b: {  	v46 =	vadd.f32 v48, v46;
	v41 =	vadd.f32 v13, v52;
	v56 =	vperm.xlane v47, v2  }
0x12c: {  	v42 =	vadd.f32 v20, v45;
	v51 =	vperm.xlane v39, v2;
	v44 =	vadd.f32 v40, v44  }
0x12d: {  	v5 =	vld [tilespmem:$0x1FFF0];
	v38 =	vperm.xlane v1, v0;
	v54 =	vperm.xlane v46, v0;
	v45 =	vadd.f32 v56, v47  }
0x12e: {  	v57 =	vperm.xlane v41, v0;
	v48 =	vadd.f32 v51, v39;
	v55 =	vperm.xlane v44, v3  }
0x12f: {  	v1 =	vadd.f32 v38, v1;
	v38 =	vperm.xlane v43, v0;
	v56 =	vperm.xlane v45, v3  }
0x130: {  	v41 =	vadd.f32 v57, v41;
	v57 =	vperm.xlane v48, v3;
	v44 =	vadd.f32 v55, v44  }
0x131: {  	v49 =	vadd.f32 v54, v46;
	v45 =	vadd.f32 v56, v45  }
0x132: {  	v43 =	vadd.f32 v38, v43;
	v46 =	vadd.f32 v57, v48;
	v38 =	vperm.xlane v44, v5  }
0x133: {  	v39 =	vperm.xlane v45, v5  }
0x134: {  	v57 =	vperm.xlane v46, v5;
	v44 =	vadd.f32 v38, v44  }
0x135: {  	v45 =	vadd.f32 v39, v45  }
0x136: {  	v52 =	vperm.xlane v42, v0;
	v51 =	vadd.f32 v57, v46;
	v44 =	vmax.f32 v44, $1.000000020e-24  }
0x137: {  	v53 =	vperm.xlane v43, v2;
	(erf) = vrcp.f32 v44;
	v45 =	vmax.f32 v45, $1.000000020e-24  }
0x138: {  	v42 =	vadd.f32 v52, v42;
	v39 =	vmax.f32 v51, $1.000000020e-24;
	(erf) = vrcp.f32 v45  }
0x139: {  	s0 =	sshra.s32 s29, $0x2;
	v40 =	vperm.xlane v41, v2;
	v43 =	vadd.f32 v53, v43;
	(erf) = vrcp.f32 v39  }
0x13a: {  	v59 =	vperm.xlane v1, v2;
	v47 =	vld [tilespmem:s0+$0x9730]  }
0x13b: {  	v52 =	vperm.xlane v42, v2;
	v55 =	vld [tilespmem:s0+$0x15F30];
	v50 =	vadd.f32 v40, v41;
	v41 =	vperm.xlane v43, v3  }
0x13c: {  	v1 =	vadd.f32 v59, v1;
	v38 =	vperm.xlane v49, v2  }
0x13d: {  	v42 =	vadd.f32 v52, v42;
	v40 =	vperm.xlane v50, v3;
	v56 =	vadd.f32 v41, v43  }
0x13e: {  	v4 =	vmov v60;
	v59 =	vperm.xlane v1, v3  }
0x13f: {  	v9 =	vmovc v7;
	v7 =	vmovc v61;
	v17 =	vmov v62;
	v62 =	vld [tilespmem:s0+$0x15F10];
	v52 =	vperm.xlane v42, v3;
	v61 =	vperm.xlane v56, v5  }
0x140: {  	v60 =	vld [tilespmem:s0+$0x15E80];
	v50 =	vadd.f32 v40, v50;
	v6 =	vmul.f32 v55, v47;
	v49 =	vadd.f32 v38, v49;
	v38 =	vpop (erf)  }
0x141: {  	v10 =	vld [tilespmem:s0+$0x15E00];
	v56 =	vadd.f32 v61, v56;
	v40 =	vpop (erf)  }
0x142: {  	v23 =	vld [tilespmem:s0+$0x15E10];
	v1 =	vadd.f32 v59, v1;
	v52 =	vadd.f32 v52, v42;
	[tilespmem:$0x1FE60] =	vst v6;
	v6 =	vperm.xlane v50, v5;
	v42 =	vpop (erf)  }
0x143: {  	v48 =	vld [tilespmem:s0+$0x15FB0];
	v56 =	vmul.f32 v56, v42  }
0x144: {  	v59 =	vperm.xlane v1, v5;
	v46 =	vld [tilespmem:s0+$0x97B0];
	v54 =	vperm.xlane v49, v3;
	v50 =	vadd.f32 v6, v50  }
0x145: {  	v30 =	vmul.f32 v56, v21;
	v21 =	vmul.f32 v56, v15;
	v15 =	vld [tilespmem:$0x1FEA0]  }
0x146: {  	v13 =	vmov v58;
	v58 =	vld [tilespmem:s0+$0x15E20];
	v50 =	vmul.f32 v50, v38  }
0x147: {  	v20 =	vld [tilespmem:s0+$0x9720];
	v1 =	vadd.f32 v59, v1;
	v54 =	vadd.f32 v54, v49;
	v49 =	vperm.xlane v52, v5  }
0x148: {  	v53 =	vld [tilespmem:s0+$0x15F20];
	v6 =	vmul.f32 v50, v22  }
0x149: {  	v51 =	vld [tilespmem:s0+$0x15FA0];
	v1 =	vmax.f32 v1, $1.000000020e-24;
	v52 =	vadd.f32 v49, v52  }
0x14a: {  	(erf) = vrcp.f32 v1;
	v8 =	vmul.f32 v48, v46;
	v6 =	vsub.f32 v15, v6;
	v15 =	vld [tilespmem:$0x1FE80]  }
0x14b: {  	v57 =	vld [tilespmem:s0+$0x15F80];
	v52 =	vmul.f32 v52, v40;
	v26 =	vmul.f32 v50, v19  }
0x14c: {  	v45 =	vld [tilespmem:s0+$0x97A0];
	v29 =	vmul.f32 v50, v29;
	v50 =	vmul.f32 v50, v11  }
0x14d: {  	v44 =	vld [tilespmem:s0+$0x96B0];
	v32 =	vmul.f32 v52, v32;
	v35 =	vmul.f32 v52, v35  }
0x14e: {  	v59 =	vld [tilespmem:s0+$0x15F90];
	v14 =	vmul.f32 v52, v16;
	v52 =	vmul.f32 v52, v12  }
0x14f: {  	v12 =	vld [tilespmem:$0x1FED0];
	v36 =	vmul.f32 v56, v36;
	v37 =	vmul.f32 v56, v37;
	v56 =	vsub.f32 v15, v50;
	v15 =	vmovc v51  }
0x150: {  	[tilespmem:$0x1FEA0] =	vst v15;
	v15 =	vld [tilespmem:$0x1FEC0]  }
0x151: {  	v61 =	vld [tilespmem:s0+$0x15F00];
	[tilespmem:$0x1FE50] =	vst v8;
	v8 =	vperm.xlane v54, v5;
	v5 =	vmul.f32 v51, v45  }
0x152: {  	v1 =	vld [tilespmem:s0+$0x15EB0]  }
0x153: {  	[tilespmem:$0x1FE70] =	vst v5;
	v5 =	vld [tilespmem:s0+$0x15EA0]  }
0x154: {  	v38 =	vsub.f32 v12, v26;
	v12 =	vld [tilespmem:$0x1FEE0]  }
0x155: {  	v54 =	vadd.f32 v8, v54;
	v16 =	vmov v55;
	v14 =	vsub.f32 v15, v14;
	v15 =	vld [tilespmem:$0x1FE90]  }
0x156: {  	v43 =	vpop (erf);
	[tilespmem:$0x1FE90] =	vst v16;
	v16 =	vld [tilespmem:$0x1FEB0]  }
0x157: {  	v11 =	vmov v47;
	v19 =	vld [tilespmem:s0+$0x9780];
	v54 =	vmul.f32 v54, v43  }
0x158: {  	v49 =	vmul.f32 v1, v44;
	v47 =	vmul.f32 v47, v11;
	v40 =	vsub.f32 v27, v35;
	v35 =	vld [tilespmem:s0+$0x9710]  }
0x159: {  	v33 =	vmul.f32 v54, v33;
	v24 =	vmul.f32 v54, v24;
	v39 =	vsub.f32 v12, v29;
	v29 =	vld [tilespmem:s0+$0x9790]  }
0x15a: {  	v22 =	vmov v48;
	v27 =	vmul.f32 v54, v18;
	v31 =	vmul.f32 v54, v31;
	v26 =	vld [tilespmem:s0+$0x96A0]  }
0x15b: {  	[tilespmem:$0x1FE80] =	vst v22;
	v12 =	vmovc v57;
	v57 =	vsub.f32 v34, v32;
	v32 =	vld [tilespmem:s0+$0x9700];
	v51 =	vsub.f32 v16, v21;
	v16 =	vmov v1  }
0x15c: {  	v18 =	vmov v53;
	v25 =	vsub.f32 v25, v36;
	v28 =	vsub.f32 v28, v37;
	[tilespmem:$0x1FEB0] =	vst v16;
	v16 =	vld [tilespmem:$0x1FEF0]  }
0x15d: {  	v17 =	vsub.f32 v17, v27;
	v22 =	vsub.f32 v7, v24;
	v7 =	vmov v59;
	[tilespmem:$0x1FEC0] =	vst v18;
	v18 =	vld [tilespmem:s0+$0x9620]  }
0x15e: {  	v24 =	vsub.f32 v9, v31;
	v27 =	vmov v62;
	[tilespmem:$0x1FEE0] =	vst v7;
	v54 =	vmul.f32 v7, v29;
	v7 =	vld [tilespmem:$0x1FF00]  }
0x15f: {  	v41 =	vld [tilespmem:s0+$0x15E30];
	v30 =	vsub.f32 v63, v30;
	v17 =	vadd.f32 v17, v4;
	v59 =	vmul.f32 v27, v35;
	v34 =	vmovc v61  }
0x160: {  	v36 =	vld [tilespmem:s0+$0x9680];
	v63 =	vmovc v5;
	v31 =	vadd.f32 v24, v13;
	v55 =	vmul.f32 v34, v32;
	v1 =	vmul.f32 v53, v20  }
0x161: {  	v37 =	vld [tilespmem:s0+$0x9690];
	[tilespmem:$0x1FED0] =	vst v12;
	v53 =	vmul.f32 v12, v19;
	v12 =	vadd.f32 v30, v17;
	v16 =	vsub.f32 v16, v33  }
0x162: {  	v42 =	vmovc v46;
	v5 =	vmul.f32 v63, v26;
	v52 =	vsub.f32 v15, v52;
	v30 =	vadd.f32 v51, v31;
	v33 =	vld [tilespmem:s0+$0x9600]  }
0x163: {  	v62 =	vmovc v58;
	v59 =	vadd.f32 v59, v55;
	v55 =	vmul.f32 v18, v18;
	v9 =	vadd.f32 v16, v7;
	v7 =	vld [tilespmem:$0x1FF10]  }
0x164: {  	v24 =	vld [tilespmem:s0+$0x9610];
	v61 =	vmovc v23;
	v51 =	vmul.f32 v62, v18;
	v14 =	vadd.f32 v14, v12;
	v30 =	vadd.f32 v52, v30  }
0x165: {  	v8 =	vld [tilespmem:s0+$0x15E90];
	v54 =	vadd.f32 v54, v53;
	v12 =	vmovc v11;
	v52 =	vmul.f32 v36, v36;
	v4 =	vadd.f32 v25, v9  }
0x166: {  	v11 =	vmovc v42;
	v58 =	vadd.f32 v56, v30;
	v30 =	vmul.f32 v29, v29;
	v56 =	vmul.f32 v37, v37  }
0x167: {  	v25 =	vmovc v60;
	v60 =	vadd.f32 v6, v14;
	v14 =	vmul.f32 v46, v42;
	v31 =	vadd.f32 v57, v4  }
0x168: {  	v42 =	vmul.f32 v20, v20;
	v57 =	vmul.f32 v33, v33;
	v22 =	vadd.f32 v22, v7;
	v7 =	vmovc v41  }
0x169: {  	v41 =	vmul.f32 v24, v24;
	v9 =	vadd.f32 v38, v31;
	v4 =	vmovc v10;
	v10 =	vmul.f32 v23, v24  }
0x16a: {  	v50 =	vld [tilespmem:s0+$0x9630];
	v23 =	vmul.f32 v19, v19;
	v22 =	vadd.f32 v28, v22;
	v28 =	vmovc v8;
	v6 =	vmul.f32 v4, v33  }
0x16b: {  	v38 =	vmul.f32 v32, v32;
	[tilespmem:$0x1FEF0] =	vst v4;
	v53 =	vadd.f32 v41, v57;
	v4 =	vld [tilespmem:$0x1FE70];
	v8 =	vmul.f32 v28, v37  }
0x16c: {  	v43 =	vmovc v45;
	v22 =	vadd.f32 v40, v22;
	v40 =	vmul.f32 v25, v36;
	v46 =	vadd.f32 v10, v6  }
0x16d: {  	p0 =	sne.s32 s29, $0x18800;
	v15 =	vmovc v44;
	v6 =	vadd.f32 v30, v23;
	v10 =	vadd.f32 v56, v52;
	v30 =	vmul.f32 v45, v43  }
.Ltmp1:
0x16e: {  	[tilespmem:$0x1FF00] =	vst v9;
	v45 =	vadd.f32 v1, v59;
	v9 =	vadd.f32 v39, v22;
	v39 =	vmul.f32 v35, v35;
	(pc) =	sbr.rel @p0 .LBB2_5-.Ltmp1, $4  }
0x16f: {  	v21 =	vmovc v26;
	v48 =	vmul.f32 v7, v50;
	v8 =	vadd.f32 v8, v40;
	v1 =	vadd.f32 v30, v6  }
0x170: {  	v52 =	vadd.f32 v4, v54;
	v22 =	vmovc v43;
	v23 =	vadd.f32 v39, v38;
	v43 =	vmul.f32 v26, v26  }
0x171: {  	v13 =	vld [tilespmem:$0x1FE50];
	v57 =	vmul.f32 v44, v15;
	v26 =	vmovc v49;
	v49 =	vadd.f32 v5, v8;
	v44 =	vadd.f32 v14, v1  }
0x172: {  	s29 =	sadd.s32 $0x800, s29;
	v16 =	vmovc v20;
	v20 =	vld [tilespmem:$0x1FE60];
	v31 =	vmov v50;
	[tilespmem:$0x1FF10] =	vst v9;
	v56 =	vadd.f32 v42, v23;
	v54 =	vadd.f32 v43, v10  }
0x173: {  	_ = 	snop  }
0x174: {  	v1 =	vadd.f32 v55, v53;
	v5 =	vmul.f32 v50, v31;
	v6 =	vadd.f32 v47, v56  }
0x175: {  	v10 =	vperm.xlane v44, v0;
	v8 =	vadd.f32 v57, v54  }
0x176: {  	v14 =	vadd.f32 v51, v46;
	v1 =	vadd.f32 v5, v1;
	v5 =	vperm.xlane v6, v0  }
0x177: {  	v47 =	vadd.f32 v26, v49;
	v10 =	vadd.f32 v10, v44;
	v30 =	vperm.xlane v8, v0  }
0x178: {  	v14 =	vadd.f32 v48, v14;
	v39 =	vperm.xlane v1, v0;
	v5 =	vadd.f32 v5, v6  }
0x179: {  	v23 =	vadd.f32 v13, v52;
	v49 =	vperm.xlane v10, v2;
	v8 =	vadd.f32 v30, v8  }
0x17a: {  	v52 =	vperm.xlane v47, v0;
	v1 =	vadd.f32 v39, v1;
	v50 =	vperm.xlane v5, v2  }
0x17b: {  	v38 =	vadd.f32 v20, v45;
	v10 =	vadd.f32 v49, v10;
	v41 =	vperm.xlane v8, v2  }
0x17c: {  	v4 =	vld [tilespmem:$0x1FFF0];
	v43 =	vperm.xlane v14, v0;
	v42 =	vperm.xlane v1, v2;
	v5 =	vadd.f32 v50, v5  }
0x17d: {  	v40 =	vperm.xlane v23, v0;
	v53 =	vperm.xlane v10, v3;
	v8 =	vadd.f32 v41, v8  }
0x17e: {  	v6 =	vadd.f32 v52, v47;
	v1 =	vadd.f32 v42, v1;
	v54 =	vperm.xlane v5, v3  }
0x17f: {  	v51 =	vperm.xlane v38, v0;
	v10 =	vadd.f32 v53, v10;
	v55 =	vperm.xlane v8, v3  }
0x180: {  	v14 =	vadd.f32 v43, v14;
	v56 =	vperm.xlane v1, v3;
	v5 =	vadd.f32 v54, v5  }
0x181: {  	v23 =	vadd.f32 v40, v23;
	v57 =	vperm.xlane v10, v4;
	v8 =	vadd.f32 v55, v8  }
0x182: {  	v43 =	vperm.xlane v6, v2;
	v1 =	vadd.f32 v56, v1;
	v59 =	vperm.xlane v5, v4  }
0x183: {  	v30 =	vadd.f32 v51, v38;
	v10 =	vadd.f32 v57, v10;
	v17 =	vperm.xlane v8, v4  }
0x184: {  	v44 =	vperm.xlane v14, v2;
	v26 =	vperm.xlane v1, v4;
	v5 =	vadd.f32 v59, v5  }
0x185: {  	v13 =	vperm.xlane v23, v2;
	v10 =	vmax.f32 v10, $1.000000020e-24;
	v8 =	vadd.f32 v17, v8  }
0x186: {  	(erf) = vrcp.f32 v10;
	v1 =	vadd.f32 v26, v1;
	v5 =	vmax.f32 v5, $1.000000020e-24  }
0x187: {  	v20 =	vperm.xlane v30, v2;
	v8 =	vmax.f32 v8, $1.000000020e-24;
	(erf) = vrcp.f32 v5  }
0x188: {  	v5 =	vadd.f32 v13, v23;
	v1 =	vmax.f32 v1, $1.000000020e-24;
	(erf) = vrcp.f32 v8  }
0x189: {  	v45 =	vadd.f32 v20, v30;
	v10 =	vadd.f32 v44, v14;
	(erf) = vrcp.f32 v1  }
0x18a: {  	v1 =	vadd.f32 v43, v6;
	v46 =	vperm.xlane v5, v3  }
0x18b: {  	v47 =	vperm.xlane v45, v3;
	v48 =	vperm.xlane v10, v3  }
0x18c: {  	v49 =	vperm.xlane v1, v3;
	v5 =	vadd.f32 v46, v5  }
0x18d: {  	v50 =	vadd.f32 v47, v45;
	v51 =	vadd.f32 v48, v10  }
0x18e: {  	v1 =	vadd.f32 v49, v1;
	v52 =	vperm.xlane v5, v4  }
0x18f: {  	v14 =	vperm.xlane v50, v4;
	v23 =	vperm.xlane v51, v4;
	v53 =	vpop (erf)  }
0x190: {  	v54 =	vperm.xlane v1, v4;
	v5 =	vadd.f32 v52, v5;
	v55 =	vpop (erf)  }
0x191: {  	v6 =	vadd.f32 v14, v50;
	v8 =	vadd.f32 v23, v51;
	v56 =	vpop (erf)  }
0x192: {  	v41 =	vld [tilespmem:$0x1FED0];
	v1 =	vadd.f32 v54, v1;
	v5 =	vmul.f32 v5, v53;
	v57 =	vpop (erf)  }
0x193: {  	v42 =	vld [tilespmem:$0x1FEE0];
	v6 =	vmul.f32 v6, v55;
	v8 =	vmul.f32 v8, v57  }
0x194: {  	v45 =	vld [tilespmem:$0x1FE80];
	v1 =	vmul.f32 v1, v56;
	v59 =	vmul.f32 v5, v19  }
0x195: {  	v44 =	vld [tilespmem:$0x1FEA0];
	v29 =	vmul.f32 v5, v29;
	v30 =	vmul.f32 v5, v22  }
0x196: {  	v48 =	vld [tilespmem:$0x1FEC0];
	v5 =	vmul.f32 v5, v11;
	v32 =	vmul.f32 v6, v32  }
0x197: {  	v4 =	vld [tilespmem:$0x1FEF0];
	v38 =	vmul.f32 v6, v35;
	v39 =	vmul.f32 v6, v16  }
0x198: {  	v49 =	vld [tilespmem:$0x1FE90];
	v6 =	vmul.f32 v6, v12;
	v9 =	vmul.f32 v1, v36  }
0x199: {  	v40 =	vmul.f32 v1, v37;
	v10 =	vsub.f32 v41, v59;
	v12 =	vsub.f32 v42, v29  }
0x19a: {  	v53 =	vld [tilespmem:$0x1FEB0];
	v13 =	vsub.f32 v44, v30;
	v5 =	vsub.f32 v45, v5;
	v47 =	vmul.f32 v8, v33  }
0x19b: {  	v55 =	vld [tilespmem:$0x1FF00];
	v43 =	vmul.f32 v1, v21;
	v11 =	vsub.f32 v34, v32;
	v46 =	vsub.f32 v27, v38  }
0x19c: {  	v1 =	vmul.f32 v1, v15;
	v19 =	vsub.f32 v48, v39;
	v52 =	vsub.f32 v4, v47;
	v4 =	vld [tilespmem:$0x1FF10]  }
0x19d: {  	v6 =	vsub.f32 v49, v6;
	v50 =	vmul.f32 v8, v24;
	v9 =	vsub.f32 v25, v9  }
0x19e: {  	v18 =	vmul.f32 v8, v18;
	v51 =	vsub.f32 v28, v40;
	v14 =	vsub.f32 v63, v43  }
0x19f: {  	v8 =	vmul.f32 v8, v31;
	v1 =	vsub.f32 v53, v1;
	v54 =	vsub.f32 v61, v50  }
0x1a0: {  	v17 =	vsub.f32 v62, v18;
	v16 =	vadd.f32 v52, v55  }
0x1a1: {  	v7 =	vsub.f32 v7, v8;
	v56 =	vadd.f32 v54, v4  }
0x1a2: {  	v17 =	vadd.f32 v17, v60;
	v9 =	vadd.f32 v9, v16  }
0x1a3: {  	v61 =	vld [tilespmem:$0x1FFE0];
	v7 =	vadd.f32 v7, v58;
	v8 =	vadd.f32 v51, v56  }
0x1a4: {  	v14 =	vadd.f32 v14, v17;
	v9 =	vadd.f32 v11, v9  }
0x1a5: {  	v1 =	vadd.f32 v1, v7;
	v57 =	vadd.f32 v46, v8  }
0x1a6: {  	v58 =	vadd.f32 v19, v14;
	v9 =	vadd.f32 v10, v9  }
0x1a7: {  	s26 =	sadd.s32 $0x1, s26;
	v1 =	vadd.f32 v6, v1;
	v59 =	vadd.f32 v12, v57  }
0x1a8: {  	p0 =	sne.s32 s26, $0x20;
	v60 =	vadd.f32 v13, v58;
	v62 =	vmul.f32 v9, v61  }
.Ltmp2:
0x1a9: {  	s0 =	sshll.u32 s28, $0x6;
	v1 =	vadd.f32 v5, v1;
	v5 =	vmul.f32 v59, v61;
	(pc) =	sbr.rel @p0 .LBB2_2-.Ltmp2, $4  }
0x1aa: {  	s1 =	sor.u32 $0x50, s0;
	v63 =	vmul.f32 v60, v61;
	[tilespmem:s0+$0x1C200] =	vst v62  }
0x1ab: {  	s31 =	sor.u32 $0x60, s0;
	v1 =	vmul.f32 v1, v61;
	[tilespmem:s1+$0x1C200] =	vst v5  }
0x1ac: {  	s0 =	sor.u32 $0x70, s0;
	[tilespmem:s31+$0x1C200] =	vst v63  }
0x1ad: {  	[tilespmem:s0+$0x1C200] =	vst v1  }
0x1ae: {  	s26 =	simm.s32 $0x0  }
0x1af: {  	[tilespmem:s26], [sflag:$0x3] =	stream.linear.gather [hbm4b:s8+s26], $0x3200, $0x38;
	[tilespmem:$0x1E200] =	vst v63  }
0x1b0: {  	_ =	swait.ge [sflag:s13], $0x3200  }
0x1b1: {  	[sflag:s13] =	ssyncset.done $0x0  }
0x1b2: {  	[sflag:s13] =	ssyncadd.s32 $0xFFFFCE00  }
0x1b3: {  	[tilespmem:s15], [sflag:$0x1] =	stream.indirect.gather [hbm4b:s5+s14], $0x80, s26, s14, $0xb8;
	[tilespmem:$0x1E200] =	vst v63  }
0x1b4: {  	_ = 	snop  }
0x1b5: {  	[tilespmem:s17], [sflag:$0x1] =	stream.indirect.gather [hbm4b:s5+s16], $0x80, s14, s16, $0xb8;
	[tilespmem:$0x1E200] =	vst v63  }
0x1b6: {  	s28 =	simm.s32 $0x0  }
0x1b7: {  	[tilespmem:s18], [sflag:$0x1] =	stream.linear.gather [hbm4b:s9+s26], $0x6400, $0x38;
	[tilespmem:$0x1E200] =	vst v63  }
.LBB2_8:
0x1b8: {  	s0 =	smul.u32 $0x640, s28  }
0x1b9: {  	s30 =	sshll.u32 s28, $0x1  }
0x1ba: {  	s29 =	sor.u32 $0x41, s30;
	s31 =	sshra.s32 s0, $0x2  }
0x1bb: {  	s24 =	sadd.s32 s3, s29;
	s0 =	sadd.s32 $0xC8, s31  }
0x1bc: {  	[tilespmem:s19], [sflag:$0x2] =	stream.indirect.gather [hbm4b:s5+s14], $0x80, s0, s14, $0xb8;
	[tilespmem:$0x1E200] =	vst v63  }
0x1bd: {  	s1 =	sadd.s32 $0x130, s31;
	s0 =	smul.u32 $0xC80, s24  }
0x1be: {  	[tilespmem:s20], [sflag:$0x2] =	stream.indirect.gather [hbm4b:s5+s16], $0x80, s1, s16, $0xb8;
	[tilespmem:$0x1E200] =	vst v63  }
0x1bf: {  	s0 =	sadd.s32 s4, s0  }
0x1c0: {  	[tilespmem:s21], [sflag:$0x2] =	stream.linear.gather [hbm4b:s0+s26], $0x6400, $0x38;
	[tilespmem:$0x1E200] =	vst v63  }
0x1c1: {  	_ =	swait.ge [sflag:s22], $0x3400  }
0x1c2: {  	[sflag:s22] =	ssyncset.done $0x0  }
0x1c3: {  	[sflag:s22] =	ssyncadd.s32 $0xFFFFCC00  }
0x1c4: {  	_ =	swait.ge [sflag:s22], $0x3000  }
0x1c5: {  	[sflag:s22] =	ssyncset.done $0x0  }
0x1c6: {  	[sflag:s22] =	ssyncadd.s32 $0xFFFFD000  }
0x1c7: {  	_ =	swait.ge [sflag:s22], $0x6400  }
0x1c8: {  	[sflag:s22] =	ssyncset.done $0x0  }
0x1c9: {  	s24 =	simm.s32 $0x0;
	[sflag:s22] =	ssyncadd.s32 $0xFFFF9C00  }
0x1ca: {  	v6 =	vld [tilespmem:s24+$0xFBB0]  }
0x1cb: {  	v1 =	vld [tilespmem:s24+$0xFB30]  }
0x1cc: {  	v11 =	vld [tilespmem:s24+$0x33B0]  }
0x1cd: {  	v9 =	vld [tilespmem:s24+$0x3330]  }
0x1ce: {  	v8 =	vld [tilespmem:s24+$0xFBA0]  }
0x1cf: {  	v5 =	vld [tilespmem:s24+$0xFAB0]  }
0x1d0: {  	v22 =	vld [tilespmem:s24+$0x33A0]  }
0x1d1: {  	v19 =	vld [tilespmem:s24+$0x32B0]  }
0x1d2: {  	v10 =	vld [tilespmem:s24+$0xFB20]  }
0x1d3: {  	v12 =	vld [tilespmem:s24+$0xFB80]  }
0x1d4: {  	v16 =	vld [tilespmem:s24+$0xFB90]  }
0x1d5: {  	v7 =	vld [tilespmem:s24+$0xFA30]  }
0x1d6: {  	v63 =	vld [tilespmem:s24+$0xFAA0]  }
0x1d7: {  	v34 =	vld [tilespmem:s24+$0xFB00]  }
0x1d8: {  	v27 =	vld [tilespmem:s24+$0xFB10]  }
0x1d9: {  	v62 =	vld [tilespmem:s24+$0xFA20]  }
0x1da: {  	v25 =	vld [tilespmem:s24+$0xFA80]  }
0x1db: {  	v28 =	vld [tilespmem:s24+$0xFA90]  }
0x1dc: {  	v4 =	vld [tilespmem:s24+$0xFA00]  }
0x1dd: {  	v61 =	vld [tilespmem:s24+$0xFA10]  }
0x1de: {  	v14 =	vld [tilespmem:s24+$0x3320]  }
0x1df: {  	v17 =	vld [tilespmem:s24+$0x3380]  }
0x1e0: {  	v29 =	vld [tilespmem:s24+$0x3390]  }
0x1e1: {  	v31 =	vld [tilespmem:s24+$0x3230]  }
0x1e2: {  	v15 =	vld [tilespmem:s24+$0x32A0]  }
0x1e3: {  	v32 =	vld [tilespmem:s24+$0x3300]  }
0x1e4: {  	v35 =	vld [tilespmem:s24+$0x3310]  }
0x1e5: {  	v18 =	vld [tilespmem:s24+$0x3220]  }
0x1e6: {  	v36 =	vld [tilespmem:s24+$0x3280]  }
0x1e7: {  	v37 =	vld [tilespmem:s24+$0x3290];
	v13 =	vmul.f32 v6, v11;
	v20 =	vmul.f32 v1, v9  }
0x1e8: {  	v33 =	vld [tilespmem:s24+$0x3200];
	[tilespmem:$0x1FDC0] =	vst v1;
	v1 =	vmul.f32 v8, v22;
	v43 =	vmul.f32 v5, v19  }
0x1e9: {  	v24 =	vld [tilespmem:s24+$0x3210];
	v38 =	vmul.f32 v10, v14;
	v39 =	vmul.f32 v12, v17  }
0x1ea: {  	v40 =	vmul.f32 v16, v29;
	v48 =	vmul.f32 v7, v31  }
0x1eb: {  	v44 =	vmul.f32 v63, v15;
	v45 =	vmul.f32 v34, v32  }
0x1ec: {  	v46 =	vmul.f32 v27, v35;
	v51 =	vmul.f32 v62, v18  }
0x1ed: {  	v49 =	vmul.f32 v25, v36;
	v50 =	vmul.f32 v28, v37  }
0x1ee: {  	v52 =	vmul.f32 v4, v33;
	v53 =	vmul.f32 v61, v24  }
0x1ef: {  	v47 =	vmul.f32 v9, v9;
	v58 =	vmul.f32 v11, v11  }
0x1f0: {  	[tilespmem:$0x1FDB0] =	vst v6;
	v54 =	vmul.f32 v17, v17;
	v55 =	vmul.f32 v29, v29  }
0x1f1: {  	[tilespmem:$0x1FDE0] =	vst v5;
	v5 =	vimm.f32 $0.0e+00;
	v56 =	vmul.f32 v32, v32;
	v57 =	vmul.f32 v35, v35  }
0x1f2: {  	[tilespmem:$0x1FDD0] =	vst v8;
	v59 =	vmul.f32 v36, v36;
	v60 =	vmul.f32 v37, v37;
	v39 =	vadd.f32 v40, v39  }
0x1f3: {  	[tilespmem:$0x1FDF0] =	vst v10;
	v42 =	vmul.f32 v24, v24;
	v49 =	vadd.f32 v50, v49;
	v45 =	vadd.f32 v46, v45  }
0x1f4: {  	[tilespmem:$0x1FE00] =	vst v12;
	v40 =	vmul.f32 v33, v33;
	v46 =	vadd.f32 v53, v52;
	v54 =	vadd.f32 v55, v54  }
0x1f5: {  	[tilespmem:$0x1FE10] =	vst v16;
	v59 =	vadd.f32 v60, v59;
	v56 =	vadd.f32 v57, v56;
	v60 =	vmul.f32 v22, v22  }
0x1f6: {  	[tilespmem:$0x1FE20] =	vst v4;
	v57 =	vmul.f32 v14, v14;
	v53 =	vadd.f32 v42, v40;
	v52 =	vadd.f32 v1, v39  }
0x1f7: {  	v21 =	vmovc v15;
	v1 =	vmul.f32 v15, v15;
	v45 =	vadd.f32 v38, v45;
	v60 =	vadd.f32 v60, v54  }
0x1f8: {  	v55 =	vmul.f32 v18, v18;
	v49 =	vadd.f32 v44, v49;
	v56 =	vadd.f32 v57, v56;
	v15 =	vmovc v19  }
0x1f9: {  	v12 =	vmovc v9;
	v16 =	vmovc v14;
	[tilespmem:$0x1FE30] =	vst v5;
	v57 =	vmul.f32 v15, v15;
	v54 =	vadd.f32 v1, v59;
	v1 =	vimm.f32 $0.0e+00  }
0x1fa: {  	s0 =	simm.s32 $0x800;
	v19 =	vmovc v17;
	v50 =	vmovc v31;
	v44 =	vadd.f32 v58, v60;
	v60 =	vimm.f32 $0.0e+00;
	v58 =	vimm.f32 $0.0e+00;
	[tilespmem:$0x1FE40] =	vst v1  }
.LBB2_9:
0x1fb: {  	v47 =	vadd.f32 v47, v56  }
0x1fc: {  	v46 =	vadd.f32 v51, v46;
	v51 =	vadd.f32 v57, v54;
	v56 =	vperm.xlane v44, v0  }
0x1fd: {  	v50 =	vmul.f32 v50, v31;
	v57 =	vperm.xlane v47, v0  }
0x1fe: {  	v1 =	vadd.f32 v55, v53;
	v59 =	vperm.xlane v51, v0;
	v44 =	vadd.f32 v56, v44  }
0x1ff: {  	v43 =	vadd.f32 v43, v49;
	v47 =	vadd.f32 v57, v47  }
0x200: {  	v1 =	vadd.f32 v50, v1;
	v39 =	vadd.f32 v59, v51;
	v40 =	vperm.xlane v44, v2  }
0x201: {  	v46 =	vadd.f32 v48, v46;
	v41 =	vadd.f32 v13, v52;
	v56 =	vperm.xlane v47, v2  }
0x202: {  	v42 =	vadd.f32 v20, v45;
	v51 =	vperm.xlane v39, v2;
	v44 =	vadd.f32 v40, v44  }
0x203: {  	v4 =	vld [tilespmem:$0x1FFF0];
	v38 =	vperm.xlane v1, v0;
	v54 =	vperm.xlane v46, v0;
	v45 =	vadd.f32 v56, v47  }
0x204: {  	v57 =	vperm.xlane v41, v0;
	v48 =	vadd.f32 v51, v39;
	v55 =	vperm.xlane v44, v3  }
0x205: {  	v1 =	vadd.f32 v38, v1;
	v38 =	vperm.xlane v43, v0;
	v56 =	vperm.xlane v45, v3  }
0x206: {  	v41 =	vadd.f32 v57, v41;
	v57 =	vperm.xlane v48, v3;
	v44 =	vadd.f32 v55, v44  }
0x207: {  	v49 =	vadd.f32 v54, v46;
	v45 =	vadd.f32 v56, v45  }
0x208: {  	v43 =	vadd.f32 v38, v43;
	v46 =	vadd.f32 v57, v48;
	v38 =	vperm.xlane v44, v4  }
0x209: {  	v39 =	vperm.xlane v45, v4  }
0x20a: {  	v57 =	vperm.xlane v46, v4;
	v44 =	vadd.f32 v38, v44  }
0x20b: {  	v45 =	vadd.f32 v39, v45  }
0x20c: {  	v51 =	vadd.f32 v57, v46;
	v44 =	vmax.f32 v44, $1.000000020e-24  }
0x20d: {  	s1 =	sshra.s32 s0, $0x2;
	v53 =	vperm.xlane v43, v2;
	(erf) = vrcp.f32 v44;
	v45 =	vmax.f32 v45, $1.000000020e-24  }
0x20e: {  	v52 =	vperm.xlane v42, v0;
	v48 =	vld [tilespmem:s1+$0xFBB0];
	v39 =	vmax.f32 v51, $1.000000020e-24;
	(erf) = vrcp.f32 v45  }
0x20f: {  	v40 =	vperm.xlane v41, v2;
	v43 =	vadd.f32 v53, v43;
	v46 =	vld [tilespmem:s1+$0x33B0];
	(erf) = vrcp.f32 v39  }
0x210: {  	v42 =	vadd.f32 v52, v42;
	v47 =	vld [tilespmem:s1+$0x3330]  }
0x211: {  	v59 =	vperm.xlane v1, v2;
	v55 =	vld [tilespmem:s1+$0xFB30];
	v50 =	vadd.f32 v40, v41;
	v41 =	vperm.xlane v43, v3  }
0x212: {  	v38 =	vperm.xlane v49, v2  }
0x213: {  	v52 =	vperm.xlane v42, v2;
	v1 =	vadd.f32 v59, v1;
	v56 =	vadd.f32 v41, v43  }
0x214: {  	v40 =	vperm.xlane v50, v3;
	v5 =	vmul.f32 v48, v46  }
0x215: {  	v9 =	vmovc v7;
	v7 =	vmov v61;
	v59 =	vperm.xlane v1, v3;
	v61 =	vperm.xlane v56, v4  }
0x216: {  	v50 =	vadd.f32 v40, v50;
	v49 =	vadd.f32 v38, v49;
	[tilespmem:$0x1FD80] =	vst v5;
	v5 =	vmul.f32 v55, v47;
	v38 =	vpop (erf)  }
0x217: {  	v42 =	vadd.f32 v52, v42;
	v56 =	vadd.f32 v61, v56;
	v39 =	vpop (erf)  }
0x218: {  	v1 =	vadd.f32 v59, v1;
	v54 =	vperm.xlane v49, v3;
	[tilespmem:$0x1FD90] =	vst v5;
	v5 =	vperm.xlane v50, v4;
	v40 =	vpop (erf)  }
0x219: {  	v17 =	vmov v62;
	v62 =	vld [tilespmem:s1+$0xFB10];
	v52 =	vperm.xlane v42, v3;
	v56 =	vmul.f32 v56, v40  }
0x21a: {  	v10 =	vld [tilespmem:s1+$0xFA00];
	v59 =	vperm.xlane v1, v4;
	v54 =	vadd.f32 v54, v49;
	v50 =	vadd.f32 v5, v50  }
0x21b: {  	v52 =	vadd.f32 v52, v42;
	v30 =	vmul.f32 v56, v21;
	v21 =	vmul.f32 v56, v15;
	v15 =	vld [tilespmem:$0x1FDD0]  }
0x21c: {  	v23 =	vld [tilespmem:s1+$0xFA10];
	v6 =	vperm.xlane v54, v4;
	v50 =	vmul.f32 v50, v38  }
0x21d: {  	v13 =	vmov v60;
	v60 =	vld [tilespmem:s1+$0xFA80];
	v43 =	vperm.xlane v52, v4;
	v1 =	vadd.f32 v59, v1  }
0x21e: {  	v20 =	vld [tilespmem:s1+$0x3320];
	v54 =	vadd.f32 v6, v54;
	v6 =	vmul.f32 v50, v22  }
0x21f: {  	v51 =	vld [tilespmem:s1+$0xFBA0];
	v52 =	vadd.f32 v43, v52;
	v1 =	vmax.f32 v1, $1.000000020e-24  }
0x220: {  	(erf) = vrcp.f32 v1;
	v6 =	vsub.f32 v15, v6;
	v15 =	vld [tilespmem:$0x1FDB0]  }
0x221: {  	v53 =	vld [tilespmem:s1+$0xFB20];
	v52 =	vmul.f32 v52, v39;
	v26 =	vmul.f32 v50, v19  }
0x222: {  	v57 =	vld [tilespmem:s1+$0xFB80];
	v29 =	vmul.f32 v50, v29;
	v50 =	vmul.f32 v50, v11  }
0x223: {  	v44 =	vld [tilespmem:s1+$0x32B0];
	v32 =	vmul.f32 v52, v32;
	v35 =	vmul.f32 v52, v35  }
0x224: {  	v59 =	vld [tilespmem:s1+$0xFB90];
	v14 =	vmul.f32 v52, v16;
	v52 =	vmul.f32 v52, v12  }
0x225: {  	v12 =	vld [tilespmem:$0x1FE00];
	v36 =	vmul.f32 v56, v36;
	v37 =	vmul.f32 v56, v37;
	v56 =	vsub.f32 v15, v50;
	v15 =	vmovc v51  }
0x226: {  	[tilespmem:$0x1FDD0] =	vst v15;
	v15 =	vld [tilespmem:$0x1FDF0]  }
0x227: {  	v45 =	vld [tilespmem:s1+$0x33A0]  }
0x228: {  	v61 =	vld [tilespmem:s1+$0xFB00]  }
0x229: {  	v1 =	vld [tilespmem:s1+$0xFAB0]  }
0x22a: {  	v38 =	vsub.f32 v12, v26;
	v12 =	vld [tilespmem:$0x1FE10]  }
0x22b: {  	v16 =	vmov v55;
	v14 =	vsub.f32 v15, v14;
	v15 =	vld [tilespmem:$0x1FDC0]  }
0x22c: {  	[tilespmem:$0x1FDC0] =	vst v16;
	v16 =	vld [tilespmem:$0x1FDE0]  }
0x22d: {  	v49 =	vmov v58;
	v58 =	vld [tilespmem:s1+$0xFA20]  }
0x22e: {  	v5 =	vld [tilespmem:s1+$0xFAA0];
	v42 =	vpop (erf)  }
0x22f: {  	v54 =	vmul.f32 v54, v42;
	v39 =	vsub.f32 v12, v29;
	v29 =	vld [tilespmem:s1+$0x3390]  }
0x230: {  	v4 =	vmul.f32 v51, v45;
	v19 =	vld [tilespmem:s1+$0x3380];
	v22 =	vmov v48;
	v40 =	vsub.f32 v27, v35  }
0x231: {  	v24 =	vmul.f32 v54, v24;
	v27 =	vmul.f32 v54, v18;
	v35 =	vld [tilespmem:s1+$0x3310];
	v51 =	vsub.f32 v16, v21;
	v16 =	vmovc v1  }
0x232: {  	v33 =	vmul.f32 v54, v33;
	v31 =	vmul.f32 v54, v31;
	v25 =	vsub.f32 v25, v36;
	[tilespmem:$0x1FDE0] =	vst v16;
	v16 =	vld [tilespmem:$0x1FE20]  }
0x233: {  	v36 =	vld [tilespmem:s1+$0x3280];
	v17 =	vsub.f32 v17, v27;
	[tilespmem:$0x1FDB0] =	vst v22;
	v22 =	vsub.f32 v7, v24;
	v7 =	vmov v59  }
0x234: {  	v28 =	vsub.f32 v28, v37;
	v24 =	vsub.f32 v9, v31;
	[tilespmem:$0x1FE10] =	vst v7;
	v54 =	vmul.f32 v7, v29;
	v7 =	vld [tilespmem:$0x1FE30]  }
0x235: {  	v30 =	vsub.f32 v63, v30;
	v26 =	vld [tilespmem:s1+$0x32A0];
	v17 =	vadd.f32 v17, v13  }
0x236: {  	v18 =	vmovc v53;
	v31 =	vadd.f32 v24, v49;
	v12 =	vmov v57;
	v57 =	vsub.f32 v34, v32;
	v32 =	vld [tilespmem:s1+$0x3300]  }
0x237: {  	v43 =	vmul.f32 v1, v44;
	[tilespmem:$0x1FDF0] =	vst v18;
	v18 =	vld [tilespmem:s1+$0x3220];
	v52 =	vsub.f32 v15, v52;
	v16 =	vsub.f32 v16, v33  }
0x238: {  	v37 =	vld [tilespmem:s1+$0x3290];
	[tilespmem:$0x1FE00] =	vst v12;
	v1 =	vmul.f32 v53, v20;
	v53 =	vmul.f32 v12, v19;
	v12 =	vadd.f32 v30, v17  }
0x239: {  	v11 =	vmovc v47;
	v27 =	vmov v62;
	v30 =	vadd.f32 v51, v31;
	v9 =	vadd.f32 v16, v7;
	v7 =	vld [tilespmem:$0x1FE40]  }
0x23a: {  	v47 =	vmul.f32 v47, v11;
	v63 =	vmovc v5;
	v59 =	vmul.f32 v27, v35;
	v24 =	vld [tilespmem:s1+$0x3210];
	v34 =	vmov v61  }
0x23b: {  	v62 =	vmovc v58;
	v5 =	vmul.f32 v63, v26;
	v55 =	vmul.f32 v34, v32;
	v30 =	vadd.f32 v52, v30  }
0x23c: {  	v51 =	vmul.f32 v62, v18;
	v14 =	vadd.f32 v14, v12;
	v54 =	vadd.f32 v54, v53;
	v33 =	vld [tilespmem:s1+$0x3200]  }
0x23d: {  	v8 =	vld [tilespmem:s1+$0xFA90];
	v52 =	vmul.f32 v36, v36;
	v58 =	vadd.f32 v56, v30;
	v30 =	vmul.f32 v29, v29  }
0x23e: {  	[tilespmem:$0x1FDA0] =	vst v4;
	v56 =	vmul.f32 v37, v37;
	v9 =	vadd.f32 v25, v9;
	v22 =	vadd.f32 v22, v7  }
0x23f: {  	v42 =	vmovc v46;
	v25 =	vmovc v60;
	v60 =	vadd.f32 v6, v14;
	v6 =	vmov v10;
	v10 =	vmul.f32 v23, v24  }
0x240: {  	v61 =	vmovc v23;
	v14 =	vmul.f32 v46, v42;
	v23 =	vmul.f32 v19, v19;
	v22 =	vadd.f32 v28, v22  }
0x241: {  	v12 =	vmovc v11;
	v11 =	vmov v42;
	v42 =	vmul.f32 v26, v26;
	[tilespmem:$0x1FE20] =	vst v6;
	v6 =	vmul.f32 v6, v33  }
0x242: {  	v49 =	vmul.f32 v25, v36;
	v31 =	vadd.f32 v57, v9;
	v28 =	vmovc v8;
	v22 =	vadd.f32 v40, v22  }
0x243: {  	v41 =	vld [tilespmem:s1+$0xFA30];
	v4 =	vmovc v45;
	v53 =	vmul.f32 v33, v33;
	v46 =	vadd.f32 v10, v6;
	v8 =	vmul.f32 v28, v37  }
0x244: {  	v50 =	vld [tilespmem:s1+$0x3230];
	v6 =	vadd.f32 v30, v23;
	v30 =	vmul.f32 v45, v4;
	v9 =	vadd.f32 v38, v31  }
0x245: {  	v38 =	vmul.f32 v32, v32;
	v8 =	vadd.f32 v8, v49;
	v49 =	vadd.f32 v59, v55  }
0x246: {  	p0 =	sne.s32 s0, $0x18800;
	v15 =	vmovc v44;
	[tilespmem:$0x1FE30] =	vst v9;
	v9 =	vadd.f32 v39, v22;
	v39 =	vmul.f32 v35, v35;
	v22 =	vmov v4;
	v4 =	vld [tilespmem:$0x1FDA0]  }
.Ltmp3:
0x247: {  	v21 =	vmovc v26;
	v57 =	vmul.f32 v24, v24;
	v10 =	vadd.f32 v56, v52;
	v45 =	vadd.f32 v1, v49;
	(pc) =	sbr.rel @p0 .LBB2_9-.Ltmp3, $4  }
0x248: {  	v7 =	vmovc v41;
	v59 =	vmul.f32 v20, v20;
	v1 =	vadd.f32 v30, v6;
	v23 =	vadd.f32 v39, v38  }
0x249: {  	v16 =	vmovc v20;
	v48 =	vmul.f32 v7, v50;
	v53 =	vadd.f32 v57, v53;
	v49 =	vadd.f32 v5, v8  }
0x24a: {  	v13 =	vld [tilespmem:$0x1FD80];
	v57 =	vmul.f32 v44, v15;
	v31 =	vmovc v50;
	v44 =	vadd.f32 v14, v1;
	v56 =	vadd.f32 v59, v23  }
0x24b: {  	s0 =	sadd.s32 $0x800, s0;
	v20 =	vld [tilespmem:$0x1FD90];
	v55 =	vmul.f32 v18, v18;
	[tilespmem:$0x1FE40] =	vst v9;
	v52 =	vadd.f32 v4, v54;
	v54 =	vadd.f32 v42, v10  }
0x24c: {  	v5 =	vmul.f32 v50, v31  }
0x24d: {  	v6 =	vadd.f32 v47, v56;
	v10 =	vperm.xlane v44, v0;
	v1 =	vadd.f32 v55, v53  }
0x24e: {  	v14 =	vadd.f32 v51, v46;
	v8 =	vadd.f32 v57, v54  }
0x24f: {  	v10 =	vadd.f32 v10, v44;
	v1 =	vadd.f32 v5, v1  }
0x250: {  	v14 =	vadd.f32 v48, v14;
	v5 =	vperm.xlane v6, v0;
	v30 =	vperm.xlane v8, v0  }
0x251: {  	v23 =	vadd.f32 v13, v52;
	v38 =	vadd.f32 v20, v45;
	v39 =	vperm.xlane v1, v0  }
0x252: {  	v5 =	vadd.f32 v5, v6;
	v8 =	vadd.f32 v30, v8;
	v30 =	vperm.xlane v10, v2  }
0x253: {  	v48 =	vperm.xlane v14, v0;
	v40 =	vperm.xlane v23, v0;
	v1 =	vadd.f32 v39, v1  }
0x254: {  	v45 =	vperm.xlane v5, v2;
	v41 =	vperm.xlane v8, v2;
	v10 =	vadd.f32 v30, v10  }
0x255: {  	v4 =	vld [tilespmem:$0x1FFF0];
	v6 =	vadd.f32 v43, v49;
	v30 =	vperm.xlane v38, v0;
	v42 =	vperm.xlane v1, v2  }
0x256: {  	v5 =	vadd.f32 v45, v5;
	v8 =	vadd.f32 v41, v8;
	v47 =	vperm.xlane v10, v3  }
0x257: {  	v46 =	vperm.xlane v6, v0;
	v23 =	vadd.f32 v40, v23;
	v1 =	vadd.f32 v42, v1  }
0x258: {  	v49 =	vperm.xlane v5, v3;
	v50 =	vperm.xlane v8, v3;
	v10 =	vadd.f32 v47, v10  }
0x259: {  	v30 =	vadd.f32 v30, v38;
	v6 =	vadd.f32 v46, v6;
	v51 =	vperm.xlane v1, v3  }
0x25a: {  	v5 =	vadd.f32 v49, v5;
	v8 =	vadd.f32 v50, v8;
	v52 =	vperm.xlane v10, v4  }
0x25b: {  	v54 =	vperm.xlane v23, v2;
	v56 =	vperm.xlane v30, v2;
	v1 =	vadd.f32 v51, v1  }
0x25c: {  	v53 =	vperm.xlane v5, v4;
	v55 =	vperm.xlane v8, v4;
	v10 =	vadd.f32 v52, v10  }
0x25d: {  	v14 =	vadd.f32 v48, v14;
	v59 =	vperm.xlane v6, v2;
	v57 =	vperm.xlane v1, v4  }
0x25e: {  	v5 =	vadd.f32 v53, v5;
	v8 =	vadd.f32 v55, v8;
	v10 =	vmax.f32 v10, $1.000000020e-24  }
0x25f: {  	(erf) = vrcp.f32 v10;
	v10 =	vperm.xlane v14, v2  }
0x260: {  	v1 =	vadd.f32 v57, v1;
	v5 =	vmax.f32 v5, $1.000000020e-24;
	v8 =	vmax.f32 v8, $1.000000020e-24  }
0x261: {  	(erf) = vrcp.f32 v5;
	v5 =	vadd.f32 v54, v23;
	v10 =	vadd.f32 v10, v14  }
0x262: {  	v1 =	vmax.f32 v1, $1.000000020e-24;
	(erf) = vrcp.f32 v8;
	v8 =	vadd.f32 v56, v30  }
0x263: {  	(erf) = vrcp.f32 v1;
	v1 =	vadd.f32 v59, v6;
	v6 =	vperm.xlane v5, v3  }
0x264: {  	v14 =	vperm.xlane v8, v3  }
0x265: {  	v23 =	vperm.xlane v10, v3;
	v30 =	vperm.xlane v1, v3;
	v5 =	vadd.f32 v6, v5  }
0x266: {  	v6 =	vadd.f32 v14, v8  }
0x267: {  	v8 =	vadd.f32 v23, v10;
	v1 =	vadd.f32 v30, v1;
	v10 =	vperm.xlane v5, v4  }
0x268: {  	v14 =	vperm.xlane v6, v4  }
0x269: {  	v41 =	vperm.xlane v1, v4;
	v5 =	vadd.f32 v10, v5  }
0x26a: {  	v23 =	vperm.xlane v8, v4;
	v30 =	vpop (erf);
	v6 =	vadd.f32 v14, v6  }
0x26b: {  	v10 =	vpop (erf);
	v1 =	vadd.f32 v41, v1;
	v5 =	vmul.f32 v5, v30  }
0x26c: {  	v14 =	vpop (erf);
	v6 =	vmul.f32 v6, v10  }
0x26d: {  	v8 =	vadd.f32 v23, v8;
	v1 =	vmul.f32 v1, v14;
	v10 =	vmul.f32 v5, v19  }
0x26e: {  	v23 =	vpop (erf);
	v14 =	vmul.f32 v5, v29;
	v13 =	vmul.f32 v5, v22  }
0x26f: {  	v5 =	vmul.f32 v5, v11;
	v8 =	vmul.f32 v8, v23  }
0x270: {  	v11 =	vmul.f32 v6, v32;
	v23 =	vmul.f32 v6, v35  }
0x271: {  	v19 =	vmul.f32 v6, v16;
	v6 =	vmul.f32 v6, v12;
	v12 =	vld [tilespmem:$0x1FE00];
	_ =	sdelay $0x3  }
0x272: {  	v20 =	vld [tilespmem:$0x1FDD0]  }
0x273: {  	v10 =	vsub.f32 v12, v10;
	v12 =	vld [tilespmem:$0x1FE10];
	_ =	sdelay $0x3  }
0x274: {  	v13 =	vsub.f32 v20, v13;
	v20 =	vld [tilespmem:$0x1FDB0]  }
0x275: {  	v12 =	vsub.f32 v12, v14;
	v14 =	vmul.f32 v1, v21;
	v21 =	vld [tilespmem:$0x1FDF0];
	_ =	sdelay $0x1  }
0x276: {  	v4 =	vld [tilespmem:$0x1FE20];
	v18 =	vmul.f32 v8, v18;
	_ =	sdelay $0x1  }
0x277: {  	v17 =	vsub.f32 v62, v18;
	v18 =	vld [tilespmem:$0x1FE30]  }
0x278: {  	v5 =	vsub.f32 v20, v5;
	v20 =	vmul.f32 v8, v33;
	v19 =	vsub.f32 v21, v19;
	v21 =	vld [tilespmem:$0x1FDC0]  }
0x279: {  	v9 =	vmul.f32 v1, v36  }
0x27a: {  	v16 =	vsub.f32 v4, v20;
	v20 =	vld [tilespmem:$0x1FDE0]  }
0x27b: {  	v11 =	vsub.f32 v34, v11;
	v9 =	vsub.f32 v25, v9  }
0x27c: {  	v26 =	vmul.f32 v1, v37;
	v17 =	vadd.f32 v17, v60;
	v4 =	vld [tilespmem:$0x1FE40];
	v16 =	vadd.f32 v16, v18  }
0x27d: {  	v1 =	vmul.f32 v1, v15;
	v6 =	vsub.f32 v21, v6;
	v21 =	vmul.f32 v8, v24  }
0x27e: {  	v15 =	vsub.f32 v27, v23;
	v9 =	vadd.f32 v9, v16  }
0x27f: {  	v1 =	vsub.f32 v20, v1;
	v8 =	vmul.f32 v8, v31;
	v20 =	vsub.f32 v61, v21  }
0x280: {  	v23 =	vsub.f32 v28, v26;
	v9 =	vadd.f32 v11, v9  }
0x281: {  	v7 =	vsub.f32 v7, v8;
	v8 =	vadd.f32 v20, v4  }
0x282: {  	v14 =	vsub.f32 v63, v14;
	v9 =	vadd.f32 v10, v9  }
0x283: {  	v10 =	vld [tilespmem:$0x1FFE0];
	v7 =	vadd.f32 v7, v58;
	v8 =	vadd.f32 v23, v8  }
0x284: {  	v14 =	vadd.f32 v14, v17  }
0x285: {  	v1 =	vadd.f32 v1, v7;
	v7 =	vadd.f32 v15, v8  }
0x286: {  	v8 =	vadd.f32 v19, v14  }
0x287: {  	v1 =	vadd.f32 v6, v1;
	v6 =	vadd.f32 v12, v7  }
0x288: {  	s0 =	sshll.u32 s28, $0x7;
	v7 =	vadd.f32 v13, v8;
	v8 =	vmul.f32 v9, v10  }
0x289: {  	s0 =	sand.u32 $0x3FFFFF80, s0;
	v1 =	vadd.f32 v5, v1;
	v5 =	vmul.f32 v6, v10  }
0x28a: {  	[tilespmem:s0+$0x1D200] =	vst v8;
	v6 =	vmul.f32 v7, v10  }
0x28b: {  	v1 =	vmul.f32 v1, v10;
	[tilespmem:s0+$0x1D210] =	vst v5  }
0x28c: {  	p0 =	seq.s32 s28, $0x1F;
	[tilespmem:s0+$0x1D220] =	vst v6  }
0x28d: {  	s1 =	simm.s32 @!p0 $0x68;
	s24 =	simm.s32 @!p0 $0x3200;
	[tilespmem:s0+$0x1D230] =	vst v1;
	s0 =	sadd.s32 @!p0 $0x190, s31  }
0x28e: {  	[tilespmem:s24], [sflag:$0x1] =	stream.indirect.gather @!p0 [hbm4b:s5+s1], $0x80, s0, s1, $0xb8;
	[tilespmem:$0x1E200] =	vst v63  }
0x28f: {  	s0 =	sadd.s32 @!p0 $0x1F8, s31;
	s1 =	sadd.s32 @!p0 s30, s10  }
0x290: {  	s24 =	simm.s32 @!p0 $0x60;
	s30 =	simm.s32 @!p0 $0x6600;
	s1 =	smul.u32 @!p0 $0xC80, s1  }
0x291: {  	[tilespmem:s30], [sflag:$0x1] =	stream.indirect.gather @!p0 [hbm4b:s5+s24], $0x80, s0, s24, $0xb8;
	[tilespmem:$0x1E200] =	vst v63  }
0x292: {  	s24 =	simm.s32 @!p0 $0xFA00;
	s0 =	sadd.s32 @!p0 s4, s1;
	s1 =	simm.s32 @!p0 $0x0  }
0x293: {  	[tilespmem:s24], [sflag:$0x1] =	stream.linear.gather @!p0 [hbm4b:s0+s1], $0x6400, $0x38;
	[tilespmem:$0x1E200] =	vst v63  }
0x294: {  	_ =	swait.ge [sflag:s23], $0x3400  }
0x295: {  	[sflag:s23] =	ssyncset.done $0x0  }
0x296: {  	[sflag:s23] =	ssyncadd.s32 $0xFFFFCC00  }
0x297: {  	_ =	swait.ge [sflag:s23], $0x3000  }
0x298: {  	[sflag:s23] =	ssyncset.done $0x0  }
0x299: {  	[sflag:s23] =	ssyncadd.s32 $0xFFFFD000  }
0x29a: {  	_ =	swait.ge [sflag:s23], $0x6400  }
0x29b: {  	[sflag:s23] =	ssyncset.done $0x0  }
0x29c: {  	s31 =	simm.s32 $0x0;
	[sflag:s23] =	ssyncadd.s32 $0xFFFF9C00  }
0x29d: {  	v6 =	vld [tilespmem:s31+$0x15FB0]  }
0x29e: {  	v1 =	vld [tilespmem:s31+$0x15F30]  }
0x29f: {  	v11 =	vld [tilespmem:s31+$0x97B0]  }
0x2a0: {  	v9 =	vld [tilespmem:s31+$0x9730]  }
0x2a1: {  	v8 =	vld [tilespmem:s31+$0x15FA0]  }
0x2a2: {  	v5 =	vld [tilespmem:s31+$0x15EB0]  }
0x2a3: {  	v22 =	vld [tilespmem:s31+$0x97A0]  }
0x2a4: {  	v19 =	vld [tilespmem:s31+$0x96B0]  }
0x2a5: {  	v10 =	vld [tilespmem:s31+$0x15F20]  }
0x2a6: {  	v12 =	vld [tilespmem:s31+$0x15F80]  }
0x2a7: {  	v16 =	vld [tilespmem:s31+$0x15F90]  }
0x2a8: {  	v7 =	vld [tilespmem:s31+$0x15E30]  }
0x2a9: {  	v63 =	vld [tilespmem:s31+$0x15EA0]  }
0x2aa: {  	v34 =	vld [tilespmem:s31+$0x15F00]  }
0x2ab: {  	v27 =	vld [tilespmem:s31+$0x15F10]  }
0x2ac: {  	v62 =	vld [tilespmem:s31+$0x15E20]  }
0x2ad: {  	v25 =	vld [tilespmem:s31+$0x15E80]  }
0x2ae: {  	v28 =	vld [tilespmem:s31+$0x15E90]  }
0x2af: {  	v4 =	vld [tilespmem:s31+$0x15E00]  }
0x2b0: {  	v61 =	vld [tilespmem:s31+$0x15E10]  }
0x2b1: {  	v14 =	vld [tilespmem:s31+$0x9720]  }
0x2b2: {  	v17 =	vld [tilespmem:s31+$0x9780]  }
0x2b3: {  	v29 =	vld [tilespmem:s31+$0x9790]  }
0x2b4: {  	v31 =	vld [tilespmem:s31+$0x9630]  }
0x2b5: {  	v15 =	vld [tilespmem:s31+$0x96A0]  }
0x2b6: {  	v32 =	vld [tilespmem:s31+$0x9700]  }
0x2b7: {  	v35 =	vld [tilespmem:s31+$0x9710]  }
0x2b8: {  	v18 =	vld [tilespmem:s31+$0x9620]  }
0x2b9: {  	v36 =	vld [tilespmem:s31+$0x9680]  }
0x2ba: {  	v37 =	vld [tilespmem:s31+$0x9690];
	v13 =	vmul.f32 v6, v11;
	v20 =	vmul.f32 v1, v9  }
0x2bb: {  	v33 =	vld [tilespmem:s31+$0x9600];
	[tilespmem:$0x1FCF0] =	vst v1;
	v1 =	vmul.f32 v8, v22;
	v43 =	vmul.f32 v5, v19  }
0x2bc: {  	v24 =	vld [tilespmem:s31+$0x9610];
	v38 =	vmul.f32 v10, v14;
	v39 =	vmul.f32 v12, v17  }
0x2bd: {  	v40 =	vmul.f32 v16, v29;
	v48 =	vmul.f32 v7, v31  }
0x2be: {  	v44 =	vmul.f32 v63, v15;
	v45 =	vmul.f32 v34, v32  }
0x2bf: {  	v46 =	vmul.f32 v27, v35;
	v51 =	vmul.f32 v62, v18  }
0x2c0: {  	v49 =	vmul.f32 v25, v36;
	v50 =	vmul.f32 v28, v37  }
0x2c1: {  	v52 =	vmul.f32 v4, v33;
	v53 =	vmul.f32 v61, v24  }
0x2c2: {  	v47 =	vmul.f32 v9, v9;
	v58 =	vmul.f32 v11, v11  }
0x2c3: {  	[tilespmem:$0x1FCE0] =	vst v6;
	v54 =	vmul.f32 v17, v17;
	v55 =	vmul.f32 v29, v29  }
0x2c4: {  	[tilespmem:$0x1FD10] =	vst v5;
	v5 =	vimm.f32 $0.0e+00;
	v56 =	vmul.f32 v32, v32;
	v57 =	vmul.f32 v35, v35  }
0x2c5: {  	[tilespmem:$0x1FD00] =	vst v8;
	v59 =	vmul.f32 v36, v36;
	v60 =	vmul.f32 v37, v37;
	v39 =	vadd.f32 v40, v39  }
0x2c6: {  	[tilespmem:$0x1FD20] =	vst v10;
	v42 =	vmul.f32 v24, v24;
	v49 =	vadd.f32 v50, v49;
	v45 =	vadd.f32 v46, v45  }
0x2c7: {  	[tilespmem:$0x1FD30] =	vst v12;
	v40 =	vmul.f32 v33, v33;
	v46 =	vadd.f32 v53, v52;
	v54 =	vadd.f32 v55, v54  }
0x2c8: {  	[tilespmem:$0x1FD40] =	vst v16;
	v59 =	vadd.f32 v60, v59;
	v56 =	vadd.f32 v57, v56;
	v60 =	vmul.f32 v22, v22  }
0x2c9: {  	[tilespmem:$0x1FD50] =	vst v4;
	v57 =	vmul.f32 v14, v14;
	v53 =	vadd.f32 v42, v40;
	v52 =	vadd.f32 v1, v39  }
0x2ca: {  	v21 =	vmovc v15;
	v1 =	vmul.f32 v15, v15;
	v45 =	vadd.f32 v38, v45;
	v60 =	vadd.f32 v60, v54  }
0x2cb: {  	v55 =	vmul.f32 v18, v18;
	v49 =	vadd.f32 v44, v49;
	v56 =	vadd.f32 v57, v56;
	v15 =	vmovc v19  }
0x2cc: {  	v12 =	vmovc v9;
	v16 =	vmovc v14;
	[tilespmem:$0x1FD60] =	vst v5;
	v57 =	vmul.f32 v15, v15;
	v54 =	vadd.f32 v1, v59;
	v1 =	vimm.f32 $0.0e+00  }
0x2cd: {  	s0 =	simm.s32 $0x800;
	v19 =	vmovc v17;
	v50 =	vmovc v31;
	v44 =	vadd.f32 v58, v60;
	v60 =	vimm.f32 $0.0e+00;
	v58 =	vimm.f32 $0.0e+00;
	[tilespmem:$0x1FD70] =	vst v1  }
.LBB2_11:
0x2ce: {  	v47 =	vadd.f32 v47, v56  }
0x2cf: {  	v46 =	vadd.f32 v51, v46;
	v51 =	vadd.f32 v57, v54;
	v56 =	vperm.xlane v44, v0  }
0x2d0: {  	v50 =	vmul.f32 v50, v31;
	v57 =	vperm.xlane v47, v0  }
0x2d1: {  	v1 =	vadd.f32 v55, v53;
	v59 =	vperm.xlane v51, v0;
	v44 =	vadd.f32 v56, v44  }
0x2d2: {  	v43 =	vadd.f32 v43, v49;
	v47 =	vadd.f32 v57, v47  }
0x2d3: {  	v1 =	vadd.f32 v50, v1;
	v39 =	vadd.f32 v59, v51;
	v40 =	vperm.xlane v44, v2  }
0x2d4: {  	v46 =	vadd.f32 v48, v46;
	v41 =	vadd.f32 v13, v52;
	v56 =	vperm.xlane v47, v2  }
0x2d5: {  	v42 =	vadd.f32 v20, v45;
	v51 =	vperm.xlane v39, v2;
	v44 =	vadd.f32 v40, v44  }
0x2d6: {  	v4 =	vld [tilespmem:$0x1FFF0];
	v38 =	vperm.xlane v1, v0;
	v54 =	vperm.xlane v46, v0;
	v45 =	vadd.f32 v56, v47  }
0x2d7: {  	v57 =	vperm.xlane v41, v0;
	v48 =	vadd.f32 v51, v39;
	v55 =	vperm.xlane v44, v3  }
0x2d8: {  	v1 =	vadd.f32 v38, v1;
	v38 =	vperm.xlane v43, v0;
	v56 =	vperm.xlane v45, v3  }
0x2d9: {  	v41 =	vadd.f32 v57, v41;
	v57 =	vperm.xlane v48, v3;
	v44 =	vadd.f32 v55, v44  }
0x2da: {  	v49 =	vadd.f32 v54, v46;
	v45 =	vadd.f32 v56, v45  }
0x2db: {  	v43 =	vadd.f32 v38, v43;
	v46 =	vadd.f32 v57, v48;
	v38 =	vperm.xlane v44, v4  }
0x2dc: {  	v39 =	vperm.xlane v45, v4  }
0x2dd: {  	v57 =	vperm.xlane v46, v4;
	v44 =	vadd.f32 v38, v44  }
0x2de: {  	v45 =	vadd.f32 v39, v45  }
0x2df: {  	v51 =	vadd.f32 v57, v46;
	v44 =	vmax.f32 v44, $1.000000020e-24  }
0x2e0: {  	s1 =	sshra.s32 s0, $0x2;
	v53 =	vperm.xlane v43, v2;
	(erf) = vrcp.f32 v44;
	v45 =	vmax.f32 v45, $1.000000020e-24  }
0x2e1: {  	v52 =	vperm.xlane v42, v0;
	v48 =	vld [tilespmem:s1+$0x15FB0];
	v39 =	vmax.f32 v51, $1.000000020e-24;
	(erf) = vrcp.f32 v45  }
0x2e2: {  	v40 =	vperm.xlane v41, v2;
	v43 =	vadd.f32 v53, v43;
	v46 =	vld [tilespmem:s1+$0x97B0];
	(erf) = vrcp.f32 v39  }
0x2e3: {  	v42 =	vadd.f32 v52, v42;
	v47 =	vld [tilespmem:s1+$0x9730]  }
0x2e4: {  	v59 =	vperm.xlane v1, v2;
	v55 =	vld [tilespmem:s1+$0x15F30];
	v50 =	vadd.f32 v40, v41;
	v41 =	vperm.xlane v43, v3  }
0x2e5: {  	v38 =	vperm.xlane v49, v2  }
0x2e6: {  	v52 =	vperm.xlane v42, v2;
	v1 =	vadd.f32 v59, v1;
	v56 =	vadd.f32 v41, v43  }
0x2e7: {  	v40 =	vperm.xlane v50, v3;
	v5 =	vmul.f32 v48, v46  }
0x2e8: {  	v9 =	vmovc v7;
	v7 =	vmov v61;
	v59 =	vperm.xlane v1, v3;
	v61 =	vperm.xlane v56, v4  }
0x2e9: {  	v50 =	vadd.f32 v40, v50;
	v49 =	vadd.f32 v38, v49;
	[tilespmem:$0x1FCB0] =	vst v5;
	v5 =	vmul.f32 v55, v47;
	v38 =	vpop (erf)  }
0x2ea: {  	v42 =	vadd.f32 v52, v42;
	v56 =	vadd.f32 v61, v56;
	v39 =	vpop (erf)  }
0x2eb: {  	v1 =	vadd.f32 v59, v1;
	v54 =	vperm.xlane v49, v3;
	[tilespmem:$0x1FCC0] =	vst v5;
	v5 =	vperm.xlane v50, v4;
	v40 =	vpop (erf)  }
0x2ec: {  	v17 =	vmov v62;
	v62 =	vld [tilespmem:s1+$0x15F10];
	v52 =	vperm.xlane v42, v3;
	v56 =	vmul.f32 v56, v40  }
0x2ed: {  	v10 =	vld [tilespmem:s1+$0x15E00];
	v59 =	vperm.xlane v1, v4;
	v54 =	vadd.f32 v54, v49;
	v50 =	vadd.f32 v5, v50  }
0x2ee: {  	v52 =	vadd.f32 v52, v42;
	v30 =	vmul.f32 v56, v21;
	v21 =	vmul.f32 v56, v15;
	v15 =	vld [tilespmem:$0x1FD00]  }
0x2ef: {  	v23 =	vld [tilespmem:s1+$0x15E10];
	v6 =	vperm.xlane v54, v4;
	v50 =	vmul.f32 v50, v38  }
0x2f0: {  	v13 =	vmov v60;
	v60 =	vld [tilespmem:s1+$0x15E80];
	v43 =	vperm.xlane v52, v4;
	v1 =	vadd.f32 v59, v1  }
0x2f1: {  	v20 =	vld [tilespmem:s1+$0x9720];
	v54 =	vadd.f32 v6, v54;
	v6 =	vmul.f32 v50, v22  }
0x2f2: {  	v51 =	vld [tilespmem:s1+$0x15FA0];
	v52 =	vadd.f32 v43, v52;
	v1 =	vmax.f32 v1, $1.000000020e-24  }
0x2f3: {  	(erf) = vrcp.f32 v1;
	v6 =	vsub.f32 v15, v6;
	v15 =	vld [tilespmem:$0x1FCE0]  }
0x2f4: {  	v53 =	vld [tilespmem:s1+$0x15F20];
	v52 =	vmul.f32 v52, v39;
	v26 =	vmul.f32 v50, v19  }
0x2f5: {  	v57 =	vld [tilespmem:s1+$0x15F80];
	v29 =	vmul.f32 v50, v29;
	v50 =	vmul.f32 v50, v11  }
0x2f6: {  	v44 =	vld [tilespmem:s1+$0x96B0];
	v32 =	vmul.f32 v52, v32;
	v35 =	vmul.f32 v52, v35  }
0x2f7: {  	v59 =	vld [tilespmem:s1+$0x15F90];
	v14 =	vmul.f32 v52, v16;
	v52 =	vmul.f32 v52, v12  }
0x2f8: {  	v12 =	vld [tilespmem:$0x1FD30];
	v36 =	vmul.f32 v56, v36;
	v37 =	vmul.f32 v56, v37;
	v56 =	vsub.f32 v15, v50;
	v15 =	vmovc v51  }
0x2f9: {  	[tilespmem:$0x1FD00] =	vst v15;
	v15 =	vld [tilespmem:$0x1FD20]  }
0x2fa: {  	v45 =	vld [tilespmem:s1+$0x97A0]  }
0x2fb: {  	v61 =	vld [tilespmem:s1+$0x15F00]  }
0x2fc: {  	v1 =	vld [tilespmem:s1+$0x15EB0]  }
0x2fd: {  	v38 =	vsub.f32 v12, v26;
	v12 =	vld [tilespmem:$0x1FD40]  }
0x2fe: {  	v16 =	vmov v55;
	v14 =	vsub.f32 v15, v14;
	v15 =	vld [tilespmem:$0x1FCF0]  }
0x2ff: {  	[tilespmem:$0x1FCF0] =	vst v16;
	v16 =	vld [tilespmem:$0x1FD10]  }
0x300: {  	v49 =	vmov v58;
	v58 =	vld [tilespmem:s1+$0x15E20]  }
0x301: {  	v5 =	vld [tilespmem:s1+$0x15EA0];
	v42 =	vpop (erf)  }
0x302: {  	v54 =	vmul.f32 v54, v42;
	v39 =	vsub.f32 v12, v29;
	v29 =	vld [tilespmem:s1+$0x9790]  }
0x303: {  	v4 =	vmul.f32 v51, v45;
	v19 =	vld [tilespmem:s1+$0x9780];
	v22 =	vmov v48;
	v40 =	vsub.f32 v27, v35  }
0x304: {  	v24 =	vmul.f32 v54, v24;
	v27 =	vmul.f32 v54, v18;
	v35 =	vld [tilespmem:s1+$0x9710];
	v51 =	vsub.f32 v16, v21;
	v16 =	vmovc v1  }
0x305: {  	v33 =	vmul.f32 v54, v33;
	v31 =	vmul.f32 v54, v31;
	v25 =	vsub.f32 v25, v36;
	[tilespmem:$0x1FD10] =	vst v16;
	v16 =	vld [tilespmem:$0x1FD50]  }
0x306: {  	v36 =	vld [tilespmem:s1+$0x9680];
	v17 =	vsub.f32 v17, v27;
	[tilespmem:$0x1FCE0] =	vst v22;
	v22 =	vsub.f32 v7, v24;
	v7 =	vmov v59  }
0x307: {  	v28 =	vsub.f32 v28, v37;
	v24 =	vsub.f32 v9, v31;
	[tilespmem:$0x1FD40] =	vst v7;
	v54 =	vmul.f32 v7, v29;
	v7 =	vld [tilespmem:$0x1FD60]  }
0x308: {  	v30 =	vsub.f32 v63, v30;
	v26 =	vld [tilespmem:s1+$0x96A0];
	v17 =	vadd.f32 v17, v13  }
0x309: {  	v18 =	vmovc v53;
	v31 =	vadd.f32 v24, v49;
	v12 =	vmov v57;
	v57 =	vsub.f32 v34, v32;
	v32 =	vld [tilespmem:s1+$0x9700]  }
0x30a: {  	v43 =	vmul.f32 v1, v44;
	[tilespmem:$0x1FD20] =	vst v18;
	v18 =	vld [tilespmem:s1+$0x9620];
	v52 =	vsub.f32 v15, v52;
	v16 =	vsub.f32 v16, v33  }
0x30b: {  	v37 =	vld [tilespmem:s1+$0x9690];
	[tilespmem:$0x1FD30] =	vst v12;
	v1 =	vmul.f32 v53, v20;
	v53 =	vmul.f32 v12, v19;
	v12 =	vadd.f32 v30, v17  }
0x30c: {  	v11 =	vmovc v47;
	v27 =	vmov v62;
	v30 =	vadd.f32 v51, v31;
	v9 =	vadd.f32 v16, v7;
	v7 =	vld [tilespmem:$0x1FD70]  }
0x30d: {  	v47 =	vmul.f32 v47, v11;
	v63 =	vmovc v5;
	v59 =	vmul.f32 v27, v35;
	v24 =	vld [tilespmem:s1+$0x9610];
	v34 =	vmov v61  }
0x30e: {  	v62 =	vmovc v58;
	v5 =	vmul.f32 v63, v26;
	v55 =	vmul.f32 v34, v32;
	v30 =	vadd.f32 v52, v30  }
0x30f: {  	v51 =	vmul.f32 v62, v18;
	v14 =	vadd.f32 v14, v12;
	v54 =	vadd.f32 v54, v53;
	v33 =	vld [tilespmem:s1+$0x9600]  }
0x310: {  	v8 =	vld [tilespmem:s1+$0x15E90];
	v52 =	vmul.f32 v36, v36;
	v58 =	vadd.f32 v56, v30;
	v30 =	vmul.f32 v29, v29  }
0x311: {  	[tilespmem:$0x1FCD0] =	vst v4;
	v56 =	vmul.f32 v37, v37;
	v9 =	vadd.f32 v25, v9;
	v22 =	vadd.f32 v22, v7  }
0x312: {  	v42 =	vmovc v46;
	v25 =	vmovc v60;
	v60 =	vadd.f32 v6, v14;
	v6 =	vmov v10;
	v10 =	vmul.f32 v23, v24  }
0x313: {  	v61 =	vmovc v23;
	v14 =	vmul.f32 v46, v42;
	v23 =	vmul.f32 v19, v19;
	v22 =	vadd.f32 v28, v22  }
0x314: {  	v12 =	vmovc v11;
	v11 =	vmov v42;
	v42 =	vmul.f32 v26, v26;
	[tilespmem:$0x1FD50] =	vst v6;
	v6 =	vmul.f32 v6, v33  }
0x315: {  	v49 =	vmul.f32 v25, v36;
	v31 =	vadd.f32 v57, v9;
	v28 =	vmovc v8;
	v22 =	vadd.f32 v40, v22  }
0x316: {  	v41 =	vld [tilespmem:s1+$0x15E30];
	v4 =	vmovc v45;
	v53 =	vmul.f32 v33, v33;
	v46 =	vadd.f32 v10, v6;
	v8 =	vmul.f32 v28, v37  }
0x317: {  	v50 =	vld [tilespmem:s1+$0x9630];
	v6 =	vadd.f32 v30, v23;
	v30 =	vmul.f32 v45, v4;
	v9 =	vadd.f32 v38, v31  }
0x318: {  	v38 =	vmul.f32 v32, v32;
	v8 =	vadd.f32 v8, v49;
	v49 =	vadd.f32 v59, v55  }
0x319: {  	p0 =	sne.s32 s0, $0x18800;
	v15 =	vmovc v44;
	[tilespmem:$0x1FD60] =	vst v9;
	v9 =	vadd.f32 v39, v22;
	v39 =	vmul.f32 v35, v35;
	v22 =	vmov v4;
	v4 =	vld [tilespmem:$0x1FCD0]  }
.Ltmp4:
0x31a: {  	v21 =	vmovc v26;
	v57 =	vmul.f32 v24, v24;
	v10 =	vadd.f32 v56, v52;
	v45 =	vadd.f32 v1, v49;
	(pc) =	sbr.rel @p0 .LBB2_11-.Ltmp4, $4  }
0x31b: {  	v7 =	vmovc v41;
	v59 =	vmul.f32 v20, v20;
	v1 =	vadd.f32 v30, v6;
	v23 =	vadd.f32 v39, v38  }
0x31c: {  	v16 =	vmovc v20;
	v48 =	vmul.f32 v7, v50;
	v53 =	vadd.f32 v57, v53;
	v49 =	vadd.f32 v5, v8  }
0x31d: {  	v13 =	vld [tilespmem:$0x1FCB0];
	v57 =	vmul.f32 v44, v15;
	v31 =	vmovc v50;
	v44 =	vadd.f32 v14, v1;
	v56 =	vadd.f32 v59, v23  }
0x31e: {  	s0 =	sadd.s32 $0x800, s0;
	v20 =	vld [tilespmem:$0x1FCC0];
	v55 =	vmul.f32 v18, v18;
	[tilespmem:$0x1FD70] =	vst v9;
	v52 =	vadd.f32 v4, v54;
	v54 =	vadd.f32 v42, v10  }
0x31f: {  	_ = 	snop  }
0x320: {  	v5 =	vmul.f32 v50, v31;
	v6 =	vadd.f32 v47, v56;
	v1 =	vadd.f32 v55, v53  }
0x321: {  	v10 =	vperm.xlane v44, v0;
	v8 =	vadd.f32 v57, v54  }
0x322: {  	v14 =	vadd.f32 v51, v46;
	v1 =	vadd.f32 v5, v1;
	v5 =	vperm.xlane v6, v0  }
0x323: {  	v46 =	vadd.f32 v43, v49;
	v10 =	vadd.f32 v10, v44;
	v30 =	vperm.xlane v8, v0  }
0x324: {  	v14 =	vadd.f32 v48, v14;
	v39 =	vperm.xlane v1, v0;
	v5 =	vadd.f32 v5, v6  }
0x325: {  	v51 =	vperm.xlane v46, v0;
	v47 =	vperm.xlane v10, v2;
	v8 =	vadd.f32 v30, v8  }
0x326: {  	v23 =	vadd.f32 v13, v52;
	v1 =	vadd.f32 v39, v1;
	v49 =	vperm.xlane v5, v2  }
0x327: {  	v38 =	vadd.f32 v20, v45;
	v10 =	vadd.f32 v47, v10;
	v41 =	vperm.xlane v8, v2  }
0x328: {  	v4 =	vld [tilespmem:$0x1FFF0];
	v53 =	vperm.xlane v14, v0;
	v42 =	vperm.xlane v1, v2;
	v5 =	vadd.f32 v49, v5  }
0x329: {  	v40 =	vperm.xlane v23, v0;
	v52 =	vperm.xlane v10, v3;
	v8 =	vadd.f32 v41, v8  }
0x32a: {  	v6 =	vadd.f32 v51, v46;
	v1 =	vadd.f32 v42, v1;
	v54 =	vperm.xlane v5, v3  }
0x32b: {  	v50 =	vperm.xlane v38, v0;
	v10 =	vadd.f32 v52, v10;
	v55 =	vperm.xlane v8, v3  }
0x32c: {  	v14 =	vadd.f32 v53, v14;
	v56 =	vperm.xlane v1, v3;
	v5 =	vadd.f32 v54, v5  }
0x32d: {  	v23 =	vadd.f32 v40, v23;
	v57 =	vperm.xlane v10, v4;
	v8 =	vadd.f32 v55, v8  }
0x32e: {  	v43 =	vperm.xlane v6, v2;
	v1 =	vadd.f32 v56, v1;
	v59 =	vperm.xlane v5, v4  }
0x32f: {  	v30 =	vadd.f32 v50, v38;
	v10 =	vadd.f32 v57, v10;
	v17 =	vperm.xlane v8, v4  }
0x330: {  	v44 =	vperm.xlane v14, v2;
	v26 =	vperm.xlane v1, v4;
	v5 =	vadd.f32 v59, v5  }
0x331: {  	v13 =	vperm.xlane v23, v2;
	v10 =	vmax.f32 v10, $1.000000020e-24;
	v8 =	vadd.f32 v17, v8  }
0x332: {  	(erf) = vrcp.f32 v10;
	v1 =	vadd.f32 v26, v1;
	v5 =	vmax.f32 v5, $1.000000020e-24  }
0x333: {  	v20 =	vperm.xlane v30, v2;
	v8 =	vmax.f32 v8, $1.000000020e-24;
	(erf) = vrcp.f32 v5  }
0x334: {  	v5 =	vadd.f32 v13, v23;
	v1 =	vmax.f32 v1, $1.000000020e-24;
	(erf) = vrcp.f32 v8  }
0x335: {  	v45 =	vadd.f32 v20, v30;
	v10 =	vadd.f32 v44, v14;
	(erf) = vrcp.f32 v1  }
0x336: {  	v1 =	vadd.f32 v43, v6;
	v46 =	vperm.xlane v5, v3  }
0x337: {  	v47 =	vperm.xlane v45, v3;
	v48 =	vperm.xlane v10, v3  }
0x338: {  	v49 =	vperm.xlane v1, v3;
	v5 =	vadd.f32 v46, v5  }
0x339: {  	v50 =	vadd.f32 v47, v45;
	v51 =	vadd.f32 v48, v10  }
0x33a: {  	v1 =	vadd.f32 v49, v1;
	v52 =	vperm.xlane v5, v4  }
0x33b: {  	v14 =	vperm.xlane v50, v4;
	v23 =	vperm.xlane v51, v4;
	v53 =	vpop (erf)  }
0x33c: {  	v54 =	vperm.xlane v1, v4;
	v5 =	vadd.f32 v52, v5;
	v55 =	vpop (erf)  }
0x33d: {  	v6 =	vadd.f32 v14, v50;
	v8 =	vadd.f32 v23, v51;
	v56 =	vpop (erf)  }
0x33e: {  	v41 =	vld [tilespmem:$0x1FD30];
	v1 =	vadd.f32 v54, v1;
	v5 =	vmul.f32 v5, v53;
	v57 =	vpop (erf)  }
0x33f: {  	v42 =	vld [tilespmem:$0x1FD40];
	v6 =	vmul.f32 v6, v55;
	v8 =	vmul.f32 v8, v57  }
0x340: {  	v45 =	vld [tilespmem:$0x1FCE0];
	v1 =	vmul.f32 v1, v56;
	v59 =	vmul.f32 v5, v19  }
0x341: {  	v44 =	vld [tilespmem:$0x1FD00];
	v29 =	vmul.f32 v5, v29;
	v30 =	vmul.f32 v5, v22  }
0x342: {  	v48 =	vld [tilespmem:$0x1FD20];
	v5 =	vmul.f32 v5, v11;
	v38 =	vmul.f32 v6, v32  }
0x343: {  	v4 =	vld [tilespmem:$0x1FD50];
	v39 =	vmul.f32 v6, v35;
	v40 =	vmul.f32 v6, v16  }
0x344: {  	v49 =	vld [tilespmem:$0x1FCF0];
	v6 =	vmul.f32 v6, v12;
	v9 =	vmul.f32 v1, v36  }
0x345: {  	v26 =	vmul.f32 v1, v37;
	v10 =	vsub.f32 v41, v59;
	v12 =	vsub.f32 v42, v29  }
0x346: {  	v53 =	vld [tilespmem:$0x1FD10];
	v13 =	vsub.f32 v44, v30;
	v5 =	vsub.f32 v45, v5;
	v47 =	vmul.f32 v8, v33  }
0x347: {  	v55 =	vld [tilespmem:$0x1FD60];
	v43 =	vmul.f32 v1, v21;
	v11 =	vsub.f32 v34, v38;
	v46 =	vsub.f32 v27, v39  }
0x348: {  	v1 =	vmul.f32 v1, v15;
	v19 =	vsub.f32 v48, v40;
	v52 =	vsub.f32 v4, v47;
	v4 =	vld [tilespmem:$0x1FD70]  }
0x349: {  	v6 =	vsub.f32 v49, v6;
	v50 =	vmul.f32 v8, v24;
	v9 =	vsub.f32 v25, v9  }
0x34a: {  	v18 =	vmul.f32 v8, v18;
	v51 =	vsub.f32 v28, v26;
	v14 =	vsub.f32 v63, v43  }
0x34b: {  	v8 =	vmul.f32 v8, v31;
	v1 =	vsub.f32 v53, v1;
	v54 =	vsub.f32 v61, v50  }
0x34c: {  	v17 =	vsub.f32 v62, v18;
	v16 =	vadd.f32 v52, v55  }
0x34d: {  	v7 =	vsub.f32 v7, v8;
	v56 =	vadd.f32 v54, v4  }
0x34e: {  	v17 =	vadd.f32 v17, v60;
	v9 =	vadd.f32 v9, v16  }
0x34f: {  	v61 =	vld [tilespmem:$0x1FFE0];
	v7 =	vadd.f32 v7, v58;
	v8 =	vadd.f32 v51, v56  }
0x350: {  	v14 =	vadd.f32 v14, v17;
	v9 =	vadd.f32 v11, v9  }
0x351: {  	v1 =	vadd.f32 v1, v7;
	v57 =	vadd.f32 v46, v8  }
0x352: {  	v58 =	vadd.f32 v19, v14;
	v9 =	vadd.f32 v10, v9  }
0x353: {  	s28 =	sadd.s32 $0x1, s28;
	v1 =	vadd.f32 v6, v1;
	v59 =	vadd.f32 v12, v57  }
0x354: {  	p0 =	sne.s32 s28, $0x20;
	v60 =	vadd.f32 v13, v58;
	v62 =	vmul.f32 v9, v61  }
.Ltmp5:
0x355: {  	s0 =	sshll.u32 s29, $0x6;
	v1 =	vadd.f32 v5, v1;
	v5 =	vmul.f32 v59, v61;
	(pc) =	sbr.rel @p0 .LBB2_8-.Ltmp5, $4  }
0x356: {  	s1 =	sor.u32 $0x50, s0;
	v63 =	vmul.f32 v60, v61;
	[tilespmem:s0+$0x1C200] =	vst v62  }
0x357: {  	s31 =	sor.u32 $0x60, s0;
	v1 =	vmul.f32 v1, v61;
	[tilespmem:s1+$0x1C200] =	vst v5  }
0x358: {  	s0 =	sor.u32 $0x70, s0;
	[tilespmem:s31+$0x1C200] =	vst v63  }
0x359: {  	[tilespmem:s0+$0x1C200] =	vst v1  }
0x35a: {  	s25 =	sadd.s32 $0x1, s25  }
0x35b: {  	p0 =	sne.s32 s25, s12  }
.Ltmp6:
0x35c: {  	s0 =	simm.s32 $0x1C200;
	(pc) =	sbr.rel @p0 .LBB2_1-.Ltmp6, $4  }
0x35d: {  	[hbm4b:s11+s2] =	stream.linear.scatter [tilespmem:s0], [sflag:$0x3], $0x2000, $0x38;
	[tilespmem:$0x1E200] =	vst v63  }
0x35e: {  	_ =	swait.ge [sflag:s13], $0x2000  }
0x35f: {  	[sflag:s13] =	ssyncset.done $0x0  }
0x360: {  	[sflag:s13] =	ssyncadd.s32 $0xFFFFE000  }
0x361: {  	_ =	sfence.sel $0x180000  }
0x362: {  	[bflag:$0x0] =	sbarrier.arrive $0xFFFF  }
0x363: {  	_ =	strace $0x9000004A  }
0x364: {  	s0 =	stileid.u32;
	[bflag:$0x2] =	sbarrier.arrive $0xFFFF  }
0x365: {  	p0 =	sne.s32 s0, $0x0;
	s0 =	rddreg [dreg:$0x2]  }
0x366: {  	s0 =	sadd.s32 @!p0 $0x100000, s0  }
0x367: {  	[sflag:s0] =	ssyncadd.tile.s32 @!p0 $0x1;
	_ =	shalt  }
.Lfunc_end2:
_tile_overlayer_lowered:
.L_overlay_start_2:
0x368: {  	(tag) =	ssettag $0x2  }
0x369: {  	s0 =	rddreg [dreg:$0x0];
	s2 =	stileid.u32  }
0x36a: {  	s1 =	rddreg [dreg:$0x1];
	p0 =	sne.s32 s2, $0x0  }
0x36b: {  	s3 =	rddreg [dreg:$0x2];
	[bflag:$0x3] =	sbarrier.arrive $0xFFFF;
	s2 =	simm.s32 @!p0 $0x1C03  }
0x36c: {  	[timem:s3], [sflag:s2] =	dma.local @!p0 [hbm:s0], s1  }
0x36d: {  	s0 =	simm.s32 @!p0 $0x3  }
0x36e: {  	_ =	swait.ge @!p0 [sflag:s0], s1  }
0x36f: {  	s1 =	ssub.s32 @!p0 $0x0, s1;
	[sflag:s0] =	ssyncset.done @!p0 $0x0  }
0x370: {  	[sflag:s0] =	ssyncadd.s32 @!p0 s1  }
0x371: {  	[bflag:$0x3] =	sbarrier.arrive $0xFFFF  }
0x372: {  	_ =	shalt  }

</sc_bundles>
